<compile_context>
chip_gen: v7x
topology: tpu7x:2x2x1
jax: 0.10.2.dev20260603
libtpu: 0.0.44.dev20260713+nightly
codegen_flags: <defaults>
</compile_context>

<pallas_src>
import functools

import jax
import jax.numpy as jnp
from jax import lax
from jax.experimental import pallas as pl
from jax.experimental.pallas import tpu as pltpu
from jax.experimental.pallas import tpu_sc as plsc

NC = 2
NS = 16
NW = NC * NS
LANES = 16
CH = 80


def _sc_degree(N_, E_):
    NCH = (E_ // NS) // CH
    NCHW = NCH // NC
    RPS = N_ // NS
    ZR = 125
    mesh = plsc.VectorSubcoreMesh(core_axis_name="c", subcore_axis_name="s")

    @functools.partial(
        pl.kernel,
        out_type=[jax.ShapeDtypeStruct((NC, N_, LANES), jnp.float32),
                  jax.ShapeDtypeStruct((NC, N_, LANES), jnp.float32)],
        mesh=mesh,
        compiler_params=pltpu.CompilerParams(use_tc_tiling_on_sc=False),
        scratch_types=[
            pltpu.VMEM((NCHW, CH), jnp.int32),
            pltpu.VMEM((NCHW, CH), jnp.int32),
            pltpu.VMEM((CH, LANES), jnp.float32),
            pltpu.VMEM((ZR, LANES), jnp.float32),
            pltpu.VMEM_SHARED((N_, LANES), jnp.float32),
            pltpu.VMEM_SHARED((N_, LANES), jnp.float32),
        ],
    )
    def deg_kernel(e_hbm, osrc_hbm, odst_hbm,
                   srcv, dstv, ones_v, zeros_v, acc_s, acc_d):
        cid = lax.axis_index("c")
        sid = lax.axis_index("s")

        @pl.loop(0, CH)
        def _(i):
            ones_v[i, :] = jnp.ones((LANES,), jnp.float32)

        @pl.loop(0, ZR)
        def _(i):
            zeros_v[i, :] = jnp.zeros((LANES,), jnp.float32)

        @pl.loop(0, RPS // ZR)
        def _(i):
            pltpu.sync_copy(zeros_v, acc_s.at[pl.ds(sid * RPS + i * ZR, ZR)])
            pltpu.sync_copy(zeros_v, acc_d.at[pl.ds(sid * RPS + i * ZR, ZR)])

        plsc.subcore_barrier()

        pltpu.sync_copy(e_hbm.at[0].at[sid].at[pl.ds(cid * NCHW, NCHW)], srcv)
        pltpu.sync_copy(e_hbm.at[1].at[sid].at[pl.ds(cid * NCHW, NCHW)], dstv)

        @pl.loop(0, NCHW)
        def _(j):
            pltpu.sync_copy(ones_v, acc_s.at[srcv.at[j]], add=True)
            pltpu.sync_copy(ones_v, acc_d.at[dstv.at[j]], add=True)

        plsc.subcore_barrier()

        @pl.when(sid == 0)
        def _():
            pltpu.sync_copy(acc_s, osrc_hbm.at[cid])

        @pl.when(sid == 1)
        def _():
            pltpu.sync_copy(acc_d, odst_hbm.at[cid])

    return deg_kernel


def _sc_aggregate(N_, E_, Dh):
    NCH = (E_ // NS) // CH
    RPS = N_ // NS
    ZR = 25
    NBUF = 5
    mesh = plsc.VectorSubcoreMesh(core_axis_name="c", subcore_axis_name="s")

    @functools.partial(
        pl.kernel,
        out_type=jax.ShapeDtypeStruct((NC, N_, Dh), jnp.float32),
        mesh=mesh,
        compiler_params=pltpu.CompilerParams(use_tc_tiling_on_sc=False),
        scratch_types=[
            pltpu.VMEM((NCH, CH), jnp.int32),
            pltpu.VMEM((NCH, CH), jnp.int32),
            pltpu.VMEM((NBUF, CH, Dh), jnp.float32),
            pltpu.VMEM_SHARED((N_, Dh), jnp.float32),
            pltpu.SemaphoreType.DMA((NBUF,)),
            pltpu.SemaphoreType.DMA((NBUF,)),
        ],
    )
    def agg_kernel(h_hbm, e_hbm, out_hbm,
                   srcv, dstv, rows_v, acc, gsem, ssem):
        cid = lax.axis_index("c")
        sid = lax.axis_index("s")
        h_c = h_hbm.at[cid]

        @pl.loop(0, ZR)
        def _(i):
            @pl.loop(0, Dh // LANES)
            def _(k):
                rows_v[0, i, pl.ds(k * LANES, LANES)] = jnp.zeros((LANES,), jnp.float32)

        @pl.loop(0, RPS // ZR)
        def _(i):
            pltpu.sync_copy(rows_v.at[0].at[pl.ds(0, ZR)],
                            acc.at[pl.ds(sid * RPS + i * ZR, ZR)])

        plsc.subcore_barrier()

        pltpu.sync_copy(e_hbm.at[0].at[sid], srcv)
        pltpu.sync_copy(e_hbm.at[1].at[sid], dstv)

        for b in range(NBUF):
            pltpu.async_copy(h_c.at[srcv.at[b]], rows_v.at[b], gsem.at[b])

        @pl.loop(0, NCH, step=NBUF)
        def _(j):
            for b in range(NBUF):
                c = j + b
                pltpu.make_async_copy(h_c.at[srcv.at[c]], rows_v.at[b],
                                      gsem.at[b]).wait()
                pltpu.async_copy(rows_v.at[b], acc.at[dstv.at[c]], ssem.at[b],
                                 add=True)
            for b in range(NBUF):
                c = j + b
                c2 = j + NBUF + b
                pltpu.make_async_copy(rows_v.at[b], acc.at[dstv.at[c]],
                                      ssem.at[b]).wait()

                @pl.when(c2 < NCH)
                def _():
                    pltpu.async_copy(h_c.at[srcv.at[c2]], rows_v.at[b],
                                     gsem.at[b])

        plsc.subcore_barrier()

        @pl.when(sid == 0)
        def _():
            pltpu.sync_copy(acc, out_hbm.at[cid])

    return agg_kernel


def _norm(c0, c1):
    deg = c0[:, :1] + c1[:, :1]
    return lax.rsqrt(jnp.maximum(deg, 1.0))


def _tc_matmul(x, W, R=2000):
    N_, D = x.shape
    Dout = W.shape[1]

    def body(x_r, w_r, o_r):
        o_r[...] = jnp.dot(x_r[...], w_r[...], preferred_element_type=jnp.float32)

    return pl.pallas_call(
        body,
        grid=(N_ // R,),
        in_specs=[pl.BlockSpec((R, D), lambda i: (i, 0)),
                  pl.BlockSpec((D, Dout), lambda i: (0, 0))],
        out_specs=pl.BlockSpec((R, Dout), lambda i: (i, 0)),
        out_shape=jax.ShapeDtypeStruct((N_, Dout), jnp.float32),
    )(x, W)


def _tc_scale_split(h, ds0, ds1, R=2000):
    N_, D = h.shape
    Dh = D // 2

    def body(h_r, d0_r, d1_r, o_r):
        h = h_r[...] * _norm(d0_r, d1_r)
        o_r[0] = h[:, :Dh]
        o_r[1] = h[:, Dh:]

    return pl.pallas_call(
        body,
        grid=(N_ // R,),
        in_specs=[pl.BlockSpec((R, D), lambda i: (i, 0)),
                  pl.BlockSpec((R, LANES), lambda i: (i, 0)),
                  pl.BlockSpec((R, LANES), lambda i: (i, 0))],
        out_specs=pl.BlockSpec((2, R, Dh), lambda i: (0, i, 0)),
        out_shape=jax.ShapeDtypeStruct((2, N_, Dh), jnp.float32),
    )(h, ds0, ds1)


def _tc_mid(p, dd0, dd1, ds0, ds1, b, W, R=2000):
    _, N_, Dh_in = p.shape
    D = 2 * Dh_in
    Dout = W.shape[1]
    Dh = Dout // 2
    b2d = b.reshape(1, D)

    def body(p_r, dd0_r, dd1_r, ds0_r, ds1_r, b_r, w_r, o_r):
        agg = jnp.concatenate([p_r[0], p_r[1]], axis=1)
        h = agg * _norm(dd0_r, dd1_r) + b_r[...]
        h = jnp.maximum(h, 0.0)
        hw = jnp.dot(h, w_r[...], preferred_element_type=jnp.float32)
        hw = hw * _norm(ds0_r, ds1_r)
        o_r[0] = hw[:, :Dh]
        o_r[1] = hw[:, Dh:]

    return pl.pallas_call(
        body,
        grid=(N_ // R,),
        in_specs=[pl.BlockSpec((2, R, Dh_in), lambda i: (0, i, 0)),
                  pl.BlockSpec((R, LANES), lambda i: (i, 0)),
                  pl.BlockSpec((R, LANES), lambda i: (i, 0)),
                  pl.BlockSpec((R, LANES), lambda i: (i, 0)),
                  pl.BlockSpec((R, LANES), lambda i: (i, 0)),
                  pl.BlockSpec((1, D), lambda i: (0, 0)),
                  pl.BlockSpec((D, Dout), lambda i: (0, 0))],
        out_specs=pl.BlockSpec((2, R, Dh), lambda i: (0, i, 0)),
        out_shape=jax.ShapeDtypeStruct((2, N_, Dh), jnp.float32),
    )(p, dd0, dd1, ds0, ds1, b2d, W)


def _tc_post(p, dd0, dd1, b, R=2000):
    _, N_, Dh_in = p.shape
    D = 2 * Dh_in
    b2d = b.reshape(1, D)

    def body(p_r, dd0_r, dd1_r, b_r, o_r):
        agg = jnp.concatenate([p_r[0], p_r[1]], axis=1)
        o_r[...] = agg * _norm(dd0_r, dd1_r) + b_r[...]

    return pl.pallas_call(
        body,
        grid=(N_ // R,),
        in_specs=[pl.BlockSpec((2, R, Dh_in), lambda i: (0, i, 0)),
                  pl.BlockSpec((R, LANES), lambda i: (i, 0)),
                  pl.BlockSpec((R, LANES), lambda i: (i, 0)),
                  pl.BlockSpec((1, D), lambda i: (0, 0))],
        out_specs=pl.BlockSpec((R, D), lambda i: (i, 0)),
        out_shape=jax.ShapeDtypeStruct((N_, D), jnp.float32),
    )(p, dd0, dd1, b2d)


def kernel(feat, edge_index, W1, b1, W2, b2, W3, b3):
    N_, D_in = feat.shape
    E_ = edge_index.shape[1]
    HID_ = W2.shape[1]
    NCLS = W3.shape[1]
    D3 = 64

    NCH = (E_ // NS) // CH
    e4 = edge_index.reshape(2, NS, NCH, CH)

    W3p = jnp.zeros((HID_, D3), jnp.float32).at[:, :NCLS].set(W3)
    b3p = jnp.zeros((D3,), jnp.float32).at[:NCLS].set(b3)

    degs, degd = _sc_degree(N_, E_)(e4)
    ds0, ds1 = degs[0], degs[1]
    dd0, dd1 = degd[0], degd[1]

    agg_wide = _sc_aggregate(N_, E_, HID_ // 2)
    agg_narrow = _sc_aggregate(N_, E_, D3 // 2)

    h1u = _tc_matmul(feat, W1)
    h1 = _tc_scale_split(h1u, ds0, ds1)
    p1 = agg_wide(h1, e4)
    h2 = _tc_mid(p1, dd0, dd1, ds0, ds1, b1, W2)
    p2 = agg_wide(h2, e4)
    h3 = _tc_mid(p2, dd0, dd1, ds0, ds1, b2, W3p)
    p3 = agg_narrow(h3, e4)
    out = _tc_post(p3, dd0, dd1, b3p)
    return out[:, :NCLS]

# --- scband reference (transcript-rebuilt; emitter-appended) ---
"""Pipeline reference for scband-gcn-91216515432580 (READ-ONLY COPY).

The authoritative reference and input builder live on the scoring server;
editing this copy changes nothing except your own understanding.
"""

import jax, jax.numpy as jnp
import numpy as np

N = 10000
E = 320000
D_IN = 128
HID = 128
N_CLASS = 40

def setup_inputs(seed: int = 0) -> dict:
    key = jax.random.key(seed)
    ks = jax.random.split(key, 8)
    feat = jax.random.normal(ks[0], (N, D_IN), dtype=jnp.float32)
    edge_index = jax.random.randint(ks[1], (2, E), 0, N, dtype=jnp.int32)
    W1 = jax.random.normal(ks[2], (D_IN, HID), dtype=jnp.float32) * (1.0 / np.sqrt(D_IN))
    b1 = jnp.zeros((HID,), dtype=jnp.float32)
    W2 = jax.random.normal(ks[3], (HID, HID), dtype=jnp.float32) * (1.0 / np.sqrt(HID))
    b2 = jnp.zeros((HID,), dtype=jnp.float32)
    W3 = jax.random.normal(ks[4], (HID, N_CLASS), dtype=jnp.float32) * (1.0 / np.sqrt(HID))
    b3 = jnp.zeros((N_CLASS,), dtype=jnp.float32)
    return {"feat": feat, "edge_index": edge_index, "W1": W1, "b1": b1, "W2": W2, "b2": b2, "W3": W3, "b3": b3}

def _graph_conv_both(h, W, b, src, dst, norm_src, norm_dst):
    # DGL GraphConv with norm='both': D_dst^{-1/2} A D_src^{-1/2} (X W) + b
    h = h @ W
    m = h[src] * norm_src[:, None]
    agg = jax.ops.segment_sum(m, dst, num_segments=N)
    return agg * norm_dst[:, None] + b

def reference(feat, edge_index, W1, b1, W2, b2, W3, b3):
    src = edge_index[0]
    dst = edge_index[1]
    ones = jnp.ones((E,), dtype=jnp.float32)
    out_deg = jax.ops.segment_sum(ones, src, num_segments=N)
    in_deg = jax.ops.segment_sum(ones, dst, num_segments=N)
    norm_src_node = 1.0 / jnp.sqrt(jnp.clip(out_deg, 1.0))
    norm_dst_node = 1.0 / jnp.sqrt(jnp.clip(in_deg, 1.0))
    norm_src = norm_src_node[src]
    # layer 1
    h = _graph_conv_both(feat, W1, b1, src, dst, norm_src, norm_dst_node)
    h = jax.nn.relu(h)  # eval mode: dropout is identity
    # layer 2
    h = _graph_conv_both(h, W2, b2, src, dst, norm_src, norm_dst_node)
    h = jax.nn.relu(h)
    # output layer
    h = _graph_conv_both(h, W3, b3, src, dst, norm_src, norm_dst_node)
    return h

if __name__ == "__main__":
    import jax
    _d = setup_inputs()
    print(jax.jit(kernel)(*tuple(_d.values())))

</pallas_src>

<mosaic_0001>
#map = affine_map<(d0, d1) -> (0, 0, 0, 0)>
#map1 = affine_map<(d0, d1) -> (0, 0, 0)>
module attributes {stable_mosaic.version = 14 : i64} {
  func.func @deg_kernel(%arg0: i32, %arg1: i32, %arg2: memref<2x16x250x80xi32, #tpu.memory_space<hbm>>, %arg3: memref<2x10000x16xf32, #tpu.memory_space<hbm>>, %arg4: memref<2x10000x16xf32, #tpu.memory_space<hbm>>, %arg5: memref<125x80xi32, #tpu.memory_space<vmem>>, %arg6: memref<125x80xi32, #tpu.memory_space<vmem>>, %arg7: memref<80x16xf32, #tpu.memory_space<vmem>>, %arg8: memref<125x16xf32, #tpu.memory_space<vmem>>, %arg9: memref<10000x16xf32, #tpu.memory_space<vmem_shared>>, %arg10: memref<10000x16xf32, #tpu.memory_space<vmem_shared>>) attributes {dimension_semantics = [#tpu.dimension_semantics<core_parallel>, #tpu.dimension_semantics<subcore_parallel>], iteration_bounds = array<i64: 2, 16>, scalar_prefetch = 0 : i64, scratch_operands = 6 : i64, tpu.core_type = #tpu.core_type<sc_vector_subcore>, window_params = [{transform_indices = #map}, {transform_indices = #map1}, {transform_indices = #map1}]} {
    %scan3A = arith.constant 0 : i32
    %scan3A_0 = arith.constant 80 : i32
    %scan3A_1 = arith.addi %scan3A, %scan3A_0 : i32
    %scan3A_2 = arith.constant 1 : i32
    scf.for %scan3A_31 = %scan3A to %scan3A_1 step %scan3A_2  : i32 {
      %mul3A_32 = arith.constant 1 : i32
      %mul3A_33 = arith.muli %scan3A_31, %mul3A_32 : i32
      %add3A = arith.constant 0 : i32
      %add3A_34 = arith.addi %add3A, %mul3A_33 : i32
      %broadcast_in_dim3A = arith.constant 1.000000e+00 : f32
      %broadcast_in_dim3A_35 = vector.broadcast %broadcast_in_dim3A : f32 to vector<16xf32>
      %swap3A = arith.index_cast %add3A_34 : i32 to index
      %swap3A_36 = arith.constant 0 : index
      %swap3A_37 = tpu.vector_load %arg7[%swap3A, %swap3A_36] {strides = array<i32>} : memref<80x16xf32, #tpu.memory_space<vmem>>, vector<1x16xf32>,
      %swap3A_38 = vector.shape_cast %swap3A_37 : vector<1x16xf32> to vector<16xf32>
      %swap3A_39 = vector.shape_cast %broadcast_in_dim3A_35 : vector<16xf32> to vector<1x16xf32>
      tpu.vector_store %arg7[%swap3A, %swap3A_36], %swap3A_39 {strides = array<i32>} : memref<80x16xf32, #tpu.memory_space<vmem>>, vector<1x16xf32>,
    }
    %scan3A_3 = arith.constant 80 : i32
    %scan3A_4 = arith.constant 0 : i32
    %scan3A_5 = arith.constant 125 : i32
    %scan3A_6 = arith.addi %scan3A_4, %scan3A_5 : i32
    %scan3A_7 = arith.constant 1 : i32
    scf.for %scan3A_31 = %scan3A_4 to %scan3A_6 step %scan3A_7  : i32 {
      %mul3A_32 = arith.constant 1 : i32
      %mul3A_33 = arith.muli %scan3A_31, %mul3A_32 : i32
      %add3A = arith.constant 0 : i32
      %add3A_34 = arith.addi %add3A, %mul3A_33 : i32
      %broadcast_in_dim3A = arith.constant 0.000000e+00 : f32
      %broadcast_in_dim3A_35 = vector.broadcast %broadcast_in_dim3A : f32 to vector<16xf32>
      %swap3A = arith.index_cast %add3A_34 : i32 to index
      %swap3A_36 = arith.constant 0 : index
      %swap3A_37 = tpu.vector_load %arg8[%swap3A, %swap3A_36] {strides = array<i32>} : memref<125x16xf32, #tpu.memory_space<vmem>>, vector<1x16xf32>,
      %swap3A_38 = vector.shape_cast %swap3A_37 : vector<1x16xf32> to vector<16xf32>
      %swap3A_39 = vector.shape_cast %broadcast_in_dim3A_35 : vector<16xf32> to vector<1x16xf32>
      tpu.vector_store %arg8[%swap3A, %swap3A_36], %swap3A_39 {strides = array<i32>} : memref<125x16xf32, #tpu.memory_space<vmem>>, vector<1x16xf32>,
    }
    %scan3A_8 = arith.constant 125 : i32
    %scan3A_9 = arith.constant 0 : i32
    %scan3A_10 = arith.constant 5 : i32
    %scan3A_11 = arith.addi %scan3A_9, %scan3A_10 : i32
    %scan3A_12 = arith.constant 1 : i32
    scf.for %scan3A_31 = %scan3A_9 to %scan3A_11 step %scan3A_12  : i32 {
      %mul3A_32 = arith.constant 1 : i32
      %mul3A_33 = arith.muli %scan3A_31, %mul3A_32 : i32
      %add3A = arith.constant 0 : i32
      %add3A_34 = arith.addi %add3A, %mul3A_33 : i32
      %mul3A_35 = arith.constant 625 : i32
      %mul3A_36 = arith.muli %arg1, %mul3A_35 : i32
      %mul3A_37 = arith.constant 125 : i32
      %mul3A_38 = arith.muli %add3A_34, %mul3A_37 : i32
      %add3A_39 = arith.addi %mul3A_36, %mul3A_38 : i32
      "tpu.region"() ({
        %run_scoped3A_45 = tpu.sem_alloc : memref<!tpu.dma_semaphore, #tpu.memory_space<semaphore_mem>>
        %dma_start3A = arith.constant 0 : i32
        %dma_start3A_46 = tpu.memref_slice %arg9[%add3A_39, %dma_start3A] : memref<10000x16xf32, #tpu.memory_space<vmem_shared>> -> memref<125x16xf32, #tpu.memory_space<vmem_shared>>
        %dma_start3A_47 = arith.constant 0 : i32
        %dma_start3A_48 = tpu.memref_slice %arg9[%add3A_39, %dma_start3A_47] : memref<10000x16xf32, #tpu.memory_space<vmem_shared>> -> memref<125x16xf32, #tpu.memory_space<vmem_shared>>
        tpu.enqueue_dma source(%arg8 : memref<125x16xf32, #tpu.memory_space<vmem>>) target(%dma_start3A_48 : memref<125x16xf32, #tpu.memory_space<vmem_shared>>) target_semaphore(%run_scoped3A_45 : memref<!tpu.dma_semaphore, #tpu.memory_space<semaphore_mem>>)
        %dma_wait3A = arith.constant 0 : i32
        %dma_wait3A_49 = tpu.memref_slice %arg9[%add3A_39, %dma_wait3A] : memref<10000x16xf32, #tpu.memory_space<vmem_shared>> -> memref<125x16xf32, #tpu.memory_space<vmem_shared>>
        %dma_wait3A_50 = arith.constant 0 : i32
        %dma_wait3A_51 = tpu.memref_slice %arg9[%add3A_39, %dma_wait3A_50] : memref<10000x16xf32, #tpu.memory_space<vmem_shared>> -> memref<125x16xf32, #tpu.memory_space<vmem_shared>>
        tpu.wait_dma2 semaphore(%run_scoped3A_45 : memref<!tpu.dma_semaphore, #tpu.memory_space<semaphore_mem>>) src(%arg8 : memref<125x16xf32, #tpu.memory_space<vmem>>) dst(%dma_wait3A_51 : memref<125x16xf32, #tpu.memory_space<vmem_shared>>)
        tpu.yield
      }) : () -> ()
      %mul3A_40 = arith.constant 625 : i32
      %mul3A_41 = arith.muli %arg1, %mul3A_40 : i32
      %mul3A_42 = arith.constant 125 : i32
      %mul3A_43 = arith.muli %add3A_34, %mul3A_42 : i32
      %add3A_44 = arith.addi %mul3A_41, %mul3A_43 : i32
      "tpu.region"() ({
        %run_scoped3A_45 = tpu.sem_alloc : memref<!tpu.dma_semaphore, #tpu.memory_space<semaphore_mem>>
        %dma_start3A = arith.constant 0 : i32
        %dma_start3A_46 = tpu.memref_slice %arg10[%add3A_44, %dma_start3A] : memref<10000x16xf32, #tpu.memory_space<vmem_shared>> -> memref<125x16xf32, #tpu.memory_space<vmem_shared>>
        %dma_start3A_47 = arith.constant 0 : i32
        %dma_start3A_48 = tpu.memref_slice %arg10[%add3A_44, %dma_start3A_47] : memref<10000x16xf32, #tpu.memory_space<vmem_shared>> -> memref<125x16xf32, #tpu.memory_space<vmem_shared>>
        tpu.enqueue_dma source(%arg8 : memref<125x16xf32, #tpu.memory_space<vmem>>) target(%dma_start3A_48 : memref<125x16xf32, #tpu.memory_space<vmem_shared>>) target_semaphore(%run_scoped3A_45 : memref<!tpu.dma_semaphore, #tpu.memory_space<semaphore_mem>>)
        %dma_wait3A = arith.constant 0 : i32
        %dma_wait3A_49 = tpu.memref_slice %arg10[%add3A_44, %dma_wait3A] : memref<10000x16xf32, #tpu.memory_space<vmem_shared>> -> memref<125x16xf32, #tpu.memory_space<vmem_shared>>
        %dma_wait3A_50 = arith.constant 0 : i32
        %dma_wait3A_51 = tpu.memref_slice %arg10[%add3A_44, %dma_wait3A_50] : memref<10000x16xf32, #tpu.memory_space<vmem_shared>> -> memref<125x16xf32, #tpu.memory_space<vmem_shared>>
        tpu.wait_dma2 semaphore(%run_scoped3A_45 : memref<!tpu.dma_semaphore, #tpu.memory_space<semaphore_mem>>) src(%arg8 : memref<125x16xf32, #tpu.memory_space<vmem>>) dst(%dma_wait3A_51 : memref<125x16xf32, #tpu.memory_space<vmem_shared>>)
        tpu.yield
      }) : () -> ()
    }
    %scan3A_13 = arith.constant 5 : i32
    %barrier3A = arith.constant 0 : index
    tpu.barrier barrier_id(%barrier3A)
    %mul3A = arith.constant 125 : i32
    %mul3A_14 = arith.muli %arg0, %mul3A : i32
    %run_scoped3A = arith.constant 0 : i32
    "tpu.region"() ({
      %run_scoped3A_31 = tpu.sem_alloc : memref<!tpu.dma_semaphore, #tpu.memory_space<semaphore_mem>>
      %dma_start3A = arith.constant 0 : i32
      %dma_start3A_32 = arith.constant 0 : i32
      %dma_start3A_33 = arith.constant 0 : i32
      %dma_start3A_34 = tpu.memref_slice %arg2[%run_scoped3A, %dma_start3A, %dma_start3A_32, %dma_start3A_33] : memref<2x16x250x80xi32, #tpu.memory_space<hbm>> -> memref<1x16x250x80xi32, #tpu.memory_space<hbm>>
      %dma_start3A_35 = tpu.memref_squeeze %dma_start3A_34 : memref<1x16x250x80xi32, #tpu.memory_space<hbm>> -> memref<16x250x80xi32, #tpu.memory_space<hbm>>
      %dma_start3A_36 = arith.constant 0 : i32
      %dma_start3A_37 = arith.constant 0 : i32
      %dma_start3A_38 = tpu.memref_slice %dma_start3A_35[%arg1, %dma_start3A_36, %dma_start3A_37] : memref<16x250x80xi32, #tpu.memory_space<hbm>> -> memref<1x250x80xi32, #tpu.memory_space<hbm>>
      %dma_start3A_39 = tpu.memref_squeeze %dma_start3A_38 : memref<1x250x80xi32, #tpu.memory_space<hbm>> -> memref<250x80xi32, #tpu.memory_space<hbm>>
      %dma_start3A_40 = arith.constant 0 : i32
      %dma_start3A_41 = tpu.memref_slice %dma_start3A_39[%mul3A_14, %dma_start3A_40] : memref<250x80xi32, #tpu.memory_space<hbm>> -> memref<125x80xi32, #tpu.memory_space<hbm>>
      %dma_start3A_42 = arith.constant 0 : i32
      %dma_start3A_43 = arith.constant 0 : i32
      %dma_start3A_44 = arith.constant 0 : i32
      %dma_start3A_45 = tpu.memref_slice %arg2[%run_scoped3A, %dma_start3A_42, %dma_start3A_43, %dma_start3A_44] : memref<2x16x250x80xi32, #tpu.memory_space<hbm>> -> memref<1x16x250x80xi32, #tpu.memory_space<hbm>>
      %dma_start3A_46 = tpu.memref_squeeze %dma_start3A_45 : memref<1x16x250x80xi32, #tpu.memory_space<hbm>> -> memref<16x250x80xi32, #tpu.memory_space<hbm>>
      %dma_start3A_47 = arith.constant 0 : i32
      %dma_start3A_48 = arith.constant 0 : i32
      %dma_start3A_49 = tpu.memref_slice %dma_start3A_46[%arg1, %dma_start3A_47, %dma_start3A_48] : memref<16x250x80xi32, #tpu.memory_space<hbm>> -> memref<1x250x80xi32, #tpu.memory_space<hbm>>
      %dma_start3A_50 = tpu.memref_squeeze %dma_start3A_49 : memref<1x250x80xi32, #tpu.memory_space<hbm>> -> memref<250x80xi32, #tpu.memory_space<hbm>>
      %dma_start3A_51 = arith.constant 0 : i32
      %dma_start3A_52 = tpu.memref_slice %dma_start3A_50[%mul3A_14, %dma_start3A_51] : memref<250x80xi32, #tpu.memory_space<hbm>> -> memref<125x80xi32, #tpu.memory_space<hbm>>
      tpu.enqueue_dma source(%dma_start3A_52 : memref<125x80xi32, #tpu.memory_space<hbm>>) target(%arg5 : memref<125x80xi32, #tpu.memory_space<vmem>>) target_semaphore(%run_scoped3A_31 : memref<!tpu.dma_semaphore, #tpu.memory_space<semaphore_mem>>)
      %dma_wait3A = arith.constant 0 : i32
      %dma_wait3A_53 = arith.constant 0 : i32
      %dma_wait3A_54 = arith.constant 0 : i32
      %dma_wait3A_55 = tpu.memref_slice %arg2[%run_scoped3A, %dma_wait3A, %dma_wait3A_53, %dma_wait3A_54] : memref<2x16x250x80xi32, #tpu.memory_space<hbm>> -> memref<1x16x250x80xi32, #tpu.memory_space<hbm>>
      %dma_wait3A_56 = tpu.memref_squeeze %dma_wait3A_55 : memref<1x16x250x80xi32, #tpu.memory_space<hbm>> -> memref<16x250x80xi32, #tpu.memory_space<hbm>>
      %dma_wait3A_57 = arith.constant 0 : i32
      %dma_wait3A_58 = arith.constant 0 : i32
      %dma_wait3A_59 = tpu.memref_slice %dma_wait3A_56[%arg1, %dma_wait3A_57, %dma_wait3A_58] : memref<16x250x80xi32, #tpu.memory_space<hbm>> -> memref<1x250x80xi32, #tpu.memory_space<hbm>>
      %dma_wait3A_60 = tpu.memref_squeeze %dma_wait3A_59 : memref<1x250x80xi32, #tpu.memory_space<hbm>> -> memref<250x80xi32, #tpu.memory_space<hbm>>
      %dma_wait3A_61 = arith.constant 0 : i32
      %dma_wait3A_62 = tpu.memref_slice %dma_wait3A_60[%mul3A_14, %dma_wait3A_61] : memref<250x80xi32, #tpu.memory_space<hbm>> -> memref<125x80xi32, #tpu.memory_space<hbm>>
      %dma_wait3A_63 = arith.constant 0 : i32
      %dma_wait3A_64 = arith.constant 0 : i32
      %dma_wait3A_65 = arith.constant 0 : i32
      %dma_wait3A_66 = tpu.memref_slice %arg2[%run_scoped3A, %dma_wait3A_63, %dma_wait3A_64, %dma_wait3A_65] : memref<2x16x250x80xi32, #tpu.memory_space<hbm>> -> memref<1x16x250x80xi32, #tpu.memory_space<hbm>>
      %dma_wait3A_67 = tpu.memref_squeeze %dma_wait3A_66 : memref<1x16x250x80xi32, #tpu.memory_space<hbm>> -> memref<16x250x80xi32, #tpu.memory_space<hbm>>
      %dma_wait3A_68 = arith.constant 0 : i32
      %dma_wait3A_69 = arith.constant 0 : i32
      %dma_wait3A_70 = tpu.memref_slice %dma_wait3A_67[%arg1, %dma_wait3A_68, %dma_wait3A_69] : memref<16x250x80xi32, #tpu.memory_space<hbm>> -> memref<1x250x80xi32, #tpu.memory_space<hbm>>
      %dma_wait3A_71 = tpu.memref_squeeze %dma_wait3A_70 : memref<1x250x80xi32, #tpu.memory_space<hbm>> -> memref<250x80xi32, #tpu.memory_space<hbm>>
      %dma_wait3A_72 = arith.constant 0 : i32
      %dma_wait3A_73 = tpu.memref_slice %dma_wait3A_71[%mul3A_14, %dma_wait3A_72] : memref<250x80xi32, #tpu.memory_space<hbm>> -> memref<125x80xi32, #tpu.memory_space<hbm>>
      tpu.wait_dma2 semaphore(%run_scoped3A_31 : memref<!tpu.dma_semaphore, #tpu.memory_space<semaphore_mem>>) src(%dma_wait3A_73 : memref<125x80xi32, #tpu.memory_space<hbm>>) dst(%arg5 : memref<125x80xi32, #tpu.memory_space<vmem>>)
      tpu.yield
    }) : () -> ()
    %mul3A_15 = arith.constant 125 : i32
    %mul3A_16 = arith.muli %arg0, %mul3A_15 : i32
    %run_scoped3A_17 = arith.constant 1 : i32
    "tpu.region"() ({
      %run_scoped3A_31 = tpu.sem_alloc : memref<!tpu.dma_semaphore, #tpu.memory_space<semaphore_mem>>
      %dma_start3A = arith.constant 0 : i32
      %dma_start3A_32 = arith.constant 0 : i32
      %dma_start3A_33 = arith.constant 0 : i32
      %dma_start3A_34 = tpu.memref_slice %arg2[%run_scoped3A_17, %dma_start3A, %dma_start3A_32, %dma_start3A_33] : memref<2x16x250x80xi32, #tpu.memory_space<hbm>> -> memref<1x16x250x80xi32, #tpu.memory_space<hbm>>
      %dma_start3A_35 = tpu.memref_squeeze %dma_start3A_34 : memref<1x16x250x80xi32, #tpu.memory_space<hbm>> -> memref<16x250x80xi32, #tpu.memory_space<hbm>>
      %dma_start3A_36 = arith.constant 0 : i32
      %dma_start3A_37 = arith.constant 0 : i32
      %dma_start3A_38 = tpu.memref_slice %dma_start3A_35[%arg1, %dma_start3A_36, %dma_start3A_37] : memref<16x250x80xi32, #tpu.memory_space<hbm>> -> memref<1x250x80xi32, #tpu.memory_space<hbm>>
      %dma_start3A_39 = tpu.memref_squeeze %dma_start3A_38 : memref<1x250x80xi32, #tpu.memory_space<hbm>> -> memref<250x80xi32, #tpu.memory_space<hbm>>
      %dma_start3A_40 = arith.constant 0 : i32
      %dma_start3A_41 = tpu.memref_slice %dma_start3A_39[%mul3A_16, %dma_start3A_40] : memref<250x80xi32, #tpu.memory_space<hbm>> -> memref<125x80xi32, #tpu.memory_space<hbm>>
      %dma_start3A_42 = arith.constant 0 : i32
      %dma_start3A_43 = arith.constant 0 : i32
      %dma_start3A_44 = arith.constant 0 : i32
      %dma_start3A_45 = tpu.memref_slice %arg2[%run_scoped3A_17, %dma_start3A_42, %dma_start3A_43, %dma_start3A_44] : memref<2x16x250x80xi32, #tpu.memory_space<hbm>> -> memref<1x16x250x80xi32, #tpu.memory_space<hbm>>
      %dma_start3A_46 = tpu.memref_squeeze %dma_start3A_45 : memref<1x16x250x80xi32, #tpu.memory_space<hbm>> -> memref<16x250x80xi32, #tpu.memory_space<hbm>>
      %dma_start3A_47 = arith.constant 0 : i32
      %dma_start3A_48 = arith.constant 0 : i32
      %dma_start3A_49 = tpu.memref_slice %dma_start3A_46[%arg1, %dma_start3A_47, %dma_start3A_48] : memref<16x250x80xi32, #tpu.memory_space<hbm>> -> memref<1x250x80xi32, #tpu.memory_space<hbm>>
      %dma_start3A_50 = tpu.memref_squeeze %dma_start3A_49 : memref<1x250x80xi32, #tpu.memory_space<hbm>> -> memref<250x80xi32, #tpu.memory_space<hbm>>
      %dma_start3A_51 = arith.constant 0 : i32
      %dma_start3A_52 = tpu.memref_slice %dma_start3A_50[%mul3A_16, %dma_start3A_51] : memref<250x80xi32, #tpu.memory_space<hbm>> -> memref<125x80xi32, #tpu.memory_space<hbm>>
      tpu.enqueue_dma source(%dma_start3A_52 : memref<125x80xi32, #tpu.memory_space<hbm>>) target(%arg6 : memref<125x80xi32, #tpu.memory_space<vmem>>) target_semaphore(%run_scoped3A_31 : memref<!tpu.dma_semaphore, #tpu.memory_space<semaphore_mem>>)
      %dma_wait3A = arith.constant 0 : i32
      %dma_wait3A_53 = arith.constant 0 : i32
      %dma_wait3A_54 = arith.constant 0 : i32
      %dma_wait3A_55 = tpu.memref_slice %arg2[%run_scoped3A_17, %dma_wait3A, %dma_wait3A_53, %dma_wait3A_54] : memref<2x16x250x80xi32, #tpu.memory_space<hbm>> -> memref<1x16x250x80xi32, #tpu.memory_space<hbm>>
      %dma_wait3A_56 = tpu.memref_squeeze %dma_wait3A_55 : memref<1x16x250x80xi32, #tpu.memory_space<hbm>> -> memref<16x250x80xi32, #tpu.memory_space<hbm>>
      %dma_wait3A_57 = arith.constant 0 : i32
      %dma_wait3A_58 = arith.constant 0 : i32
      %dma_wait3A_59 = tpu.memref_slice %dma_wait3A_56[%arg1, %dma_wait3A_57, %dma_wait3A_58] : memref<16x250x80xi32, #tpu.memory_space<hbm>> -> memref<1x250x80xi32, #tpu.memory_space<hbm>>
      %dma_wait3A_60 = tpu.memref_squeeze %dma_wait3A_59 : memref<1x250x80xi32, #tpu.memory_space<hbm>> -> memref<250x80xi32, #tpu.memory_space<hbm>>
      %dma_wait3A_61 = arith.constant 0 : i32
      %dma_wait3A_62 = tpu.memref_slice %dma_wait3A_60[%mul3A_16, %dma_wait3A_61] : memref<250x80xi32, #tpu.memory_space<hbm>> -> memref<125x80xi32, #tpu.memory_space<hbm>>
      %dma_wait3A_63 = arith.constant 0 : i32
      %dma_wait3A_64 = arith.constant 0 : i32
      %dma_wait3A_65 = arith.constant 0 : i32
      %dma_wait3A_66 = tpu.memref_slice %arg2[%run_scoped3A_17, %dma_wait3A_63, %dma_wait3A_64, %dma_wait3A_65] : memref<2x16x250x80xi32, #tpu.memory_space<hbm>> -> memref<1x16x250x80xi32, #tpu.memory_space<hbm>>
      %dma_wait3A_67 = tpu.memref_squeeze %dma_wait3A_66 : memref<1x16x250x80xi32, #tpu.memory_space<hbm>> -> memref<16x250x80xi32, #tpu.memory_space<hbm>>
      %dma_wait3A_68 = arith.constant 0 : i32
      %dma_wait3A_69 = arith.constant 0 : i32
      %dma_wait3A_70 = tpu.memref_slice %dma_wait3A_67[%arg1, %dma_wait3A_68, %dma_wait3A_69] : memref<16x250x80xi32, #tpu.memory_space<hbm>> -> memref<1x250x80xi32, #tpu.memory_space<hbm>>
      %dma_wait3A_71 = tpu.memref_squeeze %dma_wait3A_70 : memref<1x250x80xi32, #tpu.memory_space<hbm>> -> memref<250x80xi32, #tpu.memory_space<hbm>>
      %dma_wait3A_72 = arith.constant 0 : i32
      %dma_wait3A_73 = tpu.memref_slice %dma_wait3A_71[%mul3A_16, %dma_wait3A_72] : memref<250x80xi32, #tpu.memory_space<hbm>> -> memref<125x80xi32, #tpu.memory_space<hbm>>
      tpu.wait_dma2 semaphore(%run_scoped3A_31 : memref<!tpu.dma_semaphore, #tpu.memory_space<semaphore_mem>>) src(%dma_wait3A_73 : memref<125x80xi32, #tpu.memory_space<hbm>>) dst(%arg6 : memref<125x80xi32, #tpu.memory_space<vmem>>)
      tpu.yield
    }) : () -> ()
    %scan3A_18 = arith.constant 0 : i32
    %scan3A_19 = arith.constant 125 : i32
    %scan3A_20 = arith.addi %scan3A_18, %scan3A_19 : i32
    %scan3A_21 = arith.constant 1 : i32
    scf.for %scan3A_31 = %scan3A_18 to %scan3A_20 step %scan3A_21  : i32 {
      %mul3A_32 = arith.constant 1 : i32
      %mul3A_33 = arith.muli %scan3A_31, %mul3A_32 : i32
      %add3A = arith.constant 0 : i32
      %add3A_34 = arith.addi %add3A, %mul3A_33 : i32
      "tpu.region"() ({
        %run_scoped3A_35 = tpu.sem_alloc : memref<!tpu.dma_semaphore, #tpu.memory_space<semaphore_mem>>
        %dma_start3A = arith.constant 0 : i32
        %dma_start3A_36 = tpu.memref_slice %arg5[%add3A_34, %dma_start3A] : memref<125x80xi32, #tpu.memory_space<vmem>> -> memref<1x80xi32, #tpu.memory_space<vmem>>
        %dma_start3A_37 = tpu.memref_squeeze %dma_start3A_36 : memref<1x80xi32, #tpu.memory_space<vmem>> -> memref<80xi32, #tpu.memory_space<vmem>>
        %dma_start3A_38 = arith.constant 0 : i32
        %dma_start3A_39 = arith.constant 0 : i32
        %dma_start3A_40 = tpu.memref_slice %arg9[%dma_start3A_38, %dma_start3A_39] : memref<10000x16xf32, #tpu.memory_space<vmem_shared>> -> memref<10000x16xf32, #tpu.memory_space<vmem_shared>>
        tpu.enqueue_indirect_dma source(%arg7 : memref<80x16xf32, #tpu.memory_space<vmem>>) target(%dma_start3A_40 : memref<10000x16xf32, #tpu.memory_space<vmem_shared>>) offsets(%dma_start3A_37 : memref<80xi32, #tpu.memory_space<vmem>>) semaphore(%run_scoped3A_35 : memref<!tpu.dma_semaphore, #tpu.memory_space<semaphore_mem>>) {add = true}
        %dma_wait3A = arith.constant 0 : i32
        %dma_wait3A_41 = tpu.memref_slice %arg5[%add3A_34, %dma_wait3A] : memref<125x80xi32, #tpu.memory_space<vmem>> -> memref<1x80xi32, #tpu.memory_space<vmem>>
        %dma_wait3A_42 = tpu.memref_squeeze %dma_wait3A_41 : memref<1x80xi32, #tpu.memory_space<vmem>> -> memref<80xi32, #tpu.memory_space<vmem>>
        %dma_wait3A_43 = arith.constant 0 : i32
        %dma_wait3A_44 = arith.constant 0 : i32
        %dma_wait3A_45 = tpu.memref_slice %arg9[%dma_wait3A_43, %dma_wait3A_44] : memref<10000x16xf32, #tpu.memory_space<vmem_shared>> -> memref<10000x16xf32, #tpu.memory_space<vmem_shared>>
        tpu.wait_indirect_dma semaphore(%run_scoped3A_35 : memref<!tpu.dma_semaphore, #tpu.memory_space<semaphore_mem>>) src(%arg7 : memref<80x16xf32, #tpu.memory_space<vmem>>) dst(%dma_wait3A_45 : memref<10000x16xf32, #tpu.memory_space<vmem_shared>>)
        tpu.yield
      }) : () -> ()
      "tpu.region"() ({
        %run_scoped3A_35 = tpu.sem_alloc : memref<!tpu.dma_semaphore, #tpu.memory_space<semaphore_mem>>
        %dma_start3A = arith.constant 0 : i32
        %dma_start3A_36 = tpu.memref_slice %arg6[%add3A_34, %dma_start3A] : memref<125x80xi32, #tpu.memory_space<vmem>> -> memref<1x80xi32, #tpu.memory_space<vmem>>
        %dma_start3A_37 = tpu.memref_squeeze %dma_start3A_36 : memref<1x80xi32, #tpu.memory_space<vmem>> -> memref<80xi32, #tpu.memory_space<vmem>>
        %dma_start3A_38 = arith.constant 0 : i32
        %dma_start3A_39 = arith.constant 0 : i32
        %dma_start3A_40 = tpu.memref_slice %arg10[%dma_start3A_38, %dma_start3A_39] : memref<10000x16xf32, #tpu.memory_space<vmem_shared>> -> memref<10000x16xf32, #tpu.memory_space<vmem_shared>>
        tpu.enqueue_indirect_dma source(%arg7 : memref<80x16xf32, #tpu.memory_space<vmem>>) target(%dma_start3A_40 : memref<10000x16xf32, #tpu.memory_space<vmem_shared>>) offsets(%dma_start3A_37 : memref<80xi32, #tpu.memory_space<vmem>>) semaphore(%run_scoped3A_35 : memref<!tpu.dma_semaphore, #tpu.memory_space<semaphore_mem>>) {add = true}
        %dma_wait3A = arith.constant 0 : i32
        %dma_wait3A_41 = tpu.memref_slice %arg6[%add3A_34, %dma_wait3A] : memref<125x80xi32, #tpu.memory_space<vmem>> -> memref<1x80xi32, #tpu.memory_space<vmem>>
        %dma_wait3A_42 = tpu.memref_squeeze %dma_wait3A_41 : memref<1x80xi32, #tpu.memory_space<vmem>> -> memref<80xi32, #tpu.memory_space<vmem>>
        %dma_wait3A_43 = arith.constant 0 : i32
        %dma_wait3A_44 = arith.constant 0 : i32
        %dma_wait3A_45 = tpu.memref_slice %arg10[%dma_wait3A_43, %dma_wait3A_44] : memref<10000x16xf32, #tpu.memory_space<vmem_shared>> -> memref<10000x16xf32, #tpu.memory_space<vmem_shared>>
        tpu.wait_indirect_dma semaphore(%run_scoped3A_35 : memref<!tpu.dma_semaphore, #tpu.memory_space<semaphore_mem>>) src(%arg7 : memref<80x16xf32, #tpu.memory_space<vmem>>) dst(%dma_wait3A_45 : memref<10000x16xf32, #tpu.memory_space<vmem_shared>>)
        tpu.yield
      }) : () -> ()
    }
    %scan3A_22 = arith.constant 125 : i32
    %barrier3A_23 = arith.constant 0 : index
    tpu.barrier barrier_id(%barrier3A_23)
    %eq3A = arith.constant 0 : i32
    %eq3A_24 = arith.cmpi eq, %arg1, %eq3A : i32
    %convert_element_type3A = arith.extui %eq3A_24 : i1 to i32
    %cond3A = arith.constant 0 : i32
    %cond3A_25 = arith.cmpi ne, %convert_element_type3A, %cond3A : i32
    scf.if %cond3A_25 {
      "tpu.region"() ({
        %run_scoped3A_31 = tpu.sem_alloc : memref<!tpu.dma_semaphore, #tpu.memory_space<semaphore_mem>>
        %dma_start3A = arith.constant 0 : i32
        %dma_start3A_32 = arith.constant 0 : i32
        %dma_start3A_33 = tpu.memref_slice %arg3[%arg0, %dma_start3A, %dma_start3A_32] : memref<2x10000x16xf32, #tpu.memory_space<hbm>> -> memref<1x10000x16xf32, #tpu.memory_space<hbm>>
        %dma_start3A_34 = tpu.memref_squeeze %dma_start3A_33 : memref<1x10000x16xf32, #tpu.memory_space<hbm>> -> memref<10000x16xf32, #tpu.memory_space<hbm>>
        tpu.enqueue_dma source(%arg9 : memref<10000x16xf32, #tpu.memory_space<vmem_shared>>) target(%dma_start3A_34 : memref<10000x16xf32, #tpu.memory_space<hbm>>) target_semaphore(%run_scoped3A_31 : memref<!tpu.dma_semaphore, #tpu.memory_space<semaphore_mem>>)
        %dma_wait3A = arith.constant 0 : i32
        %dma_wait3A_35 = arith.constant 0 : i32
        %dma_wait3A_36 = tpu.memref_slice %arg3[%arg0, %dma_wait3A, %dma_wait3A_35] : memref<2x10000x16xf32, #tpu.memory_space<hbm>> -> memref<1x10000x16xf32, #tpu.memory_space<hbm>>
        %dma_wait3A_37 = tpu.memref_squeeze %dma_wait3A_36 : memref<1x10000x16xf32, #tpu.memory_space<hbm>> -> memref<10000x16xf32, #tpu.memory_space<hbm>>
        tpu.wait_dma2 semaphore(%run_scoped3A_31 : memref<!tpu.dma_semaphore, #tpu.memory_space<semaphore_mem>>) src(%arg9 : memref<10000x16xf32, #tpu.memory_space<vmem_shared>>) dst(%dma_wait3A_37 : memref<10000x16xf32, #tpu.memory_space<hbm>>)
        tpu.yield
      }) : () -> ()
    } else {
    }
    %eq3A_26 = arith.constant 1 : i32
    %eq3A_27 = arith.cmpi eq, %arg1, %eq3A_26 : i32
    %convert_element_type3A_28 = arith.extui %eq3A_27 : i1 to i32
    %cond3A_29 = arith.constant 0 : i32
    %cond3A_30 = arith.cmpi ne, %convert_element_type3A_28, %cond3A_29 : i32
    scf.if %cond3A_30 {
      "tpu.region"() ({
        %run_scoped3A_31 = tpu.sem_alloc : memref<!tpu.dma_semaphore, #tpu.memory_space<semaphore_mem>>
        %dma_start3A = arith.constant 0 : i32
        %dma_start3A_32 = arith.constant 0 : i32
        %dma_start3A_33 = tpu.memref_slice %arg4[%arg0, %dma_start3A, %dma_start3A_32] : memref<2x10000x16xf32, #tpu.memory_space<hbm>> -> memref<1x10000x16xf32, #tpu.memory_space<hbm>>
        %dma_start3A_34 = tpu.memref_squeeze %dma_start3A_33 : memref<1x10000x16xf32, #tpu.memory_space<hbm>> -> memref<10000x16xf32, #tpu.memory_space<hbm>>
        tpu.enqueue_dma source(%arg10 : memref<10000x16xf32, #tpu.memory_space<vmem_shared>>) target(%dma_start3A_34 : memref<10000x16xf32, #tpu.memory_space<hbm>>) target_semaphore(%run_scoped3A_31 : memref<!tpu.dma_semaphore, #tpu.memory_space<semaphore_mem>>)
        %dma_wait3A = arith.constant 0 : i32
        %dma_wait3A_35 = arith.constant 0 : i32
        %dma_wait3A_36 = tpu.memref_slice %arg4[%arg0, %dma_wait3A, %dma_wait3A_35] : memref<2x10000x16xf32, #tpu.memory_space<hbm>> -> memref<1x10000x16xf32, #tpu.memory_space<hbm>>
        %dma_wait3A_37 = tpu.memref_squeeze %dma_wait3A_36 : memref<1x10000x16xf32, #tpu.memory_space<hbm>> -> memref<10000x16xf32, #tpu.memory_space<hbm>>
        tpu.wait_dma2 semaphore(%run_scoped3A_31 : memref<!tpu.dma_semaphore, #tpu.memory_space<semaphore_mem>>) src(%arg10 : memref<10000x16xf32, #tpu.memory_space<vmem_shared>>) dst(%dma_wait3A_37 : memref<10000x16xf32, #tpu.memory_space<hbm>>)
        tpu.yield
      }) : () -> ()
    } else {
    }
    return
  }
}

#map = affine_map<(d0, d1) -> (0, 0, 0)>
#map1 = affine_map<(d0, d1) -> (0, 0, 0, 0)>
module attributes {stable_mosaic.version = 14 : i64} {
  func.func @agg_kernel(%arg0: i32, %arg1: i32, %arg2: memref<2x10000x64xf32, #tpu.memory_space<hbm>>, %arg3: memref<2x16x250x80xi32, #tpu.memory_space<hbm>>, %arg4: memref<2x10000x64xf32, #tpu.memory_space<hbm>>, %arg5: memref<250x80xi32, #tpu.memory_space<vmem>>, %arg6: memref<250x80xi32, #tpu.memory_space<vmem>>, %arg7: memref<5x80x64xf32, #tpu.memory_space<vmem>>, %arg8: memref<10000x64xf32, #tpu.memory_space<vmem_shared>>, %arg9: memref<5x!tpu.dma_semaphore, #tpu.memory_space<semaphore_mem>>, %arg10: memref<5x!tpu.dma_semaphore, #tpu.memory_space<semaphore_mem>>) attributes {dimension_semantics = [#tpu.dimension_semantics<core_parallel>, #tpu.dimension_semantics<subcore_parallel>], iteration_bounds = array<i64: 2, 16>, scalar_prefetch = 0 : i64, scratch_operands = 6 : i64, tpu.core_type = #tpu.core_type<sc_vector_subcore>, window_params = [{transform_indices = #map}, {transform_indices = #map1}, {transform_indices = #map}]} {
    %scan3A = arith.constant 0 : i32
    %scan3A_0 = arith.constant 25 : i32
    %scan3A_1 = arith.addi %scan3A, %scan3A_0 : i32
    %scan3A_2 = arith.constant 1 : i32
    scf.for %scan3A_112 = %scan3A to %scan3A_1 step %scan3A_2  : i32 {
      %mul3A = arith.constant 1 : i32
      %mul3A_113 = arith.muli %scan3A_112, %mul3A : i32
      %add3A = arith.constant 0 : i32
      %add3A_114 = arith.addi %add3A, %mul3A_113 : i32
      %scan3A_115 = arith.constant 0 : i32
      %scan3A_116 = arith.constant 4 : i32
      %scan3A_117 = arith.addi %scan3A_115, %scan3A_116 : i32
      %scan3A_118 = arith.constant 1 : i32
      scf.for %scan3A_120 = %scan3A_115 to %scan3A_117 step %scan3A_118  : i32 {
        %mul3A_121 = arith.constant 1 : i32
        %mul3A_122 = arith.muli %scan3A_120, %mul3A_121 : i32
        %add3A_123 = arith.constant 0 : i32
        %add3A_124 = arith.addi %add3A_123, %mul3A_122 : i32
        %broadcast_in_dim3A = arith.constant 0.000000e+00 : f32
        %broadcast_in_dim3A_125 = vector.broadcast %broadcast_in_dim3A : f32 to vector<16xf32>
        %mul3A_126 = arith.constant 16 : i32
        %mul3A_127 = arith.muli %add3A_124, %mul3A_126 : i32
        %swap3A = arith.constant 0 : i32
        %swap3A_128 = arith.index_cast %swap3A : i32 to index
        %swap3A_129 = arith.index_cast %add3A_114 : i32 to index
        %swap3A_130 = arith.index_cast %mul3A_127 : i32 to index
        %swap3A_131 = tpu.vector_load %arg7[%swap3A_128, %swap3A_129, %swap3A_130] {strides = array<i32>} : memref<5x80x64xf32, #tpu.memory_space<vmem>>, vector<1x1x16xf32>,
        %swap3A_132 = vector.shape_cast %swap3A_131 : vector<1x1x16xf32> to vector<16xf32>
        %swap3A_133 = vector.shape_cast %broadcast_in_dim3A_125 : vector<16xf32> to vector<1x1x16xf32>
        tpu.vector_store %arg7[%swap3A_128, %swap3A_129, %swap3A_130], %swap3A_133 {strides = array<i32>} : memref<5x80x64xf32, #tpu.memory_space<vmem>>, vector<1x1x16xf32>,
      }
      %scan3A_119 = arith.constant 4 : i32
    }
    %scan3A_3 = arith.constant 25 : i32
    %scan3A_4 = arith.constant 0 : i32
    %scan3A_5 = arith.constant 25 : i32
    %scan3A_6 = arith.addi %scan3A_4, %scan3A_5 : i32
    %scan3A_7 = arith.constant 1 : i32
    scf.for %scan3A_112 = %scan3A_4 to %scan3A_6 step %scan3A_7  : i32 {
      %mul3A = arith.constant 1 : i32
      %mul3A_113 = arith.muli %scan3A_112, %mul3A : i32
      %add3A = arith.constant 0 : i32
      %add3A_114 = arith.addi %add3A, %mul3A_113 : i32
      %mul3A_115 = arith.constant 625 : i32
      %mul3A_116 = arith.muli %arg1, %mul3A_115 : i32
      %mul3A_117 = arith.constant 25 : i32
      %mul3A_118 = arith.muli %add3A_114, %mul3A_117 : i32
      %add3A_119 = arith.addi %mul3A_116, %mul3A_118 : i32
      %run_scoped3A_120 = arith.constant 0 : i32
      "tpu.region"() ({
        %run_scoped3A_121 = tpu.sem_alloc : memref<!tpu.dma_semaphore, #tpu.memory_space<semaphore_mem>>
        %dma_start3A_122 = arith.constant 0 : i32
        %dma_start3A_123 = arith.constant 0 : i32
        %dma_start3A_124 = tpu.memref_slice %arg7[%run_scoped3A_120, %dma_start3A_122, %dma_start3A_123] : memref<5x80x64xf32, #tpu.memory_space<vmem>> -> memref<1x80x64xf32, #tpu.memory_space<vmem>>
        %dma_start3A_125 = tpu.memref_squeeze %dma_start3A_124 : memref<1x80x64xf32, #tpu.memory_space<vmem>> -> memref<80x64xf32, #tpu.memory_space<vmem>>
        %dma_start3A_126 = arith.constant 0 : i32
        %dma_start3A_127 = arith.constant 0 : i32
        %dma_start3A_128 = tpu.memref_slice %dma_start3A_125[%dma_start3A_126, %dma_start3A_127] : memref<80x64xf32, #tpu.memory_space<vmem>> -> memref<25x64xf32, #tpu.memory_space<vmem>>
        %dma_start3A_129 = arith.constant 0 : i32
        %dma_start3A_130 = tpu.memref_slice %arg8[%add3A_119, %dma_start3A_129] : memref<10000x64xf32, #tpu.memory_space<vmem_shared>> -> memref<25x64xf32, #tpu.memory_space<vmem_shared>>
        %dma_start3A_131 = arith.constant 0 : i32
        %dma_start3A_132 = tpu.memref_slice %arg8[%add3A_119, %dma_start3A_131] : memref<10000x64xf32, #tpu.memory_space<vmem_shared>> -> memref<25x64xf32, #tpu.memory_space<vmem_shared>>
        %dma_start3A_133 = arith.constant 0 : i32
        %dma_start3A_134 = arith.constant 0 : i32
        %dma_start3A_135 = tpu.memref_slice %arg7[%run_scoped3A_120, %dma_start3A_133, %dma_start3A_134] : memref<5x80x64xf32, #tpu.memory_space<vmem>> -> memref<1x80x64xf32, #tpu.memory_space<vmem>>
        %dma_start3A_136 = tpu.memref_squeeze %dma_start3A_135 : memref<1x80x64xf32, #tpu.memory_space<vmem>> -> memref<80x64xf32, #tpu.memory_space<vmem>>
        %dma_start3A_137 = arith.constant 0 : i32
        %dma_start3A_138 = arith.constant 0 : i32
        %dma_start3A_139 = tpu.memref_slice %dma_start3A_136[%dma_start3A_137, %dma_start3A_138] : memref<80x64xf32, #tpu.memory_space<vmem>> -> memref<25x64xf32, #tpu.memory_space<vmem>>
        tpu.enqueue_dma source(%dma_start3A_139 : memref<25x64xf32, #tpu.memory_space<vmem>>) target(%dma_start3A_132 : memref<25x64xf32, #tpu.memory_space<vmem_shared>>) target_semaphore(%run_scoped3A_121 : memref<!tpu.dma_semaphore, #tpu.memory_space<semaphore_mem>>)
        %dma_wait3A = arith.constant 0 : i32
        %dma_wait3A_140 = arith.constant 0 : i32
        %dma_wait3A_141 = tpu.memref_slice %arg7[%run_scoped3A_120, %dma_wait3A, %dma_wait3A_140] : memref<5x80x64xf32, #tpu.memory_space<vmem>> -> memref<1x80x64xf32, #tpu.memory_space<vmem>>
        %dma_wait3A_142 = tpu.memref_squeeze %dma_wait3A_141 : memref<1x80x64xf32, #tpu.memory_space<vmem>> -> memref<80x64xf32, #tpu.memory_space<vmem>>
        %dma_wait3A_143 = arith.constant 0 : i32
        %dma_wait3A_144 = arith.constant 0 : i32
        %dma_wait3A_145 = tpu.memref_slice %dma_wait3A_142[%dma_wait3A_143, %dma_wait3A_144] : memref<80x64xf32, #tpu.memory_space<vmem>> -> memref<25x64xf32, #tpu.memory_space<vmem>>
        %dma_wait3A_146 = arith.constant 0 : i32
        %dma_wait3A_147 = tpu.memref_slice %arg8[%add3A_119, %dma_wait3A_146] : memref<10000x64xf32, #tpu.memory_space<vmem_shared>> -> memref<25x64xf32, #tpu.memory_space<vmem_shared>>
        %dma_wait3A_148 = arith.constant 0 : i32
        %dma_wait3A_149 = tpu.memref_slice %arg8[%add3A_119, %dma_wait3A_148] : memref<10000x64xf32, #tpu.memory_space<vmem_shared>> -> memref<25x64xf32, #tpu.memory_space<vmem_shared>>
        %dma_wait3A_150 = arith.constant 0 : i32
        %dma_wait3A_151 = arith.constant 0 : i32
        %dma_wait3A_152 = tpu.memref_slice %arg7[%run_scoped3A_120, %dma_wait3A_150, %dma_wait3A_151] : memref<5x80x64xf32, #tpu.memory_space<vmem>> -> memref<1x80x64xf32, #tpu.memory_space<vmem>>
        %dma_wait3A_153 = tpu.memref_squeeze %dma_wait3A_152 : memref<1x80x64xf32, #tpu.memory_space<vmem>> -> memref<80x64xf32, #tpu.memory_space<vmem>>
        %dma_wait3A_154 = arith.constant 0 : i32
        %dma_wait3A_155 = arith.constant 0 : i32
        %dma_wait3A_156 = tpu.memref_slice %dma_wait3A_153[%dma_wait3A_154, %dma_wait3A_155] : memref<80x64xf32, #tpu.memory_space<vmem>> -> memref<25x64xf32, #tpu.memory_space<vmem>>
        tpu.wait_dma2 semaphore(%run_scoped3A_121 : memref<!tpu.dma_semaphore, #tpu.memory_space<semaphore_mem>>) src(%dma_wait3A_156 : memref<25x64xf32, #tpu.memory_space<vmem>>) dst(%dma_wait3A_149 : memref<25x64xf32, #tpu.memory_space<vmem_shared>>)
        tpu.yield
      }) : () -> ()
    }
    %scan3A_8 = arith.constant 25 : i32
    %barrier3A = arith.constant 0 : index
    tpu.barrier barrier_id(%barrier3A)
    %run_scoped3A = arith.constant 0 : i32
    "tpu.region"() ({
      %run_scoped3A_112 = tpu.sem_alloc : memref<!tpu.dma_semaphore, #tpu.memory_space<semaphore_mem>>
      %dma_start3A_113 = arith.constant 0 : i32
      %dma_start3A_114 = arith.constant 0 : i32
      %dma_start3A_115 = arith.constant 0 : i32
      %dma_start3A_116 = tpu.memref_slice %arg3[%run_scoped3A, %dma_start3A_113, %dma_start3A_114, %dma_start3A_115] : memref<2x16x250x80xi32, #tpu.memory_space<hbm>> -> memref<1x16x250x80xi32, #tpu.memory_space<hbm>>
      %dma_start3A_117 = tpu.memref_squeeze %dma_start3A_116 : memref<1x16x250x80xi32, #tpu.memory_space<hbm>> -> memref<16x250x80xi32, #tpu.memory_space<hbm>>
      %dma_start3A_118 = arith.constant 0 : i32
      %dma_start3A_119 = arith.constant 0 : i32
      %dma_start3A_120 = tpu.memref_slice %dma_start3A_117[%arg1, %dma_start3A_118, %dma_start3A_119] : memref<16x250x80xi32, #tpu.memory_space<hbm>> -> memref<1x250x80xi32, #tpu.memory_space<hbm>>
      %dma_start3A_121 = tpu.memref_squeeze %dma_start3A_120 : memref<1x250x80xi32, #tpu.memory_space<hbm>> -> memref<250x80xi32, #tpu.memory_space<hbm>>
      %dma_start3A_122 = arith.constant 0 : i32
      %dma_start3A_123 = arith.constant 0 : i32
      %dma_start3A_124 = arith.constant 0 : i32
      %dma_start3A_125 = tpu.memref_slice %arg3[%run_scoped3A, %dma_start3A_122, %dma_start3A_123, %dma_start3A_124] : memref<2x16x250x80xi32, #tpu.memory_space<hbm>> -> memref<1x16x250x80xi32, #tpu.memory_space<hbm>>
      %dma_start3A_126 = tpu.memref_squeeze %dma_start3A_125 : memref<1x16x250x80xi32, #tpu.memory_space<hbm>> -> memref<16x250x80xi32, #tpu.memory_space<hbm>>
      %dma_start3A_127 = arith.constant 0 : i32
      %dma_start3A_128 = arith.constant 0 : i32
      %dma_start3A_129 = tpu.memref_slice %dma_start3A_126[%arg1, %dma_start3A_127, %dma_start3A_128] : memref<16x250x80xi32, #tpu.memory_space<hbm>> -> memref<1x250x80xi32, #tpu.memory_space<hbm>>
      %dma_start3A_130 = tpu.memref_squeeze %dma_start3A_129 : memref<1x250x80xi32, #tpu.memory_space<hbm>> -> memref<250x80xi32, #tpu.memory_space<hbm>>
      tpu.enqueue_dma source(%dma_start3A_130 : memref<250x80xi32, #tpu.memory_space<hbm>>) target(%arg5 : memref<250x80xi32, #tpu.memory_space<vmem>>) target_semaphore(%run_scoped3A_112 : memref<!tpu.dma_semaphore, #tpu.memory_space<semaphore_mem>>)
      %dma_wait3A = arith.constant 0 : i32
      %dma_wait3A_131 = arith.constant 0 : i32
      %dma_wait3A_132 = arith.constant 0 : i32
      %dma_wait3A_133 = tpu.memref_slice %arg3[%run_scoped3A, %dma_wait3A, %dma_wait3A_131, %dma_wait3A_132] : memref<2x16x250x80xi32, #tpu.memory_space<hbm>> -> memref<1x16x250x80xi32, #tpu.memory_space<hbm>>
      %dma_wait3A_134 = tpu.memref_squeeze %dma_wait3A_133 : memref<1x16x250x80xi32, #tpu.memory_space<hbm>> -> memref<16x250x80xi32, #tpu.memory_space<hbm>>
      %dma_wait3A_135 = arith.constant 0 : i32
      %dma_wait3A_136 = arith.constant 0 : i32
      %dma_wait3A_137 = tpu.memref_slice %dma_wait3A_134[%arg1, %dma_wait3A_135, %dma_wait3A_136] : memref<16x250x80xi32, #tpu.memory_space<hbm>> -> memref<1x250x80xi32, #tpu.memory_space<hbm>>
      %dma_wait3A_138 = tpu.memref_squeeze %dma_wait3A_137 : memref<1x250x80xi32, #tpu.memory_space<hbm>> -> memref<250x80xi32, #tpu.memory_space<hbm>>
      %dma_wait3A_139 = arith.constant 0 : i32
      %dma_wait3A_140 = arith.constant 0 : i32
      %dma_wait3A_141 = arith.constant 0 : i32
      %dma_wait3A_142 = tpu.memref_slice %arg3[%run_scoped3A, %dma_wait3A_139, %dma_wait3A_140, %dma_wait3A_141] : memref<2x16x250x80xi32, #tpu.memory_space<hbm>> -> memref<1x16x250x80xi32, #tpu.memory_space<hbm>>
      %dma_wait3A_143 = tpu.memref_squeeze %dma_wait3A_142 : memref<1x16x250x80xi32, #tpu.memory_space<hbm>> -> memref<16x250x80xi32, #tpu.memory_space<hbm>>
      %dma_wait3A_144 = arith.constant 0 : i32
      %dma_wait3A_145 = arith.constant 0 : i32
      %dma_wait3A_146 = tpu.memref_slice %dma_wait3A_143[%arg1, %dma_wait3A_144, %dma_wait3A_145] : memref<16x250x80xi32, #tpu.memory_space<hbm>> -> memref<1x250x80xi32, #tpu.memory_space<hbm>>
      %dma_wait3A_147 = tpu.memref_squeeze %dma_wait3A_146 : memref<1x250x80xi32, #tpu.memory_space<hbm>> -> memref<250x80xi32, #tpu.memory_space<hbm>>
      tpu.wait_dma2 semaphore(%run_scoped3A_112 : memref<!tpu.dma_semaphore, #tpu.memory_space<semaphore_mem>>) src(%dma_wait3A_147 : memref<250x80xi32, #tpu.memory_space<hbm>>) dst(%arg5 : memref<250x80xi32, #tpu.memory_space<vmem>>)
      tpu.yield
    }) : () -> ()
    %run_scoped3A_9 = arith.constant 1 : i32
    "tpu.region"() ({
      %run_scoped3A_112 = tpu.sem_alloc : memref<!tpu.dma_semaphore, #tpu.memory_space<semaphore_mem>>
      %dma_start3A_113 = arith.constant 0 : i32
      %dma_start3A_114 = arith.constant 0 : i32
      %dma_start3A_115 = arith.constant 0 : i32
      %dma_start3A_116 = tpu.memref_slice %arg3[%run_scoped3A_9, %dma_start3A_113, %dma_start3A_114, %dma_start3A_115] : memref<2x16x250x80xi32, #tpu.memory_space<hbm>> -> memref<1x16x250x80xi32, #tpu.memory_space<hbm>>
      %dma_start3A_117 = tpu.memref_squeeze %dma_start3A_116 : memref<1x16x250x80xi32, #tpu.memory_space<hbm>> -> memref<16x250x80xi32, #tpu.memory_space<hbm>>
      %dma_start3A_118 = arith.constant 0 : i32
      %dma_start3A_119 = arith.constant 0 : i32
      %dma_start3A_120 = tpu.memref_slice %dma_start3A_117[%arg1, %dma_start3A_118, %dma_start3A_119] : memref<16x250x80xi32, #tpu.memory_space<hbm>> -> memref<1x250x80xi32, #tpu.memory_space<hbm>>
      %dma_start3A_121 = tpu.memref_squeeze %dma_start3A_120 : memref<1x250x80xi32, #tpu.memory_space<hbm>> -> memref<250x80xi32, #tpu.memory_space<hbm>>
      %dma_start3A_122 = arith.constant 0 : i32
      %dma_start3A_123 = arith.constant 0 : i32
      %dma_start3A_124 = arith.constant 0 : i32
      %dma_start3A_125 = tpu.memref_slice %arg3[%run_scoped3A_9, %dma_start3A_122, %dma_start3A_123, %dma_start3A_124] : memref<2x16x250x80xi32, #tpu.memory_space<hbm>> -> memref<1x16x250x80xi32, #tpu.memory_space<hbm>>
      %dma_start3A_126 = tpu.memref_squeeze %dma_start3A_125 : memref<1x16x250x80xi32, #tpu.memory_space<hbm>> -> memref<16x250x80xi32, #tpu.memory_space<hbm>>
      %dma_start3A_127 = arith.constant 0 : i32
      %dma_start3A_128 = arith.constant 0 : i32
      %dma_start3A_129 = tpu.memref_slice %dma_start3A_126[%arg1, %dma_start3A_127, %dma_start3A_128] : memref<16x250x80xi32, #tpu.memory_space<hbm>> -> memref<1x250x80xi32, #tpu.memory_space<hbm>>
      %dma_start3A_130 = tpu.memref_squeeze %dma_start3A_129 : memref<1x250x80xi32, #tpu.memory_space<hbm>> -> memref<250x80xi32, #tpu.memory_space<hbm>>
      tpu.enqueue_dma source(%dma_start3A_130 : memref<250x80xi32, #tpu.memory_space<hbm>>) target(%arg6 : memref<250x80xi32, #tpu.memory_space<vmem>>) target_semaphore(%run_scoped3A_112 : memref<!tpu.dma_semaphore, #tpu.memory_space<semaphore_mem>>)
      %dma_wait3A = arith.constant 0 : i32
      %dma_wait3A_131 = arith.constant 0 : i32
      %dma_wait3A_132 = arith.constant 0 : i32
      %dma_wait3A_133 = tpu.memref_slice %arg3[%run_scoped3A_9, %dma_wait3A, %dma_wait3A_131, %dma_wait3A_132] : memref<2x16x250x80xi32, #tpu.memory_space<hbm>> -> memref<1x16x250x80xi32, #tpu.memory_space<hbm>>
      %dma_wait3A_134 = tpu.memref_squeeze %dma_wait3A_133 : memref<1x16x250x80xi32, #tpu.memory_space<hbm>> -> memref<16x250x80xi32, #tpu.memory_space<hbm>>
      %dma_wait3A_135 = arith.constant 0 : i32
      %dma_wait3A_136 = arith.constant 0 : i32
      %dma_wait3A_137 = tpu.memref_slice %dma_wait3A_134[%arg1, %dma_wait3A_135, %dma_wait3A_136] : memref<16x250x80xi32, #tpu.memory_space<hbm>> -> memref<1x250x80xi32, #tpu.memory_space<hbm>>
      %dma_wait3A_138 = tpu.memref_squeeze %dma_wait3A_137 : memref<1x250x80xi32, #tpu.memory_space<hbm>> -> memref<250x80xi32, #tpu.memory_space<hbm>>
      %dma_wait3A_139 = arith.constant 0 : i32
      %dma_wait3A_140 = arith.constant 0 : i32
      %dma_wait3A_141 = arith.constant 0 : i32
      %dma_wait3A_142 = tpu.memref_slice %arg3[%run_scoped3A_9, %dma_wait3A_139, %dma_wait3A_140, %dma_wait3A_141] : memref<2x16x250x80xi32, #tpu.memory_space<hbm>> -> memref<1x16x250x80xi32, #tpu.memory_space<hbm>>
      %dma_wait3A_143 = tpu.memref_squeeze %dma_wait3A_142 : memref<1x16x250x80xi32, #tpu.memory_space<hbm>> -> memref<16x250x80xi32, #tpu.memory_space<hbm>>
      %dma_wait3A_144 = arith.constant 0 : i32
      %dma_wait3A_145 = arith.constant 0 : i32
      %dma_wait3A_146 = tpu.memref_slice %dma_wait3A_143[%arg1, %dma_wait3A_144, %dma_wait3A_145] : memref<16x250x80xi32, #tpu.memory_space<hbm>> -> memref<1x250x80xi32, #tpu.memory_space<hbm>>
      %dma_wait3A_147 = tpu.memref_squeeze %dma_wait3A_146 : memref<1x250x80xi32, #tpu.memory_space<hbm>> -> memref<250x80xi32, #tpu.memory_space<hbm>>
      tpu.wait_dma2 semaphore(%run_scoped3A_112 : memref<!tpu.dma_semaphore, #tpu.memory_space<semaphore_mem>>) src(%dma_wait3A_147 : memref<250x80xi32, #tpu.memory_space<hbm>>) dst(%arg6 : memref<250x80xi32, #tpu.memory_space<vmem>>)
      tpu.yield
    }) : () -> ()
    %dma_start3A = arith.constant 0 : i32
    %dma_start3A_10 = arith.constant 0 : i32
    %dma_start3A_11 = arith.constant 0 : i32
    %dma_start3A_12 = arith.constant 0 : i32
    %dma_start3A_13 = arith.constant 0 : i32
    %dma_start3A_14 = tpu.memref_slice %arg7[%dma_start3A_10, %dma_start3A_12, %dma_start3A_13] : memref<5x80x64xf32, #tpu.memory_space<vmem>> -> memref<1x80x64xf32, #tpu.memory_space<vmem>>
    %dma_start3A_15 = tpu.memref_squeeze %dma_start3A_14 : memref<1x80x64xf32, #tpu.memory_space<vmem>> -> memref<80x64xf32, #tpu.memory_space<vmem>>
    %dma_start3A_16 = arith.constant 0 : i32
    %dma_start3A_17 = tpu.memref_slice %arg5[%dma_start3A, %dma_start3A_16] : memref<250x80xi32, #tpu.memory_space<vmem>> -> memref<1x80xi32, #tpu.memory_space<vmem>>
    %dma_start3A_18 = tpu.memref_squeeze %dma_start3A_17 : memref<1x80xi32, #tpu.memory_space<vmem>> -> memref<80xi32, #tpu.memory_space<vmem>>
    %dma_start3A_19 = arith.constant 0 : i32
    %dma_start3A_20 = arith.constant 0 : i32
    %dma_start3A_21 = tpu.memref_slice %arg2[%arg0, %dma_start3A_19, %dma_start3A_20] : memref<2x10000x64xf32, #tpu.memory_space<hbm>> -> memref<1x10000x64xf32, #tpu.memory_space<hbm>>
    %dma_start3A_22 = tpu.memref_squeeze %dma_start3A_21 : memref<1x10000x64xf32, #tpu.memory_space<hbm>> -> memref<10000x64xf32, #tpu.memory_space<hbm>>
    %dma_start3A_23 = arith.constant 0 : i32
    %dma_start3A_24 = arith.constant 0 : i32
    %dma_start3A_25 = tpu.memref_slice %dma_start3A_22[%dma_start3A_23, %dma_start3A_24] : memref<10000x64xf32, #tpu.memory_space<hbm>> -> memref<10000x64xf32, #tpu.memory_space<hbm>>
    %dma_start3A_26 = tpu.memref_slice %arg9[%dma_start3A_11] : memref<5x!tpu.dma_semaphore, #tpu.memory_space<semaphore_mem>> -> memref<1x!tpu.dma_semaphore, #tpu.memory_space<semaphore_mem>>
    %dma_start3A_27 = tpu.memref_squeeze %dma_start3A_26 : memref<1x!tpu.dma_semaphore, #tpu.memory_space<semaphore_mem>> -> memref<!tpu.dma_semaphore, #tpu.memory_space<semaphore_mem>>
    tpu.enqueue_indirect_dma source(%dma_start3A_25 : memref<10000x64xf32, #tpu.memory_space<hbm>>) target(%dma_start3A_15 : memref<80x64xf32, #tpu.memory_space<vmem>>) offsets(%dma_start3A_18 : memref<80xi32, #tpu.memory_space<vmem>>) semaphore(%dma_start3A_27 : memref<!tpu.dma_semaphore, #tpu.memory_space<semaphore_mem>>)
    %dma_start3A_28 = arith.constant 1 : i32
    %dma_start3A_29 = arith.constant 1 : i32
    %dma_start3A_30 = arith.constant 1 : i32
    %dma_start3A_31 = arith.constant 0 : i32
    %dma_start3A_32 = arith.constant 0 : i32
    %dma_start3A_33 = tpu.memref_slice %arg7[%dma_start3A_29, %dma_start3A_31, %dma_start3A_32] : memref<5x80x64xf32, #tpu.memory_space<vmem>> -> memref<1x80x64xf32, #tpu.memory_space<vmem>>
    %dma_start3A_34 = tpu.memref_squeeze %dma_start3A_33 : memref<1x80x64xf32, #tpu.memory_space<vmem>> -> memref<80x64xf32, #tpu.memory_space<vmem>>
    %dma_start3A_35 = arith.constant 0 : i32
    %dma_start3A_36 = tpu.memref_slice %arg5[%dma_start3A_28, %dma_start3A_35] : memref<250x80xi32, #tpu.memory_space<vmem>> -> memref<1x80xi32, #tpu.memory_space<vmem>>
    %dma_start3A_37 = tpu.memref_squeeze %dma_start3A_36 : memref<1x80xi32, #tpu.memory_space<vmem>> -> memref<80xi32, #tpu.memory_space<vmem>>
    %dma_start3A_38 = arith.constant 0 : i32
    %dma_start3A_39 = arith.constant 0 : i32
    %dma_start3A_40 = tpu.memref_slice %arg2[%arg0, %dma_start3A_38, %dma_start3A_39] : memref<2x10000x64xf32, #tpu.memory_space<hbm>> -> memref<1x10000x64xf32, #tpu.memory_space<hbm>>
    %dma_start3A_41 = tpu.memref_squeeze %dma_start3A_40 : memref<1x10000x64xf32, #tpu.memory_space<hbm>> -> memref<10000x64xf32, #tpu.memory_space<hbm>>
    %dma_start3A_42 = arith.constant 0 : i32
    %dma_start3A_43 = arith.constant 0 : i32
    %dma_start3A_44 = tpu.memref_slice %dma_start3A_41[%dma_start3A_42, %dma_start3A_43] : memref<10000x64xf32, #tpu.memory_space<hbm>> -> memref<10000x64xf32, #tpu.memory_space<hbm>>
    %dma_start3A_45 = tpu.memref_slice %arg9[%dma_start3A_30] : memref<5x!tpu.dma_semaphore, #tpu.memory_space<semaphore_mem>> -> memref<1x!tpu.dma_semaphore, #tpu.memory_space<semaphore_mem>>
    %dma_start3A_46 = tpu.memref_squeeze %dma_start3A_45 : memref<1x!tpu.dma_semaphore, #tpu.memory_space<semaphore_mem>> -> memref<!tpu.dma_semaphore, #tpu.memory_space<semaphore_mem>>
    tpu.enqueue_indirect_dma source(%dma_start3A_44 : memref<10000x64xf32, #tpu.memory_space<hbm>>) target(%dma_start3A_34 : memref<80x64xf32, #tpu.memory_space<vmem>>) offsets(%dma_start3A_37 : memref<80xi32, #tpu.memory_space<vmem>>) semaphore(%dma_start3A_46 : memref<!tpu.dma_semaphore, #tpu.memory_space<semaphore_mem>>)
    %dma_start3A_47 = arith.constant 2 : i32
    %dma_start3A_48 = arith.constant 2 : i32
    %dma_start3A_49 = arith.constant 2 : i32
    %dma_start3A_50 = arith.constant 0 : i32
    %dma_start3A_51 = arith.constant 0 : i32
    %dma_start3A_52 = tpu.memref_slice %arg7[%dma_start3A_48, %dma_start3A_50, %dma_start3A_51] : memref<5x80x64xf32, #tpu.memory_space<vmem>> -> memref<1x80x64xf32, #tpu.memory_space<vmem>>
    %dma_start3A_53 = tpu.memref_squeeze %dma_start3A_52 : memref<1x80x64xf32, #tpu.memory_space<vmem>> -> memref<80x64xf32, #tpu.memory_space<vmem>>
    %dma_start3A_54 = arith.constant 0 : i32
    %dma_start3A_55 = tpu.memref_slice %arg5[%dma_start3A_47, %dma_start3A_54] : memref<250x80xi32, #tpu.memory_space<vmem>> -> memref<1x80xi32, #tpu.memory_space<vmem>>
    %dma_start3A_56 = tpu.memref_squeeze %dma_start3A_55 : memref<1x80xi32, #tpu.memory_space<vmem>> -> memref<80xi32, #tpu.memory_space<vmem>>
    %dma_start3A_57 = arith.constant 0 : i32
    %dma_start3A_58 = arith.constant 0 : i32
    %dma_start3A_59 = tpu.memref_slice %arg2[%arg0, %dma_start3A_57, %dma_start3A_58] : memref<2x10000x64xf32, #tpu.memory_space<hbm>> -> memref<1x10000x64xf32, #tpu.memory_space<hbm>>
    %dma_start3A_60 = tpu.memref_squeeze %dma_start3A_59 : memref<1x10000x64xf32, #tpu.memory_space<hbm>> -> memref<10000x64xf32, #tpu.memory_space<hbm>>
    %dma_start3A_61 = arith.constant 0 : i32
    %dma_start3A_62 = arith.constant 0 : i32
    %dma_start3A_63 = tpu.memref_slice %dma_start3A_60[%dma_start3A_61, %dma_start3A_62] : memref<10000x64xf32, #tpu.memory_space<hbm>> -> memref<10000x64xf32, #tpu.memory_space<hbm>>
    %dma_start3A_64 = tpu.memref_slice %arg9[%dma_start3A_49] : memref<5x!tpu.dma_semaphore, #tpu.memory_space<semaphore_mem>> -> memref<1x!tpu.dma_semaphore, #tpu.memory_space<semaphore_mem>>
    %dma_start3A_65 = tpu.memref_squeeze %dma_start3A_64 : memref<1x!tpu.dma_semaphore, #tpu.memory_space<semaphore_mem>> -> memref<!tpu.dma_semaphore, #tpu.memory_space<semaphore_mem>>
    tpu.enqueue_indirect_dma source(%dma_start3A_63 : memref<10000x64xf32, #tpu.memory_space<hbm>>) target(%dma_start3A_53 : memref<80x64xf32, #tpu.memory_space<vmem>>) offsets(%dma_start3A_56 : memref<80xi32, #tpu.memory_space<vmem>>) semaphore(%dma_start3A_65 : memref<!tpu.dma_semaphore, #tpu.memory_space<semaphore_mem>>)
    %dma_start3A_66 = arith.constant 3 : i32
    %dma_start3A_67 = arith.constant 3 : i32
    %dma_start3A_68 = arith.constant 3 : i32
    %dma_start3A_69 = arith.constant 0 : i32
    %dma_start3A_70 = arith.constant 0 : i32
    %dma_start3A_71 = tpu.memref_slice %arg7[%dma_start3A_67, %dma_start3A_69, %dma_start3A_70] : memref<5x80x64xf32, #tpu.memory_space<vmem>> -> memref<1x80x64xf32, #tpu.memory_space<vmem>>
    %dma_start3A_72 = tpu.memref_squeeze %dma_start3A_71 : memref<1x80x64xf32, #tpu.memory_space<vmem>> -> memref<80x64xf32, #tpu.memory_space<vmem>>
    %dma_start3A_73 = arith.constant 0 : i32
    %dma_start3A_74 = tpu.memref_slice %arg5[%dma_start3A_66, %dma_start3A_73] : memref<250x80xi32, #tpu.memory_space<vmem>> -> memref<1x80xi32, #tpu.memory_space<vmem>>
    %dma_start3A_75 = tpu.memref_squeeze %dma_start3A_74 : memref<1x80xi32, #tpu.memory_space<vmem>> -> memref<80xi32, #tpu.memory_space<vmem>>
    %dma_start3A_76 = arith.constant 0 : i32
    %dma_start3A_77 = arith.constant 0 : i32
    %dma_start3A_78 = tpu.memref_slice %arg2[%arg0, %dma_start3A_76, %dma_start3A_77] : memref<2x10000x64xf32, #tpu.memory_space<hbm>> -> memref<1x10000x64xf32, #tpu.memory_space<hbm>>
    %dma_start3A_79 = tpu.memref_squeeze %dma_start3A_78 : memref<1x10000x64xf32, #tpu.memory_space<hbm>> -> memref<10000x64xf32, #tpu.memory_space<hbm>>
    %dma_start3A_80 = arith.constant 0 : i32
    %dma_start3A_81 = arith.constant 0 : i32
    %dma_start3A_82 = tpu.memref_slice %dma_start3A_79[%dma_start3A_80, %dma_start3A_81] : memref<10000x64xf32, #tpu.memory_space<hbm>> -> memref<10000x64xf32, #tpu.memory_space<hbm>>
    %dma_start3A_83 = tpu.memref_slice %arg9[%dma_start3A_68] : memref<5x!tpu.dma_semaphore, #tpu.memory_space<semaphore_mem>> -> memref<1x!tpu.dma_semaphore, #tpu.memory_space<semaphore_mem>>
    %dma_start3A_84 = tpu.memref_squeeze %dma_start3A_83 : memref<1x!tpu.dma_semaphore, #tpu.memory_space<semaphore_mem>> -> memref<!tpu.dma_semaphore, #tpu.memory_space<semaphore_mem>>
    tpu.enqueue_indirect_dma source(%dma_start3A_82 : memref<10000x64xf32, #tpu.memory_space<hbm>>) target(%dma_start3A_72 : memref<80x64xf32, #tpu.memory_space<vmem>>) offsets(%dma_start3A_75 : memref<80xi32, #tpu.memory_space<vmem>>) semaphore(%dma_start3A_84 : memref<!tpu.dma_semaphore, #tpu.memory_space<semaphore_mem>>)
    %dma_start3A_85 = arith.constant 4 : i32
    %dma_start3A_86 = arith.constant 4 : i32
    %dma_start3A_87 = arith.constant 4 : i32
    %dma_start3A_88 = arith.constant 0 : i32
    %dma_start3A_89 = arith.constant 0 : i32
    %dma_start3A_90 = tpu.memref_slice %arg7[%dma_start3A_86, %dma_start3A_88, %dma_start3A_89] : memref<5x80x64xf32, #tpu.memory_space<vmem>> -> memref<1x80x64xf32, #tpu.memory_space<vmem>>
    %dma_start3A_91 = tpu.memref_squeeze %dma_start3A_90 : memref<1x80x64xf32, #tpu.memory_space<vmem>> -> memref<80x64xf32, #tpu.memory_space<vmem>>
    %dma_start3A_92 = arith.constant 0 : i32
    %dma_start3A_93 = tpu.memref_slice %arg5[%dma_start3A_85, %dma_start3A_92] : memref<250x80xi32, #tpu.memory_space<vmem>> -> memref<1x80xi32, #tpu.memory_space<vmem>>
    %dma_start3A_94 = tpu.memref_squeeze %dma_start3A_93 : memref<1x80xi32, #tpu.memory_space<vmem>> -> memref<80xi32, #tpu.memory_space<vmem>>
    %dma_start3A_95 = arith.constant 0 : i32
    %dma_start3A_96 = arith.constant 0 : i32
    %dma_start3A_97 = tpu.memref_slice %arg2[%arg0, %dma_start3A_95, %dma_start3A_96] : memref<2x10000x64xf32, #tpu.memory_space<hbm>> -> memref<1x10000x64xf32, #tpu.memory_space<hbm>>
    %dma_start3A_98 = tpu.memref_squeeze %dma_start3A_97 : memref<1x10000x64xf32, #tpu.memory_space<hbm>> -> memref<10000x64xf32, #tpu.memory_space<hbm>>
    %dma_start3A_99 = arith.constant 0 : i32
    %dma_start3A_100 = arith.constant 0 : i32
    %dma_start3A_101 = tpu.memref_slice %dma_start3A_98[%dma_start3A_99, %dma_start3A_100] : memref<10000x64xf32, #tpu.memory_space<hbm>> -> memref<10000x64xf32, #tpu.memory_space<hbm>>
    %dma_start3A_102 = tpu.memref_slice %arg9[%dma_start3A_87] : memref<5x!tpu.dma_semaphore, #tpu.memory_space<semaphore_mem>> -> memref<1x!tpu.dma_semaphore, #tpu.memory_space<semaphore_mem>>
    %dma_start3A_103 = tpu.memref_squeeze %dma_start3A_102 : memref<1x!tpu.dma_semaphore, #tpu.memory_space<semaphore_mem>> -> memref<!tpu.dma_semaphore, #tpu.memory_space<semaphore_mem>>
    tpu.enqueue_indirect_dma source(%dma_start3A_101 : memref<10000x64xf32, #tpu.memory_space<hbm>>) target(%dma_start3A_91 : memref<80x64xf32, #tpu.memory_space<vmem>>) offsets(%dma_start3A_94 : memref<80xi32, #tpu.memory_space<vmem>>) semaphore(%dma_start3A_103 : memref<!tpu.dma_semaphore, #tpu.memory_space<semaphore_mem>>)
    %scan3A_104 = arith.constant 0 : i32
    %scan3A_105 = arith.constant 50 : i32
    %scan3A_106 = arith.addi %scan3A_104, %scan3A_105 : i32
    %scan3A_107 = arith.constant 1 : i32
    scf.for %scan3A_112 = %scan3A_104 to %scan3A_106 step %scan3A_107  : i32 {
      %mul3A = arith.constant 5 : i32
      %mul3A_113 = arith.muli %scan3A_112, %mul3A : i32
      %add3A = arith.constant 0 : i32
      %add3A_114 = arith.addi %add3A, %mul3A_113 : i32
      %add3A_115 = arith.constant 0 : i32
      %add3A_116 = arith.addi %add3A_114, %add3A_115 : i32
      %dma_wait3A = arith.constant 0 : i32
      %dma_wait3A_117 = arith.constant 0 : i32
      %dma_wait3A_118 = arith.constant 0 : i32
      %dma_wait3A_119 = arith.constant 0 : i32
      %dma_wait3A_120 = tpu.memref_slice %arg7[%dma_wait3A, %dma_wait3A_118, %dma_wait3A_119] : memref<5x80x64xf32, #tpu.memory_space<vmem>> -> memref<1x80x64xf32, #tpu.memory_space<vmem>>
      %dma_wait3A_121 = tpu.memref_squeeze %dma_wait3A_120 : memref<1x80x64xf32, #tpu.memory_space<vmem>> -> memref<80x64xf32, #tpu.memory_space<vmem>>
      %dma_wait3A_122 = arith.constant 0 : i32
      %dma_wait3A_123 = tpu.memref_slice %arg5[%add3A_116, %dma_wait3A_122] : memref<250x80xi32, #tpu.memory_space<vmem>> -> memref<1x80xi32, #tpu.memory_space<vmem>>
      %dma_wait3A_124 = tpu.memref_squeeze %dma_wait3A_123 : memref<1x80xi32, #tpu.memory_space<vmem>> -> memref<80xi32, #tpu.memory_space<vmem>>
      %dma_wait3A_125 = arith.constant 0 : i32
      %dma_wait3A_126 = arith.constant 0 : i32
      %dma_wait3A_127 = tpu.memref_slice %arg2[%arg0, %dma_wait3A_125, %dma_wait3A_126] : memref<2x10000x64xf32, #tpu.memory_space<hbm>> -> memref<1x10000x64xf32, #tpu.memory_space<hbm>>
      %dma_wait3A_128 = tpu.memref_squeeze %dma_wait3A_127 : memref<1x10000x64xf32, #tpu.memory_space<hbm>> -> memref<10000x64xf32, #tpu.memory_space<hbm>>
      %dma_wait3A_129 = arith.constant 0 : i32
      %dma_wait3A_130 = arith.constant 0 : i32
      %dma_wait3A_131 = tpu.memref_slice %dma_wait3A_128[%dma_wait3A_129, %dma_wait3A_130] : memref<10000x64xf32, #tpu.memory_space<hbm>> -> memref<10000x64xf32, #tpu.memory_space<hbm>>
      %dma_wait3A_132 = tpu.memref_slice %arg9[%dma_wait3A_117] : memref<5x!tpu.dma_semaphore, #tpu.memory_space<semaphore_mem>> -> memref<1x!tpu.dma_semaphore, #tpu.memory_space<semaphore_mem>>
      %dma_wait3A_133 = tpu.memref_squeeze %dma_wait3A_132 : memref<1x!tpu.dma_semaphore, #tpu.memory_space<semaphore_mem>> -> memref<!tpu.dma_semaphore, #tpu.memory_space<semaphore_mem>>
      tpu.wait_indirect_dma semaphore(%dma_wait3A_133 : memref<!tpu.dma_semaphore, #tpu.memory_space<semaphore_mem>>) src(%dma_wait3A_131 : memref<10000x64xf32, #tpu.memory_space<hbm>>) dst(%dma_wait3A_121 : memref<80x64xf32, #tpu.memory_space<vmem>>)
      %dma_start3A_134 = arith.constant 0 : i32
      %dma_start3A_135 = arith.constant 0 : i32
      %dma_start3A_136 = arith.constant 0 : i32
      %dma_start3A_137 = arith.constant 0 : i32
      %dma_start3A_138 = tpu.memref_slice %arg7[%dma_start3A_134, %dma_start3A_136, %dma_start3A_137] : memref<5x80x64xf32, #tpu.memory_space<vmem>> -> memref<1x80x64xf32, #tpu.memory_space<vmem>>
      %dma_start3A_139 = tpu.memref_squeeze %dma_start3A_138 : memref<1x80x64xf32, #tpu.memory_space<vmem>> -> memref<80x64xf32, #tpu.memory_space<vmem>>
      %dma_start3A_140 = arith.constant 0 : i32
      %dma_start3A_141 = tpu.memref_slice %arg6[%add3A_116, %dma_start3A_140] : memref<250x80xi32, #tpu.memory_space<vmem>> -> memref<1x80xi32, #tpu.memory_space<vmem>>
      %dma_start3A_142 = tpu.memref_squeeze %dma_start3A_141 : memref<1x80xi32, #tpu.memory_space<vmem>> -> memref<80xi32, #tpu.memory_space<vmem>>
      %dma_start3A_143 = arith.constant 0 : i32
      %dma_start3A_144 = arith.constant 0 : i32
      %dma_start3A_145 = tpu.memref_slice %arg8[%dma_start3A_143, %dma_start3A_144] : memref<10000x64xf32, #tpu.memory_space<vmem_shared>> -> memref<10000x64xf32, #tpu.memory_space<vmem_shared>>
      %dma_start3A_146 = tpu.memref_slice %arg10[%dma_start3A_135] : memref<5x!tpu.dma_semaphore, #tpu.memory_space<semaphore_mem>> -> memref<1x!tpu.dma_semaphore, #tpu.memory_space<semaphore_mem>>
      %dma_start3A_147 = tpu.memref_squeeze %dma_start3A_146 : memref<1x!tpu.dma_semaphore, #tpu.memory_space<semaphore_mem>> -> memref<!tpu.dma_semaphore, #tpu.memory_space<semaphore_mem>>
      tpu.enqueue_indirect_dma source(%dma_start3A_139 : memref<80x64xf32, #tpu.memory_space<vmem>>) target(%dma_start3A_145 : memref<10000x64xf32, #tpu.memory_space<vmem_shared>>) offsets(%dma_start3A_142 : memref<80xi32, #tpu.memory_space<vmem>>) semaphore(%dma_start3A_147 : memref<!tpu.dma_semaphore, #tpu.memory_space<semaphore_mem>>) {add = true}
      %add3A_148 = arith.constant 1 : i32
      %add3A_149 = arith.addi %add3A_114, %add3A_148 : i32
      %dma_wait3A_150 = arith.constant 1 : i32
      %dma_wait3A_151 = arith.constant 1 : i32
      %dma_wait3A_152 = arith.constant 0 : i32
      %dma_wait3A_153 = arith.constant 0 : i32
      %dma_wait3A_154 = tpu.memref_slice %arg7[%dma_wait3A_150, %dma_wait3A_152, %dma_wait3A_153] : memref<5x80x64xf32, #tpu.memory_space<vmem>> -> memref<1x80x64xf32, #tpu.memory_space<vmem>>
      %dma_wait3A_155 = tpu.memref_squeeze %dma_wait3A_154 : memref<1x80x64xf32, #tpu.memory_space<vmem>> -> memref<80x64xf32, #tpu.memory_space<vmem>>
      %dma_wait3A_156 = arith.constant 0 : i32
      %dma_wait3A_157 = tpu.memref_slice %arg5[%add3A_149, %dma_wait3A_156] : memref<250x80xi32, #tpu.memory_space<vmem>> -> memref<1x80xi32, #tpu.memory_space<vmem>>
      %dma_wait3A_158 = tpu.memref_squeeze %dma_wait3A_157 : memref<1x80xi32, #tpu.memory_space<vmem>> -> memref<80xi32, #tpu.memory_space<vmem>>
      %dma_wait3A_159 = arith.constant 0 : i32
      %dma_wait3A_160 = arith.constant 0 : i32
      %dma_wait3A_161 = tpu.memref_slice %arg2[%arg0, %dma_wait3A_159, %dma_wait3A_160] : memref<2x10000x64xf32, #tpu.memory_space<hbm>> -> memref<1x10000x64xf32, #tpu.memory_space<hbm>>
      %dma_wait3A_162 = tpu.memref_squeeze %dma_wait3A_161 : memref<1x10000x64xf32, #tpu.memory_space<hbm>> -> memref<10000x64xf32, #tpu.memory_space<hbm>>
      %dma_wait3A_163 = arith.constant 0 : i32
      %dma_wait3A_164 = arith.constant 0 : i32
      %dma_wait3A_165 = tpu.memref_slice %dma_wait3A_162[%dma_wait3A_163, %dma_wait3A_164] : memref<10000x64xf32, #tpu.memory_space<hbm>> -> memref<10000x64xf32, #tpu.memory_space<hbm>>
      %dma_wait3A_166 = tpu.memref_slice %arg9[%dma_wait3A_151] : memref<5x!tpu.dma_semaphore, #tpu.memory_space<semaphore_mem>> -> memref<1x!tpu.dma_semaphore, #tpu.memory_space<semaphore_mem>>
      %dma_wait3A_167 = tpu.memref_squeeze %dma_wait3A_166 : memref<1x!tpu.dma_semaphore, #tpu.memory_space<semaphore_mem>> -> memref<!tpu.dma_semaphore, #tpu.memory_space<semaphore_mem>>
      tpu.wait_indirect_dma semaphore(%dma_wait3A_167 : memref<!tpu.dma_semaphore, #tpu.memory_space<semaphore_mem>>) src(%dma_wait3A_165 : memref<10000x64xf32, #tpu.memory_space<hbm>>) dst(%dma_wait3A_155 : memref<80x64xf32, #tpu.memory_space<vmem>>)
      %dma_start3A_168 = arith.constant 1 : i32
      %dma_start3A_169 = arith.constant 1 : i32
      %dma_start3A_170 = arith.constant 0 : i32
      %dma_start3A_171 = arith.constant 0 : i32
      %dma_start3A_172 = tpu.memref_slice %arg7[%dma_start3A_168, %dma_start3A_170, %dma_start3A_171] : memref<5x80x64xf32, #tpu.memory_space<vmem>> -> memref<1x80x64xf32, #tpu.memory_space<vmem>>
      %dma_start3A_173 = tpu.memref_squeeze %dma_start3A_172 : memref<1x80x64xf32, #tpu.memory_space<vmem>> -> memref<80x64xf32, #tpu.memory_space<vmem>>
      %dma_start3A_174 = arith.constant 0 : i32
      %dma_start3A_175 = tpu.memref_slice %arg6[%add3A_149, %dma_start3A_174] : memref<250x80xi32, #tpu.memory_space<vmem>> -> memref<1x80xi32, #tpu.memory_space<vmem>>
      %dma_start3A_176 = tpu.memref_squeeze %dma_start3A_175 : memref<1x80xi32, #tpu.memory_space<vmem>> -> memref<80xi32, #tpu.memory_space<vmem>>
      %dma_start3A_177 = arith.constant 0 : i32
      %dma_start3A_178 = arith.constant 0 : i32
      %dma_start3A_179 = tpu.memref_slice %arg8[%dma_start3A_177, %dma_start3A_178] : memref<10000x64xf32, #tpu.memory_space<vmem_shared>> -> memref<10000x64xf32, #tpu.memory_space<vmem_shared>>
      %dma_start3A_180 = tpu.memref_slice %arg10[%dma_start3A_169] : memref<5x!tpu.dma_semaphore, #tpu.memory_space<semaphore_mem>> -> memref<1x!tpu.dma_semaphore, #tpu.memory_space<semaphore_mem>>
      %dma_start3A_181 = tpu.memref_squeeze %dma_start3A_180 : memref<1x!tpu.dma_semaphore, #tpu.memory_space<semaphore_mem>> -> memref<!tpu.dma_semaphore, #tpu.memory_space<semaphore_mem>>
      tpu.enqueue_indirect_dma source(%dma_start3A_173 : memref<80x64xf32, #tpu.memory_space<vmem>>) target(%dma_start3A_179 : memref<10000x64xf32, #tpu.memory_space<vmem_shared>>) offsets(%dma_start3A_176 : memref<80xi32, #tpu.memory_space<vmem>>) semaphore(%dma_start3A_181 : memref<!tpu.dma_semaphore, #tpu.memory_space<semaphore_mem>>) {add = true}
      %add3A_182 = arith.constant 2 : i32
      %add3A_183 = arith.addi %add3A_114, %add3A_182 : i32
      %dma_wait3A_184 = arith.constant 2 : i32
      %dma_wait3A_185 = arith.constant 2 : i32
      %dma_wait3A_186 = arith.constant 0 : i32
      %dma_wait3A_187 = arith.constant 0 : i32
      %dma_wait3A_188 = tpu.memref_slice %arg7[%dma_wait3A_184, %dma_wait3A_186, %dma_wait3A_187] : memref<5x80x64xf32, #tpu.memory_space<vmem>> -> memref<1x80x64xf32, #tpu.memory_space<vmem>>
      %dma_wait3A_189 = tpu.memref_squeeze %dma_wait3A_188 : memref<1x80x64xf32, #tpu.memory_space<vmem>> -> memref<80x64xf32, #tpu.memory_space<vmem>>
      %dma_wait3A_190 = arith.constant 0 : i32
      %dma_wait3A_191 = tpu.memref_slice %arg5[%add3A_183, %dma_wait3A_190] : memref<250x80xi32, #tpu.memory_space<vmem>> -> memref<1x80xi32, #tpu.memory_space<vmem>>
      %dma_wait3A_192 = tpu.memref_squeeze %dma_wait3A_191 : memref<1x80xi32, #tpu.memory_space<vmem>> -> memref<80xi32, #tpu.memory_space<vmem>>
      %dma_wait3A_193 = arith.constant 0 : i32
      %dma_wait3A_194 = arith.constant 0 : i32
      %dma_wait3A_195 = tpu.memref_slice %arg2[%arg0, %dma_wait3A_193, %dma_wait3A_194] : memref<2x10000x64xf32, #tpu.memory_space<hbm>> -> memref<1x10000x64xf32, #tpu.memory_space<hbm>>
      %dma_wait3A_196 = tpu.memref_squeeze %dma_wait3A_195 : memref<1x10000x64xf32, #tpu.memory_space<hbm>> -> memref<10000x64xf32, #tpu.memory_space<hbm>>
      %dma_wait3A_197 = arith.constant 0 : i32
      %dma_wait3A_198 = arith.constant 0 : i32
      %dma_wait3A_199 = tpu.memref_slice %dma_wait3A_196[%dma_wait3A_197, %dma_wait3A_198] : memref<10000x64xf32, #tpu.memory_space<hbm>> -> memref<10000x64xf32, #tpu.memory_space<hbm>>
      %dma_wait3A_200 = tpu.memref_slice %arg9[%dma_wait3A_185] : memref<5x!tpu.dma_semaphore, #tpu.memory_space<semaphore_mem>> -> memref<1x!tpu.dma_semaphore, #tpu.memory_space<semaphore_mem>>
      %dma_wait3A_201 = tpu.memref_squeeze %dma_wait3A_200 : memref<1x!tpu.dma_semaphore, #tpu.memory_space<semaphore_mem>> -> memref<!tpu.dma_semaphore, #tpu.memory_space<semaphore_mem>>
      tpu.wait_indirect_dma semaphore(%dma_wait3A_201 : memref<!tpu.dma_semaphore, #tpu.memory_space<semaphore_mem>>) src(%dma_wait3A_199 : memref<10000x64xf32, #tpu.memory_space<hbm>>) dst(%dma_wait3A_189 : memref<80x64xf32, #tpu.memory_space<vmem>>)
      %dma_start3A_202 = arith.constant 2 : i32
      %dma_start3A_203 = arith.constant 2 : i32
      %dma_start3A_204 = arith.constant 0 : i32
      %dma_start3A_205 = arith.constant 0 : i32
      %dma_start3A_206 = tpu.memref_slice %arg7[%dma_start3A_202, %dma_start3A_204, %dma_start3A_205] : memref<5x80x64xf32, #tpu.memory_space<vmem>> -> memref<1x80x64xf32, #tpu.memory_space<vmem>>
      %dma_start3A_207 = tpu.memref_squeeze %dma_start3A_206 : memref<1x80x64xf32, #tpu.memory_space<vmem>> -> memref<80x64xf32, #tpu.memory_space<vmem>>
      %dma_start3A_208 = arith.constant 0 : i32
      %dma_start3A_209 = tpu.memref_slice %arg6[%add3A_183, %dma_start3A_208] : memref<250x80xi32, #tpu.memory_space<vmem>> -> memref<1x80xi32, #tpu.memory_space<vmem>>
      %dma_start3A_210 = tpu.memref_squeeze %dma_start3A_209 : memref<1x80xi32, #tpu.memory_space<vmem>> -> memref<80xi32, #tpu.memory_space<vmem>>
      %dma_start3A_211 = arith.constant 0 : i32
      %dma_start3A_212 = arith.constant 0 : i32
      %dma_start3A_213 = tpu.memref_slice %arg8[%dma_start3A_211, %dma_start3A_212] : memref<10000x64xf32, #tpu.memory_space<vmem_shared>> -> memref<10000x64xf32, #tpu.memory_space<vmem_shared>>
      %dma_start3A_214 = tpu.memref_slice %arg10[%dma_start3A_203] : memref<5x!tpu.dma_semaphore, #tpu.memory_space<semaphore_mem>> -> memref<1x!tpu.dma_semaphore, #tpu.memory_space<semaphore_mem>>
      %dma_start3A_215 = tpu.memref_squeeze %dma_start3A_214 : memref<1x!tpu.dma_semaphore, #tpu.memory_space<semaphore_mem>> -> memref<!tpu.dma_semaphore, #tpu.memory_space<semaphore_mem>>
      tpu.enqueue_indirect_dma source(%dma_start3A_207 : memref<80x64xf32, #tpu.memory_space<vmem>>) target(%dma_start3A_213 : memref<10000x64xf32, #tpu.memory_space<vmem_shared>>) offsets(%dma_start3A_210 : memref<80xi32, #tpu.memory_space<vmem>>) semaphore(%dma_start3A_215 : memref<!tpu.dma_semaphore, #tpu.memory_space<semaphore_mem>>) {add = true}
      %add3A_216 = arith.constant 3 : i32
      %add3A_217 = arith.addi %add3A_114, %add3A_216 : i32
      %dma_wait3A_218 = arith.constant 3 : i32
      %dma_wait3A_219 = arith.constant 3 : i32
      %dma_wait3A_220 = arith.constant 0 : i32
      %dma_wait3A_221 = arith.constant 0 : i32
      %dma_wait3A_222 = tpu.memref_slice %arg7[%dma_wait3A_218, %dma_wait3A_220, %dma_wait3A_221] : memref<5x80x64xf32, #tpu.memory_space<vmem>> -> memref<1x80x64xf32, #tpu.memory_space<vmem>>
      %dma_wait3A_223 = tpu.memref_squeeze %dma_wait3A_222 : memref<1x80x64xf32, #tpu.memory_space<vmem>> -> memref<80x64xf32, #tpu.memory_space<vmem>>
      %dma_wait3A_224 = arith.constant 0 : i32
      %dma_wait3A_225 = tpu.memref_slice %arg5[%add3A_217, %dma_wait3A_224] : memref<250x80xi32, #tpu.memory_space<vmem>> -> memref<1x80xi32, #tpu.memory_space<vmem>>
      %dma_wait3A_226 = tpu.memref_squeeze %dma_wait3A_225 : memref<1x80xi32, #tpu.memory_space<vmem>> -> memref<80xi32, #tpu.memory_space<vmem>>
      %dma_wait3A_227 = arith.constant 0 : i32
      %dma_wait3A_228 = arith.constant 0 : i32
      %dma_wait3A_229 = tpu.memref_slice %arg2[%arg0, %dma_wait3A_227, %dma_wait3A_228] : memref<2x10000x64xf32, #tpu.memory_space<hbm>> -> memref<1x10000x64xf32, #tpu.memory_space<hbm>>
      %dma_wait3A_230 = tpu.memref_squeeze %dma_wait3A_229 : memref<1x10000x64xf32, #tpu.memory_space<hbm>> -> memref<10000x64xf32, #tpu.memory_space<hbm>>
      %dma_wait3A_231 = arith.constant 0 : i32
      %dma_wait3A_232 = arith.constant 0 : i32
      %dma_wait3A_233 = tpu.memref_slice %dma_wait3A_230[%dma_wait3A_231, %dma_wait3A_232] : memref<10000x64xf32, #tpu.memory_space<hbm>> -> memref<10000x64xf32, #tpu.memory_space<hbm>>
      %dma_wait3A_234 = tpu.memref_slice %arg9[%dma_wait3A_219] : memref<5x!tpu.dma_semaphore, #tpu.memory_space<semaphore_mem>> -> memref<1x!tpu.dma_semaphore, #tpu.memory_space<semaphore_mem>>
      %dma_wait3A_235 = tpu.memref_squeeze %dma_wait3A_234 : memref<1x!tpu.dma_semaphore, #tpu.memory_space<semaphore_mem>> -> memref<!tpu.dma_semaphore, #tpu.memory_space<semaphore_mem>>
      tpu.wait_indirect_dma semaphore(%dma_wait3A_235 : memref<!tpu.dma_semaphore, #tpu.memory_space<semaphore_mem>>) src(%dma_wait3A_233 : memref<10000x64xf32, #tpu.memory_space<hbm>>) dst(%dma_wait3A_223 : memref<80x64xf32, #tpu.memory_space<vmem>>)
      %dma_start3A_236 = arith.constant 3 : i32
      %dma_start3A_237 = arith.constant 3 : i32
      %dma_start3A_238 = arith.constant 0 : i32
      %dma_start3A_239 = arith.constant 0 : i32
      %dma_start3A_240 = tpu.memref_slice %arg7[%dma_start3A_236, %dma_start3A_238, %dma_start3A_239] : memref<5x80x64xf32, #tpu.memory_space<vmem>> -> memref<1x80x64xf32, #tpu.memory_space<vmem>>
      %dma_start3A_241 = tpu.memref_squeeze %dma_start3A_240 : memref<1x80x64xf32, #tpu.memory_space<vmem>> -> memref<80x64xf32, #tpu.memory_space<vmem>>
      %dma_start3A_242 = arith.constant 0 : i32
      %dma_start3A_243 = tpu.memref_slice %arg6[%add3A_217, %dma_start3A_242] : memref<250x80xi32, #tpu.memory_space<vmem>> -> memref<1x80xi32, #tpu.memory_space<vmem>>
      %dma_start3A_244 = tpu.memref_squeeze %dma_start3A_243 : memref<1x80xi32, #tpu.memory_space<vmem>> -> memref<80xi32, #tpu.memory_space<vmem>>
      %dma_start3A_245 = arith.constant 0 : i32
      %dma_start3A_246 = arith.constant 0 : i32
      %dma_start3A_247 = tpu.memref_slice %arg8[%dma_start3A_245, %dma_start3A_246] : memref<10000x64xf32, #tpu.memory_space<vmem_shared>> -> memref<10000x64xf32, #tpu.memory_space<vmem_shared>>
      %dma_start3A_248 = tpu.memref_slice %arg10[%dma_start3A_237] : memref<5x!tpu.dma_semaphore, #tpu.memory_space<semaphore_mem>> -> memref<1x!tpu.dma_semaphore, #tpu.memory_space<semaphore_mem>>
      %dma_start3A_249 = tpu.memref_squeeze %dma_start3A_248 : memref<1x!tpu.dma_semaphore, #tpu.memory_space<semaphore_mem>> -> memref<!tpu.dma_semaphore, #tpu.memory_space<semaphore_mem>>
      tpu.enqueue_indirect_dma source(%dma_start3A_241 : memref<80x64xf32, #tpu.memory_space<vmem>>) target(%dma_start3A_247 : memref<10000x64xf32, #tpu.memory_space<vmem_shared>>) offsets(%dma_start3A_244 : memref<80xi32, #tpu.memory_space<vmem>>) semaphore(%dma_start3A_249 : memref<!tpu.dma_semaphore, #tpu.memory_space<semaphore_mem>>) {add = true}
      %add3A_250 = arith.constant 4 : i32
      %add3A_251 = arith.addi %add3A_114, %add3A_250 : i32
      %dma_wait3A_252 = arith.constant 4 : i32
      %dma_wait3A_253 = arith.constant 4 : i32
      %dma_wait3A_254 = arith.constant 0 : i32
      %dma_wait3A_255 = arith.constant 0 : i32
      %dma_wait3A_256 = tpu.memref_slice %arg7[%dma_wait3A_252, %dma_wait3A_254, %dma_wait3A_255] : memref<5x80x64xf32, #tpu.memory_space<vmem>> -> memref<1x80x64xf32, #tpu.memory_space<vmem>>
      %dma_wait3A_257 = tpu.memref_squeeze %dma_wait3A_256 : memref<1x80x64xf32, #tpu.memory_space<vmem>> -> memref<80x64xf32, #tpu.memory_space<vmem>>
      %dma_wait3A_258 = arith.constant 0 : i32
      %dma_wait3A_259 = tpu.memref_slice %arg5[%add3A_251, %dma_wait3A_258] : memref<250x80xi32, #tpu.memory_space<vmem>> -> memref<1x80xi32, #tpu.memory_space<vmem>>
      %dma_wait3A_260 = tpu.memref_squeeze %dma_wait3A_259 : memref<1x80xi32, #tpu.memory_space<vmem>> -> memref<80xi32, #tpu.memory_space<vmem>>
      %dma_wait3A_261 = arith.constant 0 : i32
      %dma_wait3A_262 = arith.constant 0 : i32
      %dma_wait3A_263 = tpu.memref_slice %arg2[%arg0, %dma_wait3A_261, %dma_wait3A_262] : memref<2x10000x64xf32, #tpu.memory_space<hbm>> -> memref<1x10000x64xf32, #tpu.memory_space<hbm>>
      %dma_wait3A_264 = tpu.memref_squeeze %dma_wait3A_263 : memref<1x10000x64xf32, #tpu.memory_space<hbm>> -> memref<10000x64xf32, #tpu.memory_space<hbm>>
      %dma_wait3A_265 = arith.constant 0 : i32
      %dma_wait3A_266 = arith.constant 0 : i32
      %dma_wait3A_267 = tpu.memref_slice %dma_wait3A_264[%dma_wait3A_265, %dma_wait3A_266] : memref<10000x64xf32, #tpu.memory_space<hbm>> -> memref<10000x64xf32, #tpu.memory_space<hbm>>
      %dma_wait3A_268 = tpu.memref_slice %arg9[%dma_wait3A_253] : memref<5x!tpu.dma_semaphore, #tpu.memory_space<semaphore_mem>> -> memref<1x!tpu.dma_semaphore, #tpu.memory_space<semaphore_mem>>
      %dma_wait3A_269 = tpu.memref_squeeze %dma_wait3A_268 : memref<1x!tpu.dma_semaphore, #tpu.memory_space<semaphore_mem>> -> memref<!tpu.dma_semaphore, #tpu.memory_space<semaphore_mem>>
      tpu.wait_indirect_dma semaphore(%dma_wait3A_269 : memref<!tpu.dma_semaphore, #tpu.memory_space<semaphore_mem>>) src(%dma_wait3A_267 : memref<10000x64xf32, #tpu.memory_space<hbm>>) dst(%dma_wait3A_257 : memref<80x64xf32, #tpu.memory_space<vmem>>)
      %dma_start3A_270 = arith.constant 4 : i32
      %dma_start3A_271 = arith.constant 4 : i32
      %dma_start3A_272 = arith.constant 0 : i32
      %dma_start3A_273 = arith.constant 0 : i32
      %dma_start3A_274 = tpu.memref_slice %arg7[%dma_start3A_270, %dma_start3A_272, %dma_start3A_273] : memref<5x80x64xf32, #tpu.memory_space<vmem>> -> memref<1x80x64xf32, #tpu.memory_space<vmem>>
      %dma_start3A_275 = tpu.memref_squeeze %dma_start3A_274 : memref<1x80x64xf32, #tpu.memory_space<vmem>> -> memref<80x64xf32, #tpu.memory_space<vmem>>
      %dma_start3A_276 = arith.constant 0 : i32
      %dma_start3A_277 = tpu.memref_slice %arg6[%add3A_251, %dma_start3A_276] : memref<250x80xi32, #tpu.memory_space<vmem>> -> memref<1x80xi32, #tpu.memory_space<vmem>>
      %dma_start3A_278 = tpu.memref_squeeze %dma_start3A_277 : memref<1x80xi32, #tpu.memory_space<vmem>> -> memref<80xi32, #tpu.memory_space<vmem>>
      %dma_start3A_279 = arith.constant 0 : i32
      %dma_start3A_280 = arith.constant 0 : i32
      %dma_start3A_281 = tpu.memref_slice %arg8[%dma_start3A_279, %dma_start3A_280] : memref<10000x64xf32, #tpu.memory_space<vmem_shared>> -> memref<10000x64xf32, #tpu.memory_space<vmem_shared>>
      %dma_start3A_282 = tpu.memref_slice %arg10[%dma_start3A_271] : memref<5x!tpu.dma_semaphore, #tpu.memory_space<semaphore_mem>> -> memref<1x!tpu.dma_semaphore, #tpu.memory_space<semaphore_mem>>
      %dma_start3A_283 = tpu.memref_squeeze %dma_start3A_282 : memref<1x!tpu.dma_semaphore, #tpu.memory_space<semaphore_mem>> -> memref<!tpu.dma_semaphore, #tpu.memory_space<semaphore_mem>>
      tpu.enqueue_indirect_dma source(%dma_start3A_275 : memref<80x64xf32, #tpu.memory_space<vmem>>) target(%dma_start3A_281 : memref<10000x64xf32, #tpu.memory_space<vmem_shared>>) offsets(%dma_start3A_278 : memref<80xi32, #tpu.memory_space<vmem>>) semaphore(%dma_start3A_283 : memref<!tpu.dma_semaphore, #tpu.memory_space<semaphore_mem>>) {add = true}
      %add3A_284 = arith.constant 0 : i32
      %add3A_285 = arith.addi %add3A_114, %add3A_284 : i32
      %add3A_286 = arith.constant 5 : i32
      %add3A_287 = arith.addi %add3A_114, %add3A_286 : i32
      %add3A_288 = arith.constant 0 : i32
      %add3A_289 = arith.addi %add3A_287, %add3A_288 : i32
      %dma_wait3A_290 = arith.constant 0 : i32
      %dma_wait3A_291 = arith.constant 0 : i32
      %dma_wait3A_292 = arith.constant 0 : i32
      %dma_wait3A_293 = arith.constant 0 : i32
      %dma_wait3A_294 = tpu.memref_slice %arg7[%dma_wait3A_290, %dma_wait3A_292, %dma_wait3A_293] : memref<5x80x64xf32, #tpu.memory_space<vmem>> -> memref<1x80x64xf32, #tpu.memory_space<vmem>>
      %dma_wait3A_295 = tpu.memref_squeeze %dma_wait3A_294 : memref<1x80x64xf32, #tpu.memory_space<vmem>> -> memref<80x64xf32, #tpu.memory_space<vmem>>
      %dma_wait3A_296 = arith.constant 0 : i32
      %dma_wait3A_297 = tpu.memref_slice %arg6[%add3A_285, %dma_wait3A_296] : memref<250x80xi32, #tpu.memory_space<vmem>> -> memref<1x80xi32, #tpu.memory_space<vmem>>
      %dma_wait3A_298 = tpu.memref_squeeze %dma_wait3A_297 : memref<1x80xi32, #tpu.memory_space<vmem>> -> memref<80xi32, #tpu.memory_space<vmem>>
      %dma_wait3A_299 = arith.constant 0 : i32
      %dma_wait3A_300 = arith.constant 0 : i32
      %dma_wait3A_301 = tpu.memref_slice %arg8[%dma_wait3A_299, %dma_wait3A_300] : memref<10000x64xf32, #tpu.memory_space<vmem_shared>> -> memref<10000x64xf32, #tpu.memory_space<vmem_shared>>
      %dma_wait3A_302 = tpu.memref_slice %arg10[%dma_wait3A_291] : memref<5x!tpu.dma_semaphore, #tpu.memory_space<semaphore_mem>> -> memref<1x!tpu.dma_semaphore, #tpu.memory_space<semaphore_mem>>
      %dma_wait3A_303 = tpu.memref_squeeze %dma_wait3A_302 : memref<1x!tpu.dma_semaphore, #tpu.memory_space<semaphore_mem>> -> memref<!tpu.dma_semaphore, #tpu.memory_space<semaphore_mem>>
      tpu.wait_indirect_dma semaphore(%dma_wait3A_303 : memref<!tpu.dma_semaphore, #tpu.memory_space<semaphore_mem>>) src(%dma_wait3A_295 : memref<80x64xf32, #tpu.memory_space<vmem>>) dst(%dma_wait3A_301 : memref<10000x64xf32, #tpu.memory_space<vmem_shared>>)
      %lt3A = arith.constant 250 : i32
      %lt3A_304 = arith.cmpi slt, %add3A_289, %lt3A : i32
      %convert_element_type3A_305 = arith.extui %lt3A_304 : i1 to i32
      %cond3A_306 = arith.constant 0 : i32
      %cond3A_307 = arith.cmpi ne, %convert_element_type3A_305, %cond3A_306 : i32
      scf.if %cond3A_307 {
        %dma_start3A_408 = arith.constant 0 : i32
        %dma_start3A_409 = arith.constant 0 : i32
        %dma_start3A_410 = arith.constant 0 : i32
        %dma_start3A_411 = arith.constant 0 : i32
        %dma_start3A_412 = tpu.memref_slice %arg7[%dma_start3A_408, %dma_start3A_410, %dma_start3A_411] : memref<5x80x64xf32, #tpu.memory_space<vmem>> -> memref<1x80x64xf32, #tpu.memory_space<vmem>>
        %dma_start3A_413 = tpu.memref_squeeze %dma_start3A_412 : memref<1x80x64xf32, #tpu.memory_space<vmem>> -> memref<80x64xf32, #tpu.memory_space<vmem>>
        %dma_start3A_414 = arith.constant 0 : i32
        %dma_start3A_415 = tpu.memref_slice %arg5[%add3A_289, %dma_start3A_414] : memref<250x80xi32, #tpu.memory_space<vmem>> -> memref<1x80xi32, #tpu.memory_space<vmem>>
        %dma_start3A_416 = tpu.memref_squeeze %dma_start3A_415 : memref<1x80xi32, #tpu.memory_space<vmem>> -> memref<80xi32, #tpu.memory_space<vmem>>
        %dma_start3A_417 = arith.constant 0 : i32
        %dma_start3A_418 = arith.constant 0 : i32
        %dma_start3A_419 = tpu.memref_slice %arg2[%arg0, %dma_start3A_417, %dma_start3A_418] : memref<2x10000x64xf32, #tpu.memory_space<hbm>> -> memref<1x10000x64xf32, #tpu.memory_space<hbm>>
        %dma_start3A_420 = tpu.memref_squeeze %dma_start3A_419 : memref<1x10000x64xf32, #tpu.memory_space<hbm>> -> memref<10000x64xf32, #tpu.memory_space<hbm>>
        %dma_start3A_421 = arith.constant 0 : i32
        %dma_start3A_422 = arith.constant 0 : i32
        %dma_start3A_423 = tpu.memref_slice %dma_start3A_420[%dma_start3A_421, %dma_start3A_422] : memref<10000x64xf32, #tpu.memory_space<hbm>> -> memref<10000x64xf32, #tpu.memory_space<hbm>>
        %dma_start3A_424 = tpu.memref_slice %arg9[%dma_start3A_409] : memref<5x!tpu.dma_semaphore, #tpu.memory_space<semaphore_mem>> -> memref<1x!tpu.dma_semaphore, #tpu.memory_space<semaphore_mem>>
        %dma_start3A_425 = tpu.memref_squeeze %dma_start3A_424 : memref<1x!tpu.dma_semaphore, #tpu.memory_space<semaphore_mem>> -> memref<!tpu.dma_semaphore, #tpu.memory_space<semaphore_mem>>
        tpu.enqueue_indirect_dma source(%dma_start3A_423 : memref<10000x64xf32, #tpu.memory_space<hbm>>) target(%dma_start3A_413 : memref<80x64xf32, #tpu.memory_space<vmem>>) offsets(%dma_start3A_416 : memref<80xi32, #tpu.memory_space<vmem>>) semaphore(%dma_start3A_425 : memref<!tpu.dma_semaphore, #tpu.memory_space<semaphore_mem>>)
      } else {
      }
      %add3A_308 = arith.constant 1 : i32
      %add3A_309 = arith.addi %add3A_114, %add3A_308 : i32
      %add3A_310 = arith.constant 5 : i32
      %add3A_311 = arith.addi %add3A_114, %add3A_310 : i32
      %add3A_312 = arith.constant 1 : i32
      %add3A_313 = arith.addi %add3A_311, %add3A_312 : i32
      %dma_wait3A_314 = arith.constant 1 : i32
      %dma_wait3A_315 = arith.constant 1 : i32
      %dma_wait3A_316 = arith.constant 0 : i32
      %dma_wait3A_317 = arith.constant 0 : i32
      %dma_wait3A_318 = tpu.memref_slice %arg7[%dma_wait3A_314, %dma_wait3A_316, %dma_wait3A_317] : memref<5x80x64xf32, #tpu.memory_space<vmem>> -> memref<1x80x64xf32, #tpu.memory_space<vmem>>
      %dma_wait3A_319 = tpu.memref_squeeze %dma_wait3A_318 : memref<1x80x64xf32, #tpu.memory_space<vmem>> -> memref<80x64xf32, #tpu.memory_space<vmem>>
      %dma_wait3A_320 = arith.constant 0 : i32
      %dma_wait3A_321 = tpu.memref_slice %arg6[%add3A_309, %dma_wait3A_320] : memref<250x80xi32, #tpu.memory_space<vmem>> -> memref<1x80xi32, #tpu.memory_space<vmem>>
      %dma_wait3A_322 = tpu.memref_squeeze %dma_wait3A_321 : memref<1x80xi32, #tpu.memory_space<vmem>> -> memref<80xi32, #tpu.memory_space<vmem>>
      %dma_wait3A_323 = arith.constant 0 : i32
      %dma_wait3A_324 = arith.constant 0 : i32
      %dma_wait3A_325 = tpu.memref_slice %arg8[%dma_wait3A_323, %dma_wait3A_324] : memref<10000x64xf32, #tpu.memory_space<vmem_shared>> -> memref<10000x64xf32, #tpu.memory_space<vmem_shared>>
      %dma_wait3A_326 = tpu.memref_slice %arg10[%dma_wait3A_315] : memref<5x!tpu.dma_semaphore, #tpu.memory_space<semaphore_mem>> -> memref<1x!tpu.dma_semaphore, #tpu.memory_space<semaphore_mem>>
      %dma_wait3A_327 = tpu.memref_squeeze %dma_wait3A_326 : memref<1x!tpu.dma_semaphore, #tpu.memory_space<semaphore_mem>> -> memref<!tpu.dma_semaphore, #tpu.memory_space<semaphore_mem>>
      tpu.wait_indirect_dma semaphore(%dma_wait3A_327 : memref<!tpu.dma_semaphore, #tpu.memory_space<semaphore_mem>>) src(%dma_wait3A_319 : memref<80x64xf32, #tpu.memory_space<vmem>>) dst(%dma_wait3A_325 : memref<10000x64xf32, #tpu.memory_space<vmem_shared>>)
      %lt3A_328 = arith.constant 250 : i32
      %lt3A_329 = arith.cmpi slt, %add3A_313, %lt3A_328 : i32
      %convert_element_type3A_330 = arith.extui %lt3A_329 : i1 to i32
      %cond3A_331 = arith.constant 0 : i32
      %cond3A_332 = arith.cmpi ne, %convert_element_type3A_330, %cond3A_331 : i32
      scf.if %cond3A_332 {
        %dma_start3A_408 = arith.constant 1 : i32
        %dma_start3A_409 = arith.constant 1 : i32
        %dma_start3A_410 = arith.constant 0 : i32
        %dma_start3A_411 = arith.constant 0 : i32
        %dma_start3A_412 = tpu.memref_slice %arg7[%dma_start3A_408, %dma_start3A_410, %dma_start3A_411] : memref<5x80x64xf32, #tpu.memory_space<vmem>> -> memref<1x80x64xf32, #tpu.memory_space<vmem>>
        %dma_start3A_413 = tpu.memref_squeeze %dma_start3A_412 : memref<1x80x64xf32, #tpu.memory_space<vmem>> -> memref<80x64xf32, #tpu.memory_space<vmem>>
        %dma_start3A_414 = arith.constant 0 : i32
        %dma_start3A_415 = tpu.memref_slice %arg5[%add3A_313, %dma_start3A_414] : memref<250x80xi32, #tpu.memory_space<vmem>> -> memref<1x80xi32, #tpu.memory_space<vmem>>
        %dma_start3A_416 = tpu.memref_squeeze %dma_start3A_415 : memref<1x80xi32, #tpu.memory_space<vmem>> -> memref<80xi32, #tpu.memory_space<vmem>>
        %dma_start3A_417 = arith.constant 0 : i32
        %dma_start3A_418 = arith.constant 0 : i32
        %dma_start3A_419 = tpu.memref_slice %arg2[%arg0, %dma_start3A_417, %dma_start3A_418] : memref<2x10000x64xf32, #tpu.memory_space<hbm>> -> memref<1x10000x64xf32, #tpu.memory_space<hbm>>
        %dma_start3A_420 = tpu.memref_squeeze %dma_start3A_419 : memref<1x10000x64xf32, #tpu.memory_space<hbm>> -> memref<10000x64xf32, #tpu.memory_space<hbm>>
        %dma_start3A_421 = arith.constant 0 : i32
        %dma_start3A_422 = arith.constant 0 : i32
        %dma_start3A_423 = tpu.memref_slice %dma_start3A_420[%dma_start3A_421, %dma_start3A_422] : memref<10000x64xf32, #tpu.memory_space<hbm>> -> memref<10000x64xf32, #tpu.memory_space<hbm>>
        %dma_start3A_424 = tpu.memref_slice %arg9[%dma_start3A_409] : memref<5x!tpu.dma_semaphore, #tpu.memory_space<semaphore_mem>> -> memref<1x!tpu.dma_semaphore, #tpu.memory_space<semaphore_mem>>
        %dma_start3A_425 = tpu.memref_squeeze %dma_start3A_424 : memref<1x!tpu.dma_semaphore, #tpu.memory_space<semaphore_mem>> -> memref<!tpu.dma_semaphore, #tpu.memory_space<semaphore_mem>>
        tpu.enqueue_indirect_dma source(%dma_start3A_423 : memref<10000x64xf32, #tpu.memory_space<hbm>>) target(%dma_start3A_413 : memref<80x64xf32, #tpu.memory_space<vmem>>) offsets(%dma_start3A_416 : memref<80xi32, #tpu.memory_space<vmem>>) semaphore(%dma_start3A_425 : memref<!tpu.dma_semaphore, #tpu.memory_space<semaphore_mem>>)
      } else {
      }
      %add3A_333 = arith.constant 2 : i32
      %add3A_334 = arith.addi %add3A_114, %add3A_333 : i32
      %add3A_335 = arith.constant 5 : i32
      %add3A_336 = arith.addi %add3A_114, %add3A_335 : i32
      %add3A_337 = arith.constant 2 : i32
      %add3A_338 = arith.addi %add3A_336, %add3A_337 : i32
      %dma_wait3A_339 = arith.constant 2 : i32
      %dma_wait3A_340 = arith.constant 2 : i32
      %dma_wait3A_341 = arith.constant 0 : i32
      %dma_wait3A_342 = arith.constant 0 : i32
      %dma_wait3A_343 = tpu.memref_slice %arg7[%dma_wait3A_339, %dma_wait3A_341, %dma_wait3A_342] : memref<5x80x64xf32, #tpu.memory_space<vmem>> -> memref<1x80x64xf32, #tpu.memory_space<vmem>>
      %dma_wait3A_344 = tpu.memref_squeeze %dma_wait3A_343 : memref<1x80x64xf32, #tpu.memory_space<vmem>> -> memref<80x64xf32, #tpu.memory_space<vmem>>
      %dma_wait3A_345 = arith.constant 0 : i32
      %dma_wait3A_346 = tpu.memref_slice %arg6[%add3A_334, %dma_wait3A_345] : memref<250x80xi32, #tpu.memory_space<vmem>> -> memref<1x80xi32, #tpu.memory_space<vmem>>
      %dma_wait3A_347 = tpu.memref_squeeze %dma_wait3A_346 : memref<1x80xi32, #tpu.memory_space<vmem>> -> memref<80xi32, #tpu.memory_space<vmem>>
      %dma_wait3A_348 = arith.constant 0 : i32
      %dma_wait3A_349 = arith.constant 0 : i32
      %dma_wait3A_350 = tpu.memref_slice %arg8[%dma_wait3A_348, %dma_wait3A_349] : memref<10000x64xf32, #tpu.memory_space<vmem_shared>> -> memref<10000x64xf32, #tpu.memory_space<vmem_shared>>
      %dma_wait3A_351 = tpu.memref_slice %arg10[%dma_wait3A_340] : memref<5x!tpu.dma_semaphore, #tpu.memory_space<semaphore_mem>> -> memref<1x!tpu.dma_semaphore, #tpu.memory_space<semaphore_mem>>
      %dma_wait3A_352 = tpu.memref_squeeze %dma_wait3A_351 : memref<1x!tpu.dma_semaphore, #tpu.memory_space<semaphore_mem>> -> memref<!tpu.dma_semaphore, #tpu.memory_space<semaphore_mem>>
      tpu.wait_indirect_dma semaphore(%dma_wait3A_352 : memref<!tpu.dma_semaphore, #tpu.memory_space<semaphore_mem>>) src(%dma_wait3A_344 : memref<80x64xf32, #tpu.memory_space<vmem>>) dst(%dma_wait3A_350 : memref<10000x64xf32, #tpu.memory_space<vmem_shared>>)
      %lt3A_353 = arith.constant 250 : i32
      %lt3A_354 = arith.cmpi slt, %add3A_338, %lt3A_353 : i32
      %convert_element_type3A_355 = arith.extui %lt3A_354 : i1 to i32
      %cond3A_356 = arith.constant 0 : i32
      %cond3A_357 = arith.cmpi ne, %convert_element_type3A_355, %cond3A_356 : i32
      scf.if %cond3A_357 {
        %dma_start3A_408 = arith.constant 2 : i32
        %dma_start3A_409 = arith.constant 2 : i32
        %dma_start3A_410 = arith.constant 0 : i32
        %dma_start3A_411 = arith.constant 0 : i32
        %dma_start3A_412 = tpu.memref_slice %arg7[%dma_start3A_408, %dma_start3A_410, %dma_start3A_411] : memref<5x80x64xf32, #tpu.memory_space<vmem>> -> memref<1x80x64xf32, #tpu.memory_space<vmem>>
        %dma_start3A_413 = tpu.memref_squeeze %dma_start3A_412 : memref<1x80x64xf32, #tpu.memory_space<vmem>> -> memref<80x64xf32, #tpu.memory_space<vmem>>
        %dma_start3A_414 = arith.constant 0 : i32
        %dma_start3A_415 = tpu.memref_slice %arg5[%add3A_338, %dma_start3A_414] : memref<250x80xi32, #tpu.memory_space<vmem>> -> memref<1x80xi32, #tpu.memory_space<vmem>>
        %dma_start3A_416 = tpu.memref_squeeze %dma_start3A_415 : memref<1x80xi32, #tpu.memory_space<vmem>> -> memref<80xi32, #tpu.memory_space<vmem>>
        %dma_start3A_417 = arith.constant 0 : i32
        %dma_start3A_418 = arith.constant 0 : i32
        %dma_start3A_419 = tpu.memref_slice %arg2[%arg0, %dma_start3A_417, %dma_start3A_418] : memref<2x10000x64xf32, #tpu.memory_space<hbm>> -> memref<1x10000x64xf32, #tpu.memory_space<hbm>>
        %dma_start3A_420 = tpu.memref_squeeze %dma_start3A_419 : memref<1x10000x64xf32, #tpu.memory_space<hbm>> -> memref<10000x64xf32, #tpu.memory_space<hbm>>
        %dma_start3A_421 = arith.constant 0 : i32
        %dma_start3A_422 = arith.constant 0 : i32
        %dma_start3A_423 = tpu.memref_slice %dma_start3A_420[%dma_start3A_421, %dma_start3A_422] : memref<10000x64xf32, #tpu.memory_space<hbm>> -> memref<10000x64xf32, #tpu.memory_space<hbm>>
        %dma_start3A_424 = tpu.memref_slice %arg9[%dma_start3A_409] : memref<5x!tpu.dma_semaphore, #tpu.memory_space<semaphore_mem>> -> memref<1x!tpu.dma_semaphore, #tpu.memory_space<semaphore_mem>>
        %dma_start3A_425 = tpu.memref_squeeze %dma_start3A_424 : memref<1x!tpu.dma_semaphore, #tpu.memory_space<semaphore_mem>> -> memref<!tpu.dma_semaphore, #tpu.memory_space<semaphore_mem>>
        tpu.enqueue_indirect_dma source(%dma_start3A_423 : memref<10000x64xf32, #tpu.memory_space<hbm>>) target(%dma_start3A_413 : memref<80x64xf32, #tpu.memory_space<vmem>>) offsets(%dma_start3A_416 : memref<80xi32, #tpu.memory_space<vmem>>) semaphore(%dma_start3A_425 : memref<!tpu.dma_semaphore, #tpu.memory_space<semaphore_mem>>)
      } else {
      }
      %add3A_358 = arith.constant 3 : i32
      %add3A_359 = arith.addi %add3A_114, %add3A_358 : i32
      %add3A_360 = arith.constant 5 : i32
      %add3A_361 = arith.addi %add3A_114, %add3A_360 : i32
      %add3A_362 = arith.constant 3 : i32
      %add3A_363 = arith.addi %add3A_361, %add3A_362 : i32
      %dma_wait3A_364 = arith.constant 3 : i32
      %dma_wait3A_365 = arith.constant 3 : i32
      %dma_wait3A_366 = arith.constant 0 : i32
      %dma_wait3A_367 = arith.constant 0 : i32
      %dma_wait3A_368 = tpu.memref_slice %arg7[%dma_wait3A_364, %dma_wait3A_366, %dma_wait3A_367] : memref<5x80x64xf32, #tpu.memory_space<vmem>> -> memref<1x80x64xf32, #tpu.memory_space<vmem>>
      %dma_wait3A_369 = tpu.memref_squeeze %dma_wait3A_368 : memref<1x80x64xf32, #tpu.memory_space<vmem>> -> memref<80x64xf32, #tpu.memory_space<vmem>>
      %dma_wait3A_370 = arith.constant 0 : i32
      %dma_wait3A_371 = tpu.memref_slice %arg6[%add3A_359, %dma_wait3A_370] : memref<250x80xi32, #tpu.memory_space<vmem>> -> memref<1x80xi32, #tpu.memory_space<vmem>>
      %dma_wait3A_372 = tpu.memref_squeeze %dma_wait3A_371 : memref<1x80xi32, #tpu.memory_space<vmem>> -> memref<80xi32, #tpu.memory_space<vmem>>
      %dma_wait3A_373 = arith.constant 0 : i32
      %dma_wait3A_374 = arith.constant 0 : i32
      %dma_wait3A_375 = tpu.memref_slice %arg8[%dma_wait3A_373, %dma_wait3A_374] : memref<10000x64xf32, #tpu.memory_space<vmem_shared>> -> memref<10000x64xf32, #tpu.memory_space<vmem_shared>>
      %dma_wait3A_376 = tpu.memref_slice %arg10[%dma_wait3A_365] : memref<5x!tpu.dma_semaphore, #tpu.memory_space<semaphore_mem>> -> memref<1x!tpu.dma_semaphore, #tpu.memory_space<semaphore_mem>>
      %dma_wait3A_377 = tpu.memref_squeeze %dma_wait3A_376 : memref<1x!tpu.dma_semaphore, #tpu.memory_space<semaphore_mem>> -> memref<!tpu.dma_semaphore, #tpu.memory_space<semaphore_mem>>
      tpu.wait_indirect_dma semaphore(%dma_wait3A_377 : memref<!tpu.dma_semaphore, #tpu.memory_space<semaphore_mem>>) src(%dma_wait3A_369 : memref<80x64xf32, #tpu.memory_space<vmem>>) dst(%dma_wait3A_375 : memref<10000x64xf32, #tpu.memory_space<vmem_shared>>)
      %lt3A_378 = arith.constant 250 : i32
      %lt3A_379 = arith.cmpi slt, %add3A_363, %lt3A_378 : i32
      %convert_element_type3A_380 = arith.extui %lt3A_379 : i1 to i32
      %cond3A_381 = arith.constant 0 : i32
      %cond3A_382 = arith.cmpi ne, %convert_element_type3A_380, %cond3A_381 : i32
      scf.if %cond3A_382 {
        %dma_start3A_408 = arith.constant 3 : i32
        %dma_start3A_409 = arith.constant 3 : i32
        %dma_start3A_410 = arith.constant 0 : i32
        %dma_start3A_411 = arith.constant 0 : i32
        %dma_start3A_412 = tpu.memref_slice %arg7[%dma_start3A_408, %dma_start3A_410, %dma_start3A_411] : memref<5x80x64xf32, #tpu.memory_space<vmem>> -> memref<1x80x64xf32, #tpu.memory_space<vmem>>
        %dma_start3A_413 = tpu.memref_squeeze %dma_start3A_412 : memref<1x80x64xf32, #tpu.memory_space<vmem>> -> memref<80x64xf32, #tpu.memory_space<vmem>>
        %dma_start3A_414 = arith.constant 0 : i32
        %dma_start3A_415 = tpu.memref_slice %arg5[%add3A_363, %dma_start3A_414] : memref<250x80xi32, #tpu.memory_space<vmem>> -> memref<1x80xi32, #tpu.memory_space<vmem>>
        %dma_start3A_416 = tpu.memref_squeeze %dma_start3A_415 : memref<1x80xi32, #tpu.memory_space<vmem>> -> memref<80xi32, #tpu.memory_space<vmem>>
        %dma_start3A_417 = arith.constant 0 : i32
        %dma_start3A_418 = arith.constant 0 : i32
        %dma_start3A_419 = tpu.memref_slice %arg2[%arg0, %dma_start3A_417, %dma_start3A_418] : memref<2x10000x64xf32, #tpu.memory_space<hbm>> -> memref<1x10000x64xf32, #tpu.memory_space<hbm>>
        %dma_start3A_420 = tpu.memref_squeeze %dma_start3A_419 : memref<1x10000x64xf32, #tpu.memory_space<hbm>> -> memref<10000x64xf32, #tpu.memory_space<hbm>>
        %dma_start3A_421 = arith.constant 0 : i32
        %dma_start3A_422 = arith.constant 0 : i32
        %dma_start3A_423 = tpu.memref_slice %dma_start3A_420[%dma_start3A_421, %dma_start3A_422] : memref<10000x64xf32, #tpu.memory_space<hbm>> -> memref<10000x64xf32, #tpu.memory_space<hbm>>
        %dma_start3A_424 = tpu.memref_slice %arg9[%dma_start3A_409] : memref<5x!tpu.dma_semaphore, #tpu.memory_space<semaphore_mem>> -> memref<1x!tpu.dma_semaphore, #tpu.memory_space<semaphore_mem>>
        %dma_start3A_425 = tpu.memref_squeeze %dma_start3A_424 : memref<1x!tpu.dma_semaphore, #tpu.memory_space<semaphore_mem>> -> memref<!tpu.dma_semaphore, #tpu.memory_space<semaphore_mem>>
        tpu.enqueue_indirect_dma source(%dma_start3A_423 : memref<10000x64xf32, #tpu.memory_space<hbm>>) target(%dma_start3A_413 : memref<80x64xf32, #tpu.memory_space<vmem>>) offsets(%dma_start3A_416 : memref<80xi32, #tpu.memory_space<vmem>>) semaphore(%dma_start3A_425 : memref<!tpu.dma_semaphore, #tpu.memory_space<semaphore_mem>>)
      } else {
      }
      %add3A_383 = arith.constant 4 : i32
      %add3A_384 = arith.addi %add3A_114, %add3A_383 : i32
      %add3A_385 = arith.constant 5 : i32
      %add3A_386 = arith.addi %add3A_114, %add3A_385 : i32
      %add3A_387 = arith.constant 4 : i32
      %add3A_388 = arith.addi %add3A_386, %add3A_387 : i32
      %dma_wait3A_389 = arith.constant 4 : i32
      %dma_wait3A_390 = arith.constant 4 : i32
      %dma_wait3A_391 = arith.constant 0 : i32
      %dma_wait3A_392 = arith.constant 0 : i32
      %dma_wait3A_393 = tpu.memref_slice %arg7[%dma_wait3A_389, %dma_wait3A_391, %dma_wait3A_392] : memref<5x80x64xf32, #tpu.memory_space<vmem>> -> memref<1x80x64xf32, #tpu.memory_space<vmem>>
      %dma_wait3A_394 = tpu.memref_squeeze %dma_wait3A_393 : memref<1x80x64xf32, #tpu.memory_space<vmem>> -> memref<80x64xf32, #tpu.memory_space<vmem>>
      %dma_wait3A_395 = arith.constant 0 : i32
      %dma_wait3A_396 = tpu.memref_slice %arg6[%add3A_384, %dma_wait3A_395] : memref<250x80xi32, #tpu.memory_space<vmem>> -> memref<1x80xi32, #tpu.memory_space<vmem>>
      %dma_wait3A_397 = tpu.memref_squeeze %dma_wait3A_396 : memref<1x80xi32, #tpu.memory_space<vmem>> -> memref<80xi32, #tpu.memory_space<vmem>>
      %dma_wait3A_398 = arith.constant 0 : i32
      %dma_wait3A_399 = arith.constant 0 : i32
      %dma_wait3A_400 = tpu.memref_slice %arg8[%dma_wait3A_398, %dma_wait3A_399] : memref<10000x64xf32, #tpu.memory_space<vmem_shared>> -> memref<10000x64xf32, #tpu.memory_space<vmem_shared>>
      %dma_wait3A_401 = tpu.memref_slice %arg10[%dma_wait3A_390] : memref<5x!tpu.dma_semaphore, #tpu.memory_space<semaphore_mem>> -> memref<1x!tpu.dma_semaphore, #tpu.memory_space<semaphore_mem>>
      %dma_wait3A_402 = tpu.memref_squeeze %dma_wait3A_401 : memref<1x!tpu.dma_semaphore, #tpu.memory_space<semaphore_mem>> -> memref<!tpu.dma_semaphore, #tpu.memory_space<semaphore_mem>>
      tpu.wait_indirect_dma semaphore(%dma_wait3A_402 : memref<!tpu.dma_semaphore, #tpu.memory_space<semaphore_mem>>) src(%dma_wait3A_394 : memref<80x64xf32, #tpu.memory_space<vmem>>) dst(%dma_wait3A_400 : memref<10000x64xf32, #tpu.memory_space<vmem_shared>>)
      %lt3A_403 = arith.constant 250 : i32
      %lt3A_404 = arith.cmpi slt, %add3A_388, %lt3A_403 : i32
      %convert_element_type3A_405 = arith.extui %lt3A_404 : i1 to i32
      %cond3A_406 = arith.constant 0 : i32
      %cond3A_407 = arith.cmpi ne, %convert_element_type3A_405, %cond3A_406 : i32
      scf.if %cond3A_407 {
        %dma_start3A_408 = arith.constant 4 : i32
        %dma_start3A_409 = arith.constant 4 : i32
        %dma_start3A_410 = arith.constant 0 : i32
        %dma_start3A_411 = arith.constant 0 : i32
        %dma_start3A_412 = tpu.memref_slice %arg7[%dma_start3A_408, %dma_start3A_410, %dma_start3A_411] : memref<5x80x64xf32, #tpu.memory_space<vmem>> -> memref<1x80x64xf32, #tpu.memory_space<vmem>>
        %dma_start3A_413 = tpu.memref_squeeze %dma_start3A_412 : memref<1x80x64xf32, #tpu.memory_space<vmem>> -> memref<80x64xf32, #tpu.memory_space<vmem>>
        %dma_start3A_414 = arith.constant 0 : i32
        %dma_start3A_415 = tpu.memref_slice %arg5[%add3A_388, %dma_start3A_414] : memref<250x80xi32, #tpu.memory_space<vmem>> -> memref<1x80xi32, #tpu.memory_space<vmem>>
        %dma_start3A_416 = tpu.memref_squeeze %dma_start3A_415 : memref<1x80xi32, #tpu.memory_space<vmem>> -> memref<80xi32, #tpu.memory_space<vmem>>
        %dma_start3A_417 = arith.constant 0 : i32
        %dma_start3A_418 = arith.constant 0 : i32
        %dma_start3A_419 = tpu.memref_slice %arg2[%arg0, %dma_start3A_417, %dma_start3A_418] : memref<2x10000x64xf32, #tpu.memory_space<hbm>> -> memref<1x10000x64xf32, #tpu.memory_space<hbm>>
        %dma_start3A_420 = tpu.memref_squeeze %dma_start3A_419 : memref<1x10000x64xf32, #tpu.memory_space<hbm>> -> memref<10000x64xf32, #tpu.memory_space<hbm>>
        %dma_start3A_421 = arith.constant 0 : i32
        %dma_start3A_422 = arith.constant 0 : i32
        %dma_start3A_423 = tpu.memref_slice %dma_start3A_420[%dma_start3A_421, %dma_start3A_422] : memref<10000x64xf32, #tpu.memory_space<hbm>> -> memref<10000x64xf32, #tpu.memory_space<hbm>>
        %dma_start3A_424 = tpu.memref_slice %arg9[%dma_start3A_409] : memref<5x!tpu.dma_semaphore, #tpu.memory_space<semaphore_mem>> -> memref<1x!tpu.dma_semaphore, #tpu.memory_space<semaphore_mem>>
        %dma_start3A_425 = tpu.memref_squeeze %dma_start3A_424 : memref<1x!tpu.dma_semaphore, #tpu.memory_space<semaphore_mem>> -> memref<!tpu.dma_semaphore, #tpu.memory_space<semaphore_mem>>
        tpu.enqueue_indirect_dma source(%dma_start3A_423 : memref<10000x64xf32, #tpu.memory_space<hbm>>) target(%dma_start3A_413 : memref<80x64xf32, #tpu.memory_space<vmem>>) offsets(%dma_start3A_416 : memref<80xi32, #tpu.memory_space<vmem>>) semaphore(%dma_start3A_425 : memref<!tpu.dma_semaphore, #tpu.memory_space<semaphore_mem>>)
      } else {
      }
    }
    %scan3A_108 = arith.constant 50 : i32
    %barrier3A_109 = arith.constant 0 : index
    tpu.barrier barrier_id(%barrier3A_109)
    %eq3A = arith.constant 0 : i32
    %eq3A_110 = arith.cmpi eq, %arg1, %eq3A : i32
    %convert_element_type3A = arith.extui %eq3A_110 : i1 to i32
    %cond3A = arith.constant 0 : i32
    %cond3A_111 = arith.cmpi ne, %convert_element_type3A, %cond3A : i32
    scf.if %cond3A_111 {
      "tpu.region"() ({
        %run_scoped3A_112 = tpu.sem_alloc : memref<!tpu.dma_semaphore, #tpu.memory_space<semaphore_mem>>
        %dma_start3A_113 = arith.constant 0 : i32
        %dma_start3A_114 = arith.constant 0 : i32
        %dma_start3A_115 = tpu.memref_slice %arg4[%arg0, %dma_start3A_113, %dma_start3A_114] : memref<2x10000x64xf32, #tpu.memory_space<hbm>> -> memref<1x10000x64xf32, #tpu.memory_space<hbm>>
        %dma_start3A_116 = tpu.memref_squeeze %dma_start3A_115 : memref<1x10000x64xf32, #tpu.memory_space<hbm>> -> memref<10000x64xf32, #tpu.memory_space<hbm>>
        tpu.enqueue_dma source(%arg8 : memref<10000x64xf32, #tpu.memory_space<vmem_shared>>) target(%dma_start3A_116 : memref<10000x64xf32, #tpu.memory_space<hbm>>) target_semaphore(%run_scoped3A_112 : memref<!tpu.dma_semaphore, #tpu.memory_space<semaphore_mem>>)
        %dma_wait3A = arith.constant 0 : i32
        %dma_wait3A_117 = arith.constant 0 : i32
        %dma_wait3A_118 = tpu.memref_slice %arg4[%arg0, %dma_wait3A, %dma_wait3A_117] : memref<2x10000x64xf32, #tpu.memory_space<hbm>> -> memref<1x10000x64xf32, #tpu.memory_space<hbm>>
        %dma_wait3A_119 = tpu.memref_squeeze %dma_wait3A_118 : memref<1x10000x64xf32, #tpu.memory_space<hbm>> -> memref<10000x64xf32, #tpu.memory_space<hbm>>
        tpu.wait_dma2 semaphore(%run_scoped3A_112 : memref<!tpu.dma_semaphore, #tpu.memory_space<semaphore_mem>>) src(%arg8 : memref<10000x64xf32, #tpu.memory_space<vmem_shared>>) dst(%dma_wait3A_119 : memref<10000x64xf32, #tpu.memory_space<hbm>>)
        tpu.yield
      }) : () -> ()
    } else {
    }
    return
  }
}

#map = affine_map<(d0, d1) -> (0, 0, 0)>
#map1 = affine_map<(d0, d1) -> (0, 0, 0, 0)>
module attributes {stable_mosaic.version = 14 : i64} {
  func.func @agg_kernel(%arg0: i32, %arg1: i32, %arg2: memref<2x10000x32xf32, #tpu.memory_space<hbm>>, %arg3: memref<2x16x250x80xi32, #tpu.memory_space<hbm>>, %arg4: memref<2x10000x32xf32, #tpu.memory_space<hbm>>, %arg5: memref<250x80xi32, #tpu.memory_space<vmem>>, %arg6: memref<250x80xi32, #tpu.memory_space<vmem>>, %arg7: memref<5x80x32xf32, #tpu.memory_space<vmem>>, %arg8: memref<10000x32xf32, #tpu.memory_space<vmem_shared>>, %arg9: memref<5x!tpu.dma_semaphore, #tpu.memory_space<semaphore_mem>>, %arg10: memref<5x!tpu.dma_semaphore, #tpu.memory_space<semaphore_mem>>) attributes {dimension_semantics = [#tpu.dimension_semantics<core_parallel>, #tpu.dimension_semantics<subcore_parallel>], iteration_bounds = array<i64: 2, 16>, scalar_prefetch = 0 : i64, scratch_operands = 6 : i64, tpu.core_type = #tpu.core_type<sc_vector_subcore>, window_params = [{transform_indices = #map}, {transform_indices = #map1}, {transform_indices = #map}]} {
    %scan3A = arith.constant 0 : i32
    %scan3A_0 = arith.constant 25 : i32
    %scan3A_1 = arith.addi %scan3A, %scan3A_0 : i32
    %scan3A_2 = arith.constant 1 : i32
    scf.for %scan3A_112 = %scan3A to %scan3A_1 step %scan3A_2  : i32 {
      %mul3A = arith.constant 1 : i32
      %mul3A_113 = arith.muli %scan3A_112, %mul3A : i32
      %add3A = arith.constant 0 : i32
      %add3A_114 = arith.addi %add3A, %mul3A_113 : i32
      %scan3A_115 = arith.constant 0 : i32
      %scan3A_116 = arith.constant 2 : i32
      %scan3A_117 = arith.addi %scan3A_115, %scan3A_116 : i32
      %scan3A_118 = arith.constant 1 : i32
      scf.for %scan3A_120 = %scan3A_115 to %scan3A_117 step %scan3A_118  : i32 {
        %mul3A_121 = arith.constant 1 : i32
        %mul3A_122 = arith.muli %scan3A_120, %mul3A_121 : i32
        %add3A_123 = arith.constant 0 : i32
        %add3A_124 = arith.addi %add3A_123, %mul3A_122 : i32
        %broadcast_in_dim3A = arith.constant 0.000000e+00 : f32
        %broadcast_in_dim3A_125 = vector.broadcast %broadcast_in_dim3A : f32 to vector<16xf32>
        %mul3A_126 = arith.constant 16 : i32
        %mul3A_127 = arith.muli %add3A_124, %mul3A_126 : i32
        %swap3A = arith.constant 0 : i32
        %swap3A_128 = arith.index_cast %swap3A : i32 to index
        %swap3A_129 = arith.index_cast %add3A_114 : i32 to index
        %swap3A_130 = arith.index_cast %mul3A_127 : i32 to index
        %swap3A_131 = tpu.vector_load %arg7[%swap3A_128, %swap3A_129, %swap3A_130] {strides = array<i32>} : memref<5x80x32xf32, #tpu.memory_space<vmem>>, vector<1x1x16xf32>,
        %swap3A_132 = vector.shape_cast %swap3A_131 : vector<1x1x16xf32> to vector<16xf32>
        %swap3A_133 = vector.shape_cast %broadcast_in_dim3A_125 : vector<16xf32> to vector<1x1x16xf32>
        tpu.vector_store %arg7[%swap3A_128, %swap3A_129, %swap3A_130], %swap3A_133 {strides = array<i32>} : memref<5x80x32xf32, #tpu.memory_space<vmem>>, vector<1x1x16xf32>,
      }
      %scan3A_119 = arith.constant 2 : i32
    }
    %scan3A_3 = arith.constant 25 : i32
    %scan3A_4 = arith.constant 0 : i32
    %scan3A_5 = arith.constant 25 : i32
    %scan3A_6 = arith.addi %scan3A_4, %scan3A_5 : i32
    %scan3A_7 = arith.constant 1 : i32
    scf.for %scan3A_112 = %scan3A_4 to %scan3A_6 step %scan3A_7  : i32 {
      %mul3A = arith.constant 1 : i32
      %mul3A_113 = arith.muli %scan3A_112, %mul3A : i32
      %add3A = arith.constant 0 : i32
      %add3A_114 = arith.addi %add3A, %mul3A_113 : i32
      %mul3A_115 = arith.constant 625 : i32
      %mul3A_116 = arith.muli %arg1, %mul3A_115 : i32
      %mul3A_117 = arith.constant 25 : i32
      %mul3A_118 = arith.muli %add3A_114, %mul3A_117 : i32
      %add3A_119 = arith.addi %mul3A_116, %mul3A_118 : i32
      %run_scoped3A_120 = arith.constant 0 : i32
      "tpu.region"() ({
        %run_scoped3A_121 = tpu.sem_alloc : memref<!tpu.dma_semaphore, #tpu.memory_space<semaphore_mem>>
        %dma_start3A_122 = arith.constant 0 : i32
        %dma_start3A_123 = arith.constant 0 : i32
        %dma_start3A_124 = tpu.memref_slice %arg7[%run_scoped3A_120, %dma_start3A_122, %dma_start3A_123] : memref<5x80x32xf32, #tpu.memory_space<vmem>> -> memref<1x80x32xf32, #tpu.memory_space<vmem>>
        %dma_start3A_125 = tpu.memref_squeeze %dma_start3A_124 : memref<1x80x32xf32, #tpu.memory_space<vmem>> -> memref<80x32xf32, #tpu.memory_space<vmem>>
        %dma_start3A_126 = arith.constant 0 : i32
        %dma_start3A_127 = arith.constant 0 : i32
        %dma_start3A_128 = tpu.memref_slice %dma_start3A_125[%dma_start3A_126, %dma_start3A_127] : memref<80x32xf32, #tpu.memory_space<vmem>> -> memref<25x32xf32, #tpu.memory_space<vmem>>
        %dma_start3A_129 = arith.constant 0 : i32
        %dma_start3A_130 = tpu.memref_slice %arg8[%add3A_119, %dma_start3A_129] : memref<10000x32xf32, #tpu.memory_space<vmem_shared>> -> memref<25x32xf32, #tpu.memory_space<vmem_shared>>
        %dma_start3A_131 = arith.constant 0 : i32
        %dma_start3A_132 = tpu.memref_slice %arg8[%add3A_119, %dma_start3A_131] : memref<10000x32xf32, #tpu.memory_space<vmem_shared>> -> memref<25x32xf32, #tpu.memory_space<vmem_shared>>
        %dma_start3A_133 = arith.constant 0 : i32
        %dma_start3A_134 = arith.constant 0 : i32
        %dma_start3A_135 = tpu.memref_slice %arg7[%run_scoped3A_120, %dma_start3A_133, %dma_start3A_134] : memref<5x80x32xf32, #tpu.memory_space<vmem>> -> memref<1x80x32xf32, #tpu.memory_space<vmem>>
        %dma_start3A_136 = tpu.memref_squeeze %dma_start3A_135 : memref<1x80x32xf32, #tpu.memory_space<vmem>> -> memref<80x32xf32, #tpu.memory_space<vmem>>
        %dma_start3A_137 = arith.constant 0 : i32
        %dma_start3A_138 = arith.constant 0 : i32
        %dma_start3A_139 = tpu.memref_slice %dma_start3A_136[%dma_start3A_137, %dma_start3A_138] : memref<80x32xf32, #tpu.memory_space<vmem>> -> memref<25x32xf32, #tpu.memory_space<vmem>>
        tpu.enqueue_dma source(%dma_start3A_139 : memref<25x32xf32, #tpu.memory_space<vmem>>) target(%dma_start3A_132 : memref<25x32xf32, #tpu.memory_space<vmem_shared>>) target_semaphore(%run_scoped3A_121 : memref<!tpu.dma_semaphore, #tpu.memory_space<semaphore_mem>>)
        %dma_wait3A = arith.constant 0 : i32
        %dma_wait3A_140 = arith.constant 0 : i32
        %dma_wait3A_141 = tpu.memref_slice %arg7[%run_scoped3A_120, %dma_wait3A, %dma_wait3A_140] : memref<5x80x32xf32, #tpu.memory_space<vmem>> -> memref<1x80x32xf32, #tpu.memory_space<vmem>>
        %dma_wait3A_142 = tpu.memref_squeeze %dma_wait3A_141 : memref<1x80x32xf32, #tpu.memory_space<vmem>> -> memref<80x32xf32, #tpu.memory_space<vmem>>
        %dma_wait3A_143 = arith.constant 0 : i32
        %dma_wait3A_144 = arith.constant 0 : i32
        %dma_wait3A_145 = tpu.memref_slice %dma_wait3A_142[%dma_wait3A_143, %dma_wait3A_144] : memref<80x32xf32, #tpu.memory_space<vmem>> -> memref<25x32xf32, #tpu.memory_space<vmem>>
        %dma_wait3A_146 = arith.constant 0 : i32
        %dma_wait3A_147 = tpu.memref_slice %arg8[%add3A_119, %dma_wait3A_146] : memref<10000x32xf32, #tpu.memory_space<vmem_shared>> -> memref<25x32xf32, #tpu.memory_space<vmem_shared>>
        %dma_wait3A_148 = arith.constant 0 : i32
        %dma_wait3A_149 = tpu.memref_slice %arg8[%add3A_119, %dma_wait3A_148] : memref<10000x32xf32, #tpu.memory_space<vmem_shared>> -> memref<25x32xf32, #tpu.memory_space<vmem_shared>>
        %dma_wait3A_150 = arith.constant 0 : i32
        %dma_wait3A_151 = arith.constant 0 : i32
        %dma_wait3A_152 = tpu.memref_slice %arg7[%run_scoped3A_120, %dma_wait3A_150, %dma_wait3A_151] : memref<5x80x32xf32, #tpu.memory_space<vmem>> -> memref<1x80x32xf32, #tpu.memory_space<vmem>>
        %dma_wait3A_153 = tpu.memref_squeeze %dma_wait3A_152 : memref<1x80x32xf32, #tpu.memory_space<vmem>> -> memref<80x32xf32, #tpu.memory_space<vmem>>
        %dma_wait3A_154 = arith.constant 0 : i32
        %dma_wait3A_155 = arith.constant 0 : i32
        %dma_wait3A_156 = tpu.memref_slice %dma_wait3A_153[%dma_wait3A_154, %dma_wait3A_155] : memref<80x32xf32, #tpu.memory_space<vmem>> -> memref<25x32xf32, #tpu.memory_space<vmem>>
        tpu.wait_dma2 semaphore(%run_scoped3A_121 : memref<!tpu.dma_semaphore, #tpu.memory_space<semaphore_mem>>) src(%dma_wait3A_156 : memref<25x32xf32, #tpu.memory_space<vmem>>) dst(%dma_wait3A_149 : memref<25x32xf32, #tpu.memory_space<vmem_shared>>)
        tpu.yield
      }) : () -> ()
    }
    %scan3A_8 = arith.constant 25 : i32
    %barrier3A = arith.constant 0 : index
    tpu.barrier barrier_id(%barrier3A)
    %run_scoped3A = arith.constant 0 : i32
    "tpu.region"() ({
      %run_scoped3A_112 = tpu.sem_alloc : memref<!tpu.dma_semaphore, #tpu.memory_space<semaphore_mem>>
      %dma_start3A_113 = arith.constant 0 : i32
      %dma_start3A_114 = arith.constant 0 : i32
      %dma_start3A_115 = arith.constant 0 : i32
      %dma_start3A_116 = tpu.memref_slice %arg3[%run_scoped3A, %dma_start3A_113, %dma_start3A_114, %dma_start3A_115] : memref<2x16x250x80xi32, #tpu.memory_space<hbm>> -> memref<1x16x250x80xi32, #tpu.memory_space<hbm>>
      %dma_start3A_117 = tpu.memref_squeeze %dma_start3A_116 : memref<1x16x250x80xi32, #tpu.memory_space<hbm>> -> memref<16x250x80xi32, #tpu.memory_space<hbm>>
      %dma_start3A_118 = arith.constant 0 : i32
      %dma_start3A_119 = arith.constant 0 : i32
      %dma_start3A_120 = tpu.memref_slice %dma_start3A_117[%arg1, %dma_start3A_118, %dma_start3A_119] : memref<16x250x80xi32, #tpu.memory_space<hbm>> -> memref<1x250x80xi32, #tpu.memory_space<hbm>>
      %dma_start3A_121 = tpu.memref_squeeze %dma_start3A_120 : memref<1x250x80xi32, #tpu.memory_space<hbm>> -> memref<250x80xi32, #tpu.memory_space<hbm>>
      %dma_start3A_122 = arith.constant 0 : i32
      %dma_start3A_123 = arith.constant 0 : i32
      %dma_start3A_124 = arith.constant 0 : i32
      %dma_start3A_125 = tpu.memref_slice %arg3[%run_scoped3A, %dma_start3A_122, %dma_start3A_123, %dma_start3A_124] : memref<2x16x250x80xi32, #tpu.memory_space<hbm>> -> memref<1x16x250x80xi32, #tpu.memory_space<hbm>>
      %dma_start3A_126 = tpu.memref_squeeze %dma_start3A_125 : memref<1x16x250x80xi32, #tpu.memory_space<hbm>> -> memref<16x250x80xi32, #tpu.memory_space<hbm>>
      %dma_start3A_127 = arith.constant 0 : i32
      %dma_start3A_128 = arith.constant 0 : i32
      %dma_start3A_129 = tpu.memref_slice %dma_start3A_126[%arg1, %dma_start3A_127, %dma_start3A_128] : memref<16x250x80xi32, #tpu.memory_space<hbm>> -> memref<1x250x80xi32, #tpu.memory_space<hbm>>
      %dma_start3A_130 = tpu.memref_squeeze %dma_start3A_129 : memref<1x250x80xi32, #tpu.memory_space<hbm>> -> memref<250x80xi32, #tpu.memory_space<hbm>>
      tpu.enqueue_dma source(%dma_start3A_130 : memref<250x80xi32, #tpu.memory_space<hbm>>) target(%arg5 : memref<250x80xi32, #tpu.memory_space<vmem>>) target_semaphore(%run_scoped3A_112 : memref<!tpu.dma_semaphore, #tpu.memory_space<semaphore_mem>>)
      %dma_wait3A = arith.constant 0 : i32
      %dma_wait3A_131 = arith.constant 0 : i32
      %dma_wait3A_132 = arith.constant 0 : i32
      %dma_wait3A_133 = tpu.memref_slice %arg3[%run_scoped3A, %dma_wait3A, %dma_wait3A_131, %dma_wait3A_132] : memref<2x16x250x80xi32, #tpu.memory_space<hbm>> -> memref<1x16x250x80xi32, #tpu.memory_space<hbm>>
      %dma_wait3A_134 = tpu.memref_squeeze %dma_wait3A_133 : memref<1x16x250x80xi32, #tpu.memory_space<hbm>> -> memref<16x250x80xi32, #tpu.memory_space<hbm>>
      %dma_wait3A_135 = arith.constant 0 : i32
      %dma_wait3A_136 = arith.constant 0 : i32
      %dma_wait3A_137 = tpu.memref_slice %dma_wait3A_134[%arg1, %dma_wait3A_135, %dma_wait3A_136] : memref<16x250x80xi32, #tpu.memory_space<hbm>> -> memref<1x250x80xi32, #tpu.memory_space<hbm>>
      %dma_wait3A_138 = tpu.memref_squeeze %dma_wait3A_137 : memref<1x250x80xi32, #tpu.memory_space<hbm>> -> memref<250x80xi32, #tpu.memory_space<hbm>>
      %dma_wait3A_139 = arith.constant 0 : i32
      %dma_wait3A_140 = arith.constant 0 : i32
      %dma_wait3A_141 = arith.constant 0 : i32
      %dma_wait3A_142 = tpu.memref_slice %arg3[%run_scoped3A, %dma_wait3A_139, %dma_wait3A_140, %dma_wait3A_141] : memref<2x16x250x80xi32, #tpu.memory_space<hbm>> -> memref<1x16x250x80xi32, #tpu.memory_space<hbm>>
      %dma_wait3A_143 = tpu.memref_squeeze %dma_wait3A_142 : memref<1x16x250x80xi32, #tpu.memory_space<hbm>> -> memref<16x250x80xi32, #tpu.memory_space<hbm>>
      %dma_wait3A_144 = arith.constant 0 : i32
      %dma_wait3A_145 = arith.constant 0 : i32
      %dma_wait3A_146 = tpu.memref_slice %dma_wait3A_143[%arg1, %dma_wait3A_144, %dma_wait3A_145] : memref<16x250x80xi32, #tpu.memory_space<hbm>> -> memref<1x250x80xi32, #tpu.memory_space<hbm>>
      %dma_wait3A_147 = tpu.memref_squeeze %dma_wait3A_146 : memref<1x250x80xi32, #tpu.memory_space<hbm>> -> memref<250x80xi32, #tpu.memory_space<hbm>>
      tpu.wait_dma2 semaphore(%run_scoped3A_112 : memref<!tpu.dma_semaphore, #tpu.memory_space<semaphore_mem>>) src(%dma_wait3A_147 : memref<250x80xi32, #tpu.memory_space<hbm>>) dst(%arg5 : memref<250x80xi32, #tpu.memory_space<vmem>>)
      tpu.yield
    }) : () -> ()
    %run_scoped3A_9 = arith.constant 1 : i32
    "tpu.region"() ({
      %run_scoped3A_112 = tpu.sem_alloc : memref<!tpu.dma_semaphore, #tpu.memory_space<semaphore_mem>>
      %dma_start3A_113 = arith.constant 0 : i32
      %dma_start3A_114 = arith.constant 0 : i32
      %dma_start3A_115 = arith.constant 0 : i32
      %dma_start3A_116 = tpu.memref_slice %arg3[%run_scoped3A_9, %dma_start3A_113, %dma_start3A_114, %dma_start3A_115] : memref<2x16x250x80xi32, #tpu.memory_space<hbm>> -> memref<1x16x250x80xi32, #tpu.memory_space<hbm>>
      %dma_start3A_117 = tpu.memref_squeeze %dma_start3A_116 : memref<1x16x250x80xi32, #tpu.memory_space<hbm>> -> memref<16x250x80xi32, #tpu.memory_space<hbm>>
      %dma_start3A_118 = arith.constant 0 : i32
      %dma_start3A_119 = arith.constant 0 : i32
      %dma_start3A_120 = tpu.memref_slice %dma_start3A_117[%arg1, %dma_start3A_118, %dma_start3A_119] : memref<16x250x80xi32, #tpu.memory_space<hbm>> -> memref<1x250x80xi32, #tpu.memory_space<hbm>>
      %dma_start3A_121 = tpu.memref_squeeze %dma_start3A_120 : memref<1x250x80xi32, #tpu.memory_space<hbm>> -> memref<250x80xi32, #tpu.memory_space<hbm>>
      %dma_start3A_122 = arith.constant 0 : i32
      %dma_start3A_123 = arith.constant 0 : i32
      %dma_start3A_124 = arith.constant 0 : i32
      %dma_start3A_125 = tpu.memref_slice %arg3[%run_scoped3A_9, %dma_start3A_122, %dma_start3A_123, %dma_start3A_124] : memref<2x16x250x80xi32, #tpu.memory_space<hbm>> -> memref<1x16x250x80xi32, #tpu.memory_space<hbm>>
      %dma_start3A_126 = tpu.memref_squeeze %dma_start3A_125 : memref<1x16x250x80xi32, #tpu.memory_space<hbm>> -> memref<16x250x80xi32, #tpu.memory_space<hbm>>
      %dma_start3A_127 = arith.constant 0 : i32
      %dma_start3A_128 = arith.constant 0 : i32
      %dma_start3A_129 = tpu.memref_slice %dma_start3A_126[%arg1, %dma_start3A_127, %dma_start3A_128] : memref<16x250x80xi32, #tpu.memory_space<hbm>> -> memref<1x250x80xi32, #tpu.memory_space<hbm>>
      %dma_start3A_130 = tpu.memref_squeeze %dma_start3A_129 : memref<1x250x80xi32, #tpu.memory_space<hbm>> -> memref<250x80xi32, #tpu.memory_space<hbm>>
      tpu.enqueue_dma source(%dma_start3A_130 : memref<250x80xi32, #tpu.memory_space<hbm>>) target(%arg6 : memref<250x80xi32, #tpu.memory_space<vmem>>) target_semaphore(%run_scoped3A_112 : memref<!tpu.dma_semaphore, #tpu.memory_space<semaphore_mem>>)
      %dma_wait3A = arith.constant 0 : i32
      %dma_wait3A_131 = arith.constant 0 : i32
      %dma_wait3A_132 = arith.constant 0 : i32
      %dma_wait3A_133 = tpu.memref_slice %arg3[%run_scoped3A_9, %dma_wait3A, %dma_wait3A_131, %dma_wait3A_132] : memref<2x16x250x80xi32, #tpu.memory_space<hbm>> -> memref<1x16x250x80xi32, #tpu.memory_space<hbm>>
      %dma_wait3A_134 = tpu.memref_squeeze %dma_wait3A_133 : memref<1x16x250x80xi32, #tpu.memory_space<hbm>> -> memref<16x250x80xi32, #tpu.memory_space<hbm>>
      %dma_wait3A_135 = arith.constant 0 : i32
      %dma_wait3A_136 = arith.constant 0 : i32
      %dma_wait3A_137 = tpu.memref_slice %dma_wait3A_134[%arg1, %dma_wait3A_135, %dma_wait3A_136] : memref<16x250x80xi32, #tpu.memory_space<hbm>> -> memref<1x250x80xi32, #tpu.memory_space<hbm>>
      %dma_wait3A_138 = tpu.memref_squeeze %dma_wait3A_137 : memref<1x250x80xi32, #tpu.memory_space<hbm>> -> memref<250x80xi32, #tpu.memory_space<hbm>>
      %dma_wait3A_139 = arith.constant 0 : i32
      %dma_wait3A_140 = arith.constant 0 : i32
      %dma_wait3A_141 = arith.constant 0 : i32
      %dma_wait3A_142 = tpu.memref_slice %arg3[%run_scoped3A_9, %dma_wait3A_139, %dma_wait3A_140, %dma_wait3A_141] : memref<2x16x250x80xi32, #tpu.memory_space<hbm>> -> memref<1x16x250x80xi32, #tpu.memory_space<hbm>>
      %dma_wait3A_143 = tpu.memref_squeeze %dma_wait3A_142 : memref<1x16x250x80xi32, #tpu.memory_space<hbm>> -> memref<16x250x80xi32, #tpu.memory_space<hbm>>
      %dma_wait3A_144 = arith.constant 0 : i32
      %dma_wait3A_145 = arith.constant 0 : i32
      %dma_wait3A_146 = tpu.memref_slice %dma_wait3A_143[%arg1, %dma_wait3A_144, %dma_wait3A_145] : memref<16x250x80xi32, #tpu.memory_space<hbm>> -> memref<1x250x80xi32, #tpu.memory_space<hbm>>
      %dma_wait3A_147 = tpu.memref_squeeze %dma_wait3A_146 : memref<1x250x80xi32, #tpu.memory_space<hbm>> -> memref<250x80xi32, #tpu.memory_space<hbm>>
      tpu.wait_dma2 semaphore(%run_scoped3A_112 : memref<!tpu.dma_semaphore, #tpu.memory_space<semaphore_mem>>) src(%dma_wait3A_147 : memref<250x80xi32, #tpu.memory_space<hbm>>) dst(%arg6 : memref<250x80xi32, #tpu.memory_space<vmem>>)
      tpu.yield
    }) : () -> ()
    %dma_start3A = arith.constant 0 : i32
    %dma_start3A_10 = arith.constant 0 : i32
    %dma_start3A_11 = arith.constant 0 : i32
    %dma_start3A_12 = arith.constant 0 : i32
    %dma_start3A_13 = arith.constant 0 : i32
    %dma_start3A_14 = tpu.memref_slice %arg7[%dma_start3A_10, %dma_start3A_12, %dma_start3A_13] : memref<5x80x32xf32, #tpu.memory_space<vmem>> -> memref<1x80x32xf32, #tpu.memory_space<vmem>>
    %dma_start3A_15 = tpu.memref_squeeze %dma_start3A_14 : memref<1x80x32xf32, #tpu.memory_space<vmem>> -> memref<80x32xf32, #tpu.memory_space<vmem>>
    %dma_start3A_16 = arith.constant 0 : i32
    %dma_start3A_17 = tpu.memref_slice %arg5[%dma_start3A, %dma_start3A_16] : memref<250x80xi32, #tpu.memory_space<vmem>> -> memref<1x80xi32, #tpu.memory_space<vmem>>
    %dma_start3A_18 = tpu.memref_squeeze %dma_start3A_17 : memref<1x80xi32, #tpu.memory_space<vmem>> -> memref<80xi32, #tpu.memory_space<vmem>>
    %dma_start3A_19 = arith.constant 0 : i32
    %dma_start3A_20 = arith.constant 0 : i32
    %dma_start3A_21 = tpu.memref_slice %arg2[%arg0, %dma_start3A_19, %dma_start3A_20] : memref<2x10000x32xf32, #tpu.memory_space<hbm>> -> memref<1x10000x32xf32, #tpu.memory_space<hbm>>
    %dma_start3A_22 = tpu.memref_squeeze %dma_start3A_21 : memref<1x10000x32xf32, #tpu.memory_space<hbm>> -> memref<10000x32xf32, #tpu.memory_space<hbm>>
    %dma_start3A_23 = arith.constant 0 : i32
    %dma_start3A_24 = arith.constant 0 : i32
    %dma_start3A_25 = tpu.memref_slice %dma_start3A_22[%dma_start3A_23, %dma_start3A_24] : memref<10000x32xf32, #tpu.memory_space<hbm>> -> memref<10000x32xf32, #tpu.memory_space<hbm>>
    %dma_start3A_26 = tpu.memref_slice %arg9[%dma_start3A_11] : memref<5x!tpu.dma_semaphore, #tpu.memory_space<semaphore_mem>> -> memref<1x!tpu.dma_semaphore, #tpu.memory_space<semaphore_mem>>
    %dma_start3A_27 = tpu.memref_squeeze %dma_start3A_26 : memref<1x!tpu.dma_semaphore, #tpu.memory_space<semaphore_mem>> -> memref<!tpu.dma_semaphore, #tpu.memory_space<semaphore_mem>>
    tpu.enqueue_indirect_dma source(%dma_start3A_25 : memref<10000x32xf32, #tpu.memory_space<hbm>>) target(%dma_start3A_15 : memref<80x32xf32, #tpu.memory_space<vmem>>) offsets(%dma_start3A_18 : memref<80xi32, #tpu.memory_space<vmem>>) semaphore(%dma_start3A_27 : memref<!tpu.dma_semaphore, #tpu.memory_space<semaphore_mem>>)
    %dma_start3A_28 = arith.constant 1 : i32
    %dma_start3A_29 = arith.constant 1 : i32
    %dma_start3A_30 = arith.constant 1 : i32
    %dma_start3A_31 = arith.constant 0 : i32
    %dma_start3A_32 = arith.constant 0 : i32
    %dma_start3A_33 = tpu.memref_slice %arg7[%dma_start3A_29, %dma_start3A_31, %dma_start3A_32] : memref<5x80x32xf32, #tpu.memory_space<vmem>> -> memref<1x80x32xf32, #tpu.memory_space<vmem>>
    %dma_start3A_34 = tpu.memref_squeeze %dma_start3A_33 : memref<1x80x32xf32, #tpu.memory_space<vmem>> -> memref<80x32xf32, #tpu.memory_space<vmem>>
    %dma_start3A_35 = arith.constant 0 : i32
    %dma_start3A_36 = tpu.memref_slice %arg5[%dma_start3A_28, %dma_start3A_35] : memref<250x80xi32, #tpu.memory_space<vmem>> -> memref<1x80xi32, #tpu.memory_space<vmem>>
    %dma_start3A_37 = tpu.memref_squeeze %dma_start3A_36 : memref<1x80xi32, #tpu.memory_space<vmem>> -> memref<80xi32, #tpu.memory_space<vmem>>
    %dma_start3A_38 = arith.constant 0 : i32
    %dma_start3A_39 = arith.constant 0 : i32
    %dma_start3A_40 = tpu.memref_slice %arg2[%arg0, %dma_start3A_38, %dma_start3A_39] : memref<2x10000x32xf32, #tpu.memory_space<hbm>> -> memref<1x10000x32xf32, #tpu.memory_space<hbm>>
    %dma_start3A_41 = tpu.memref_squeeze %dma_start3A_40 : memref<1x10000x32xf32, #tpu.memory_space<hbm>> -> memref<10000x32xf32, #tpu.memory_space<hbm>>
    %dma_start3A_42 = arith.constant 0 : i32
    %dma_start3A_43 = arith.constant 0 : i32
    %dma_start3A_44 = tpu.memref_slice %dma_start3A_41[%dma_start3A_42, %dma_start3A_43] : memref<10000x32xf32, #tpu.memory_space<hbm>> -> memref<10000x32xf32, #tpu.memory_space<hbm>>
    %dma_start3A_45 = tpu.memref_slice %arg9[%dma_start3A_30] : memref<5x!tpu.dma_semaphore, #tpu.memory_space<semaphore_mem>> -> memref<1x!tpu.dma_semaphore, #tpu.memory_space<semaphore_mem>>
    %dma_start3A_46 = tpu.memref_squeeze %dma_start3A_45 : memref<1x!tpu.dma_semaphore, #tpu.memory_space<semaphore_mem>> -> memref<!tpu.dma_semaphore, #tpu.memory_space<semaphore_mem>>
    tpu.enqueue_indirect_dma source(%dma_start3A_44 : memref<10000x32xf32, #tpu.memory_space<hbm>>) target(%dma_start3A_34 : memref<80x32xf32, #tpu.memory_space<vmem>>) offsets(%dma_start3A_37 : memref<80xi32, #tpu.memory_space<vmem>>) semaphore(%dma_start3A_46 : memref<!tpu.dma_semaphore, #tpu.memory_space<semaphore_mem>>)
    %dma_start3A_47 = arith.constant 2 : i32
    %dma_start3A_48 = arith.constant 2 : i32
    %dma_start3A_49 = arith.constant 2 : i32
    %dma_start3A_50 = arith.constant 0 : i32
    %dma_start3A_51 = arith.constant 0 : i32
    %dma_start3A_52 = tpu.memref_slice %arg7[%dma_start3A_48, %dma_start3A_50, %dma_start3A_51] : memref<5x80x32xf32, #tpu.memory_space<vmem>> -> memref<1x80x32xf32, #tpu.memory_space<vmem>>
    %dma_start3A_53 = tpu.memref_squeeze %dma_start3A_52 : memref<1x80x32xf32, #tpu.memory_space<vmem>> -> memref<80x32xf32, #tpu.memory_space<vmem>>
    %dma_start3A_54 = arith.constant 0 : i32
    %dma_start3A_55 = tpu.memref_slice %arg5[%dma_start3A_47, %dma_start3A_54] : memref<250x80xi32, #tpu.memory_space<vmem>> -> memref<1x80xi32, #tpu.memory_space<vmem>>
    %dma_start3A_56 = tpu.memref_squeeze %dma_start3A_55 : memref<1x80xi32, #tpu.memory_space<vmem>> -> memref<80xi32, #tpu.memory_space<vmem>>
    %dma_start3A_57 = arith.constant 0 : i32
    %dma_start3A_58 = arith.constant 0 : i32
    %dma_start3A_59 = tpu.memref_slice %arg2[%arg0, %dma_start3A_57, %dma_start3A_58] : memref<2x10000x32xf32, #tpu.memory_space<hbm>> -> memref<1x10000x32xf32, #tpu.memory_space<hbm>>
    %dma_start3A_60 = tpu.memref_squeeze %dma_start3A_59 : memref<1x10000x32xf32, #tpu.memory_space<hbm>> -> memref<10000x32xf32, #tpu.memory_space<hbm>>
    %dma_start3A_61 = arith.constant 0 : i32
    %dma_start3A_62 = arith.constant 0 : i32
    %dma_start3A_63 = tpu.memref_slice %dma_start3A_60[%dma_start3A_61, %dma_start3A_62] : memref<10000x32xf32, #tpu.memory_space<hbm>> -> memref<10000x32xf32, #tpu.memory_space<hbm>>
    %dma_start3A_64 = tpu.memref_slice %arg9[%dma_start3A_49] : memref<5x!tpu.dma_semaphore, #tpu.memory_space<semaphore_mem>> -> memref<1x!tpu.dma_semaphore, #tpu.memory_space<semaphore_mem>>
    %dma_start3A_65 = tpu.memref_squeeze %dma_start3A_64 : memref<1x!tpu.dma_semaphore, #tpu.memory_space<semaphore_mem>> -> memref<!tpu.dma_semaphore, #tpu.memory_space<semaphore_mem>>
    tpu.enqueue_indirect_dma source(%dma_start3A_63 : memref<10000x32xf32, #tpu.memory_space<hbm>>) target(%dma_start3A_53 : memref<80x32xf32, #tpu.memory_space<vmem>>) offsets(%dma_start3A_56 : memref<80xi32, #tpu.memory_space<vmem>>) semaphore(%dma_start3A_65 : memref<!tpu.dma_semaphore, #tpu.memory_space<semaphore_mem>>)
    %dma_start3A_66 = arith.constant 3 : i32
    %dma_start3A_67 = arith.constant 3 : i32
    %dma_start3A_68 = arith.constant 3 : i32
    %dma_start3A_69 = arith.constant 0 : i32
    %dma_start3A_70 = arith.constant 0 : i32
    %dma_start3A_71 = tpu.memref_slice %arg7[%dma_start3A_67, %dma_start3A_69, %dma_start3A_70] : memref<5x80x32xf32, #tpu.memory_space<vmem>> -> memref<1x80x32xf32, #tpu.memory_space<vmem>>
    %dma_start3A_72 = tpu.memref_squeeze %dma_start3A_71 : memref<1x80x32xf32, #tpu.memory_space<vmem>> -> memref<80x32xf32, #tpu.memory_space<vmem>>
    %dma_start3A_73 = arith.constant 0 : i32
    %dma_start3A_74 = tpu.memref_slice %arg5[%dma_start3A_66, %dma_start3A_73] : memref<250x80xi32, #tpu.memory_space<vmem>> -> memref<1x80xi32, #tpu.memory_space<vmem>>
    %dma_start3A_75 = tpu.memref_squeeze %dma_start3A_74 : memref<1x80xi32, #tpu.memory_space<vmem>> -> memref<80xi32, #tpu.memory_space<vmem>>
    %dma_start3A_76 = arith.constant 0 : i32
    %dma_start3A_77 = arith.constant 0 : i32
    %dma_start3A_78 = tpu.memref_slice %arg2[%arg0, %dma_start3A_76, %dma_start3A_77] : memref<2x10000x32xf32, #tpu.memory_space<hbm>> -> memref<1x10000x32xf32, #tpu.memory_space<hbm>>
    %dma_start3A_79 = tpu.memref_squeeze %dma_start3A_78 : memref<1x10000x32xf32, #tpu.memory_space<hbm>> -> memref<10000x32xf32, #tpu.memory_space<hbm>>
    %dma_start3A_80 = arith.constant 0 : i32
    %dma_start3A_81 = arith.constant 0 : i32
    %dma_start3A_82 = tpu.memref_slice %dma_start3A_79[%dma_start3A_80, %dma_start3A_81] : memref<10000x32xf32, #tpu.memory_space<hbm>> -> memref<10000x32xf32, #tpu.memory_space<hbm>>
    %dma_start3A_83 = tpu.memref_slice %arg9[%dma_start3A_68] : memref<5x!tpu.dma_semaphore, #tpu.memory_space<semaphore_mem>> -> memref<1x!tpu.dma_semaphore, #tpu.memory_space<semaphore_mem>>
    %dma_start3A_84 = tpu.memref_squeeze %dma_start3A_83 : memref<1x!tpu.dma_semaphore, #tpu.memory_space<semaphore_mem>> -> memref<!tpu.dma_semaphore, #tpu.memory_space<semaphore_mem>>
    tpu.enqueue_indirect_dma source(%dma_start3A_82 : memref<10000x32xf32, #tpu.memory_space<hbm>>) target(%dma_start3A_72 : memref<80x32xf32, #tpu.memory_space<vmem>>) offsets(%dma_start3A_75 : memref<80xi32, #tpu.memory_space<vmem>>) semaphore(%dma_start3A_84 : memref<!tpu.dma_semaphore, #tpu.memory_space<semaphore_mem>>)
    %dma_start3A_85 = arith.constant 4 : i32
    %dma_start3A_86 = arith.constant 4 : i32
    %dma_start3A_87 = arith.constant 4 : i32
    %dma_start3A_88 = arith.constant 0 : i32
    %dma_start3A_89 = arith.constant 0 : i32
    %dma_start3A_90 = tpu.memref_slice %arg7[%dma_start3A_86, %dma_start3A_88, %dma_start3A_89] : memref<5x80x32xf32, #tpu.memory_space<vmem>> -> memref<1x80x32xf32, #tpu.memory_space<vmem>>
    %dma_start3A_91 = tpu.memref_squeeze %dma_start3A_90 : memref<1x80x32xf32, #tpu.memory_space<vmem>> -> memref<80x32xf32, #tpu.memory_space<vmem>>
    %dma_start3A_92 = arith.constant 0 : i32
    %dma_start3A_93 = tpu.memref_slice %arg5[%dma_start3A_85, %dma_start3A_92] : memref<250x80xi32, #tpu.memory_space<vmem>> -> memref<1x80xi32, #tpu.memory_space<vmem>>
    %dma_start3A_94 = tpu.memref_squeeze %dma_start3A_93 : memref<1x80xi32, #tpu.memory_space<vmem>> -> memref<80xi32, #tpu.memory_space<vmem>>
    %dma_start3A_95 = arith.constant 0 : i32
    %dma_start3A_96 = arith.constant 0 : i32
    %dma_start3A_97 = tpu.memref_slice %arg2[%arg0, %dma_start3A_95, %dma_start3A_96] : memref<2x10000x32xf32, #tpu.memory_space<hbm>> -> memref<1x10000x32xf32, #tpu.memory_space<hbm>>
    %dma_start3A_98 = tpu.memref_squeeze %dma_start3A_97 : memref<1x10000x32xf32, #tpu.memory_space<hbm>> -> memref<10000x32xf32, #tpu.memory_space<hbm>>
    %dma_start3A_99 = arith.constant 0 : i32
    %dma_start3A_100 = arith.constant 0 : i32
    %dma_start3A_101 = tpu.memref_slice %dma_start3A_98[%dma_start3A_99, %dma_start3A_100] : memref<10000x32xf32, #tpu.memory_space<hbm>> -> memref<10000x32xf32, #tpu.memory_space<hbm>>
    %dma_start3A_102 = tpu.memref_slice %arg9[%dma_start3A_87] : memref<5x!tpu.dma_semaphore, #tpu.memory_space<semaphore_mem>> -> memref<1x!tpu.dma_semaphore, #tpu.memory_space<semaphore_mem>>
    %dma_start3A_103 = tpu.memref_squeeze %dma_start3A_102 : memref<1x!tpu.dma_semaphore, #tpu.memory_space<semaphore_mem>> -> memref<!tpu.dma_semaphore, #tpu.memory_space<semaphore_mem>>
    tpu.enqueue_indirect_dma source(%dma_start3A_101 : memref<10000x32xf32, #tpu.memory_space<hbm>>) target(%dma_start3A_91 : memref<80x32xf32, #tpu.memory_space<vmem>>) offsets(%dma_start3A_94 : memref<80xi32, #tpu.memory_space<vmem>>) semaphore(%dma_start3A_103 : memref<!tpu.dma_semaphore, #tpu.memory_space<semaphore_mem>>)
    %scan3A_104 = arith.constant 0 : i32
    %scan3A_105 = arith.constant 50 : i32
    %scan3A_106 = arith.addi %scan3A_104, %scan3A_105 : i32
    %scan3A_107 = arith.constant 1 : i32
    scf.for %scan3A_112 = %scan3A_104 to %scan3A_106 step %scan3A_107  : i32 {
      %mul3A = arith.constant 5 : i32
      %mul3A_113 = arith.muli %scan3A_112, %mul3A : i32
      %add3A = arith.constant 0 : i32
      %add3A_114 = arith.addi %add3A, %mul3A_113 : i32
      %add3A_115 = arith.constant 0 : i32
      %add3A_116 = arith.addi %add3A_114, %add3A_115 : i32
      %dma_wait3A = arith.constant 0 : i32
      %dma_wait3A_117 = arith.constant 0 : i32
      %dma_wait3A_118 = arith.constant 0 : i32
      %dma_wait3A_119 = arith.constant 0 : i32
      %dma_wait3A_120 = tpu.memref_slice %arg7[%dma_wait3A, %dma_wait3A_118, %dma_wait3A_119] : memref<5x80x32xf32, #tpu.memory_space<vmem>> -> memref<1x80x32xf32, #tpu.memory_space<vmem>>
      %dma_wait3A_121 = tpu.memref_squeeze %dma_wait3A_120 : memref<1x80x32xf32, #tpu.memory_space<vmem>> -> memref<80x32xf32, #tpu.memory_space<vmem>>
      %dma_wait3A_122 = arith.constant 0 : i32
      %dma_wait3A_123 = tpu.memref_slice %arg5[%add3A_116, %dma_wait3A_122] : memref<250x80xi32, #tpu.memory_space<vmem>> -> memref<1x80xi32, #tpu.memory_space<vmem>>
      %dma_wait3A_124 = tpu.memref_squeeze %dma_wait3A_123 : memref<1x80xi32, #tpu.memory_space<vmem>> -> memref<80xi32, #tpu.memory_space<vmem>>
      %dma_wait3A_125 = arith.constant 0 : i32
      %dma_wait3A_126 = arith.constant 0 : i32
      %dma_wait3A_127 = tpu.memref_slice %arg2[%arg0, %dma_wait3A_125, %dma_wait3A_126] : memref<2x10000x32xf32, #tpu.memory_space<hbm>> -> memref<1x10000x32xf32, #tpu.memory_space<hbm>>
      %dma_wait3A_128 = tpu.memref_squeeze %dma_wait3A_127 : memref<1x10000x32xf32, #tpu.memory_space<hbm>> -> memref<10000x32xf32, #tpu.memory_space<hbm>>
      %dma_wait3A_129 = arith.constant 0 : i32
      %dma_wait3A_130 = arith.constant 0 : i32
      %dma_wait3A_131 = tpu.memref_slice %dma_wait3A_128[%dma_wait3A_129, %dma_wait3A_130] : memref<10000x32xf32, #tpu.memory_space<hbm>> -> memref<10000x32xf32, #tpu.memory_space<hbm>>
      %dma_wait3A_132 = tpu.memref_slice %arg9[%dma_wait3A_117] : memref<5x!tpu.dma_semaphore, #tpu.memory_space<semaphore_mem>> -> memref<1x!tpu.dma_semaphore, #tpu.memory_space<semaphore_mem>>
      %dma_wait3A_133 = tpu.memref_squeeze %dma_wait3A_132 : memref<1x!tpu.dma_semaphore, #tpu.memory_space<semaphore_mem>> -> memref<!tpu.dma_semaphore, #tpu.memory_space<semaphore_mem>>
      tpu.wait_indirect_dma semaphore(%dma_wait3A_133 : memref<!tpu.dma_semaphore, #tpu.memory_space<semaphore_mem>>) src(%dma_wait3A_131 : memref<10000x32xf32, #tpu.memory_space<hbm>>) dst(%dma_wait3A_121 : memref<80x32xf32, #tpu.memory_space<vmem>>)
      %dma_start3A_134 = arith.constant 0 : i32
      %dma_start3A_135 = arith.constant 0 : i32
      %dma_start3A_136 = arith.constant 0 : i32
      %dma_start3A_137 = arith.constant 0 : i32
      %dma_start3A_138 = tpu.memref_slice %arg7[%dma_start3A_134, %dma_start3A_136, %dma_start3A_137] : memref<5x80x32xf32, #tpu.memory_space<vmem>> -> memref<1x80x32xf32, #tpu.memory_space<vmem>>
      %dma_start3A_139 = tpu.memref_squeeze %dma_start3A_138 : memref<1x80x32xf32, #tpu.memory_space<vmem>> -> memref<80x32xf32, #tpu.memory_space<vmem>>
      %dma_start3A_140 = arith.constant 0 : i32
      %dma_start3A_141 = tpu.memref_slice %arg6[%add3A_116, %dma_start3A_140] : memref<250x80xi32, #tpu.memory_space<vmem>> -> memref<1x80xi32, #tpu.memory_space<vmem>>
      %dma_start3A_142 = tpu.memref_squeeze %dma_start3A_141 : memref<1x80xi32, #tpu.memory_space<vmem>> -> memref<80xi32, #tpu.memory_space<vmem>>
      %dma_start3A_143 = arith.constant 0 : i32
      %dma_start3A_144 = arith.constant 0 : i32
      %dma_start3A_145 = tpu.memref_slice %arg8[%dma_start3A_143, %dma_start3A_144] : memref<10000x32xf32, #tpu.memory_space<vmem_shared>> -> memref<10000x32xf32, #tpu.memory_space<vmem_shared>>
      %dma_start3A_146 = tpu.memref_slice %arg10[%dma_start3A_135] : memref<5x!tpu.dma_semaphore, #tpu.memory_space<semaphore_mem>> -> memref<1x!tpu.dma_semaphore, #tpu.memory_space<semaphore_mem>>
      %dma_start3A_147 = tpu.memref_squeeze %dma_start3A_146 : memref<1x!tpu.dma_semaphore, #tpu.memory_space<semaphore_mem>> -> memref<!tpu.dma_semaphore, #tpu.memory_space<semaphore_mem>>
      tpu.enqueue_indirect_dma source(%dma_start3A_139 : memref<80x32xf32, #tpu.memory_space<vmem>>) target(%dma_start3A_145 : memref<10000x32xf32, #tpu.memory_space<vmem_shared>>) offsets(%dma_start3A_142 : memref<80xi32, #tpu.memory_space<vmem>>) semaphore(%dma_start3A_147 : memref<!tpu.dma_semaphore, #tpu.memory_space<semaphore_mem>>) {add = true}
      %add3A_148 = arith.constant 1 : i32
      %add3A_149 = arith.addi %add3A_114, %add3A_148 : i32
      %dma_wait3A_150 = arith.constant 1 : i32
      %dma_wait3A_151 = arith.constant 1 : i32
      %dma_wait3A_152 = arith.constant 0 : i32
      %dma_wait3A_153 = arith.constant 0 : i32
      %dma_wait3A_154 = tpu.memref_slice %arg7[%dma_wait3A_150, %dma_wait3A_152, %dma_wait3A_153] : memref<5x80x32xf32, #tpu.memory_space<vmem>> -> memref<1x80x32xf32, #tpu.memory_space<vmem>>
      %dma_wait3A_155 = tpu.memref_squeeze %dma_wait3A_154 : memref<1x80x32xf32, #tpu.memory_space<vmem>> -> memref<80x32xf32, #tpu.memory_space<vmem>>
      %dma_wait3A_156 = arith.constant 0 : i32
      %dma_wait3A_157 = tpu.memref_slice %arg5[%add3A_149, %dma_wait3A_156] : memref<250x80xi32, #tpu.memory_space<vmem>> -> memref<1x80xi32, #tpu.memory_space<vmem>>
      %dma_wait3A_158 = tpu.memref_squeeze %dma_wait3A_157 : memref<1x80xi32, #tpu.memory_space<vmem>> -> memref<80xi32, #tpu.memory_space<vmem>>
      %dma_wait3A_159 = arith.constant 0 : i32
      %dma_wait3A_160 = arith.constant 0 : i32
      %dma_wait3A_161 = tpu.memref_slice %arg2[%arg0, %dma_wait3A_159, %dma_wait3A_160] : memref<2x10000x32xf32, #tpu.memory_space<hbm>> -> memref<1x10000x32xf32, #tpu.memory_space<hbm>>
      %dma_wait3A_162 = tpu.memref_squeeze %dma_wait3A_161 : memref<1x10000x32xf32, #tpu.memory_space<hbm>> -> memref<10000x32xf32, #tpu.memory_space<hbm>>
      %dma_wait3A_163 = arith.constant 0 : i32
      %dma_wait3A_164 = arith.constant 0 : i32
      %dma_wait3A_165 = tpu.memref_slice %dma_wait3A_162[%dma_wait3A_163, %dma_wait3A_164] : memref<10000x32xf32, #tpu.memory_space<hbm>> -> memref<10000x32xf32, #tpu.memory_space<hbm>>
      %dma_wait3A_166 = tpu.memref_slice %arg9[%dma_wait3A_151] : memref<5x!tpu.dma_semaphore, #tpu.memory_space<semaphore_mem>> -> memref<1x!tpu.dma_semaphore, #tpu.memory_space<semaphore_mem>>
      %dma_wait3A_167 = tpu.memref_squeeze %dma_wait3A_166 : memref<1x!tpu.dma_semaphore, #tpu.memory_space<semaphore_mem>> -> memref<!tpu.dma_semaphore, #tpu.memory_space<semaphore_mem>>
      tpu.wait_indirect_dma semaphore(%dma_wait3A_167 : memref<!tpu.dma_semaphore, #tpu.memory_space<semaphore_mem>>) src(%dma_wait3A_165 : memref<10000x32xf32, #tpu.memory_space<hbm>>) dst(%dma_wait3A_155 : memref<80x32xf32, #tpu.memory_space<vmem>>)
      %dma_start3A_168 = arith.constant 1 : i32
      %dma_start3A_169 = arith.constant 1 : i32
      %dma_start3A_170 = arith.constant 0 : i32
      %dma_start3A_171 = arith.constant 0 : i32
      %dma_start3A_172 = tpu.memref_slice %arg7[%dma_start3A_168, %dma_start3A_170, %dma_start3A_171] : memref<5x80x32xf32, #tpu.memory_space<vmem>> -> memref<1x80x32xf32, #tpu.memory_space<vmem>>
      %dma_start3A_173 = tpu.memref_squeeze %dma_start3A_172 : memref<1x80x32xf32, #tpu.memory_space<vmem>> -> memref<80x32xf32, #tpu.memory_space<vmem>>
      %dma_start3A_174 = arith.constant 0 : i32
      %dma_start3A_175 = tpu.memref_slice %arg6[%add3A_149, %dma_start3A_174] : memref<250x80xi32, #tpu.memory_space<vmem>> -> memref<1x80xi32, #tpu.memory_space<vmem>>
      %dma_start3A_176 = tpu.memref_squeeze %dma_start3A_175 : memref<1x80xi32, #tpu.memory_space<vmem>> -> memref<80xi32, #tpu.memory_space<vmem>>
      %dma_start3A_177 = arith.constant 0 : i32
      %dma_start3A_178 = arith.constant 0 : i32
      %dma_start3A_179 = tpu.memref_slice %arg8[%dma_start3A_177, %dma_start3A_178] : memref<10000x32xf32, #tpu.memory_space<vmem_shared>> -> memref<10000x32xf32, #tpu.memory_space<vmem_shared>>
      %dma_start3A_180 = tpu.memref_slice %arg10[%dma_start3A_169] : memref<5x!tpu.dma_semaphore, #tpu.memory_space<semaphore_mem>> -> memref<1x!tpu.dma_semaphore, #tpu.memory_space<semaphore_mem>>
      %dma_start3A_181 = tpu.memref_squeeze %dma_start3A_180 : memref<1x!tpu.dma_semaphore, #tpu.memory_space<semaphore_mem>> -> memref<!tpu.dma_semaphore, #tpu.memory_space<semaphore_mem>>
      tpu.enqueue_indirect_dma source(%dma_start3A_173 : memref<80x32xf32, #tpu.memory_space<vmem>>) target(%dma_start3A_179 : memref<10000x32xf32, #tpu.memory_space<vmem_shared>>) offsets(%dma_start3A_176 : memref<80xi32, #tpu.memory_space<vmem>>) semaphore(%dma_start3A_181 : memref<!tpu.dma_semaphore, #tpu.memory_space<semaphore_mem>>) {add = true}
      %add3A_182 = arith.constant 2 : i32
      %add3A_183 = arith.addi %add3A_114, %add3A_182 : i32
      %dma_wait3A_184 = arith.constant 2 : i32
      %dma_wait3A_185 = arith.constant 2 : i32
      %dma_wait3A_186 = arith.constant 0 : i32
      %dma_wait3A_187 = arith.constant 0 : i32
      %dma_wait3A_188 = tpu.memref_slice %arg7[%dma_wait3A_184, %dma_wait3A_186, %dma_wait3A_187] : memref<5x80x32xf32, #tpu.memory_space<vmem>> -> memref<1x80x32xf32, #tpu.memory_space<vmem>>
      %dma_wait3A_189 = tpu.memref_squeeze %dma_wait3A_188 : memref<1x80x32xf32, #tpu.memory_space<vmem>> -> memref<80x32xf32, #tpu.memory_space<vmem>>
      %dma_wait3A_190 = arith.constant 0 : i32
      %dma_wait3A_191 = tpu.memref_slice %arg5[%add3A_183, %dma_wait3A_190] : memref<250x80xi32, #tpu.memory_space<vmem>> -> memref<1x80xi32, #tpu.memory_space<vmem>>
      %dma_wait3A_192 = tpu.memref_squeeze %dma_wait3A_191 : memref<1x80xi32, #tpu.memory_space<vmem>> -> memref<80xi32, #tpu.memory_space<vmem>>
      %dma_wait3A_193 = arith.constant 0 : i32
      %dma_wait3A_194 = arith.constant 0 : i32
      %dma_wait3A_195 = tpu.memref_slice %arg2[%arg0, %dma_wait3A_193, %dma_wait3A_194] : memref<2x10000x32xf32, #tpu.memory_space<hbm>> -> memref<1x10000x32xf32, #tpu.memory_space<hbm>>
      %dma_wait3A_196 = tpu.memref_squeeze %dma_wait3A_195 : memref<1x10000x32xf32, #tpu.memory_space<hbm>> -> memref<10000x32xf32, #tpu.memory_space<hbm>>
      %dma_wait3A_197 = arith.constant 0 : i32
      %dma_wait3A_198 = arith.constant 0 : i32
      %dma_wait3A_199 = tpu.memref_slice %dma_wait3A_196[%dma_wait3A_197, %dma_wait3A_198] : memref<10000x32xf32, #tpu.memory_space<hbm>> -> memref<10000x32xf32, #tpu.memory_space<hbm>>
      %dma_wait3A_200 = tpu.memref_slice %arg9[%dma_wait3A_185] : memref<5x!tpu.dma_semaphore, #tpu.memory_space<semaphore_mem>> -> memref<1x!tpu.dma_semaphore, #tpu.memory_space<semaphore_mem>>
      %dma_wait3A_201 = tpu.memref_squeeze %dma_wait3A_200 : memref<1x!tpu.dma_semaphore, #tpu.memory_space<semaphore_mem>> -> memref<!tpu.dma_semaphore, #tpu.memory_space<semaphore_mem>>
      tpu.wait_indirect_dma semaphore(%dma_wait3A_201 : memref<!tpu.dma_semaphore, #tpu.memory_space<semaphore_mem>>) src(%dma_wait3A_199 : memref<10000x32xf32, #tpu.memory_space<hbm>>) dst(%dma_wait3A_189 : memref<80x32xf32, #tpu.memory_space<vmem>>)
      %dma_start3A_202 = arith.constant 2 : i32
      %dma_start3A_203 = arith.constant 2 : i32
      %dma_start3A_204 = arith.constant 0 : i32
      %dma_start3A_205 = arith.constant 0 : i32
      %dma_start3A_206 = tpu.memref_slice %arg7[%dma_start3A_202, %dma_start3A_204, %dma_start3A_205] : memref<5x80x32xf32, #tpu.memory_space<vmem>> -> memref<1x80x32xf32, #tpu.memory_space<vmem>>
      %dma_start3A_207 = tpu.memref_squeeze %dma_start3A_206 : memref<1x80x32xf32, #tpu.memory_space<vmem>> -> memref<80x32xf32, #tpu.memory_space<vmem>>
      %dma_start3A_208 = arith.constant 0 : i32
      %dma_start3A_209 = tpu.memref_slice %arg6[%add3A_183, %dma_start3A_208] : memref<250x80xi32, #tpu.memory_space<vmem>> -> memref<1x80xi32, #tpu.memory_space<vmem>>
      %dma_start3A_210 = tpu.memref_squeeze %dma_start3A_209 : memref<1x80xi32, #tpu.memory_space<vmem>> -> memref<80xi32, #tpu.memory_space<vmem>>
      %dma_start3A_211 = arith.constant 0 : i32
      %dma_start3A_212 = arith.constant 0 : i32
      %dma_start3A_213 = tpu.memref_slice %arg8[%dma_start3A_211, %dma_start3A_212] : memref<10000x32xf32, #tpu.memory_space<vmem_shared>> -> memref<10000x32xf32, #tpu.memory_space<vmem_shared>>
      %dma_start3A_214 = tpu.memref_slice %arg10[%dma_start3A_203] : memref<5x!tpu.dma_semaphore, #tpu.memory_space<semaphore_mem>> -> memref<1x!tpu.dma_semaphore, #tpu.memory_space<semaphore_mem>>
      %dma_start3A_215 = tpu.memref_squeeze %dma_start3A_214 : memref<1x!tpu.dma_semaphore, #tpu.memory_space<semaphore_mem>> -> memref<!tpu.dma_semaphore, #tpu.memory_space<semaphore_mem>>
      tpu.enqueue_indirect_dma source(%dma_start3A_207 : memref<80x32xf32, #tpu.memory_space<vmem>>) target(%dma_start3A_213 : memref<10000x32xf32, #tpu.memory_space<vmem_shared>>) offsets(%dma_start3A_210 : memref<80xi32, #tpu.memory_space<vmem>>) semaphore(%dma_start3A_215 : memref<!tpu.dma_semaphore, #tpu.memory_space<semaphore_mem>>) {add = true}
      %add3A_216 = arith.constant 3 : i32
      %add3A_217 = arith.addi %add3A_114, %add3A_216 : i32
      %dma_wait3A_218 = arith.constant 3 : i32
      %dma_wait3A_219 = arith.constant 3 : i32
      %dma_wait3A_220 = arith.constant 0 : i32
      %dma_wait3A_221 = arith.constant 0 : i32
      %dma_wait3A_222 = tpu.memref_slice %arg7[%dma_wait3A_218, %dma_wait3A_220, %dma_wait3A_221] : memref<5x80x32xf32, #tpu.memory_space<vmem>> -> memref<1x80x32xf32, #tpu.memory_space<vmem>>
      %dma_wait3A_223 = tpu.memref_squeeze %dma_wait3A_222 : memref<1x80x32xf32, #tpu.memory_space<vmem>> -> memref<80x32xf32, #tpu.memory_space<vmem>>
      %dma_wait3A_224 = arith.constant 0 : i32
      %dma_wait3A_225 = tpu.memref_slice %arg5[%add3A_217, %dma_wait3A_224] : memref<250x80xi32, #tpu.memory_space<vmem>> -> memref<1x80xi32, #tpu.memory_space<vmem>>
      %dma_wait3A_226 = tpu.memref_squeeze %dma_wait3A_225 : memref<1x80xi32, #tpu.memory_space<vmem>> -> memref<80xi32, #tpu.memory_space<vmem>>
      %dma_wait3A_227 = arith.constant 0 : i32
      %dma_wait3A_228 = arith.constant 0 : i32
      %dma_wait3A_229 = tpu.memref_slice %arg2[%arg0, %dma_wait3A_227, %dma_wait3A_228] : memref<2x10000x32xf32, #tpu.memory_space<hbm>> -> memref<1x10000x32xf32, #tpu.memory_space<hbm>>
      %dma_wait3A_230 = tpu.memref_squeeze %dma_wait3A_229 : memref<1x10000x32xf32, #tpu.memory_space<hbm>> -> memref<10000x32xf32, #tpu.memory_space<hbm>>
      %dma_wait3A_231 = arith.constant 0 : i32
      %dma_wait3A_232 = arith.constant 0 : i32
      %dma_wait3A_233 = tpu.memref_slice %dma_wait3A_230[%dma_wait3A_231, %dma_wait3A_232] : memref<10000x32xf32, #tpu.memory_space<hbm>> -> memref<10000x32xf32, #tpu.memory_space<hbm>>
      %dma_wait3A_234 = tpu.memref_slice %arg9[%dma_wait3A_219] : memref<5x!tpu.dma_semaphore, #tpu.memory_space<semaphore_mem>> -> memref<1x!tpu.dma_semaphore, #tpu.memory_space<semaphore_mem>>
      %dma_wait3A_235 = tpu.memref_squeeze %dma_wait3A_234 : memref<1x!tpu.dma_semaphore, #tpu.memory_space<semaphore_mem>> -> memref<!tpu.dma_semaphore, #tpu.memory_space<semaphore_mem>>
      tpu.wait_indirect_dma semaphore(%dma_wait3A_235 : memref<!tpu.dma_semaphore, #tpu.memory_space<semaphore_mem>>) src(%dma_wait3A_233 : memref<10000x32xf32, #tpu.memory_space<hbm>>) dst(%dma_wait3A_223 : memref<80x32xf32, #tpu.memory_space<vmem>>)
      %dma_start3A_236 = arith.constant 3 : i32
      %dma_start3A_237 = arith.constant 3 : i32
      %dma_start3A_238 = arith.constant 0 : i32
      %dma_start3A_239 = arith.constant 0 : i32
      %dma_start3A_240 = tpu.memref_slice %arg7[%dma_start3A_236, %dma_start3A_238, %dma_start3A_239] : memref<5x80x32xf32, #tpu.memory_space<vmem>> -> memref<1x80x32xf32, #tpu.memory_space<vmem>>
      %dma_start3A_241 = tpu.memref_squeeze %dma_start3A_240 : memref<1x80x32xf32, #tpu.memory_space<vmem>> -> memref<80x32xf32, #tpu.memory_space<vmem>>
      %dma_start3A_242 = arith.constant 0 : i32
      %dma_start3A_243 = tpu.memref_slice %arg6[%add3A_217, %dma_start3A_242] : memref<250x80xi32, #tpu.memory_space<vmem>> -> memref<1x80xi32, #tpu.memory_space<vmem>>
      %dma_start3A_244 = tpu.memref_squeeze %dma_start3A_243 : memref<1x80xi32, #tpu.memory_space<vmem>> -> memref<80xi32, #tpu.memory_space<vmem>>
      %dma_start3A_245 = arith.constant 0 : i32
      %dma_start3A_246 = arith.constant 0 : i32
      %dma_start3A_247 = tpu.memref_slice %arg8[%dma_start3A_245, %dma_start3A_246] : memref<10000x32xf32, #tpu.memory_space<vmem_shared>> -> memref<10000x32xf32, #tpu.memory_space<vmem_shared>>
      %dma_start3A_248 = tpu.memref_slice %arg10[%dma_start3A_237] : memref<5x!tpu.dma_semaphore, #tpu.memory_space<semaphore_mem>> -> memref<1x!tpu.dma_semaphore, #tpu.memory_space<semaphore_mem>>
      %dma_start3A_249 = tpu.memref_squeeze %dma_start3A_248 : memref<1x!tpu.dma_semaphore, #tpu.memory_space<semaphore_mem>> -> memref<!tpu.dma_semaphore, #tpu.memory_space<semaphore_mem>>
      tpu.enqueue_indirect_dma source(%dma_start3A_241 : memref<80x32xf32, #tpu.memory_space<vmem>>) target(%dma_start3A_247 : memref<10000x32xf32, #tpu.memory_space<vmem_shared>>) offsets(%dma_start3A_244 : memref<80xi32, #tpu.memory_space<vmem>>) semaphore(%dma_start3A_249 : memref<!tpu.dma_semaphore, #tpu.memory_space<semaphore_mem>>) {add = true}
      %add3A_250 = arith.constant 4 : i32
      %add3A_251 = arith.addi %add3A_114, %add3A_250 : i32
      %dma_wait3A_252 = arith.constant 4 : i32
      %dma_wait3A_253 = arith.constant 4 : i32
      %dma_wait3A_254 = arith.constant 0 : i32
      %dma_wait3A_255 = arith.constant 0 : i32
      %dma_wait3A_256 = tpu.memref_slice %arg7[%dma_wait3A_252, %dma_wait3A_254, %dma_wait3A_255] : memref<5x80x32xf32, #tpu.memory_space<vmem>> -> memref<1x80x32xf32, #tpu.memory_space<vmem>>
      %dma_wait3A_257 = tpu.memref_squeeze %dma_wait3A_256 : memref<1x80x32xf32, #tpu.memory_space<vmem>> -> memref<80x32xf32, #tpu.memory_space<vmem>>
      %dma_wait3A_258 = arith.constant 0 : i32
      %dma_wait3A_259 = tpu.memref_slice %arg5[%add3A_251, %dma_wait3A_258] : memref<250x80xi32, #tpu.memory_space<vmem>> -> memref<1x80xi32, #tpu.memory_space<vmem>>
      %dma_wait3A_260 = tpu.memref_squeeze %dma_wait3A_259 : memref<1x80xi32, #tpu.memory_space<vmem>> -> memref<80xi32, #tpu.memory_space<vmem>>
      %dma_wait3A_261 = arith.constant 0 : i32
      %dma_wait3A_262 = arith.constant 0 : i32
      %dma_wait3A_263 = tpu.memref_slice %arg2[%arg0, %dma_wait3A_261, %dma_wait3A_262] : memref<2x10000x32xf32, #tpu.memory_space<hbm>> -> memref<1x10000x32xf32, #tpu.memory_space<hbm>>
      %dma_wait3A_264 = tpu.memref_squeeze %dma_wait3A_263 : memref<1x10000x32xf32, #tpu.memory_space<hbm>> -> memref<10000x32xf32, #tpu.memory_space<hbm>>
      %dma_wait3A_265 = arith.constant 0 : i32
      %dma_wait3A_266 = arith.constant 0 : i32
      %dma_wait3A_267 = tpu.memref_slice %dma_wait3A_264[%dma_wait3A_265, %dma_wait3A_266] : memref<10000x32xf32, #tpu.memory_space<hbm>> -> memref<10000x32xf32, #tpu.memory_space<hbm>>
      %dma_wait3A_268 = tpu.memref_slice %arg9[%dma_wait3A_253] : memref<5x!tpu.dma_semaphore, #tpu.memory_space<semaphore_mem>> -> memref<1x!tpu.dma_semaphore, #tpu.memory_space<semaphore_mem>>
      %dma_wait3A_269 = tpu.memref_squeeze %dma_wait3A_268 : memref<1x!tpu.dma_semaphore, #tpu.memory_space<semaphore_mem>> -> memref<!tpu.dma_semaphore, #tpu.memory_space<semaphore_mem>>
      tpu.wait_indirect_dma semaphore(%dma_wait3A_269 : memref<!tpu.dma_semaphore, #tpu.memory_space<semaphore_mem>>) src(%dma_wait3A_267 : memref<10000x32xf32, #tpu.memory_space<hbm>>) dst(%dma_wait3A_257 : memref<80x32xf32, #tpu.memory_space<vmem>>)
      %dma_start3A_270 = arith.constant 4 : i32
      %dma_start3A_271 = arith.constant 4 : i32
      %dma_start3A_272 = arith.constant 0 : i32
      %dma_start3A_273 = arith.constant 0 : i32
      %dma_start3A_274 = tpu.memref_slice %arg7[%dma_start3A_270, %dma_start3A_272, %dma_start3A_273] : memref<5x80x32xf32, #tpu.memory_space<vmem>> -> memref<1x80x32xf32, #tpu.memory_space<vmem>>
      %dma_start3A_275 = tpu.memref_squeeze %dma_start3A_274 : memref<1x80x32xf32, #tpu.memory_space<vmem>> -> memref<80x32xf32, #tpu.memory_space<vmem>>
      %dma_start3A_276 = arith.constant 0 : i32
      %dma_start3A_277 = tpu.memref_slice %arg6[%add3A_251, %dma_start3A_276] : memref<250x80xi32, #tpu.memory_space<vmem>> -> memref<1x80xi32, #tpu.memory_space<vmem>>
      %dma_start3A_278 = tpu.memref_squeeze %dma_start3A_277 : memref<1x80xi32, #tpu.memory_space<vmem>> -> memref<80xi32, #tpu.memory_space<vmem>>
      %dma_start3A_279 = arith.constant 0 : i32
      %dma_start3A_280 = arith.constant 0 : i32
      %dma_start3A_281 = tpu.memref_slice %arg8[%dma_start3A_279, %dma_start3A_280] : memref<10000x32xf32, #tpu.memory_space<vmem_shared>> -> memref<10000x32xf32, #tpu.memory_space<vmem_shared>>
      %dma_start3A_282 = tpu.memref_slice %arg10[%dma_start3A_271] : memref<5x!tpu.dma_semaphore, #tpu.memory_space<semaphore_mem>> -> memref<1x!tpu.dma_semaphore, #tpu.memory_space<semaphore_mem>>
      %dma_start3A_283 = tpu.memref_squeeze %dma_start3A_282 : memref<1x!tpu.dma_semaphore, #tpu.memory_space<semaphore_mem>> -> memref<!tpu.dma_semaphore, #tpu.memory_space<semaphore_mem>>
      tpu.enqueue_indirect_dma source(%dma_start3A_275 : memref<80x32xf32, #tpu.memory_space<vmem>>) target(%dma_start3A_281 : memref<10000x32xf32, #tpu.memory_space<vmem_shared>>) offsets(%dma_start3A_278 : memref<80xi32, #tpu.memory_space<vmem>>) semaphore(%dma_start3A_283 : memref<!tpu.dma_semaphore, #tpu.memory_space<semaphore_mem>>) {add = true}
      %add3A_284 = arith.constant 0 : i32
      %add3A_285 = arith.addi %add3A_114, %add3A_284 : i32
      %add3A_286 = arith.constant 5 : i32
      %add3A_287 = arith.addi %add3A_114, %add3A_286 : i32
      %add3A_288 = arith.constant 0 : i32
      %add3A_289 = arith.addi %add3A_287, %add3A_288 : i32
      %dma_wait3A_290 = arith.constant 0 : i32
      %dma_wait3A_291 = arith.constant 0 : i32
      %dma_wait3A_292 = arith.constant 0 : i32
      %dma_wait3A_293 = arith.constant 0 : i32
      %dma_wait3A_294 = tpu.memref_slice %arg7[%dma_wait3A_290, %dma_wait3A_292, %dma_wait3A_293] : memref<5x80x32xf32, #tpu.memory_space<vmem>> -> memref<1x80x32xf32, #tpu.memory_space<vmem>>
      %dma_wait3A_295 = tpu.memref_squeeze %dma_wait3A_294 : memref<1x80x32xf32, #tpu.memory_space<vmem>> -> memref<80x32xf32, #tpu.memory_space<vmem>>
      %dma_wait3A_296 = arith.constant 0 : i32
      %dma_wait3A_297 = tpu.memref_slice %arg6[%add3A_285, %dma_wait3A_296] : memref<250x80xi32, #tpu.memory_space<vmem>> -> memref<1x80xi32, #tpu.memory_space<vmem>>
      %dma_wait3A_298 = tpu.memref_squeeze %dma_wait3A_297 : memref<1x80xi32, #tpu.memory_space<vmem>> -> memref<80xi32, #tpu.memory_space<vmem>>
      %dma_wait3A_299 = arith.constant 0 : i32
      %dma_wait3A_300 = arith.constant 0 : i32
      %dma_wait3A_301 = tpu.memref_slice %arg8[%dma_wait3A_299, %dma_wait3A_300] : memref<10000x32xf32, #tpu.memory_space<vmem_shared>> -> memref<10000x32xf32, #tpu.memory_space<vmem_shared>>
      %dma_wait3A_302 = tpu.memref_slice %arg10[%dma_wait3A_291] : memref<5x!tpu.dma_semaphore, #tpu.memory_space<semaphore_mem>> -> memref<1x!tpu.dma_semaphore, #tpu.memory_space<semaphore_mem>>
      %dma_wait3A_303 = tpu.memref_squeeze %dma_wait3A_302 : memref<1x!tpu.dma_semaphore, #tpu.memory_space<semaphore_mem>> -> memref<!tpu.dma_semaphore, #tpu.memory_space<semaphore_mem>>
      tpu.wait_indirect_dma semaphore(%dma_wait3A_303 : memref<!tpu.dma_semaphore, #tpu.memory_space<semaphore_mem>>) src(%dma_wait3A_295 : memref<80x32xf32, #tpu.memory_space<vmem>>) dst(%dma_wait3A_301 : memref<10000x32xf32, #tpu.memory_space<vmem_shared>>)
      %lt3A = arith.constant 250 : i32
      %lt3A_304 = arith.cmpi slt, %add3A_289, %lt3A : i32
      %convert_element_type3A_305 = arith.extui %lt3A_304 : i1 to i32
      %cond3A_306 = arith.constant 0 : i32
      %cond3A_307 = arith.cmpi ne, %convert_element_type3A_305, %cond3A_306 : i32
      scf.if %cond3A_307 {
        %dma_start3A_408 = arith.constant 0 : i32
        %dma_start3A_409 = arith.constant 0 : i32
        %dma_start3A_410 = arith.constant 0 : i32
        %dma_start3A_411 = arith.constant 0 : i32
        %dma_start3A_412 = tpu.memref_slice %arg7[%dma_start3A_408, %dma_start3A_410, %dma_start3A_411] : memref<5x80x32xf32, #tpu.memory_space<vmem>> -> memref<1x80x32xf32, #tpu.memory_space<vmem>>
        %dma_start3A_413 = tpu.memref_squeeze %dma_start3A_412 : memref<1x80x32xf32, #tpu.memory_space<vmem>> -> memref<80x32xf32, #tpu.memory_space<vmem>>
        %dma_start3A_414 = arith.constant 0 : i32
        %dma_start3A_415 = tpu.memref_slice %arg5[%add3A_289, %dma_start3A_414] : memref<250x80xi32, #tpu.memory_space<vmem>> -> memref<1x80xi32, #tpu.memory_space<vmem>>
        %dma_start3A_416 = tpu.memref_squeeze %dma_start3A_415 : memref<1x80xi32, #tpu.memory_space<vmem>> -> memref<80xi32, #tpu.memory_space<vmem>>
        %dma_start3A_417 = arith.constant 0 : i32
        %dma_start3A_418 = arith.constant 0 : i32
        %dma_start3A_419 = tpu.memref_slice %arg2[%arg0, %dma_start3A_417, %dma_start3A_418] : memref<2x10000x32xf32, #tpu.memory_space<hbm>> -> memref<1x10000x32xf32, #tpu.memory_space<hbm>>
        %dma_start3A_420 = tpu.memref_squeeze %dma_start3A_419 : memref<1x10000x32xf32, #tpu.memory_space<hbm>> -> memref<10000x32xf32, #tpu.memory_space<hbm>>
        %dma_start3A_421 = arith.constant 0 : i32
        %dma_start3A_422 = arith.constant 0 : i32
        %dma_start3A_423 = tpu.memref_slice %dma_start3A_420[%dma_start3A_421, %dma_start3A_422] : memref<10000x32xf32, #tpu.memory_space<hbm>> -> memref<10000x32xf32, #tpu.memory_space<hbm>>
        %dma_start3A_424 = tpu.memref_slice %arg9[%dma_start3A_409] : memref<5x!tpu.dma_semaphore, #tpu.memory_space<semaphore_mem>> -> memref<1x!tpu.dma_semaphore, #tpu.memory_space<semaphore_mem>>
        %dma_start3A_425 = tpu.memref_squeeze %dma_start3A_424 : memref<1x!tpu.dma_semaphore, #tpu.memory_space<semaphore_mem>> -> memref<!tpu.dma_semaphore, #tpu.memory_space<semaphore_mem>>
        tpu.enqueue_indirect_dma source(%dma_start3A_423 : memref<10000x32xf32, #tpu.memory_space<hbm>>) target(%dma_start3A_413 : memref<80x32xf32, #tpu.memory_space<vmem>>) offsets(%dma_start3A_416 : memref<80xi32, #tpu.memory_space<vmem>>) semaphore(%dma_start3A_425 : memref<!tpu.dma_semaphore, #tpu.memory_space<semaphore_mem>>)
      } else {
      }
      %add3A_308 = arith.constant 1 : i32
      %add3A_309 = arith.addi %add3A_114, %add3A_308 : i32
      %add3A_310 = arith.constant 5 : i32
      %add3A_311 = arith.addi %add3A_114, %add3A_310 : i32
      %add3A_312 = arith.constant 1 : i32
      %add3A_313 = arith.addi %add3A_311, %add3A_312 : i32
      %dma_wait3A_314 = arith.constant 1 : i32
      %dma_wait3A_315 = arith.constant 1 : i32
      %dma_wait3A_316 = arith.constant 0 : i32
      %dma_wait3A_317 = arith.constant 0 : i32
      %dma_wait3A_318 = tpu.memref_slice %arg7[%dma_wait3A_314, %dma_wait3A_316, %dma_wait3A_317] : memref<5x80x32xf32, #tpu.memory_space<vmem>> -> memref<1x80x32xf32, #tpu.memory_space<vmem>>
      %dma_wait3A_319 = tpu.memref_squeeze %dma_wait3A_318 : memref<1x80x32xf32, #tpu.memory_space<vmem>> -> memref<80x32xf32, #tpu.memory_space<vmem>>
      %dma_wait3A_320 = arith.constant 0 : i32
      %dma_wait3A_321 = tpu.memref_slice %arg6[%add3A_309, %dma_wait3A_320] : memref<250x80xi32, #tpu.memory_space<vmem>> -> memref<1x80xi32, #tpu.memory_space<vmem>>
      %dma_wait3A_322 = tpu.memref_squeeze %dma_wait3A_321 : memref<1x80xi32, #tpu.memory_space<vmem>> -> memref<80xi32, #tpu.memory_space<vmem>>
      %dma_wait3A_323 = arith.constant 0 : i32
      %dma_wait3A_324 = arith.constant 0 : i32
      %dma_wait3A_325 = tpu.memref_slice %arg8[%dma_wait3A_323, %dma_wait3A_324] : memref<10000x32xf32, #tpu.memory_space<vmem_shared>> -> memref<10000x32xf32, #tpu.memory_space<vmem_shared>>
      %dma_wait3A_326 = tpu.memref_slice %arg10[%dma_wait3A_315] : memref<5x!tpu.dma_semaphore, #tpu.memory_space<semaphore_mem>> -> memref<1x!tpu.dma_semaphore, #tpu.memory_space<semaphore_mem>>
      %dma_wait3A_327 = tpu.memref_squeeze %dma_wait3A_326 : memref<1x!tpu.dma_semaphore, #tpu.memory_space<semaphore_mem>> -> memref<!tpu.dma_semaphore, #tpu.memory_space<semaphore_mem>>
      tpu.wait_indirect_dma semaphore(%dma_wait3A_327 : memref<!tpu.dma_semaphore, #tpu.memory_space<semaphore_mem>>) src(%dma_wait3A_319 : memref<80x32xf32, #tpu.memory_space<vmem>>) dst(%dma_wait3A_325 : memref<10000x32xf32, #tpu.memory_space<vmem_shared>>)
      %lt3A_328 = arith.constant 250 : i32
      %lt3A_329 = arith.cmpi slt, %add3A_313, %lt3A_328 : i32
      %convert_element_type3A_330 = arith.extui %lt3A_329 : i1 to i32
      %cond3A_331 = arith.constant 0 : i32
      %cond3A_332 = arith.cmpi ne, %convert_element_type3A_330, %cond3A_331 : i32
      scf.if %cond3A_332 {
        %dma_start3A_408 = arith.constant 1 : i32
        %dma_start3A_409 = arith.constant 1 : i32
        %dma_start3A_410 = arith.constant 0 : i32
        %dma_start3A_411 = arith.constant 0 : i32
        %dma_start3A_412 = tpu.memref_slice %arg7[%dma_start3A_408, %dma_start3A_410, %dma_start3A_411] : memref<5x80x32xf32, #tpu.memory_space<vmem>> -> memref<1x80x32xf32, #tpu.memory_space<vmem>>
        %dma_start3A_413 = tpu.memref_squeeze %dma_start3A_412 : memref<1x80x32xf32, #tpu.memory_space<vmem>> -> memref<80x32xf32, #tpu.memory_space<vmem>>
        %dma_start3A_414 = arith.constant 0 : i32
        %dma_start3A_415 = tpu.memref_slice %arg5[%add3A_313, %dma_start3A_414] : memref<250x80xi32, #tpu.memory_space<vmem>> -> memref<1x80xi32, #tpu.memory_space<vmem>>
        %dma_start3A_416 = tpu.memref_squeeze %dma_start3A_415 : memref<1x80xi32, #tpu.memory_space<vmem>> -> memref<80xi32, #tpu.memory_space<vmem>>
        %dma_start3A_417 = arith.constant 0 : i32
        %dma_start3A_418 = arith.constant 0 : i32
        %dma_start3A_419 = tpu.memref_slice %arg2[%arg0, %dma_start3A_417, %dma_start3A_418] : memref<2x10000x32xf32, #tpu.memory_space<hbm>> -> memref<1x10000x32xf32, #tpu.memory_space<hbm>>
        %dma_start3A_420 = tpu.memref_squeeze %dma_start3A_419 : memref<1x10000x32xf32, #tpu.memory_space<hbm>> -> memref<10000x32xf32, #tpu.memory_space<hbm>>
        %dma_start3A_421 = arith.constant 0 : i32
        %dma_start3A_422 = arith.constant 0 : i32
        %dma_start3A_423 = tpu.memref_slice %dma_start3A_420[%dma_start3A_421, %dma_start3A_422] : memref<10000x32xf32, #tpu.memory_space<hbm>> -> memref<10000x32xf32, #tpu.memory_space<hbm>>
        %dma_start3A_424 = tpu.memref_slice %arg9[%dma_start3A_409] : memref<5x!tpu.dma_semaphore, #tpu.memory_space<semaphore_mem>> -> memref<1x!tpu.dma_semaphore, #tpu.memory_space<semaphore_mem>>
        %dma_start3A_425 = tpu.memref_squeeze %dma_start3A_424 : memref<1x!tpu.dma_semaphore, #tpu.memory_space<semaphore_mem>> -> memref<!tpu.dma_semaphore, #tpu.memory_space<semaphore_mem>>
        tpu.enqueue_indirect_dma source(%dma_start3A_423 : memref<10000x32xf32, #tpu.memory_space<hbm>>) target(%dma_start3A_413 : memref<80x32xf32, #tpu.memory_space<vmem>>) offsets(%dma_start3A_416 : memref<80xi32, #tpu.memory_space<vmem>>) semaphore(%dma_start3A_425 : memref<!tpu.dma_semaphore, #tpu.memory_space<semaphore_mem>>)
      } else {
      }
      %add3A_333 = arith.constant 2 : i32
      %add3A_334 = arith.addi %add3A_114, %add3A_333 : i32
      %add3A_335 = arith.constant 5 : i32
      %add3A_336 = arith.addi %add3A_114, %add3A_335 : i32
      %add3A_337 = arith.constant 2 : i32
      %add3A_338 = arith.addi %add3A_336, %add3A_337 : i32
      %dma_wait3A_339 = arith.constant 2 : i32
      %dma_wait3A_340 = arith.constant 2 : i32
      %dma_wait3A_341 = arith.constant 0 : i32
      %dma_wait3A_342 = arith.constant 0 : i32
      %dma_wait3A_343 = tpu.memref_slice %arg7[%dma_wait3A_339, %dma_wait3A_341, %dma_wait3A_342] : memref<5x80x32xf32, #tpu.memory_space<vmem>> -> memref<1x80x32xf32, #tpu.memory_space<vmem>>
      %dma_wait3A_344 = tpu.memref_squeeze %dma_wait3A_343 : memref<1x80x32xf32, #tpu.memory_space<vmem>> -> memref<80x32xf32, #tpu.memory_space<vmem>>
      %dma_wait3A_345 = arith.constant 0 : i32
      %dma_wait3A_346 = tpu.memref_slice %arg6[%add3A_334, %dma_wait3A_345] : memref<250x80xi32, #tpu.memory_space<vmem>> -> memref<1x80xi32, #tpu.memory_space<vmem>>
      %dma_wait3A_347 = tpu.memref_squeeze %dma_wait3A_346 : memref<1x80xi32, #tpu.memory_space<vmem>> -> memref<80xi32, #tpu.memory_space<vmem>>
      %dma_wait3A_348 = arith.constant 0 : i32
      %dma_wait3A_349 = arith.constant 0 : i32
      %dma_wait3A_350 = tpu.memref_slice %arg8[%dma_wait3A_348, %dma_wait3A_349] : memref<10000x32xf32, #tpu.memory_space<vmem_shared>> -> memref<10000x32xf32, #tpu.memory_space<vmem_shared>>
      %dma_wait3A_351 = tpu.memref_slice %arg10[%dma_wait3A_340] : memref<5x!tpu.dma_semaphore, #tpu.memory_space<semaphore_mem>> -> memref<1x!tpu.dma_semaphore, #tpu.memory_space<semaphore_mem>>
      %dma_wait3A_352 = tpu.memref_squeeze %dma_wait3A_351 : memref<1x!tpu.dma_semaphore, #tpu.memory_space<semaphore_mem>> -> memref<!tpu.dma_semaphore, #tpu.memory_space<semaphore_mem>>
      tpu.wait_indirect_dma semaphore(%dma_wait3A_352 : memref<!tpu.dma_semaphore, #tpu.memory_space<semaphore_mem>>) src(%dma_wait3A_344 : memref<80x32xf32, #tpu.memory_space<vmem>>) dst(%dma_wait3A_350 : memref<10000x32xf32, #tpu.memory_space<vmem_shared>>)
      %lt3A_353 = arith.constant 250 : i32
      %lt3A_354 = arith.cmpi slt, %add3A_338, %lt3A_353 : i32
      %convert_element_type3A_355 = arith.extui %lt3A_354 : i1 to i32
      %cond3A_356 = arith.constant 0 : i32
      %cond3A_357 = arith.cmpi ne, %convert_element_type3A_355, %cond3A_356 : i32
      scf.if %cond3A_357 {
        %dma_start3A_408 = arith.constant 2 : i32
        %dma_start3A_409 = arith.constant 2 : i32
        %dma_start3A_410 = arith.constant 0 : i32
        %dma_start3A_411 = arith.constant 0 : i32
        %dma_start3A_412 = tpu.memref_slice %arg7[%dma_start3A_408, %dma_start3A_410, %dma_start3A_411] : memref<5x80x32xf32, #tpu.memory_space<vmem>> -> memref<1x80x32xf32, #tpu.memory_space<vmem>>
        %dma_start3A_413 = tpu.memref_squeeze %dma_start3A_412 : memref<1x80x32xf32, #tpu.memory_space<vmem>> -> memref<80x32xf32, #tpu.memory_space<vmem>>
        %dma_start3A_414 = arith.constant 0 : i32
        %dma_start3A_415 = tpu.memref_slice %arg5[%add3A_338, %dma_start3A_414] : memref<250x80xi32, #tpu.memory_space<vmem>> -> memref<1x80xi32, #tpu.memory_space<vmem>>
        %dma_start3A_416 = tpu.memref_squeeze %dma_start3A_415 : memref<1x80xi32, #tpu.memory_space<vmem>> -> memref<80xi32, #tpu.memory_space<vmem>>
        %dma_start3A_417 = arith.constant 0 : i32
        %dma_start3A_418 = arith.constant 0 : i32
        %dma_start3A_419 = tpu.memref_slice %arg2[%arg0, %dma_start3A_417, %dma_start3A_418] : memref<2x10000x32xf32, #tpu.memory_space<hbm>> -> memref<1x10000x32xf32, #tpu.memory_space<hbm>>
        %dma_start3A_420 = tpu.memref_squeeze %dma_start3A_419 : memref<1x10000x32xf32, #tpu.memory_space<hbm>> -> memref<10000x32xf32, #tpu.memory_space<hbm>>
        %dma_start3A_421 = arith.constant 0 : i32
        %dma_start3A_422 = arith.constant 0 : i32
        %dma_start3A_423 = tpu.memref_slice %dma_start3A_420[%dma_start3A_421, %dma_start3A_422] : memref<10000x32xf32, #tpu.memory_space<hbm>> -> memref<10000x32xf32, #tpu.memory_space<hbm>>
        %dma_start3A_424 = tpu.memref_slice %arg9[%dma_start3A_409] : memref<5x!tpu.dma_semaphore, #tpu.memory_space<semaphore_mem>> -> memref<1x!tpu.dma_semaphore, #tpu.memory_space<semaphore_mem>>
        %dma_start3A_425 = tpu.memref_squeeze %dma_start3A_424 : memref<1x!tpu.dma_semaphore, #tpu.memory_space<semaphore_mem>> -> memref<!tpu.dma_semaphore, #tpu.memory_space<semaphore_mem>>
        tpu.enqueue_indirect_dma source(%dma_start3A_423 : memref<10000x32xf32, #tpu.memory_space<hbm>>) target(%dma_start3A_413 : memref<80x32xf32, #tpu.memory_space<vmem>>) offsets(%dma_start3A_416 : memref<80xi32, #tpu.memory_space<vmem>>) semaphore(%dma_start3A_425 : memref<!tpu.dma_semaphore, #tpu.memory_space<semaphore_mem>>)
      } else {
      }
      %add3A_358 = arith.constant 3 : i32
      %add3A_359 = arith.addi %add3A_114, %add3A_358 : i32
      %add3A_360 = arith.constant 5 : i32
      %add3A_361 = arith.addi %add3A_114, %add3A_360 : i32
      %add3A_362 = arith.constant 3 : i32
      %add3A_363 = arith.addi %add3A_361, %add3A_362 : i32
      %dma_wait3A_364 = arith.constant 3 : i32
      %dma_wait3A_365 = arith.constant 3 : i32
      %dma_wait3A_366 = arith.constant 0 : i32
      %dma_wait3A_367 = arith.constant 0 : i32
      %dma_wait3A_368 = tpu.memref_slice %arg7[%dma_wait3A_364, %dma_wait3A_366, %dma_wait3A_367] : memref<5x80x32xf32, #tpu.memory_space<vmem>> -> memref<1x80x32xf32, #tpu.memory_space<vmem>>
      %dma_wait3A_369 = tpu.memref_squeeze %dma_wait3A_368 : memref<1x80x32xf32, #tpu.memory_space<vmem>> -> memref<80x32xf32, #tpu.memory_space<vmem>>
      %dma_wait3A_370 = arith.constant 0 : i32
      %dma_wait3A_371 = tpu.memref_slice %arg6[%add3A_359, %dma_wait3A_370] : memref<250x80xi32, #tpu.memory_space<vmem>> -> memref<1x80xi32, #tpu.memory_space<vmem>>
      %dma_wait3A_372 = tpu.memref_squeeze %dma_wait3A_371 : memref<1x80xi32, #tpu.memory_space<vmem>> -> memref<80xi32, #tpu.memory_space<vmem>>
      %dma_wait3A_373 = arith.constant 0 : i32
      %dma_wait3A_374 = arith.constant 0 : i32
      %dma_wait3A_375 = tpu.memref_slice %arg8[%dma_wait3A_373, %dma_wait3A_374] : memref<10000x32xf32, #tpu.memory_space<vmem_shared>> -> memref<10000x32xf32, #tpu.memory_space<vmem_shared>>
      %dma_wait3A_376 = tpu.memref_slice %arg10[%dma_wait3A_365] : memref<5x!tpu.dma_semaphore, #tpu.memory_space<semaphore_mem>> -> memref<1x!tpu.dma_semaphore, #tpu.memory_space<semaphore_mem>>
      %dma_wait3A_377 = tpu.memref_squeeze %dma_wait3A_376 : memref<1x!tpu.dma_semaphore, #tpu.memory_space<semaphore_mem>> -> memref<!tpu.dma_semaphore, #tpu.memory_space<semaphore_mem>>
      tpu.wait_indirect_dma semaphore(%dma_wait3A_377 : memref<!tpu.dma_semaphore, #tpu.memory_space<semaphore_mem>>) src(%dma_wait3A_369 : memref<80x32xf32, #tpu.memory_space<vmem>>) dst(%dma_wait3A_375 : memref<10000x32xf32, #tpu.memory_space<vmem_shared>>)
      %lt3A_378 = arith.constant 250 : i32
      %lt3A_379 = arith.cmpi slt, %add3A_363, %lt3A_378 : i32
      %convert_element_type3A_380 = arith.extui %lt3A_379 : i1 to i32
      %cond3A_381 = arith.constant 0 : i32
      %cond3A_382 = arith.cmpi ne, %convert_element_type3A_380, %cond3A_381 : i32
      scf.if %cond3A_382 {
        %dma_start3A_408 = arith.constant 3 : i32
        %dma_start3A_409 = arith.constant 3 : i32
        %dma_start3A_410 = arith.constant 0 : i32
        %dma_start3A_411 = arith.constant 0 : i32
        %dma_start3A_412 = tpu.memref_slice %arg7[%dma_start3A_408, %dma_start3A_410, %dma_start3A_411] : memref<5x80x32xf32, #tpu.memory_space<vmem>> -> memref<1x80x32xf32, #tpu.memory_space<vmem>>
        %dma_start3A_413 = tpu.memref_squeeze %dma_start3A_412 : memref<1x80x32xf32, #tpu.memory_space<vmem>> -> memref<80x32xf32, #tpu.memory_space<vmem>>
        %dma_start3A_414 = arith.constant 0 : i32
        %dma_start3A_415 = tpu.memref_slice %arg5[%add3A_363, %dma_start3A_414] : memref<250x80xi32, #tpu.memory_space<vmem>> -> memref<1x80xi32, #tpu.memory_space<vmem>>
        %dma_start3A_416 = tpu.memref_squeeze %dma_start3A_415 : memref<1x80xi32, #tpu.memory_space<vmem>> -> memref<80xi32, #tpu.memory_space<vmem>>
        %dma_start3A_417 = arith.constant 0 : i32
        %dma_start3A_418 = arith.constant 0 : i32
        %dma_start3A_419 = tpu.memref_slice %arg2[%arg0, %dma_start3A_417, %dma_start3A_418] : memref<2x10000x32xf32, #tpu.memory_space<hbm>> -> memref<1x10000x32xf32, #tpu.memory_space<hbm>>
        %dma_start3A_420 = tpu.memref_squeeze %dma_start3A_419 : memref<1x10000x32xf32, #tpu.memory_space<hbm>> -> memref<10000x32xf32, #tpu.memory_space<hbm>>
        %dma_start3A_421 = arith.constant 0 : i32
        %dma_start3A_422 = arith.constant 0 : i32
        %dma_start3A_423 = tpu.memref_slice %dma_start3A_420[%dma_start3A_421, %dma_start3A_422] : memref<10000x32xf32, #tpu.memory_space<hbm>> -> memref<10000x32xf32, #tpu.memory_space<hbm>>
        %dma_start3A_424 = tpu.memref_slice %arg9[%dma_start3A_409] : memref<5x!tpu.dma_semaphore, #tpu.memory_space<semaphore_mem>> -> memref<1x!tpu.dma_semaphore, #tpu.memory_space<semaphore_mem>>
        %dma_start3A_425 = tpu.memref_squeeze %dma_start3A_424 : memref<1x!tpu.dma_semaphore, #tpu.memory_space<semaphore_mem>> -> memref<!tpu.dma_semaphore, #tpu.memory_space<semaphore_mem>>
        tpu.enqueue_indirect_dma source(%dma_start3A_423 : memref<10000x32xf32, #tpu.memory_space<hbm>>) target(%dma_start3A_413 : memref<80x32xf32, #tpu.memory_space<vmem>>) offsets(%dma_start3A_416 : memref<80xi32, #tpu.memory_space<vmem>>) semaphore(%dma_start3A_425 : memref<!tpu.dma_semaphore, #tpu.memory_space<semaphore_mem>>)
      } else {
      }
      %add3A_383 = arith.constant 4 : i32
      %add3A_384 = arith.addi %add3A_114, %add3A_383 : i32
      %add3A_385 = arith.constant 5 : i32
      %add3A_386 = arith.addi %add3A_114, %add3A_385 : i32
      %add3A_387 = arith.constant 4 : i32
      %add3A_388 = arith.addi %add3A_386, %add3A_387 : i32
      %dma_wait3A_389 = arith.constant 4 : i32
      %dma_wait3A_390 = arith.constant 4 : i32
      %dma_wait3A_391 = arith.constant 0 : i32
      %dma_wait3A_392 = arith.constant 0 : i32
      %dma_wait3A_393 = tpu.memref_slice %arg7[%dma_wait3A_389, %dma_wait3A_391, %dma_wait3A_392] : memref<5x80x32xf32, #tpu.memory_space<vmem>> -> memref<1x80x32xf32, #tpu.memory_space<vmem>>
      %dma_wait3A_394 = tpu.memref_squeeze %dma_wait3A_393 : memref<1x80x32xf32, #tpu.memory_space<vmem>> -> memref<80x32xf32, #tpu.memory_space<vmem>>
      %dma_wait3A_395 = arith.constant 0 : i32
      %dma_wait3A_396 = tpu.memref_slice %arg6[%add3A_384, %dma_wait3A_395] : memref<250x80xi32, #tpu.memory_space<vmem>> -> memref<1x80xi32, #tpu.memory_space<vmem>>
      %dma_wait3A_397 = tpu.memref_squeeze %dma_wait3A_396 : memref<1x80xi32, #tpu.memory_space<vmem>> -> memref<80xi32, #tpu.memory_space<vmem>>
      %dma_wait3A_398 = arith.constant 0 : i32
      %dma_wait3A_399 = arith.constant 0 : i32
      %dma_wait3A_400 = tpu.memref_slice %arg8[%dma_wait3A_398, %dma_wait3A_399] : memref<10000x32xf32, #tpu.memory_space<vmem_shared>> -> memref<10000x32xf32, #tpu.memory_space<vmem_shared>>
      %dma_wait3A_401 = tpu.memref_slice %arg10[%dma_wait3A_390] : memref<5x!tpu.dma_semaphore, #tpu.memory_space<semaphore_mem>> -> memref<1x!tpu.dma_semaphore, #tpu.memory_space<semaphore_mem>>
      %dma_wait3A_402 = tpu.memref_squeeze %dma_wait3A_401 : memref<1x!tpu.dma_semaphore, #tpu.memory_space<semaphore_mem>> -> memref<!tpu.dma_semaphore, #tpu.memory_space<semaphore_mem>>
      tpu.wait_indirect_dma semaphore(%dma_wait3A_402 : memref<!tpu.dma_semaphore, #tpu.memory_space<semaphore_mem>>) src(%dma_wait3A_394 : memref<80x32xf32, #tpu.memory_space<vmem>>) dst(%dma_wait3A_400 : memref<10000x32xf32, #tpu.memory_space<vmem_shared>>)
      %lt3A_403 = arith.constant 250 : i32
      %lt3A_404 = arith.cmpi slt, %add3A_388, %lt3A_403 : i32
      %convert_element_type3A_405 = arith.extui %lt3A_404 : i1 to i32
      %cond3A_406 = arith.constant 0 : i32
      %cond3A_407 = arith.cmpi ne, %convert_element_type3A_405, %cond3A_406 : i32
      scf.if %cond3A_407 {
        %dma_start3A_408 = arith.constant 4 : i32
        %dma_start3A_409 = arith.constant 4 : i32
        %dma_start3A_410 = arith.constant 0 : i32
        %dma_start3A_411 = arith.constant 0 : i32
        %dma_start3A_412 = tpu.memref_slice %arg7[%dma_start3A_408, %dma_start3A_410, %dma_start3A_411] : memref<5x80x32xf32, #tpu.memory_space<vmem>> -> memref<1x80x32xf32, #tpu.memory_space<vmem>>
        %dma_start3A_413 = tpu.memref_squeeze %dma_start3A_412 : memref<1x80x32xf32, #tpu.memory_space<vmem>> -> memref<80x32xf32, #tpu.memory_space<vmem>>
        %dma_start3A_414 = arith.constant 0 : i32
        %dma_start3A_415 = tpu.memref_slice %arg5[%add3A_388, %dma_start3A_414] : memref<250x80xi32, #tpu.memory_space<vmem>> -> memref<1x80xi32, #tpu.memory_space<vmem>>
        %dma_start3A_416 = tpu.memref_squeeze %dma_start3A_415 : memref<1x80xi32, #tpu.memory_space<vmem>> -> memref<80xi32, #tpu.memory_space<vmem>>
        %dma_start3A_417 = arith.constant 0 : i32
        %dma_start3A_418 = arith.constant 0 : i32
        %dma_start3A_419 = tpu.memref_slice %arg2[%arg0, %dma_start3A_417, %dma_start3A_418] : memref<2x10000x32xf32, #tpu.memory_space<hbm>> -> memref<1x10000x32xf32, #tpu.memory_space<hbm>>
        %dma_start3A_420 = tpu.memref_squeeze %dma_start3A_419 : memref<1x10000x32xf32, #tpu.memory_space<hbm>> -> memref<10000x32xf32, #tpu.memory_space<hbm>>
        %dma_start3A_421 = arith.constant 0 : i32
        %dma_start3A_422 = arith.constant 0 : i32
        %dma_start3A_423 = tpu.memref_slice %dma_start3A_420[%dma_start3A_421, %dma_start3A_422] : memref<10000x32xf32, #tpu.memory_space<hbm>> -> memref<10000x32xf32, #tpu.memory_space<hbm>>
        %dma_start3A_424 = tpu.memref_slice %arg9[%dma_start3A_409] : memref<5x!tpu.dma_semaphore, #tpu.memory_space<semaphore_mem>> -> memref<1x!tpu.dma_semaphore, #tpu.memory_space<semaphore_mem>>
        %dma_start3A_425 = tpu.memref_squeeze %dma_start3A_424 : memref<1x!tpu.dma_semaphore, #tpu.memory_space<semaphore_mem>> -> memref<!tpu.dma_semaphore, #tpu.memory_space<semaphore_mem>>
        tpu.enqueue_indirect_dma source(%dma_start3A_423 : memref<10000x32xf32, #tpu.memory_space<hbm>>) target(%dma_start3A_413 : memref<80x32xf32, #tpu.memory_space<vmem>>) offsets(%dma_start3A_416 : memref<80xi32, #tpu.memory_space<vmem>>) semaphore(%dma_start3A_425 : memref<!tpu.dma_semaphore, #tpu.memory_space<semaphore_mem>>)
      } else {
      }
    }
    %scan3A_108 = arith.constant 50 : i32
    %barrier3A_109 = arith.constant 0 : index
    tpu.barrier barrier_id(%barrier3A_109)
    %eq3A = arith.constant 0 : i32
    %eq3A_110 = arith.cmpi eq, %arg1, %eq3A : i32
    %convert_element_type3A = arith.extui %eq3A_110 : i1 to i32
    %cond3A = arith.constant 0 : i32
    %cond3A_111 = arith.cmpi ne, %convert_element_type3A, %cond3A : i32
    scf.if %cond3A_111 {
      "tpu.region"() ({
        %run_scoped3A_112 = tpu.sem_alloc : memref<!tpu.dma_semaphore, #tpu.memory_space<semaphore_mem>>
        %dma_start3A_113 = arith.constant 0 : i32
        %dma_start3A_114 = arith.constant 0 : i32
        %dma_start3A_115 = tpu.memref_slice %arg4[%arg0, %dma_start3A_113, %dma_start3A_114] : memref<2x10000x32xf32, #tpu.memory_space<hbm>> -> memref<1x10000x32xf32, #tpu.memory_space<hbm>>
        %dma_start3A_116 = tpu.memref_squeeze %dma_start3A_115 : memref<1x10000x32xf32, #tpu.memory_space<hbm>> -> memref<10000x32xf32, #tpu.memory_space<hbm>>
        tpu.enqueue_dma source(%arg8 : memref<10000x32xf32, #tpu.memory_space<vmem_shared>>) target(%dma_start3A_116 : memref<10000x32xf32, #tpu.memory_space<hbm>>) target_semaphore(%run_scoped3A_112 : memref<!tpu.dma_semaphore, #tpu.memory_space<semaphore_mem>>)
        %dma_wait3A = arith.constant 0 : i32
        %dma_wait3A_117 = arith.constant 0 : i32
        %dma_wait3A_118 = tpu.memref_slice %arg4[%arg0, %dma_wait3A, %dma_wait3A_117] : memref<2x10000x32xf32, #tpu.memory_space<hbm>> -> memref<1x10000x32xf32, #tpu.memory_space<hbm>>
        %dma_wait3A_119 = tpu.memref_squeeze %dma_wait3A_118 : memref<1x10000x32xf32, #tpu.memory_space<hbm>> -> memref<10000x32xf32, #tpu.memory_space<hbm>>
        tpu.wait_dma2 semaphore(%run_scoped3A_112 : memref<!tpu.dma_semaphore, #tpu.memory_space<semaphore_mem>>) src(%arg8 : memref<10000x32xf32, #tpu.memory_space<vmem_shared>>) dst(%dma_wait3A_119 : memref<10000x32xf32, #tpu.memory_space<hbm>>)
        tpu.yield
      }) : () -> ()
    } else {
    }
    return
  }
}

#map = affine_map<(d0, d1) -> (0, 0, 0)>
#map1 = affine_map<(d0, d1) -> (0, 0, 0, 0)>
module attributes {stable_mosaic.version = 14 : i64} {
  func.func @agg_kernel(%arg0: i32, %arg1: i32, %arg2: memref<2x10000x64xf32, #tpu.memory_space<hbm>>, %arg3: memref<2x16x250x80xi32, #tpu.memory_space<hbm>>, %arg4: memref<2x10000x64xf32, #tpu.memory_space<hbm>>, %arg5: memref<250x80xi32, #tpu.memory_space<vmem>>, %arg6: memref<250x80xi32, #tpu.memory_space<vmem>>, %arg7: memref<5x80x64xf32, #tpu.memory_space<vmem>>, %arg8: memref<10000x64xf32, #tpu.memory_space<vmem_shared>>, %arg9: memref<5x!tpu.dma_semaphore, #tpu.memory_space<semaphore_mem>>, %arg10: memref<5x!tpu.dma_semaphore, #tpu.memory_space<semaphore_mem>>) attributes {dimension_semantics = [#tpu.dimension_semantics<core_parallel>, #tpu.dimension_semantics<subcore_parallel>], iteration_bounds = array<i64: 2, 16>, scalar_prefetch = 0 : i64, scratch_operands = 6 : i64, tpu.core_type = #tpu.core_type<sc_vector_subcore>, window_params = [{transform_indices = #map}, {transform_indices = #map1}, {transform_indices = #map}]} {
    %scan3A = arith.constant 0 : i32
    %scan3A_0 = arith.constant 25 : i32
    %scan3A_1 = arith.addi %scan3A, %scan3A_0 : i32
    %scan3A_2 = arith.constant 1 : i32
    scf.for %scan3A_112 = %scan3A to %scan3A_1 step %scan3A_2  : i32 {
      %mul3A = arith.constant 1 : i32
      %mul3A_113 = arith.muli %scan3A_112, %mul3A : i32
      %add3A = arith.constant 0 : i32
      %add3A_114 = arith.addi %add3A, %mul3A_113 : i32
      %scan3A_115 = arith.constant 0 : i32
      %scan3A_116 = arith.constant 4 : i32
      %scan3A_117 = arith.addi %scan3A_115, %scan3A_116 : i32
      %scan3A_118 = arith.constant 1 : i32
      scf.for %scan3A_120 = %scan3A_115 to %scan3A_117 step %scan3A_118  : i32 {
        %mul3A_121 = arith.constant 1 : i32
        %mul3A_122 = arith.muli %scan3A_120, %mul3A_121 : i32
        %add3A_123 = arith.constant 0 : i32
        %add3A_124 = arith.addi %add3A_123, %mul3A_122 : i32
        %broadcast_in_dim3A = arith.constant 0.000000e+00 : f32
        %broadcast_in_dim3A_125 = vector.broadcast %broadcast_in_dim3A : f32 to vector<16xf32>
        %mul3A_126 = arith.constant 16 : i32
        %mul3A_127 = arith.muli %add3A_124, %mul3A_126 : i32
        %swap3A = arith.constant 0 : i32
        %swap3A_128 = arith.index_cast %swap3A : i32 to index
        %swap3A_129 = arith.index_cast %add3A_114 : i32 to index
        %swap3A_130 = arith.index_cast %mul3A_127 : i32 to index
        %swap3A_131 = tpu.vector_load %arg7[%swap3A_128, %swap3A_129, %swap3A_130] {strides = array<i32>} : memref<5x80x64xf32, #tpu.memory_space<vmem>>, vector<1x1x16xf32>,
        %swap3A_132 = vector.shape_cast %swap3A_131 : vector<1x1x16xf32> to vector<16xf32>
        %swap3A_133 = vector.shape_cast %broadcast_in_dim3A_125 : vector<16xf32> to vector<1x1x16xf32>
        tpu.vector_store %arg7[%swap3A_128, %swap3A_129, %swap3A_130], %swap3A_133 {strides = array<i32>} : memref<5x80x64xf32, #tpu.memory_space<vmem>>, vector<1x1x16xf32>,
      }
      %scan3A_119 = arith.constant 4 : i32
    }
    %scan3A_3 = arith.constant 25 : i32
    %scan3A_4 = arith.constant 0 : i32
    %scan3A_5 = arith.constant 25 : i32
    %scan3A_6 = arith.addi %scan3A_4, %scan3A_5 : i32
    %scan3A_7 = arith.constant 1 : i32
    scf.for %scan3A_112 = %scan3A_4 to %scan3A_6 step %scan3A_7  : i32 {
      %mul3A = arith.constant 1 : i32
      %mul3A_113 = arith.muli %scan3A_112, %mul3A : i32
      %add3A = arith.constant 0 : i32
      %add3A_114 = arith.addi %add3A, %mul3A_113 : i32
      %mul3A_115 = arith.constant 625 : i32
      %mul3A_116 = arith.muli %arg1, %mul3A_115 : i32
      %mul3A_117 = arith.constant 25 : i32
      %mul3A_118 = arith.muli %add3A_114, %mul3A_117 : i32
      %add3A_119 = arith.addi %mul3A_116, %mul3A_118 : i32
      %run_scoped3A_120 = arith.constant 0 : i32
      "tpu.region"() ({
        %run_scoped3A_121 = tpu.sem_alloc : memref<!tpu.dma_semaphore, #tpu.memory_space<semaphore_mem>>
        %dma_start3A_122 = arith.constant 0 : i32
        %dma_start3A_123 = arith.constant 0 : i32
        %dma_start3A_124 = tpu.memref_slice %arg7[%run_scoped3A_120, %dma_start3A_122, %dma_start3A_123] : memref<5x80x64xf32, #tpu.memory_space<vmem>> -> memref<1x80x64xf32, #tpu.memory_space<vmem>>
        %dma_start3A_125 = tpu.memref_squeeze %dma_start3A_124 : memref<1x80x64xf32, #tpu.memory_space<vmem>> -> memref<80x64xf32, #tpu.memory_space<vmem>>
        %dma_start3A_126 = arith.constant 0 : i32
        %dma_start3A_127 = arith.constant 0 : i32
        %dma_start3A_128 = tpu.memref_slice %dma_start3A_125[%dma_start3A_126, %dma_start3A_127] : memref<80x64xf32, #tpu.memory_space<vmem>> -> memref<25x64xf32, #tpu.memory_space<vmem>>
        %dma_start3A_129 = arith.constant 0 : i32
        %dma_start3A_130 = tpu.memref_slice %arg8[%add3A_119, %dma_start3A_129] : memref<10000x64xf32, #tpu.memory_space<vmem_shared>> -> memref<25x64xf32, #tpu.memory_space<vmem_shared>>
        %dma_start3A_131 = arith.constant 0 : i32
        %dma_start3A_132 = tpu.memref_slice %arg8[%add3A_119, %dma_start3A_131] : memref<10000x64xf32, #tpu.memory_space<vmem_shared>> -> memref<25x64xf32, #tpu.memory_space<vmem_shared>>
        %dma_start3A_133 = arith.constant 0 : i32
        %dma_start3A_134 = arith.constant 0 : i32
        %dma_start3A_135 = tpu.memref_slice %arg7[%run_scoped3A_120, %dma_start3A_133, %dma_start3A_134] : memref<5x80x64xf32, #tpu.memory_space<vmem>> -> memref<1x80x64xf32, #tpu.memory_space<vmem>>
        %dma_start3A_136 = tpu.memref_squeeze %dma_start3A_135 : memref<1x80x64xf32, #tpu.memory_space<vmem>> -> memref<80x64xf32, #tpu.memory_space<vmem>>
        %dma_start3A_137 = arith.constant 0 : i32
        %dma_start3A_138 = arith.constant 0 : i32
        %dma_start3A_139 = tpu.memref_slice %dma_start3A_136[%dma_start3A_137, %dma_start3A_138] : memref<80x64xf32, #tpu.memory_space<vmem>> -> memref<25x64xf32, #tpu.memory_space<vmem>>
        tpu.enqueue_dma source(%dma_start3A_139 : memref<25x64xf32, #tpu.memory_space<vmem>>) target(%dma_start3A_132 : memref<25x64xf32, #tpu.memory_space<vmem_shared>>) target_semaphore(%run_scoped3A_121 : memref<!tpu.dma_semaphore, #tpu.memory_space<semaphore_mem>>)
        %dma_wait3A = arith.constant 0 : i32
        %dma_wait3A_140 = arith.constant 0 : i32
        %dma_wait3A_141 = tpu.memref_slice %arg7[%run_scoped3A_120, %dma_wait3A, %dma_wait3A_140] : memref<5x80x64xf32, #tpu.memory_space<vmem>> -> memref<1x80x64xf32, #tpu.memory_space<vmem>>
        %dma_wait3A_142 = tpu.memref_squeeze %dma_wait3A_141 : memref<1x80x64xf32, #tpu.memory_space<vmem>> -> memref<80x64xf32, #tpu.memory_space<vmem>>
        %dma_wait3A_143 = arith.constant 0 : i32
        %dma_wait3A_144 = arith.constant 0 : i32
        %dma_wait3A_145 = tpu.memref_slice %dma_wait3A_142[%dma_wait3A_143, %dma_wait3A_144] : memref<80x64xf32, #tpu.memory_space<vmem>> -> memref<25x64xf32, #tpu.memory_space<vmem>>
        %dma_wait3A_146 = arith.constant 0 : i32
        %dma_wait3A_147 = tpu.memref_slice %arg8[%add3A_119, %dma_wait3A_146] : memref<10000x64xf32, #tpu.memory_space<vmem_shared>> -> memref<25x64xf32, #tpu.memory_space<vmem_shared>>
        %dma_wait3A_148 = arith.constant 0 : i32
        %dma_wait3A_149 = tpu.memref_slice %arg8[%add3A_119, %dma_wait3A_148] : memref<10000x64xf32, #tpu.memory_space<vmem_shared>> -> memref<25x64xf32, #tpu.memory_space<vmem_shared>>
        %dma_wait3A_150 = arith.constant 0 : i32
        %dma_wait3A_151 = arith.constant 0 : i32
        %dma_wait3A_152 = tpu.memref_slice %arg7[%run_scoped3A_120, %dma_wait3A_150, %dma_wait3A_151] : memref<5x80x64xf32, #tpu.memory_space<vmem>> -> memref<1x80x64xf32, #tpu.memory_space<vmem>>
        %dma_wait3A_153 = tpu.memref_squeeze %dma_wait3A_152 : memref<1x80x64xf32, #tpu.memory_space<vmem>> -> memref<80x64xf32, #tpu.memory_space<vmem>>
        %dma_wait3A_154 = arith.constant 0 : i32
        %dma_wait3A_155 = arith.constant 0 : i32
        %dma_wait3A_156 = tpu.memref_slice %dma_wait3A_153[%dma_wait3A_154, %dma_wait3A_155] : memref<80x64xf32, #tpu.memory_space<vmem>> -> memref<25x64xf32, #tpu.memory_space<vmem>>
        tpu.wait_dma2 semaphore(%run_scoped3A_121 : memref<!tpu.dma_semaphore, #tpu.memory_space<semaphore_mem>>) src(%dma_wait3A_156 : memref<25x64xf32, #tpu.memory_space<vmem>>) dst(%dma_wait3A_149 : memref<25x64xf32, #tpu.memory_space<vmem_shared>>)
        tpu.yield
      }) : () -> ()
    }
    %scan3A_8 = arith.constant 25 : i32
    %barrier3A = arith.constant 0 : index
    tpu.barrier barrier_id(%barrier3A)
    %run_scoped3A = arith.constant 0 : i32
    "tpu.region"() ({
      %run_scoped3A_112 = tpu.sem_alloc : memref<!tpu.dma_semaphore, #tpu.memory_space<semaphore_mem>>
      %dma_start3A_113 = arith.constant 0 : i32
      %dma_start3A_114 = arith.constant 0 : i32
      %dma_start3A_115 = arith.constant 0 : i32
      %dma_start3A_116 = tpu.memref_slice %arg3[%run_scoped3A, %dma_start3A_113, %dma_start3A_114, %dma_start3A_115] : memref<2x16x250x80xi32, #tpu.memory_space<hbm>> -> memref<1x16x250x80xi32, #tpu.memory_space<hbm>>
      %dma_start3A_117 = tpu.memref_squeeze %dma_start3A_116 : memref<1x16x250x80xi32, #tpu.memory_space<hbm>> -> memref<16x250x80xi32, #tpu.memory_space<hbm>>
      %dma_start3A_118 = arith.constant 0 : i32
      %dma_start3A_119 = arith.constant 0 : i32
      %dma_start3A_120 = tpu.memref_slice %dma_start3A_117[%arg1, %dma_start3A_118, %dma_start3A_119] : memref<16x250x80xi32, #tpu.memory_space<hbm>> -> memref<1x250x80xi32, #tpu.memory_space<hbm>>
      %dma_start3A_121 = tpu.memref_squeeze %dma_start3A_120 : memref<1x250x80xi32, #tpu.memory_space<hbm>> -> memref<250x80xi32, #tpu.memory_space<hbm>>
      %dma_start3A_122 = arith.constant 0 : i32
      %dma_start3A_123 = arith.constant 0 : i32
      %dma_start3A_124 = arith.constant 0 : i32
      %dma_start3A_125 = tpu.memref_slice %arg3[%run_scoped3A, %dma_start3A_122, %dma_start3A_123, %dma_start3A_124] : memref<2x16x250x80xi32, #tpu.memory_space<hbm>> -> memref<1x16x250x80xi32, #tpu.memory_space<hbm>>
      %dma_start3A_126 = tpu.memref_squeeze %dma_start3A_125 : memref<1x16x250x80xi32, #tpu.memory_space<hbm>> -> memref<16x250x80xi32, #tpu.memory_space<hbm>>
      %dma_start3A_127 = arith.constant 0 : i32
      %dma_start3A_128 = arith.constant 0 : i32
      %dma_start3A_129 = tpu.memref_slice %dma_start3A_126[%arg1, %dma_start3A_127, %dma_start3A_128] : memref<16x250x80xi32, #tpu.memory_space<hbm>> -> memref<1x250x80xi32, #tpu.memory_space<hbm>>
      %dma_start3A_130 = tpu.memref_squeeze %dma_start3A_129 : memref<1x250x80xi32, #tpu.memory_space<hbm>> -> memref<250x80xi32, #tpu.memory_space<hbm>>
      tpu.enqueue_dma source(%dma_start3A_130 : memref<250x80xi32, #tpu.memory_space<hbm>>) target(%arg5 : memref<250x80xi32, #tpu.memory_space<vmem>>) target_semaphore(%run_scoped3A_112 : memref<!tpu.dma_semaphore, #tpu.memory_space<semaphore_mem>>)
      %dma_wait3A = arith.constant 0 : i32
      %dma_wait3A_131 = arith.constant 0 : i32
      %dma_wait3A_132 = arith.constant 0 : i32
      %dma_wait3A_133 = tpu.memref_slice %arg3[%run_scoped3A, %dma_wait3A, %dma_wait3A_131, %dma_wait3A_132] : memref<2x16x250x80xi32, #tpu.memory_space<hbm>> -> memref<1x16x250x80xi32, #tpu.memory_space<hbm>>
      %dma_wait3A_134 = tpu.memref_squeeze %dma_wait3A_133 : memref<1x16x250x80xi32, #tpu.memory_space<hbm>> -> memref<16x250x80xi32, #tpu.memory_space<hbm>>
      %dma_wait3A_135 = arith.constant 0 : i32
      %dma_wait3A_136 = arith.constant 0 : i32
      %dma_wait3A_137 = tpu.memref_slice %dma_wait3A_134[%arg1, %dma_wait3A_135, %dma_wait3A_136] : memref<16x250x80xi32, #tpu.memory_space<hbm>> -> memref<1x250x80xi32, #tpu.memory_space<hbm>>
      %dma_wait3A_138 = tpu.memref_squeeze %dma_wait3A_137 : memref<1x250x80xi32, #tpu.memory_space<hbm>> -> memref<250x80xi32, #tpu.memory_space<hbm>>
      %dma_wait3A_139 = arith.constant 0 : i32
      %dma_wait3A_140 = arith.constant 0 : i32
      %dma_wait3A_141 = arith.constant 0 : i32
      %dma_wait3A_142 = tpu.memref_slice %arg3[%run_scoped3A, %dma_wait3A_139, %dma_wait3A_140, %dma_wait3A_141] : memref<2x16x250x80xi32, #tpu.memory_space<hbm>> -> memref<1x16x250x80xi32, #tpu.memory_space<hbm>>
      %dma_wait3A_143 = tpu.memref_squeeze %dma_wait3A_142 : memref<1x16x250x80xi32, #tpu.memory_space<hbm>> -> memref<16x250x80xi32, #tpu.memory_space<hbm>>
      %dma_wait3A_144 = arith.constant 0 : i32
      %dma_wait3A_145 = arith.constant 0 : i32
      %dma_wait3A_146 = tpu.memref_slice %dma_wait3A_143[%arg1, %dma_wait3A_144, %dma_wait3A_145] : memref<16x250x80xi32, #tpu.memory_space<hbm>> -> memref<1x250x80xi32, #tpu.memory_space<hbm>>
      %dma_wait3A_147 = tpu.memref_squeeze %dma_wait3A_146 : memref<1x250x80xi32, #tpu.memory_space<hbm>> -> memref<250x80xi32, #tpu.memory_space<hbm>>
      tpu.wait_dma2 semaphore(%run_scoped3A_112 : memref<!tpu.dma_semaphore, #tpu.memory_space<semaphore_mem>>) src(%dma_wait3A_147 : memref<250x80xi32, #tpu.memory_space<hbm>>) dst(%arg5 : memref<250x80xi32, #tpu.memory_space<vmem>>)
      tpu.yield
    }) : () -> ()
    %run_scoped3A_9 = arith.constant 1 : i32
    "tpu.region"() ({
      %run_scoped3A_112 = tpu.sem_alloc : memref<!tpu.dma_semaphore, #tpu.memory_space<semaphore_mem>>
      %dma_start3A_113 = arith.constant 0 : i32
      %dma_start3A_114 = arith.constant 0 : i32
      %dma_start3A_115 = arith.constant 0 : i32
      %dma_start3A_116 = tpu.memref_slice %arg3[%run_scoped3A_9, %dma_start3A_113, %dma_start3A_114, %dma_start3A_115] : memref<2x16x250x80xi32, #tpu.memory_space<hbm>> -> memref<1x16x250x80xi32, #tpu.memory_space<hbm>>
      %dma_start3A_117 = tpu.memref_squeeze %dma_start3A_116 : memref<1x16x250x80xi32, #tpu.memory_space<hbm>> -> memref<16x250x80xi32, #tpu.memory_space<hbm>>
      %dma_start3A_118 = arith.constant 0 : i32
      %dma_start3A_119 = arith.constant 0 : i32
      %dma_start3A_120 = tpu.memref_slice %dma_start3A_117[%arg1, %dma_start3A_118, %dma_start3A_119] : memref<16x250x80xi32, #tpu.memory_space<hbm>> -> memref<1x250x80xi32, #tpu.memory_space<hbm>>
      %dma_start3A_121 = tpu.memref_squeeze %dma_start3A_120 : memref<1x250x80xi32, #tpu.memory_space<hbm>> -> memref<250x80xi32, #tpu.memory_space<hbm>>
      %dma_start3A_122 = arith.constant 0 : i32
      %dma_start3A_123 = arith.constant 0 : i32
      %dma_start3A_124 = arith.constant 0 : i32
      %dma_start3A_125 = tpu.memref_slice %arg3[%run_scoped3A_9, %dma_start3A_122, %dma_start3A_123, %dma_start3A_124] : memref<2x16x250x80xi32, #tpu.memory_space<hbm>> -> memref<1x16x250x80xi32, #tpu.memory_space<hbm>>
      %dma_start3A_126 = tpu.memref_squeeze %dma_start3A_125 : memref<1x16x250x80xi32, #tpu.memory_space<hbm>> -> memref<16x250x80xi32, #tpu.memory_space<hbm>>
      %dma_start3A_127 = arith.constant 0 : i32
      %dma_start3A_128 = arith.constant 0 : i32
      %dma_start3A_129 = tpu.memref_slice %dma_start3A_126[%arg1, %dma_start3A_127, %dma_start3A_128] : memref<16x250x80xi32, #tpu.memory_space<hbm>> -> memref<1x250x80xi32, #tpu.memory_space<hbm>>
      %dma_start3A_130 = tpu.memref_squeeze %dma_start3A_129 : memref<1x250x80xi32, #tpu.memory_space<hbm>> -> memref<250x80xi32, #tpu.memory_space<hbm>>
      tpu.enqueue_dma source(%dma_start3A_130 : memref<250x80xi32, #tpu.memory_space<hbm>>) target(%arg6 : memref<250x80xi32, #tpu.memory_space<vmem>>) target_semaphore(%run_scoped3A_112 : memref<!tpu.dma_semaphore, #tpu.memory_space<semaphore_mem>>)
      %dma_wait3A = arith.constant 0 : i32
      %dma_wait3A_131 = arith.constant 0 : i32
      %dma_wait3A_132 = arith.constant 0 : i32
      %dma_wait3A_133 = tpu.memref_slice %arg3[%run_scoped3A_9, %dma_wait3A, %dma_wait3A_131, %dma_wait3A_132] : memref<2x16x250x80xi32, #tpu.memory_space<hbm>> -> memref<1x16x250x80xi32, #tpu.memory_space<hbm>>
      %dma_wait3A_134 = tpu.memref_squeeze %dma_wait3A_133 : memref<1x16x250x80xi32, #tpu.memory_space<hbm>> -> memref<16x250x80xi32, #tpu.memory_space<hbm>>
      %dma_wait3A_135 = arith.constant 0 : i32
      %dma_wait3A_136 = arith.constant 0 : i32
      %dma_wait3A_137 = tpu.memref_slice %dma_wait3A_134[%arg1, %dma_wait3A_135, %dma_wait3A_136] : memref<16x250x80xi32, #tpu.memory_space<hbm>> -> memref<1x250x80xi32, #tpu.memory_space<hbm>>
      %dma_wait3A_138 = tpu.memref_squeeze %dma_wait3A_137 : memref<1x250x80xi32, #tpu.memory_space<hbm>> -> memref<250x80xi32, #tpu.memory_space<hbm>>
      %dma_wait3A_139 = arith.constant 0 : i32
      %dma_wait3A_140 = arith.constant 0 : i32
      %dma_wait3A_141 = arith.constant 0 : i32
      %dma_wait3A_142 = tpu.memref_slice %arg3[%run_scoped3A_9, %dma_wait3A_139, %dma_wait3A_140, %dma_wait3A_141] : memref<2x16x250x80xi32, #tpu.memory_space<hbm>> -> memref<1x16x250x80xi32, #tpu.memory_space<hbm>>
      %dma_wait3A_143 = tpu.memref_squeeze %dma_wait3A_142 : memref<1x16x250x80xi32, #tpu.memory_space<hbm>> -> memref<16x250x80xi32, #tpu.memory_space<hbm>>
      %dma_wait3A_144 = arith.constant 0 : i32
      %dma_wait3A_145 = arith.constant 0 : i32
      %dma_wait3A_146 = tpu.memref_slice %dma_wait3A_143[%arg1, %dma_wait3A_144, %dma_wait3A_145] : memref<16x250x80xi32, #tpu.memory_space<hbm>> -> memref<1x250x80xi32, #tpu.memory_space<hbm>>
      %dma_wait3A_147 = tpu.memref_squeeze %dma_wait3A_146 : memref<1x250x80xi32, #tpu.memory_space<hbm>> -> memref<250x80xi32, #tpu.memory_space<hbm>>
      tpu.wait_dma2 semaphore(%run_scoped3A_112 : memref<!tpu.dma_semaphore, #tpu.memory_space<semaphore_mem>>) src(%dma_wait3A_147 : memref<250x80xi32, #tpu.memory_space<hbm>>) dst(%arg6 : memref<250x80xi32, #tpu.memory_space<vmem>>)
      tpu.yield
    }) : () -> ()
    %dma_start3A = arith.constant 0 : i32
    %dma_start3A_10 = arith.constant 0 : i32
    %dma_start3A_11 = arith.constant 0 : i32
    %dma_start3A_12 = arith.constant 0 : i32
    %dma_start3A_13 = arith.constant 0 : i32
    %dma_start3A_14 = tpu.memref_slice %arg7[%dma_start3A_10, %dma_start3A_12, %dma_start3A_13] : memref<5x80x64xf32, #tpu.memory_space<vmem>> -> memref<1x80x64xf32, #tpu.memory_space<vmem>>
    %dma_start3A_15 = tpu.memref_squeeze %dma_start3A_14 : memref<1x80x64xf32, #tpu.memory_space<vmem>> -> memref<80x64xf32, #tpu.memory_space<vmem>>
    %dma_start3A_16 = arith.constant 0 : i32
    %dma_start3A_17 = tpu.memref_slice %arg5[%dma_start3A, %dma_start3A_16] : memref<250x80xi32, #tpu.memory_space<vmem>> -> memref<1x80xi32, #tpu.memory_space<vmem>>
    %dma_start3A_18 = tpu.memref_squeeze %dma_start3A_17 : memref<1x80xi32, #tpu.memory_space<vmem>> -> memref<80xi32, #tpu.memory_space<vmem>>
    %dma_start3A_19 = arith.constant 0 : i32
    %dma_start3A_20 = arith.constant 0 : i32
    %dma_start3A_21 = tpu.memref_slice %arg2[%arg0, %dma_start3A_19, %dma_start3A_20] : memref<2x10000x64xf32, #tpu.memory_space<hbm>> -> memref<1x10000x64xf32, #tpu.memory_space<hbm>>
    %dma_start3A_22 = tpu.memref_squeeze %dma_start3A_21 : memref<1x10000x64xf32, #tpu.memory_space<hbm>> -> memref<10000x64xf32, #tpu.memory_space<hbm>>
    %dma_start3A_23 = arith.constant 0 : i32
    %dma_start3A_24 = arith.constant 0 : i32
    %dma_start3A_25 = tpu.memref_slice %dma_start3A_22[%dma_start3A_23, %dma_start3A_24] : memref<10000x64xf32, #tpu.memory_space<hbm>> -> memref<10000x64xf32, #tpu.memory_space<hbm>>
    %dma_start3A_26 = tpu.memref_slice %arg9[%dma_start3A_11] : memref<5x!tpu.dma_semaphore, #tpu.memory_space<semaphore_mem>> -> memref<1x!tpu.dma_semaphore, #tpu.memory_space<semaphore_mem>>
    %dma_start3A_27 = tpu.memref_squeeze %dma_start3A_26 : memref<1x!tpu.dma_semaphore, #tpu.memory_space<semaphore_mem>> -> memref<!tpu.dma_semaphore, #tpu.memory_space<semaphore_mem>>
    tpu.enqueue_indirect_dma source(%dma_start3A_25 : memref<10000x64xf32, #tpu.memory_space<hbm>>) target(%dma_start3A_15 : memref<80x64xf32, #tpu.memory_space<vmem>>) offsets(%dma_start3A_18 : memref<80xi32, #tpu.memory_space<vmem>>) semaphore(%dma_start3A_27 : memref<!tpu.dma_semaphore, #tpu.memory_space<semaphore_mem>>)
    %dma_start3A_28 = arith.constant 1 : i32
    %dma_start3A_29 = arith.constant 1 : i32
    %dma_start3A_30 = arith.constant 1 : i32
    %dma_start3A_31 = arith.constant 0 : i32
    %dma_start3A_32 = arith.constant 0 : i32
    %dma_start3A_33 = tpu.memref_slice %arg7[%dma_start3A_29, %dma_start3A_31, %dma_start3A_32] : memref<5x80x64xf32, #tpu.memory_space<vmem>> -> memref<1x80x64xf32, #tpu.memory_space<vmem>>
    %dma_start3A_34 = tpu.memref_squeeze %dma_start3A_33 : memref<1x80x64xf32, #tpu.memory_space<vmem>> -> memref<80x64xf32, #tpu.memory_space<vmem>>
    %dma_start3A_35 = arith.constant 0 : i32
    %dma_start3A_36 = tpu.memref_slice %arg5[%dma_start3A_28, %dma_start3A_35] : memref<250x80xi32, #tpu.memory_space<vmem>> -> memref<1x80xi32, #tpu.memory_space<vmem>>
    %dma_start3A_37 = tpu.memref_squeeze %dma_start3A_36 : memref<1x80xi32, #tpu.memory_space<vmem>> -> memref<80xi32, #tpu.memory_space<vmem>>
    %dma_start3A_38 = arith.constant 0 : i32
    %dma_start3A_39 = arith.constant 0 : i32
    %dma_start3A_40 = tpu.memref_slice %arg2[%arg0, %dma_start3A_38, %dma_start3A_39] : memref<2x10000x64xf32, #tpu.memory_space<hbm>> -> memref<1x10000x64xf32, #tpu.memory_space<hbm>>
    %dma_start3A_41 = tpu.memref_squeeze %dma_start3A_40 : memref<1x10000x64xf32, #tpu.memory_space<hbm>> -> memref<10000x64xf32, #tpu.memory_space<hbm>>
    %dma_start3A_42 = arith.constant 0 : i32
    %dma_start3A_43 = arith.constant 0 : i32
    %dma_start3A_44 = tpu.memref_slice %dma_start3A_41[%dma_start3A_42, %dma_start3A_43] : memref<10000x64xf32, #tpu.memory_space<hbm>> -> memref<10000x64xf32, #tpu.memory_space<hbm>>
    %dma_start3A_45 = tpu.memref_slice %arg9[%dma_start3A_30] : memref<5x!tpu.dma_semaphore, #tpu.memory_space<semaphore_mem>> -> memref<1x!tpu.dma_semaphore, #tpu.memory_space<semaphore_mem>>
    %dma_start3A_46 = tpu.memref_squeeze %dma_start3A_45 : memref<1x!tpu.dma_semaphore, #tpu.memory_space<semaphore_mem>> -> memref<!tpu.dma_semaphore, #tpu.memory_space<semaphore_mem>>
    tpu.enqueue_indirect_dma source(%dma_start3A_44 : memref<10000x64xf32, #tpu.memory_space<hbm>>) target(%dma_start3A_34 : memref<80x64xf32, #tpu.memory_space<vmem>>) offsets(%dma_start3A_37 : memref<80xi32, #tpu.memory_space<vmem>>) semaphore(%dma_start3A_46 : memref<!tpu.dma_semaphore, #tpu.memory_space<semaphore_mem>>)
    %dma_start3A_47 = arith.constant 2 : i32
    %dma_start3A_48 = arith.constant 2 : i32
    %dma_start3A_49 = arith.constant 2 : i32
    %dma_start3A_50 = arith.constant 0 : i32
    %dma_start3A_51 = arith.constant 0 : i32
    %dma_start3A_52 = tpu.memref_slice %arg7[%dma_start3A_48, %dma_start3A_50, %dma_start3A_51] : memref<5x80x64xf32, #tpu.memory_space<vmem>> -> memref<1x80x64xf32, #tpu.memory_space<vmem>>
    %dma_start3A_53 = tpu.memref_squeeze %dma_start3A_52 : memref<1x80x64xf32, #tpu.memory_space<vmem>> -> memref<80x64xf32, #tpu.memory_space<vmem>>
    %dma_start3A_54 = arith.constant 0 : i32
    %dma_start3A_55 = tpu.memref_slice %arg5[%dma_start3A_47, %dma_start3A_54] : memref<250x80xi32, #tpu.memory_space<vmem>> -> memref<1x80xi32, #tpu.memory_space<vmem>>
    %dma_start3A_56 = tpu.memref_squeeze %dma_start3A_55 : memref<1x80xi32, #tpu.memory_space<vmem>> -> memref<80xi32, #tpu.memory_space<vmem>>
    %dma_start3A_57 = arith.constant 0 : i32
    %dma_start3A_58 = arith.constant 0 : i32
    %dma_start3A_59 = tpu.memref_slice %arg2[%arg0, %dma_start3A_57, %dma_start3A_58] : memref<2x10000x64xf32, #tpu.memory_space<hbm>> -> memref<1x10000x64xf32, #tpu.memory_space<hbm>>
    %dma_start3A_60 = tpu.memref_squeeze %dma_start3A_59 : memref<1x10000x64xf32, #tpu.memory_space<hbm>> -> memref<10000x64xf32, #tpu.memory_space<hbm>>
    %dma_start3A_61 = arith.constant 0 : i32
    %dma_start3A_62 = arith.constant 0 : i32
    %dma_start3A_63 = tpu.memref_slice %dma_start3A_60[%dma_start3A_61, %dma_start3A_62] : memref<10000x64xf32, #tpu.memory_space<hbm>> -> memref<10000x64xf32, #tpu.memory_space<hbm>>
    %dma_start3A_64 = tpu.memref_slice %arg9[%dma_start3A_49] : memref<5x!tpu.dma_semaphore, #tpu.memory_space<semaphore_mem>> -> memref<1x!tpu.dma_semaphore, #tpu.memory_space<semaphore_mem>>
    %dma_start3A_65 = tpu.memref_squeeze %dma_start3A_64 : memref<1x!tpu.dma_semaphore, #tpu.memory_space<semaphore_mem>> -> memref<!tpu.dma_semaphore, #tpu.memory_space<semaphore_mem>>
    tpu.enqueue_indirect_dma source(%dma_start3A_63 : memref<10000x64xf32, #tpu.memory_space<hbm>>) target(%dma_start3A_53 : memref<80x64xf32, #tpu.memory_space<vmem>>) offsets(%dma_start3A_56 : memref<80xi32, #tpu.memory_space<vmem>>) semaphore(%dma_start3A_65 : memref<!tpu.dma_semaphore, #tpu.memory_space<semaphore_mem>>)
    %dma_start3A_66 = arith.constant 3 : i32
    %dma_start3A_67 = arith.constant 3 : i32
    %dma_start3A_68 = arith.constant 3 : i32
    %dma_start3A_69 = arith.constant 0 : i32
    %dma_start3A_70 = arith.constant 0 : i32
    %dma_start3A_71 = tpu.memref_slice %arg7[%dma_start3A_67, %dma_start3A_69, %dma_start3A_70] : memref<5x80x64xf32, #tpu.memory_space<vmem>> -> memref<1x80x64xf32, #tpu.memory_space<vmem>>
    %dma_start3A_72 = tpu.memref_squeeze %dma_start3A_71 : memref<1x80x64xf32, #tpu.memory_space<vmem>> -> memref<80x64xf32, #tpu.memory_space<vmem>>
    %dma_start3A_73 = arith.constant 0 : i32
    %dma_start3A_74 = tpu.memref_slice %arg5[%dma_start3A_66, %dma_start3A_73] : memref<250x80xi32, #tpu.memory_space<vmem>> -> memref<1x80xi32, #tpu.memory_space<vmem>>
    %dma_start3A_75 = tpu.memref_squeeze %dma_start3A_74 : memref<1x80xi32, #tpu.memory_space<vmem>> -> memref<80xi32, #tpu.memory_space<vmem>>
    %dma_start3A_76 = arith.constant 0 : i32
    %dma_start3A_77 = arith.constant 0 : i32
    %dma_start3A_78 = tpu.memref_slice %arg2[%arg0, %dma_start3A_76, %dma_start3A_77] : memref<2x10000x64xf32, #tpu.memory_space<hbm>> -> memref<1x10000x64xf32, #tpu.memory_space<hbm>>
    %dma_start3A_79 = tpu.memref_squeeze %dma_start3A_78 : memref<1x10000x64xf32, #tpu.memory_space<hbm>> -> memref<10000x64xf32, #tpu.memory_space<hbm>>
    %dma_start3A_80 = arith.constant 0 : i32
    %dma_start3A_81 = arith.constant 0 : i32
    %dma_start3A_82 = tpu.memref_slice %dma_start3A_79[%dma_start3A_80, %dma_start3A_81] : memref<10000x64xf32, #tpu.memory_space<hbm>> -> memref<10000x64xf32, #tpu.memory_space<hbm>>
    %dma_start3A_83 = tpu.memref_slice %arg9[%dma_start3A_68] : memref<5x!tpu.dma_semaphore, #tpu.memory_space<semaphore_mem>> -> memref<1x!tpu.dma_semaphore, #tpu.memory_space<semaphore_mem>>
    %dma_start3A_84 = tpu.memref_squeeze %dma_start3A_83 : memref<1x!tpu.dma_semaphore, #tpu.memory_space<semaphore_mem>> -> memref<!tpu.dma_semaphore, #tpu.memory_space<semaphore_mem>>
    tpu.enqueue_indirect_dma source(%dma_start3A_82 : memref<10000x64xf32, #tpu.memory_space<hbm>>) target(%dma_start3A_72 : memref<80x64xf32, #tpu.memory_space<vmem>>) offsets(%dma_start3A_75 : memref<80xi32, #tpu.memory_space<vmem>>) semaphore(%dma_start3A_84 : memref<!tpu.dma_semaphore, #tpu.memory_space<semaphore_mem>>)
    %dma_start3A_85 = arith.constant 4 : i32
    %dma_start3A_86 = arith.constant 4 : i32
    %dma_start3A_87 = arith.constant 4 : i32
    %dma_start3A_88 = arith.constant 0 : i32
    %dma_start3A_89 = arith.constant 0 : i32
    %dma_start3A_90 = tpu.memref_slice %arg7[%dma_start3A_86, %dma_start3A_88, %dma_start3A_89] : memref<5x80x64xf32, #tpu.memory_space<vmem>> -> memref<1x80x64xf32, #tpu.memory_space<vmem>>
    %dma_start3A_91 = tpu.memref_squeeze %dma_start3A_90 : memref<1x80x64xf32, #tpu.memory_space<vmem>> -> memref<80x64xf32, #tpu.memory_space<vmem>>
    %dma_start3A_92 = arith.constant 0 : i32
    %dma_start3A_93 = tpu.memref_slice %arg5[%dma_start3A_85, %dma_start3A_92] : memref<250x80xi32, #tpu.memory_space<vmem>> -> memref<1x80xi32, #tpu.memory_space<vmem>>
    %dma_start3A_94 = tpu.memref_squeeze %dma_start3A_93 : memref<1x80xi32, #tpu.memory_space<vmem>> -> memref<80xi32, #tpu.memory_space<vmem>>
    %dma_start3A_95 = arith.constant 0 : i32
    %dma_start3A_96 = arith.constant 0 : i32
    %dma_start3A_97 = tpu.memref_slice %arg2[%arg0, %dma_start3A_95, %dma_start3A_96] : memref<2x10000x64xf32, #tpu.memory_space<hbm>> -> memref<1x10000x64xf32, #tpu.memory_space<hbm>>
    %dma_start3A_98 = tpu.memref_squeeze %dma_start3A_97 : memref<1x10000x64xf32, #tpu.memory_space<hbm>> -> memref<10000x64xf32, #tpu.memory_space<hbm>>
    %dma_start3A_99 = arith.constant 0 : i32
    %dma_start3A_100 = arith.constant 0 : i32
    %dma_start3A_101 = tpu.memref_slice %dma_start3A_98[%dma_start3A_99, %dma_start3A_100] : memref<10000x64xf32, #tpu.memory_space<hbm>> -> memref<10000x64xf32, #tpu.memory_space<hbm>>
    %dma_start3A_102 = tpu.memref_slice %arg9[%dma_start3A_87] : memref<5x!tpu.dma_semaphore, #tpu.memory_space<semaphore_mem>> -> memref<1x!tpu.dma_semaphore, #tpu.memory_space<semaphore_mem>>
    %dma_start3A_103 = tpu.memref_squeeze %dma_start3A_102 : memref<1x!tpu.dma_semaphore, #tpu.memory_space<semaphore_mem>> -> memref<!tpu.dma_semaphore, #tpu.memory_space<semaphore_mem>>
    tpu.enqueue_indirect_dma source(%dma_start3A_101 : memref<10000x64xf32, #tpu.memory_space<hbm>>) target(%dma_start3A_91 : memref<80x64xf32, #tpu.memory_space<vmem>>) offsets(%dma_start3A_94 : memref<80xi32, #tpu.memory_space<vmem>>) semaphore(%dma_start3A_103 : memref<!tpu.dma_semaphore, #tpu.memory_space<semaphore_mem>>)
    %scan3A_104 = arith.constant 0 : i32
    %scan3A_105 = arith.constant 50 : i32
    %scan3A_106 = arith.addi %scan3A_104, %scan3A_105 : i32
    %scan3A_107 = arith.constant 1 : i32
    scf.for %scan3A_112 = %scan3A_104 to %scan3A_106 step %scan3A_107  : i32 {
      %mul3A = arith.constant 5 : i32
      %mul3A_113 = arith.muli %scan3A_112, %mul3A : i32
      %add3A = arith.constant 0 : i32
      %add3A_114 = arith.addi %add3A, %mul3A_113 : i32
      %add3A_115 = arith.constant 0 : i32
      %add3A_116 = arith.addi %add3A_114, %add3A_115 : i32
      %dma_wait3A = arith.constant 0 : i32
      %dma_wait3A_117 = arith.constant 0 : i32
      %dma_wait3A_118 = arith.constant 0 : i32
      %dma_wait3A_119 = arith.constant 0 : i32
      %dma_wait3A_120 = tpu.memref_slice %arg7[%dma_wait3A, %dma_wait3A_118, %dma_wait3A_119] : memref<5x80x64xf32, #tpu.memory_space<vmem>> -> memref<1x80x64xf32, #tpu.memory_space<vmem>>
      %dma_wait3A_121 = tpu.memref_squeeze %dma_wait3A_120 : memref<1x80x64xf32, #tpu.memory_space<vmem>> -> memref<80x64xf32, #tpu.memory_space<vmem>>
      %dma_wait3A_122 = arith.constant 0 : i32
      %dma_wait3A_123 = tpu.memref_slice %arg5[%add3A_116, %dma_wait3A_122] : memref<250x80xi32, #tpu.memory_space<vmem>> -> memref<1x80xi32, #tpu.memory_space<vmem>>
      %dma_wait3A_124 = tpu.memref_squeeze %dma_wait3A_123 : memref<1x80xi32, #tpu.memory_space<vmem>> -> memref<80xi32, #tpu.memory_space<vmem>>
      %dma_wait3A_125 = arith.constant 0 : i32
      %dma_wait3A_126 = arith.constant 0 : i32
      %dma_wait3A_127 = tpu.memref_slice %arg2[%arg0, %dma_wait3A_125, %dma_wait3A_126] : memref<2x10000x64xf32, #tpu.memory_space<hbm>> -> memref<1x10000x64xf32, #tpu.memory_space<hbm>>
      %dma_wait3A_128 = tpu.memref_squeeze %dma_wait3A_127 : memref<1x10000x64xf32, #tpu.memory_space<hbm>> -> memref<10000x64xf32, #tpu.memory_space<hbm>>
      %dma_wait3A_129 = arith.constant 0 : i32
      %dma_wait3A_130 = arith.constant 0 : i32
      %dma_wait3A_131 = tpu.memref_slice %dma_wait3A_128[%dma_wait3A_129, %dma_wait3A_130] : memref<10000x64xf32, #tpu.memory_space<hbm>> -> memref<10000x64xf32, #tpu.memory_space<hbm>>
      %dma_wait3A_132 = tpu.memref_slice %arg9[%dma_wait3A_117] : memref<5x!tpu.dma_semaphore, #tpu.memory_space<semaphore_mem>> -> memref<1x!tpu.dma_semaphore, #tpu.memory_space<semaphore_mem>>
      %dma_wait3A_133 = tpu.memref_squeeze %dma_wait3A_132 : memref<1x!tpu.dma_semaphore, #tpu.memory_space<semaphore_mem>> -> memref<!tpu.dma_semaphore, #tpu.memory_space<semaphore_mem>>
      tpu.wait_indirect_dma semaphore(%dma_wait3A_133 : memref<!tpu.dma_semaphore, #tpu.memory_space<semaphore_mem>>) src(%dma_wait3A_131 : memref<10000x64xf32, #tpu.memory_space<hbm>>) dst(%dma_wait3A_121 : memref<80x64xf32, #tpu.memory_space<vmem>>)
      %dma_start3A_134 = arith.constant 0 : i32
      %dma_start3A_135 = arith.constant 0 : i32
      %dma_start3A_136 = arith.constant 0 : i32
      %dma_start3A_137 = arith.constant 0 : i32
      %dma_start3A_138 = tpu.memref_slice %arg7[%dma_start3A_134, %dma_start3A_136, %dma_start3A_137] : memref<5x80x64xf32, #tpu.memory_space<vmem>> -> memref<1x80x64xf32, #tpu.memory_space<vmem>>
      %dma_start3A_139 = tpu.memref_squeeze %dma_start3A_138 : memref<1x80x64xf32, #tpu.memory_space<vmem>> -> memref<80x64xf32, #tpu.memory_space<vmem>>
      %dma_start3A_140 = arith.constant 0 : i32
      %dma_start3A_141 = tpu.memref_slice %arg6[%add3A_116, %dma_start3A_140] : memref<250x80xi32, #tpu.memory_space<vmem>> -> memref<1x80xi32, #tpu.memory_space<vmem>>
      %dma_start3A_142 = tpu.memref_squeeze %dma_start3A_141 : memref<1x80xi32, #tpu.memory_space<vmem>> -> memref<80xi32, #tpu.memory_space<vmem>>
      %dma_start3A_143 = arith.constant 0 : i32
      %dma_start3A_144 = arith.constant 0 : i32
      %dma_start3A_145 = tpu.memref_slice %arg8[%dma_start3A_143, %dma_start3A_144] : memref<10000x64xf32, #tpu.memory_space<vmem_shared>> -> memref<10000x64xf32, #tpu.memory_space<vmem_shared>>
      %dma_start3A_146 = tpu.memref_slice %arg10[%dma_start3A_135] : memref<5x!tpu.dma_semaphore, #tpu.memory_space<semaphore_mem>> -> memref<1x!tpu.dma_semaphore, #tpu.memory_space<semaphore_mem>>
      %dma_start3A_147 = tpu.memref_squeeze %dma_start3A_146 : memref<1x!tpu.dma_semaphore, #tpu.memory_space<semaphore_mem>> -> memref<!tpu.dma_semaphore, #tpu.memory_space<semaphore_mem>>
      tpu.enqueue_indirect_dma source(%dma_start3A_139 : memref<80x64xf32, #tpu.memory_space<vmem>>) target(%dma_start3A_145 : memref<10000x64xf32, #tpu.memory_space<vmem_shared>>) offsets(%dma_start3A_142 : memref<80xi32, #tpu.memory_space<vmem>>) semaphore(%dma_start3A_147 : memref<!tpu.dma_semaphore, #tpu.memory_space<semaphore_mem>>) {add = true}
      %add3A_148 = arith.constant 1 : i32
      %add3A_149 = arith.addi %add3A_114, %add3A_148 : i32
      %dma_wait3A_150 = arith.constant 1 : i32
      %dma_wait3A_151 = arith.constant 1 : i32
      %dma_wait3A_152 = arith.constant 0 : i32
      %dma_wait3A_153 = arith.constant 0 : i32
      %dma_wait3A_154 = tpu.memref_slice %arg7[%dma_wait3A_150, %dma_wait3A_152, %dma_wait3A_153] : memref<5x80x64xf32, #tpu.memory_space<vmem>> -> memref<1x80x64xf32, #tpu.memory_space<vmem>>
      %dma_wait3A_155 = tpu.memref_squeeze %dma_wait3A_154 : memref<1x80x64xf32, #tpu.memory_space<vmem>> -> memref<80x64xf32, #tpu.memory_space<vmem>>
      %dma_wait3A_156 = arith.constant 0 : i32
      %dma_wait3A_157 = tpu.memref_slice %arg5[%add3A_149, %dma_wait3A_156] : memref<250x80xi32, #tpu.memory_space<vmem>> -> memref<1x80xi32, #tpu.memory_space<vmem>>
      %dma_wait3A_158 = tpu.memref_squeeze %dma_wait3A_157 : memref<1x80xi32, #tpu.memory_space<vmem>> -> memref<80xi32, #tpu.memory_space<vmem>>
      %dma_wait3A_159 = arith.constant 0 : i32
      %dma_wait3A_160 = arith.constant 0 : i32
      %dma_wait3A_161 = tpu.memref_slice %arg2[%arg0, %dma_wait3A_159, %dma_wait3A_160] : memref<2x10000x64xf32, #tpu.memory_space<hbm>> -> memref<1x10000x64xf32, #tpu.memory_space<hbm>>
      %dma_wait3A_162 = tpu.memref_squeeze %dma_wait3A_161 : memref<1x10000x64xf32, #tpu.memory_space<hbm>> -> memref<10000x64xf32, #tpu.memory_space<hbm>>
      %dma_wait3A_163 = arith.constant 0 : i32
      %dma_wait3A_164 = arith.constant 0 : i32
      %dma_wait3A_165 = tpu.memref_slice %dma_wait3A_162[%dma_wait3A_163, %dma_wait3A_164] : memref<10000x64xf32, #tpu.memory_space<hbm>> -> memref<10000x64xf32, #tpu.memory_space<hbm>>
      %dma_wait3A_166 = tpu.memref_slice %arg9[%dma_wait3A_151] : memref<5x!tpu.dma_semaphore, #tpu.memory_space<semaphore_mem>> -> memref<1x!tpu.dma_semaphore, #tpu.memory_space<semaphore_mem>>
      %dma_wait3A_167 = tpu.memref_squeeze %dma_wait3A_166 : memref<1x!tpu.dma_semaphore, #tpu.memory_space<semaphore_mem>> -> memref<!tpu.dma_semaphore, #tpu.memory_space<semaphore_mem>>
      tpu.wait_indirect_dma semaphore(%dma_wait3A_167 : memref<!tpu.dma_semaphore, #tpu.memory_space<semaphore_mem>>) src(%dma_wait3A_165 : memref<10000x64xf32, #tpu.memory_space<hbm>>) dst(%dma_wait3A_155 : memref<80x64xf32, #tpu.memory_space<vmem>>)
      %dma_start3A_168 = arith.constant 1 : i32
      %dma_start3A_169 = arith.constant 1 : i32
      %dma_start3A_170 = arith.constant 0 : i32
      %dma_start3A_171 = arith.constant 0 : i32
      %dma_start3A_172 = tpu.memref_slice %arg7[%dma_start3A_168, %dma_start3A_170, %dma_start3A_171] : memref<5x80x64xf32, #tpu.memory_space<vmem>> -> memref<1x80x64xf32, #tpu.memory_space<vmem>>
      %dma_start3A_173 = tpu.memref_squeeze %dma_start3A_172 : memref<1x80x64xf32, #tpu.memory_space<vmem>> -> memref<80x64xf32, #tpu.memory_space<vmem>>
      %dma_start3A_174 = arith.constant 0 : i32
      %dma_start3A_175 = tpu.memref_slice %arg6[%add3A_149, %dma_start3A_174] : memref<250x80xi32, #tpu.memory_space<vmem>> -> memref<1x80xi32, #tpu.memory_space<vmem>>
      %dma_start3A_176 = tpu.memref_squeeze %dma_start3A_175 : memref<1x80xi32, #tpu.memory_space<vmem>> -> memref<80xi32, #tpu.memory_space<vmem>>
      %dma_start3A_177 = arith.constant 0 : i32
      %dma_start3A_178 = arith.constant 0 : i32
      %dma_start3A_179 = tpu.memref_slice %arg8[%dma_start3A_177, %dma_start3A_178] : memref<10000x64xf32, #tpu.memory_space<vmem_shared>> -> memref<10000x64xf32, #tpu.memory_space<vmem_shared>>
      %dma_start3A_180 = tpu.memref_slice %arg10[%dma_start3A_169] : memref<5x!tpu.dma_semaphore, #tpu.memory_space<semaphore_mem>> -> memref<1x!tpu.dma_semaphore, #tpu.memory_space<semaphore_mem>>
      %dma_start3A_181 = tpu.memref_squeeze %dma_start3A_180 : memref<1x!tpu.dma_semaphore, #tpu.memory_space<semaphore_mem>> -> memref<!tpu.dma_semaphore, #tpu.memory_space<semaphore_mem>>
      tpu.enqueue_indirect_dma source(%dma_start3A_173 : memref<80x64xf32, #tpu.memory_space<vmem>>) target(%dma_start3A_179 : memref<10000x64xf32, #tpu.memory_space<vmem_shared>>) offsets(%dma_start3A_176 : memref<80xi32, #tpu.memory_space<vmem>>) semaphore(%dma_start3A_181 : memref<!tpu.dma_semaphore, #tpu.memory_space<semaphore_mem>>) {add = true}
      %add3A_182 = arith.constant 2 : i32
      %add3A_183 = arith.addi %add3A_114, %add3A_182 : i32
      %dma_wait3A_184 = arith.constant 2 : i32
      %dma_wait3A_185 = arith.constant 2 : i32
      %dma_wait3A_186 = arith.constant 0 : i32
      %dma_wait3A_187 = arith.constant 0 : i32
      %dma_wait3A_188 = tpu.memref_slice %arg7[%dma_wait3A_184, %dma_wait3A_186, %dma_wait3A_187] : memref<5x80x64xf32, #tpu.memory_space<vmem>> -> memref<1x80x64xf32, #tpu.memory_space<vmem>>
      %dma_wait3A_189 = tpu.memref_squeeze %dma_wait3A_188 : memref<1x80x64xf32, #tpu.memory_space<vmem>> -> memref<80x64xf32, #tpu.memory_space<vmem>>
      %dma_wait3A_190 = arith.constant 0 : i32
      %dma_wait3A_191 = tpu.memref_slice %arg5[%add3A_183, %dma_wait3A_190] : memref<250x80xi32, #tpu.memory_space<vmem>> -> memref<1x80xi32, #tpu.memory_space<vmem>>
      %dma_wait3A_192 = tpu.memref_squeeze %dma_wait3A_191 : memref<1x80xi32, #tpu.memory_space<vmem>> -> memref<80xi32, #tpu.memory_space<vmem>>
      %dma_wait3A_193 = arith.constant 0 : i32
      %dma_wait3A_194 = arith.constant 0 : i32
      %dma_wait3A_195 = tpu.memref_slice %arg2[%arg0, %dma_wait3A_193, %dma_wait3A_194] : memref<2x10000x64xf32, #tpu.memory_space<hbm>> -> memref<1x10000x64xf32, #tpu.memory_space<hbm>>
      %dma_wait3A_196 = tpu.memref_squeeze %dma_wait3A_195 : memref<1x10000x64xf32, #tpu.memory_space<hbm>> -> memref<10000x64xf32, #tpu.memory_space<hbm>>
      %dma_wait3A_197 = arith.constant 0 : i32
      %dma_wait3A_198 = arith.constant 0 : i32
      %dma_wait3A_199 = tpu.memref_slice %dma_wait3A_196[%dma_wait3A_197, %dma_wait3A_198] : memref<10000x64xf32, #tpu.memory_space<hbm>> -> memref<10000x64xf32, #tpu.memory_space<hbm>>
      %dma_wait3A_200 = tpu.memref_slice %arg9[%dma_wait3A_185] : memref<5x!tpu.dma_semaphore, #tpu.memory_space<semaphore_mem>> -> memref<1x!tpu.dma_semaphore, #tpu.memory_space<semaphore_mem>>
      %dma_wait3A_201 = tpu.memref_squeeze %dma_wait3A_200 : memref<1x!tpu.dma_semaphore, #tpu.memory_space<semaphore_mem>> -> memref<!tpu.dma_semaphore, #tpu.memory_space<semaphore_mem>>
      tpu.wait_indirect_dma semaphore(%dma_wait3A_201 : memref<!tpu.dma_semaphore, #tpu.memory_space<semaphore_mem>>) src(%dma_wait3A_199 : memref<10000x64xf32, #tpu.memory_space<hbm>>) dst(%dma_wait3A_189 : memref<80x64xf32, #tpu.memory_space<vmem>>)
      %dma_start3A_202 = arith.constant 2 : i32
      %dma_start3A_203 = arith.constant 2 : i32
      %dma_start3A_204 = arith.constant 0 : i32
      %dma_start3A_205 = arith.constant 0 : i32
      %dma_start3A_206 = tpu.memref_slice %arg7[%dma_start3A_202, %dma_start3A_204, %dma_start3A_205] : memref<5x80x64xf32, #tpu.memory_space<vmem>> -> memref<1x80x64xf32, #tpu.memory_space<vmem>>
      %dma_start3A_207 = tpu.memref_squeeze %dma_start3A_206 : memref<1x80x64xf32, #tpu.memory_space<vmem>> -> memref<80x64xf32, #tpu.memory_space<vmem>>
      %dma_start3A_208 = arith.constant 0 : i32
      %dma_start3A_209 = tpu.memref_slice %arg6[%add3A_183, %dma_start3A_208] : memref<250x80xi32, #tpu.memory_space<vmem>> -> memref<1x80xi32, #tpu.memory_space<vmem>>
      %dma_start3A_210 = tpu.memref_squeeze %dma_start3A_209 : memref<1x80xi32, #tpu.memory_space<vmem>> -> memref<80xi32, #tpu.memory_space<vmem>>
      %dma_start3A_211 = arith.constant 0 : i32
      %dma_start3A_212 = arith.constant 0 : i32
      %dma_start3A_213 = tpu.memref_slice %arg8[%dma_start3A_211, %dma_start3A_212] : memref<10000x64xf32, #tpu.memory_space<vmem_shared>> -> memref<10000x64xf32, #tpu.memory_space<vmem_shared>>
      %dma_start3A_214 = tpu.memref_slice %arg10[%dma_start3A_203] : memref<5x!tpu.dma_semaphore, #tpu.memory_space<semaphore_mem>> -> memref<1x!tpu.dma_semaphore, #tpu.memory_space<semaphore_mem>>
      %dma_start3A_215 = tpu.memref_squeeze %dma_start3A_214 : memref<1x!tpu.dma_semaphore, #tpu.memory_space<semaphore_mem>> -> memref<!tpu.dma_semaphore, #tpu.memory_space<semaphore_mem>>
      tpu.enqueue_indirect_dma source(%dma_start3A_207 : memref<80x64xf32, #tpu.memory_space<vmem>>) target(%dma_start3A_213 : memref<10000x64xf32, #tpu.memory_space<vmem_shared>>) offsets(%dma_start3A_210 : memref<80xi32, #tpu.memory_space<vmem>>) semaphore(%dma_start3A_215 : memref<!tpu.dma_semaphore, #tpu.memory_space<semaphore_mem>>) {add = true}
      %add3A_216 = arith.constant 3 : i32
      %add3A_217 = arith.addi %add3A_114, %add3A_216 : i32
      %dma_wait3A_218 = arith.constant 3 : i32
      %dma_wait3A_219 = arith.constant 3 : i32
      %dma_wait3A_220 = arith.constant 0 : i32
      %dma_wait3A_221 = arith.constant 0 : i32
      %dma_wait3A_222 = tpu.memref_slice %arg7[%dma_wait3A_218, %dma_wait3A_220, %dma_wait3A_221] : memref<5x80x64xf32, #tpu.memory_space<vmem>> -> memref<1x80x64xf32, #tpu.memory_space<vmem>>
      %dma_wait3A_223 = tpu.memref_squeeze %dma_wait3A_222 : memref<1x80x64xf32, #tpu.memory_space<vmem>> -> memref<80x64xf32, #tpu.memory_space<vmem>>
      %dma_wait3A_224 = arith.constant 0 : i32
      %dma_wait3A_225 = tpu.memref_slice %arg5[%add3A_217, %dma_wait3A_224] : memref<250x80xi32, #tpu.memory_space<vmem>> -> memref<1x80xi32, #tpu.memory_space<vmem>>
      %dma_wait3A_226 = tpu.memref_squeeze %dma_wait3A_225 : memref<1x80xi32, #tpu.memory_space<vmem>> -> memref<80xi32, #tpu.memory_space<vmem>>
      %dma_wait3A_227 = arith.constant 0 : i32
      %dma_wait3A_228 = arith.constant 0 : i32
      %dma_wait3A_229 = tpu.memref_slice %arg2[%arg0, %dma_wait3A_227, %dma_wait3A_228] : memref<2x10000x64xf32, #tpu.memory_space<hbm>> -> memref<1x10000x64xf32, #tpu.memory_space<hbm>>
      %dma_wait3A_230 = tpu.memref_squeeze %dma_wait3A_229 : memref<1x10000x64xf32, #tpu.memory_space<hbm>> -> memref<10000x64xf32, #tpu.memory_space<hbm>>
      %dma_wait3A_231 = arith.constant 0 : i32
      %dma_wait3A_232 = arith.constant 0 : i32
      %dma_wait3A_233 = tpu.memref_slice %dma_wait3A_230[%dma_wait3A_231, %dma_wait3A_232] : memref<10000x64xf32, #tpu.memory_space<hbm>> -> memref<10000x64xf32, #tpu.memory_space<hbm>>
      %dma_wait3A_234 = tpu.memref_slice %arg9[%dma_wait3A_219] : memref<5x!tpu.dma_semaphore, #tpu.memory_space<semaphore_mem>> -> memref<1x!tpu.dma_semaphore, #tpu.memory_space<semaphore_mem>>
      %dma_wait3A_235 = tpu.memref_squeeze %dma_wait3A_234 : memref<1x!tpu.dma_semaphore, #tpu.memory_space<semaphore_mem>> -> memref<!tpu.dma_semaphore, #tpu.memory_space<semaphore_mem>>
      tpu.wait_indirect_dma semaphore(%dma_wait3A_235 : memref<!tpu.dma_semaphore, #tpu.memory_space<semaphore_mem>>) src(%dma_wait3A_233 : memref<10000x64xf32, #tpu.memory_space<hbm>>) dst(%dma_wait3A_223 : memref<80x64xf32, #tpu.memory_space<vmem>>)
      %dma_start3A_236 = arith.constant 3 : i32
      %dma_start3A_237 = arith.constant 3 : i32
      %dma_start3A_238 = arith.constant 0 : i32
      %dma_start3A_239 = arith.constant 0 : i32
      %dma_start3A_240 = tpu.memref_slice %arg7[%dma_start3A_236, %dma_start3A_238, %dma_start3A_239] : memref<5x80x64xf32, #tpu.memory_space<vmem>> -> memref<1x80x64xf32, #tpu.memory_space<vmem>>
      %dma_start3A_241 = tpu.memref_squeeze %dma_start3A_240 : memref<1x80x64xf32, #tpu.memory_space<vmem>> -> memref<80x64xf32, #tpu.memory_space<vmem>>
      %dma_start3A_242 = arith.constant 0 : i32
      %dma_start3A_243 = tpu.memref_slice %arg6[%add3A_217, %dma_start3A_242] : memref<250x80xi32, #tpu.memory_space<vmem>> -> memref<1x80xi32, #tpu.memory_space<vmem>>
      %dma_start3A_244 = tpu.memref_squeeze %dma_start3A_243 : memref<1x80xi32, #tpu.memory_space<vmem>> -> memref<80xi32, #tpu.memory_space<vmem>>
      %dma_start3A_245 = arith.constant 0 : i32
      %dma_start3A_246 = arith.constant 0 : i32
      %dma_start3A_247 = tpu.memref_slice %arg8[%dma_start3A_245, %dma_start3A_246] : memref<10000x64xf32, #tpu.memory_space<vmem_shared>> -> memref<10000x64xf32, #tpu.memory_space<vmem_shared>>
      %dma_start3A_248 = tpu.memref_slice %arg10[%dma_start3A_237] : memref<5x!tpu.dma_semaphore, #tpu.memory_space<semaphore_mem>> -> memref<1x!tpu.dma_semaphore, #tpu.memory_space<semaphore_mem>>
      %dma_start3A_249 = tpu.memref_squeeze %dma_start3A_248 : memref<1x!tpu.dma_semaphore, #tpu.memory_space<semaphore_mem>> -> memref<!tpu.dma_semaphore, #tpu.memory_space<semaphore_mem>>
      tpu.enqueue_indirect_dma source(%dma_start3A_241 : memref<80x64xf32, #tpu.memory_space<vmem>>) target(%dma_start3A_247 : memref<10000x64xf32, #tpu.memory_space<vmem_shared>>) offsets(%dma_start3A_244 : memref<80xi32, #tpu.memory_space<vmem>>) semaphore(%dma_start3A_249 : memref<!tpu.dma_semaphore, #tpu.memory_space<semaphore_mem>>) {add = true}
      %add3A_250 = arith.constant 4 : i32
      %add3A_251 = arith.addi %add3A_114, %add3A_250 : i32
      %dma_wait3A_252 = arith.constant 4 : i32
      %dma_wait3A_253 = arith.constant 4 : i32
      %dma_wait3A_254 = arith.constant 0 : i32
      %dma_wait3A_255 = arith.constant 0 : i32
      %dma_wait3A_256 = tpu.memref_slice %arg7[%dma_wait3A_252, %dma_wait3A_254, %dma_wait3A_255] : memref<5x80x64xf32, #tpu.memory_space<vmem>> -> memref<1x80x64xf32, #tpu.memory_space<vmem>>
      %dma_wait3A_257 = tpu.memref_squeeze %dma_wait3A_256 : memref<1x80x64xf32, #tpu.memory_space<vmem>> -> memref<80x64xf32, #tpu.memory_space<vmem>>
      %dma_wait3A_258 = arith.constant 0 : i32
      %dma_wait3A_259 = tpu.memref_slice %arg5[%add3A_251, %dma_wait3A_258] : memref<250x80xi32, #tpu.memory_space<vmem>> -> memref<1x80xi32, #tpu.memory_space<vmem>>
      %dma_wait3A_260 = tpu.memref_squeeze %dma_wait3A_259 : memref<1x80xi32, #tpu.memory_space<vmem>> -> memref<80xi32, #tpu.memory_space<vmem>>
      %dma_wait3A_261 = arith.constant 0 : i32
      %dma_wait3A_262 = arith.constant 0 : i32
      %dma_wait3A_263 = tpu.memref_slice %arg2[%arg0, %dma_wait3A_261, %dma_wait3A_262] : memref<2x10000x64xf32, #tpu.memory_space<hbm>> -> memref<1x10000x64xf32, #tpu.memory_space<hbm>>
      %dma_wait3A_264 = tpu.memref_squeeze %dma_wait3A_263 : memref<1x10000x64xf32, #tpu.memory_space<hbm>> -> memref<10000x64xf32, #tpu.memory_space<hbm>>
      %dma_wait3A_265 = arith.constant 0 : i32
      %dma_wait3A_266 = arith.constant 0 : i32
      %dma_wait3A_267 = tpu.memref_slice %dma_wait3A_264[%dma_wait3A_265, %dma_wait3A_266] : memref<10000x64xf32, #tpu.memory_space<hbm>> -> memref<10000x64xf32, #tpu.memory_space<hbm>>
      %dma_wait3A_268 = tpu.memref_slice %arg9[%dma_wait3A_253] : memref<5x!tpu.dma_semaphore, #tpu.memory_space<semaphore_mem>> -> memref<1x!tpu.dma_semaphore, #tpu.memory_space<semaphore_mem>>
      %dma_wait3A_269 = tpu.memref_squeeze %dma_wait3A_268 : memref<1x!tpu.dma_semaphore, #tpu.memory_space<semaphore_mem>> -> memref<!tpu.dma_semaphore, #tpu.memory_space<semaphore_mem>>
      tpu.wait_indirect_dma semaphore(%dma_wait3A_269 : memref<!tpu.dma_semaphore, #tpu.memory_space<semaphore_mem>>) src(%dma_wait3A_267 : memref<10000x64xf32, #tpu.memory_space<hbm>>) dst(%dma_wait3A_257 : memref<80x64xf32, #tpu.memory_space<vmem>>)
      %dma_start3A_270 = arith.constant 4 : i32
      %dma_start3A_271 = arith.constant 4 : i32
      %dma_start3A_272 = arith.constant 0 : i32
      %dma_start3A_273 = arith.constant 0 : i32
      %dma_start3A_274 = tpu.memref_slice %arg7[%dma_start3A_270, %dma_start3A_272, %dma_start3A_273] : memref<5x80x64xf32, #tpu.memory_space<vmem>> -> memref<1x80x64xf32, #tpu.memory_space<vmem>>
      %dma_start3A_275 = tpu.memref_squeeze %dma_start3A_274 : memref<1x80x64xf32, #tpu.memory_space<vmem>> -> memref<80x64xf32, #tpu.memory_space<vmem>>
      %dma_start3A_276 = arith.constant 0 : i32
      %dma_start3A_277 = tpu.memref_slice %arg6[%add3A_251, %dma_start3A_276] : memref<250x80xi32, #tpu.memory_space<vmem>> -> memref<1x80xi32, #tpu.memory_space<vmem>>
      %dma_start3A_278 = tpu.memref_squeeze %dma_start3A_277 : memref<1x80xi32, #tpu.memory_space<vmem>> -> memref<80xi32, #tpu.memory_space<vmem>>
      %dma_start3A_279 = arith.constant 0 : i32
      %dma_start3A_280 = arith.constant 0 : i32
      %dma_start3A_281 = tpu.memref_slice %arg8[%dma_start3A_279, %dma_start3A_280] : memref<10000x64xf32, #tpu.memory_space<vmem_shared>> -> memref<10000x64xf32, #tpu.memory_space<vmem_shared>>
      %dma_start3A_282 = tpu.memref_slice %arg10[%dma_start3A_271] : memref<5x!tpu.dma_semaphore, #tpu.memory_space<semaphore_mem>> -> memref<1x!tpu.dma_semaphore, #tpu.memory_space<semaphore_mem>>
      %dma_start3A_283 = tpu.memref_squeeze %dma_start3A_282 : memref<1x!tpu.dma_semaphore, #tpu.memory_space<semaphore_mem>> -> memref<!tpu.dma_semaphore, #tpu.memory_space<semaphore_mem>>
      tpu.enqueue_indirect_dma source(%dma_start3A_275 : memref<80x64xf32, #tpu.memory_space<vmem>>) target(%dma_start3A_281 : memref<10000x64xf32, #tpu.memory_space<vmem_shared>>) offsets(%dma_start3A_278 : memref<80xi32, #tpu.memory_space<vmem>>) semaphore(%dma_start3A_283 : memref<!tpu.dma_semaphore, #tpu.memory_space<semaphore_mem>>) {add = true}
      %add3A_284 = arith.constant 0 : i32
      %add3A_285 = arith.addi %add3A_114, %add3A_284 : i32
      %add3A_286 = arith.constant 5 : i32
      %add3A_287 = arith.addi %add3A_114, %add3A_286 : i32
      %add3A_288 = arith.constant 0 : i32
      %add3A_289 = arith.addi %add3A_287, %add3A_288 : i32
      %dma_wait3A_290 = arith.constant 0 : i32
      %dma_wait3A_291 = arith.constant 0 : i32
      %dma_wait3A_292 = arith.constant 0 : i32
      %dma_wait3A_293 = arith.constant 0 : i32
      %dma_wait3A_294 = tpu.memref_slice %arg7[%dma_wait3A_290, %dma_wait3A_292, %dma_wait3A_293] : memref<5x80x64xf32, #tpu.memory_space<vmem>> -> memref<1x80x64xf32, #tpu.memory_space<vmem>>
      %dma_wait3A_295 = tpu.memref_squeeze %dma_wait3A_294 : memref<1x80x64xf32, #tpu.memory_space<vmem>> -> memref<80x64xf32, #tpu.memory_space<vmem>>
      %dma_wait3A_296 = arith.constant 0 : i32
      %dma_wait3A_297 = tpu.memref_slice %arg6[%add3A_285, %dma_wait3A_296] : memref<250x80xi32, #tpu.memory_space<vmem>> -> memref<1x80xi32, #tpu.memory_space<vmem>>
      %dma_wait3A_298 = tpu.memref_squeeze %dma_wait3A_297 : memref<1x80xi32, #tpu.memory_space<vmem>> -> memref<80xi32, #tpu.memory_space<vmem>>
      %dma_wait3A_299 = arith.constant 0 : i32
      %dma_wait3A_300 = arith.constant 0 : i32
      %dma_wait3A_301 = tpu.memref_slice %arg8[%dma_wait3A_299, %dma_wait3A_300] : memref<10000x64xf32, #tpu.memory_space<vmem_shared>> -> memref<10000x64xf32, #tpu.memory_space<vmem_shared>>
      %dma_wait3A_302 = tpu.memref_slice %arg10[%dma_wait3A_291] : memref<5x!tpu.dma_semaphore, #tpu.memory_space<semaphore_mem>> -> memref<1x!tpu.dma_semaphore, #tpu.memory_space<semaphore_mem>>
      %dma_wait3A_303 = tpu.memref_squeeze %dma_wait3A_302 : memref<1x!tpu.dma_semaphore, #tpu.memory_space<semaphore_mem>> -> memref<!tpu.dma_semaphore, #tpu.memory_space<semaphore_mem>>
      tpu.wait_indirect_dma semaphore(%dma_wait3A_303 : memref<!tpu.dma_semaphore, #tpu.memory_space<semaphore_mem>>) src(%dma_wait3A_295 : memref<80x64xf32, #tpu.memory_space<vmem>>) dst(%dma_wait3A_301 : memref<10000x64xf32, #tpu.memory_space<vmem_shared>>)
      %lt3A = arith.constant 250 : i32
      %lt3A_304 = arith.cmpi slt, %add3A_289, %lt3A : i32
      %convert_element_type3A_305 = arith.extui %lt3A_304 : i1 to i32
      %cond3A_306 = arith.constant 0 : i32
      %cond3A_307 = arith.cmpi ne, %convert_element_type3A_305, %cond3A_306 : i32
      scf.if %cond3A_307 {
        %dma_start3A_408 = arith.constant 0 : i32
        %dma_start3A_409 = arith.constant 0 : i32
        %dma_start3A_410 = arith.constant 0 : i32
        %dma_start3A_411 = arith.constant 0 : i32
        %dma_start3A_412 = tpu.memref_slice %arg7[%dma_start3A_408, %dma_start3A_410, %dma_start3A_411] : memref<5x80x64xf32, #tpu.memory_space<vmem>> -> memref<1x80x64xf32, #tpu.memory_space<vmem>>
        %dma_start3A_413 = tpu.memref_squeeze %dma_start3A_412 : memref<1x80x64xf32, #tpu.memory_space<vmem>> -> memref<80x64xf32, #tpu.memory_space<vmem>>
        %dma_start3A_414 = arith.constant 0 : i32
        %dma_start3A_415 = tpu.memref_slice %arg5[%add3A_289, %dma_start3A_414] : memref<250x80xi32, #tpu.memory_space<vmem>> -> memref<1x80xi32, #tpu.memory_space<vmem>>
        %dma_start3A_416 = tpu.memref_squeeze %dma_start3A_415 : memref<1x80xi32, #tpu.memory_space<vmem>> -> memref<80xi32, #tpu.memory_space<vmem>>
        %dma_start3A_417 = arith.constant 0 : i32
        %dma_start3A_418 = arith.constant 0 : i32
        %dma_start3A_419 = tpu.memref_slice %arg2[%arg0, %dma_start3A_417, %dma_start3A_418] : memref<2x10000x64xf32, #tpu.memory_space<hbm>> -> memref<1x10000x64xf32, #tpu.memory_space<hbm>>
        %dma_start3A_420 = tpu.memref_squeeze %dma_start3A_419 : memref<1x10000x64xf32, #tpu.memory_space<hbm>> -> memref<10000x64xf32, #tpu.memory_space<hbm>>
        %dma_start3A_421 = arith.constant 0 : i32
        %dma_start3A_422 = arith.constant 0 : i32
        %dma_start3A_423 = tpu.memref_slice %dma_start3A_420[%dma_start3A_421, %dma_start3A_422] : memref<10000x64xf32, #tpu.memory_space<hbm>> -> memref<10000x64xf32, #tpu.memory_space<hbm>>
        %dma_start3A_424 = tpu.memref_slice %arg9[%dma_start3A_409] : memref<5x!tpu.dma_semaphore, #tpu.memory_space<semaphore_mem>> -> memref<1x!tpu.dma_semaphore, #tpu.memory_space<semaphore_mem>>
        %dma_start3A_425 = tpu.memref_squeeze %dma_start3A_424 : memref<1x!tpu.dma_semaphore, #tpu.memory_space<semaphore_mem>> -> memref<!tpu.dma_semaphore, #tpu.memory_space<semaphore_mem>>
        tpu.enqueue_indirect_dma source(%dma_start3A_423 : memref<10000x64xf32, #tpu.memory_space<hbm>>) target(%dma_start3A_413 : memref<80x64xf32, #tpu.memory_space<vmem>>) offsets(%dma_start3A_416 : memref<80xi32, #tpu.memory_space<vmem>>) semaphore(%dma_start3A_425 : memref<!tpu.dma_semaphore, #tpu.memory_space<semaphore_mem>>)
      } else {
      }
      %add3A_308 = arith.constant 1 : i32
      %add3A_309 = arith.addi %add3A_114, %add3A_308 : i32
      %add3A_310 = arith.constant 5 : i32
      %add3A_311 = arith.addi %add3A_114, %add3A_310 : i32
      %add3A_312 = arith.constant 1 : i32
      %add3A_313 = arith.addi %add3A_311, %add3A_312 : i32
      %dma_wait3A_314 = arith.constant 1 : i32
      %dma_wait3A_315 = arith.constant 1 : i32
      %dma_wait3A_316 = arith.constant 0 : i32
      %dma_wait3A_317 = arith.constant 0 : i32
      %dma_wait3A_318 = tpu.memref_slice %arg7[%dma_wait3A_314, %dma_wait3A_316, %dma_wait3A_317] : memref<5x80x64xf32, #tpu.memory_space<vmem>> -> memref<1x80x64xf32, #tpu.memory_space<vmem>>
      %dma_wait3A_319 = tpu.memref_squeeze %dma_wait3A_318 : memref<1x80x64xf32, #tpu.memory_space<vmem>> -> memref<80x64xf32, #tpu.memory_space<vmem>>
      %dma_wait3A_320 = arith.constant 0 : i32
      %dma_wait3A_321 = tpu.memref_slice %arg6[%add3A_309, %dma_wait3A_320] : memref<250x80xi32, #tpu.memory_space<vmem>> -> memref<1x80xi32, #tpu.memory_space<vmem>>
      %dma_wait3A_322 = tpu.memref_squeeze %dma_wait3A_321 : memref<1x80xi32, #tpu.memory_space<vmem>> -> memref<80xi32, #tpu.memory_space<vmem>>
      %dma_wait3A_323 = arith.constant 0 : i32
      %dma_wait3A_324 = arith.constant 0 : i32
      %dma_wait3A_325 = tpu.memref_slice %arg8[%dma_wait3A_323, %dma_wait3A_324] : memref<10000x64xf32, #tpu.memory_space<vmem_shared>> -> memref<10000x64xf32, #tpu.memory_space<vmem_shared>>
      %dma_wait3A_326 = tpu.memref_slice %arg10[%dma_wait3A_315] : memref<5x!tpu.dma_semaphore, #tpu.memory_space<semaphore_mem>> -> memref<1x!tpu.dma_semaphore, #tpu.memory_space<semaphore_mem>>
      %dma_wait3A_327 = tpu.memref_squeeze %dma_wait3A_326 : memref<1x!tpu.dma_semaphore, #tpu.memory_space<semaphore_mem>> -> memref<!tpu.dma_semaphore, #tpu.memory_space<semaphore_mem>>
      tpu.wait_indirect_dma semaphore(%dma_wait3A_327 : memref<!tpu.dma_semaphore, #tpu.memory_space<semaphore_mem>>) src(%dma_wait3A_319 : memref<80x64xf32, #tpu.memory_space<vmem>>) dst(%dma_wait3A_325 : memref<10000x64xf32, #tpu.memory_space<vmem_shared>>)
      %lt3A_328 = arith.constant 250 : i32
      %lt3A_329 = arith.cmpi slt, %add3A_313, %lt3A_328 : i32
      %convert_element_type3A_330 = arith.extui %lt3A_329 : i1 to i32
      %cond3A_331 = arith.constant 0 : i32
      %cond3A_332 = arith.cmpi ne, %convert_element_type3A_330, %cond3A_331 : i32
      scf.if %cond3A_332 {
        %dma_start3A_408 = arith.constant 1 : i32
        %dma_start3A_409 = arith.constant 1 : i32
        %dma_start3A_410 = arith.constant 0 : i32
        %dma_start3A_411 = arith.constant 0 : i32
        %dma_start3A_412 = tpu.memref_slice %arg7[%dma_start3A_408, %dma_start3A_410, %dma_start3A_411] : memref<5x80x64xf32, #tpu.memory_space<vmem>> -> memref<1x80x64xf32, #tpu.memory_space<vmem>>
        %dma_start3A_413 = tpu.memref_squeeze %dma_start3A_412 : memref<1x80x64xf32, #tpu.memory_space<vmem>> -> memref<80x64xf32, #tpu.memory_space<vmem>>
        %dma_start3A_414 = arith.constant 0 : i32
        %dma_start3A_415 = tpu.memref_slice %arg5[%add3A_313, %dma_start3A_414] : memref<250x80xi32, #tpu.memory_space<vmem>> -> memref<1x80xi32, #tpu.memory_space<vmem>>
        %dma_start3A_416 = tpu.memref_squeeze %dma_start3A_415 : memref<1x80xi32, #tpu.memory_space<vmem>> -> memref<80xi32, #tpu.memory_space<vmem>>
        %dma_start3A_417 = arith.constant 0 : i32
        %dma_start3A_418 = arith.constant 0 : i32
        %dma_start3A_419 = tpu.memref_slice %arg2[%arg0, %dma_start3A_417, %dma_start3A_418] : memref<2x10000x64xf32, #tpu.memory_space<hbm>> -> memref<1x10000x64xf32, #tpu.memory_space<hbm>>
        %dma_start3A_420 = tpu.memref_squeeze %dma_start3A_419 : memref<1x10000x64xf32, #tpu.memory_space<hbm>> -> memref<10000x64xf32, #tpu.memory_space<hbm>>
        %dma_start3A_421 = arith.constant 0 : i32
        %dma_start3A_422 = arith.constant 0 : i32
        %dma_start3A_423 = tpu.memref_slice %dma_start3A_420[%dma_start3A_421, %dma_start3A_422] : memref<10000x64xf32, #tpu.memory_space<hbm>> -> memref<10000x64xf32, #tpu.memory_space<hbm>>
        %dma_start3A_424 = tpu.memref_slice %arg9[%dma_start3A_409] : memref<5x!tpu.dma_semaphore, #tpu.memory_space<semaphore_mem>> -> memref<1x!tpu.dma_semaphore, #tpu.memory_space<semaphore_mem>>
        %dma_start3A_425 = tpu.memref_squeeze %dma_start3A_424 : memref<1x!tpu.dma_semaphore, #tpu.memory_space<semaphore_mem>> -> memref<!tpu.dma_semaphore, #tpu.memory_space<semaphore_mem>>
        tpu.enqueue_indirect_dma source(%dma_start3A_423 : memref<10000x64xf32, #tpu.memory_space<hbm>>) target(%dma_start3A_413 : memref<80x64xf32, #tpu.memory_space<vmem>>) offsets(%dma_start3A_416 : memref<80xi32, #tpu.memory_space<vmem>>) semaphore(%dma_start3A_425 : memref<!tpu.dma_semaphore, #tpu.memory_space<semaphore_mem>>)
      } else {
      }
      %add3A_333 = arith.constant 2 : i32
      %add3A_334 = arith.addi %add3A_114, %add3A_333 : i32
      %add3A_335 = arith.constant 5 : i32
      %add3A_336 = arith.addi %add3A_114, %add3A_335 : i32
      %add3A_337 = arith.constant 2 : i32
      %add3A_338 = arith.addi %add3A_336, %add3A_337 : i32
      %dma_wait3A_339 = arith.constant 2 : i32
      %dma_wait3A_340 = arith.constant 2 : i32
      %dma_wait3A_341 = arith.constant 0 : i32
      %dma_wait3A_342 = arith.constant 0 : i32
      %dma_wait3A_343 = tpu.memref_slice %arg7[%dma_wait3A_339, %dma_wait3A_341, %dma_wait3A_342] : memref<5x80x64xf32, #tpu.memory_space<vmem>> -> memref<1x80x64xf32, #tpu.memory_space<vmem>>
      %dma_wait3A_344 = tpu.memref_squeeze %dma_wait3A_343 : memref<1x80x64xf32, #tpu.memory_space<vmem>> -> memref<80x64xf32, #tpu.memory_space<vmem>>
      %dma_wait3A_345 = arith.constant 0 : i32
      %dma_wait3A_346 = tpu.memref_slice %arg6[%add3A_334, %dma_wait3A_345] : memref<250x80xi32, #tpu.memory_space<vmem>> -> memref<1x80xi32, #tpu.memory_space<vmem>>
      %dma_wait3A_347 = tpu.memref_squeeze %dma_wait3A_346 : memref<1x80xi32, #tpu.memory_space<vmem>> -> memref<80xi32, #tpu.memory_space<vmem>>
      %dma_wait3A_348 = arith.constant 0 : i32
      %dma_wait3A_349 = arith.constant 0 : i32
      %dma_wait3A_350 = tpu.memref_slice %arg8[%dma_wait3A_348, %dma_wait3A_349] : memref<10000x64xf32, #tpu.memory_space<vmem_shared>> -> memref<10000x64xf32, #tpu.memory_space<vmem_shared>>
      %dma_wait3A_351 = tpu.memref_slice %arg10[%dma_wait3A_340] : memref<5x!tpu.dma_semaphore, #tpu.memory_space<semaphore_mem>> -> memref<1x!tpu.dma_semaphore, #tpu.memory_space<semaphore_mem>>
      %dma_wait3A_352 = tpu.memref_squeeze %dma_wait3A_351 : memref<1x!tpu.dma_semaphore, #tpu.memory_space<semaphore_mem>> -> memref<!tpu.dma_semaphore, #tpu.memory_space<semaphore_mem>>
      tpu.wait_indirect_dma semaphore(%dma_wait3A_352 : memref<!tpu.dma_semaphore, #tpu.memory_space<semaphore_mem>>) src(%dma_wait3A_344 : memref<80x64xf32, #tpu.memory_space<vmem>>) dst(%dma_wait3A_350 : memref<10000x64xf32, #tpu.memory_space<vmem_shared>>)
      %lt3A_353 = arith.constant 250 : i32
      %lt3A_354 = arith.cmpi slt, %add3A_338, %lt3A_353 : i32
      %convert_element_type3A_355 = arith.extui %lt3A_354 : i1 to i32
      %cond3A_356 = arith.constant 0 : i32
      %cond3A_357 = arith.cmpi ne, %convert_element_type3A_355, %cond3A_356 : i32
      scf.if %cond3A_357 {
        %dma_start3A_408 = arith.constant 2 : i32
        %dma_start3A_409 = arith.constant 2 : i32
        %dma_start3A_410 = arith.constant 0 : i32
        %dma_start3A_411 = arith.constant 0 : i32
        %dma_start3A_412 = tpu.memref_slice %arg7[%dma_start3A_408, %dma_start3A_410, %dma_start3A_411] : memref<5x80x64xf32, #tpu.memory_space<vmem>> -> memref<1x80x64xf32, #tpu.memory_space<vmem>>
        %dma_start3A_413 = tpu.memref_squeeze %dma_start3A_412 : memref<1x80x64xf32, #tpu.memory_space<vmem>> -> memref<80x64xf32, #tpu.memory_space<vmem>>
        %dma_start3A_414 = arith.constant 0 : i32
        %dma_start3A_415 = tpu.memref_slice %arg5[%add3A_338, %dma_start3A_414] : memref<250x80xi32, #tpu.memory_space<vmem>> -> memref<1x80xi32, #tpu.memory_space<vmem>>
        %dma_start3A_416 = tpu.memref_squeeze %dma_start3A_415 : memref<1x80xi32, #tpu.memory_space<vmem>> -> memref<80xi32, #tpu.memory_space<vmem>>
        %dma_start3A_417 = arith.constant 0 : i32
        %dma_start3A_418 = arith.constant 0 : i32
        %dma_start3A_419 = tpu.memref_slice %arg2[%arg0, %dma_start3A_417, %dma_start3A_418] : memref<2x10000x64xf32, #tpu.memory_space<hbm>> -> memref<1x10000x64xf32, #tpu.memory_space<hbm>>
        %dma_start3A_420 = tpu.memref_squeeze %dma_start3A_419 : memref<1x10000x64xf32, #tpu.memory_space<hbm>> -> memref<10000x64xf32, #tpu.memory_space<hbm>>
        %dma_start3A_421 = arith.constant 0 : i32
        %dma_start3A_422 = arith.constant 0 : i32
        %dma_start3A_423 = tpu.memref_slice %dma_start3A_420[%dma_start3A_421, %dma_start3A_422] : memref<10000x64xf32, #tpu.memory_space<hbm>> -> memref<10000x64xf32, #tpu.memory_space<hbm>>
        %dma_start3A_424 = tpu.memref_slice %arg9[%dma_start3A_409] : memref<5x!tpu.dma_semaphore, #tpu.memory_space<semaphore_mem>> -> memref<1x!tpu.dma_semaphore, #tpu.memory_space<semaphore_mem>>
        %dma_start3A_425 = tpu.memref_squeeze %dma_start3A_424 : memref<1x!tpu.dma_semaphore, #tpu.memory_space<semaphore_mem>> -> memref<!tpu.dma_semaphore, #tpu.memory_space<semaphore_mem>>
        tpu.enqueue_indirect_dma source(%dma_start3A_423 : memref<10000x64xf32, #tpu.memory_space<hbm>>) target(%dma_start3A_413 : memref<80x64xf32, #tpu.memory_space<vmem>>) offsets(%dma_start3A_416 : memref<80xi32, #tpu.memory_space<vmem>>) semaphore(%dma_start3A_425 : memref<!tpu.dma_semaphore, #tpu.memory_space<semaphore_mem>>)
      } else {
      }
      %add3A_358 = arith.constant 3 : i32
      %add3A_359 = arith.addi %add3A_114, %add3A_358 : i32
      %add3A_360 = arith.constant 5 : i32
      %add3A_361 = arith.addi %add3A_114, %add3A_360 : i32
      %add3A_362 = arith.constant 3 : i32
      %add3A_363 = arith.addi %add3A_361, %add3A_362 : i32
      %dma_wait3A_364 = arith.constant 3 : i32
      %dma_wait3A_365 = arith.constant 3 : i32
      %dma_wait3A_366 = arith.constant 0 : i32
      %dma_wait3A_367 = arith.constant 0 : i32
      %dma_wait3A_368 = tpu.memref_slice %arg7[%dma_wait3A_364, %dma_wait3A_366, %dma_wait3A_367] : memref<5x80x64xf32, #tpu.memory_space<vmem>> -> memref<1x80x64xf32, #tpu.memory_space<vmem>>
      %dma_wait3A_369 = tpu.memref_squeeze %dma_wait3A_368 : memref<1x80x64xf32, #tpu.memory_space<vmem>> -> memref<80x64xf32, #tpu.memory_space<vmem>>
      %dma_wait3A_370 = arith.constant 0 : i32
      %dma_wait3A_371 = tpu.memref_slice %arg6[%add3A_359, %dma_wait3A_370] : memref<250x80xi32, #tpu.memory_space<vmem>> -> memref<1x80xi32, #tpu.memory_space<vmem>>
      %dma_wait3A_372 = tpu.memref_squeeze %dma_wait3A_371 : memref<1x80xi32, #tpu.memory_space<vmem>> -> memref<80xi32, #tpu.memory_space<vmem>>
      %dma_wait3A_373 = arith.constant 0 : i32
      %dma_wait3A_374 = arith.constant 0 : i32
      %dma_wait3A_375 = tpu.memref_slice %arg8[%dma_wait3A_373, %dma_wait3A_374] : memref<10000x64xf32, #tpu.memory_space<vmem_shared>> -> memref<10000x64xf32, #tpu.memory_space<vmem_shared>>
      %dma_wait3A_376 = tpu.memref_slice %arg10[%dma_wait3A_365] : memref<5x!tpu.dma_semaphore, #tpu.memory_space<semaphore_mem>> -> memref<1x!tpu.dma_semaphore, #tpu.memory_space<semaphore_mem>>
      %dma_wait3A_377 = tpu.memref_squeeze %dma_wait3A_376 : memref<1x!tpu.dma_semaphore, #tpu.memory_space<semaphore_mem>> -> memref<!tpu.dma_semaphore, #tpu.memory_space<semaphore_mem>>
      tpu.wait_indirect_dma semaphore(%dma_wait3A_377 : memref<!tpu.dma_semaphore, #tpu.memory_space<semaphore_mem>>) src(%dma_wait3A_369 : memref<80x64xf32, #tpu.memory_space<vmem>>) dst(%dma_wait3A_375 : memref<10000x64xf32, #tpu.memory_space<vmem_shared>>)
      %lt3A_378 = arith.constant 250 : i32
      %lt3A_379 = arith.cmpi slt, %add3A_363, %lt3A_378 : i32
      %convert_element_type3A_380 = arith.extui %lt3A_379 : i1 to i32
      %cond3A_381 = arith.constant 0 : i32
      %cond3A_382 = arith.cmpi ne, %convert_element_type3A_380, %cond3A_381 : i32
      scf.if %cond3A_382 {
        %dma_start3A_408 = arith.constant 3 : i32
        %dma_start3A_409 = arith.constant 3 : i32
        %dma_start3A_410 = arith.constant 0 : i32
        %dma_start3A_411 = arith.constant 0 : i32
        %dma_start3A_412 = tpu.memref_slice %arg7[%dma_start3A_408, %dma_start3A_410, %dma_start3A_411] : memref<5x80x64xf32, #tpu.memory_space<vmem>> -> memref<1x80x64xf32, #tpu.memory_space<vmem>>
        %dma_start3A_413 = tpu.memref_squeeze %dma_start3A_412 : memref<1x80x64xf32, #tpu.memory_space<vmem>> -> memref<80x64xf32, #tpu.memory_space<vmem>>
        %dma_start3A_414 = arith.constant 0 : i32
        %dma_start3A_415 = tpu.memref_slice %arg5[%add3A_363, %dma_start3A_414] : memref<250x80xi32, #tpu.memory_space<vmem>> -> memref<1x80xi32, #tpu.memory_space<vmem>>
        %dma_start3A_416 = tpu.memref_squeeze %dma_start3A_415 : memref<1x80xi32, #tpu.memory_space<vmem>> -> memref<80xi32, #tpu.memory_space<vmem>>
        %dma_start3A_417 = arith.constant 0 : i32
        %dma_start3A_418 = arith.constant 0 : i32
        %dma_start3A_419 = tpu.memref_slice %arg2[%arg0, %dma_start3A_417, %dma_start3A_418] : memref<2x10000x64xf32, #tpu.memory_space<hbm>> -> memref<1x10000x64xf32, #tpu.memory_space<hbm>>
        %dma_start3A_420 = tpu.memref_squeeze %dma_start3A_419 : memref<1x10000x64xf32, #tpu.memory_space<hbm>> -> memref<10000x64xf32, #tpu.memory_space<hbm>>
        %dma_start3A_421 = arith.constant 0 : i32
        %dma_start3A_422 = arith.constant 0 : i32
        %dma_start3A_423 = tpu.memref_slice %dma_start3A_420[%dma_start3A_421, %dma_start3A_422] : memref<10000x64xf32, #tpu.memory_space<hbm>> -> memref<10000x64xf32, #tpu.memory_space<hbm>>
        %dma_start3A_424 = tpu.memref_slice %arg9[%dma_start3A_409] : memref<5x!tpu.dma_semaphore, #tpu.memory_space<semaphore_mem>> -> memref<1x!tpu.dma_semaphore, #tpu.memory_space<semaphore_mem>>
        %dma_start3A_425 = tpu.memref_squeeze %dma_start3A_424 : memref<1x!tpu.dma_semaphore, #tpu.memory_space<semaphore_mem>> -> memref<!tpu.dma_semaphore, #tpu.memory_space<semaphore_mem>>
        tpu.enqueue_indirect_dma source(%dma_start3A_423 : memref<10000x64xf32, #tpu.memory_space<hbm>>) target(%dma_start3A_413 : memref<80x64xf32, #tpu.memory_space<vmem>>) offsets(%dma_start3A_416 : memref<80xi32, #tpu.memory_space<vmem>>) semaphore(%dma_start3A_425 : memref<!tpu.dma_semaphore, #tpu.memory_space<semaphore_mem>>)
      } else {
      }
      %add3A_383 = arith.constant 4 : i32
      %add3A_384 = arith.addi %add3A_114, %add3A_383 : i32
      %add3A_385 = arith.constant 5 : i32
      %add3A_386 = arith.addi %add3A_114, %add3A_385 : i32
      %add3A_387 = arith.constant 4 : i32
      %add3A_388 = arith.addi %add3A_386, %add3A_387 : i32
      %dma_wait3A_389 = arith.constant 4 : i32
      %dma_wait3A_390 = arith.constant 4 : i32
      %dma_wait3A_391 = arith.constant 0 : i32
      %dma_wait3A_392 = arith.constant 0 : i32
      %dma_wait3A_393 = tpu.memref_slice %arg7[%dma_wait3A_389, %dma_wait3A_391, %dma_wait3A_392] : memref<5x80x64xf32, #tpu.memory_space<vmem>> -> memref<1x80x64xf32, #tpu.memory_space<vmem>>
      %dma_wait3A_394 = tpu.memref_squeeze %dma_wait3A_393 : memref<1x80x64xf32, #tpu.memory_space<vmem>> -> memref<80x64xf32, #tpu.memory_space<vmem>>
      %dma_wait3A_395 = arith.constant 0 : i32
      %dma_wait3A_396 = tpu.memref_slice %arg6[%add3A_384, %dma_wait3A_395] : memref<250x80xi32, #tpu.memory_space<vmem>> -> memref<1x80xi32, #tpu.memory_space<vmem>>
      %dma_wait3A_397 = tpu.memref_squeeze %dma_wait3A_396 : memref<1x80xi32, #tpu.memory_space<vmem>> -> memref<80xi32, #tpu.memory_space<vmem>>
      %dma_wait3A_398 = arith.constant 0 : i32
      %dma_wait3A_399 = arith.constant 0 : i32
      %dma_wait3A_400 = tpu.memref_slice %arg8[%dma_wait3A_398, %dma_wait3A_399] : memref<10000x64xf32, #tpu.memory_space<vmem_shared>> -> memref<10000x64xf32, #tpu.memory_space<vmem_shared>>
      %dma_wait3A_401 = tpu.memref_slice %arg10[%dma_wait3A_390] : memref<5x!tpu.dma_semaphore, #tpu.memory_space<semaphore_mem>> -> memref<1x!tpu.dma_semaphore, #tpu.memory_space<semaphore_mem>>
      %dma_wait3A_402 = tpu.memref_squeeze %dma_wait3A_401 : memref<1x!tpu.dma_semaphore, #tpu.memory_space<semaphore_mem>> -> memref<!tpu.dma_semaphore, #tpu.memory_space<semaphore_mem>>
      tpu.wait_indirect_dma semaphore(%dma_wait3A_402 : memref<!tpu.dma_semaphore, #tpu.memory_space<semaphore_mem>>) src(%dma_wait3A_394 : memref<80x64xf32, #tpu.memory_space<vmem>>) dst(%dma_wait3A_400 : memref<10000x64xf32, #tpu.memory_space<vmem_shared>>)
      %lt3A_403 = arith.constant 250 : i32
      %lt3A_404 = arith.cmpi slt, %add3A_388, %lt3A_403 : i32
      %convert_element_type3A_405 = arith.extui %lt3A_404 : i1 to i32
      %cond3A_406 = arith.constant 0 : i32
      %cond3A_407 = arith.cmpi ne, %convert_element_type3A_405, %cond3A_406 : i32
      scf.if %cond3A_407 {
        %dma_start3A_408 = arith.constant 4 : i32
        %dma_start3A_409 = arith.constant 4 : i32
        %dma_start3A_410 = arith.constant 0 : i32
        %dma_start3A_411 = arith.constant 0 : i32
        %dma_start3A_412 = tpu.memref_slice %arg7[%dma_start3A_408, %dma_start3A_410, %dma_start3A_411] : memref<5x80x64xf32, #tpu.memory_space<vmem>> -> memref<1x80x64xf32, #tpu.memory_space<vmem>>
        %dma_start3A_413 = tpu.memref_squeeze %dma_start3A_412 : memref<1x80x64xf32, #tpu.memory_space<vmem>> -> memref<80x64xf32, #tpu.memory_space<vmem>>
        %dma_start3A_414 = arith.constant 0 : i32
        %dma_start3A_415 = tpu.memref_slice %arg5[%add3A_388, %dma_start3A_414] : memref<250x80xi32, #tpu.memory_space<vmem>> -> memref<1x80xi32, #tpu.memory_space<vmem>>
        %dma_start3A_416 = tpu.memref_squeeze %dma_start3A_415 : memref<1x80xi32, #tpu.memory_space<vmem>> -> memref<80xi32, #tpu.memory_space<vmem>>
        %dma_start3A_417 = arith.constant 0 : i32
        %dma_start3A_418 = arith.constant 0 : i32
        %dma_start3A_419 = tpu.memref_slice %arg2[%arg0, %dma_start3A_417, %dma_start3A_418] : memref<2x10000x64xf32, #tpu.memory_space<hbm>> -> memref<1x10000x64xf32, #tpu.memory_space<hbm>>
        %dma_start3A_420 = tpu.memref_squeeze %dma_start3A_419 : memref<1x10000x64xf32, #tpu.memory_space<hbm>> -> memref<10000x64xf32, #tpu.memory_space<hbm>>
        %dma_start3A_421 = arith.constant 0 : i32
        %dma_start3A_422 = arith.constant 0 : i32
        %dma_start3A_423 = tpu.memref_slice %dma_start3A_420[%dma_start3A_421, %dma_start3A_422] : memref<10000x64xf32, #tpu.memory_space<hbm>> -> memref<10000x64xf32, #tpu.memory_space<hbm>>
        %dma_start3A_424 = tpu.memref_slice %arg9[%dma_start3A_409] : memref<5x!tpu.dma_semaphore, #tpu.memory_space<semaphore_mem>> -> memref<1x!tpu.dma_semaphore, #tpu.memory_space<semaphore_mem>>
        %dma_start3A_425 = tpu.memref_squeeze %dma_start3A_424 : memref<1x!tpu.dma_semaphore, #tpu.memory_space<semaphore_mem>> -> memref<!tpu.dma_semaphore, #tpu.memory_space<semaphore_mem>>
        tpu.enqueue_indirect_dma source(%dma_start3A_423 : memref<10000x64xf32, #tpu.memory_space<hbm>>) target(%dma_start3A_413 : memref<80x64xf32, #tpu.memory_space<vmem>>) offsets(%dma_start3A_416 : memref<80xi32, #tpu.memory_space<vmem>>) semaphore(%dma_start3A_425 : memref<!tpu.dma_semaphore, #tpu.memory_space<semaphore_mem>>)
      } else {
      }
    }
    %scan3A_108 = arith.constant 50 : i32
    %barrier3A_109 = arith.constant 0 : index
    tpu.barrier barrier_id(%barrier3A_109)
    %eq3A = arith.constant 0 : i32
    %eq3A_110 = arith.cmpi eq, %arg1, %eq3A : i32
    %convert_element_type3A = arith.extui %eq3A_110 : i1 to i32
    %cond3A = arith.constant 0 : i32
    %cond3A_111 = arith.cmpi ne, %convert_element_type3A, %cond3A : i32
    scf.if %cond3A_111 {
      "tpu.region"() ({
        %run_scoped3A_112 = tpu.sem_alloc : memref<!tpu.dma_semaphore, #tpu.memory_space<semaphore_mem>>
        %dma_start3A_113 = arith.constant 0 : i32
        %dma_start3A_114 = arith.constant 0 : i32
        %dma_start3A_115 = tpu.memref_slice %arg4[%arg0, %dma_start3A_113, %dma_start3A_114] : memref<2x10000x64xf32, #tpu.memory_space<hbm>> -> memref<1x10000x64xf32, #tpu.memory_space<hbm>>
        %dma_start3A_116 = tpu.memref_squeeze %dma_start3A_115 : memref<1x10000x64xf32, #tpu.memory_space<hbm>> -> memref<10000x64xf32, #tpu.memory_space<hbm>>
        tpu.enqueue_dma source(%arg8 : memref<10000x64xf32, #tpu.memory_space<vmem_shared>>) target(%dma_start3A_116 : memref<10000x64xf32, #tpu.memory_space<hbm>>) target_semaphore(%run_scoped3A_112 : memref<!tpu.dma_semaphore, #tpu.memory_space<semaphore_mem>>)
        %dma_wait3A = arith.constant 0 : i32
        %dma_wait3A_117 = arith.constant 0 : i32
        %dma_wait3A_118 = tpu.memref_slice %arg4[%arg0, %dma_wait3A, %dma_wait3A_117] : memref<2x10000x64xf32, #tpu.memory_space<hbm>> -> memref<1x10000x64xf32, #tpu.memory_space<hbm>>
        %dma_wait3A_119 = tpu.memref_squeeze %dma_wait3A_118 : memref<1x10000x64xf32, #tpu.memory_space<hbm>> -> memref<10000x64xf32, #tpu.memory_space<hbm>>
        tpu.wait_dma2 semaphore(%run_scoped3A_112 : memref<!tpu.dma_semaphore, #tpu.memory_space<semaphore_mem>>) src(%arg8 : memref<10000x64xf32, #tpu.memory_space<vmem_shared>>) dst(%dma_wait3A_119 : memref<10000x64xf32, #tpu.memory_space<hbm>>)
        tpu.yield
      }) : () -> ()
    } else {
    }
    return
  }
}

module attributes {stable_mosaic.version = 14 : i64} {
  func.func @body(%arg0: i32, %arg1: memref<2000x128xf32, #tpu.memory_space<vmem>>, %arg2: memref<128x128xf32, #tpu.memory_space<vmem>>, %arg3: memref<2000x128xf32, #tpu.memory_space<vmem>>) attributes {dimension_semantics = [#tpu.dimension_semantics<arbitrary>], iteration_bounds = array<i64: 5>, scalar_prefetch = 0 : i64, scratch_operands = 0 : i64, tpu.core_type = #tpu.core_type<tc>, window_params = [{transform_indices = @transform_0, window_bounds = array<i64: 2000, 128>}, {pipeline_mode = #tpu.pipeline_mode<synchronous>, transform_indices = @transform_1, window_bounds = array<i64: 128, 128>}, {transform_indices = @transform_2, window_bounds = array<i64: 2000, 128>}]} {
    %get3A = arith.constant 0 : index
    %get3A_0 = arith.constant 0 : index
    %get3A_1 = vector.load %arg1[%get3A, %get3A_0] : memref<2000x128xf32, #tpu.memory_space<vmem>>, vector<2000x128xf32>
    %get3A_2 = arith.constant 0 : index
    %get3A_3 = arith.constant 0 : index
    %get3A_4 = vector.load %arg2[%get3A_2, %get3A_3] : memref<128x128xf32, #tpu.memory_space<vmem>>, vector<128x128xf32>
    %dot_general3A = arith.constant dense<0.000000e+00> : vector<2000x128xf32>
    %dot_general3A_5 = tpu.matmul %get3A_1, %get3A_4, %dot_general3A {dimension_numbers = #tpu.dot_dimension_numbers<[1], [0], [0], [1], [0, 0, 1, 1], [], []>, transpose_lhs_hint = false} : vector<2000x128xf32>, vector<128x128xf32>, vector<2000x128xf32> -> vector<2000x128xf32>
    %swap3A = arith.constant 0 : index
    %swap3A_6 = arith.constant 0 : index
    %swap3A_7 = vector.load %arg3[%swap3A, %swap3A_6] : memref<2000x128xf32, #tpu.memory_space<vmem>>, vector<2000x128xf32>
    tpu.vector_store %arg3[%swap3A, %swap3A_6], %dot_general3A_5 {strides = array<i32>} : memref<2000x128xf32, #tpu.memory_space<vmem>>, vector<2000x128xf32>,
    return
  }
  func.func @transform_0(%arg0: i32) -> (i32, i32) {
    %c0_i32 = arith.constant 0 : i32
    %c0_i32_0 = arith.constant 0 : i32
    return %arg0, %c0_i32 : i32, i32
  }
  func.func @transform_1(%arg0: i32) -> (i32, i32) {
    %c0_i32 = arith.constant 0 : i32
    %c0_i32_0 = arith.constant 0 : i32
    %c0_i32_1 = arith.constant 0 : i32
    return %c0_i32, %c0_i32_0 : i32, i32
  }
  func.func @transform_2(%arg0: i32) -> (i32, i32) {
    %c0_i32 = arith.constant 0 : i32
    %c0_i32_0 = arith.constant 0 : i32
    return %arg0, %c0_i32 : i32, i32
  }
}

module attributes {stable_mosaic.version = 14 : i64} {
  func.func @body(%arg0: i32, %arg1: memref<2000x128xf32, #tpu.memory_space<vmem>>, %arg2: memref<2000x16xf32, #tpu.memory_space<vmem>>, %arg3: memref<2000x16xf32, #tpu.memory_space<vmem>>, %arg4: memref<2x2000x64xf32, #tpu.memory_space<vmem>>) attributes {dimension_semantics = [#tpu.dimension_semantics<arbitrary>], iteration_bounds = array<i64: 5>, scalar_prefetch = 0 : i64, scratch_operands = 0 : i64, tpu.core_type = #tpu.core_type<tc>, window_params = [{transform_indices = @transform_0, window_bounds = array<i64: 2000, 128>}, {transform_indices = @transform_1, window_bounds = array<i64: 2000, 16>}, {transform_indices = @transform_2, window_bounds = array<i64: 2000, 16>}, {transform_indices = @transform_3, window_bounds = array<i64: 2, 2000, 64>}]} {
    %get3A = arith.constant 0 : index
    %get3A_0 = arith.constant 0 : index
    %get3A_1 = vector.load %arg1[%get3A, %get3A_0] : memref<2000x128xf32, #tpu.memory_space<vmem>>, vector<2000x128xf32>
    %get3A_2 = arith.constant 0 : index
    %get3A_3 = arith.constant 0 : index
    %get3A_4 = vector.load %arg2[%get3A_2, %get3A_3] : memref<2000x16xf32, #tpu.memory_space<vmem>>, vector<2000x1xf32>
    %get3A_5 = arith.constant 0 : index
    %get3A_6 = arith.constant 0 : index
    %get3A_7 = vector.load %arg3[%get3A_5, %get3A_6] : memref<2000x16xf32, #tpu.memory_space<vmem>>, vector<2000x1xf32>
    %add3A = arith.addf %get3A_4, %get3A_7 : vector<2000x1xf32>
    %max3A = arith.constant 1.000000e+00 : f32
    %max3A_8 = vector.broadcast %max3A : f32 to vector<2000x1xf32>
    %max3A_9 = arith.maximumf %add3A, %max3A_8 : vector<2000x1xf32>
    %rsqrt3A = math.rsqrt %max3A_9 : vector<2000x1xf32>
    %mul3A = vector.broadcast %rsqrt3A : vector<2000x1xf32> to vector<2000x128xf32>
    %mul3A_10 = arith.mulf %get3A_1, %mul3A : vector<2000x128xf32>
    %slice3A = vector.extract_strided_slice %mul3A_10 {offsets = [0, 0], sizes = [2000, 64], strides = [1, 1]} : vector<2000x128xf32> to vector<2000x64xf32>
    %swap3A = arith.constant 0 : index
    %swap3A_11 = arith.constant 0 : index
    %swap3A_12 = arith.constant 0 : index
    %swap3A_13 = vector.load %arg4[%swap3A, %swap3A_11, %swap3A_12] : memref<2x2000x64xf32, #tpu.memory_space<vmem>>, vector<1x2000x64xf32>
    %swap3A_14 = vector.shape_cast %swap3A_13 : vector<1x2000x64xf32> to vector<2000x64xf32>
    %swap3A_15 = vector.shape_cast %slice3A : vector<2000x64xf32> to vector<1x2000x64xf32>
    tpu.vector_store %arg4[%swap3A, %swap3A_11, %swap3A_12], %swap3A_15 {strides = array<i32>} : memref<2x2000x64xf32, #tpu.memory_space<vmem>>, vector<1x2000x64xf32>,
    %slice3A_16 = vector.extract_strided_slice %mul3A_10 {offsets = [0, 64], sizes = [2000, 64], strides = [1, 1]} : vector<2000x128xf32> to vector<2000x64xf32>
    %swap3A_17 = arith.constant 1 : index
    %swap3A_18 = arith.constant 0 : index
    %swap3A_19 = arith.constant 0 : index
    %swap3A_20 = vector.load %arg4[%swap3A_17, %swap3A_18, %swap3A_19] : memref<2x2000x64xf32, #tpu.memory_space<vmem>>, vector<1x2000x64xf32>
    %swap3A_21 = vector.shape_cast %swap3A_20 : vector<1x2000x64xf32> to vector<2000x64xf32>
    %swap3A_22 = vector.shape_cast %slice3A_16 : vector<2000x64xf32> to vector<1x2000x64xf32>
    tpu.vector_store %arg4[%swap3A_17, %swap3A_18, %swap3A_19], %swap3A_22 {strides = array<i32>} : memref<2x2000x64xf32, #tpu.memory_space<vmem>>, vector<1x2000x64xf32>,
    return
  }
  func.func @transform_0(%arg0: i32) -> (i32, i32) {
    %c0_i32 = arith.constant 0 : i32
    %c0_i32_0 = arith.constant 0 : i32
    return %arg0, %c0_i32 : i32, i32
  }
  func.func @transform_1(%arg0: i32) -> (i32, i32) {
    %c0_i32 = arith.constant 0 : i32
    %c0_i32_0 = arith.constant 0 : i32
    return %arg0, %c0_i32 : i32, i32
  }
  func.func @transform_2(%arg0: i32) -> (i32, i32) {
    %c0_i32 = arith.constant 0 : i32
    %c0_i32_0 = arith.constant 0 : i32
    return %arg0, %c0_i32 : i32, i32
  }
  func.func @transform_3(%arg0: i32) -> (i32, i32, i32) {
    %c0_i32 = arith.constant 0 : i32
    %c0_i32_0 = arith.constant 0 : i32
    %c0_i32_1 = arith.constant 0 : i32
    return %c0_i32, %arg0, %c0_i32_0 : i32, i32, i32
  }
}

module attributes {stable_mosaic.version = 14 : i64} {
  func.func @body(%arg0: i32, %arg1: memref<2x2000x64xf32, #tpu.memory_space<vmem>>, %arg2: memref<2000x16xf32, #tpu.memory_space<vmem>>, %arg3: memref<2000x16xf32, #tpu.memory_space<vmem>>, %arg4: memref<2000x16xf32, #tpu.memory_space<vmem>>, %arg5: memref<2000x16xf32, #tpu.memory_space<vmem>>, %arg6: memref<1x128xf32, #tpu.memory_space<vmem>>, %arg7: memref<128x128xf32, #tpu.memory_space<vmem>>, %arg8: memref<2x2000x64xf32, #tpu.memory_space<vmem>>) attributes {dimension_semantics = [#tpu.dimension_semantics<arbitrary>], iteration_bounds = array<i64: 5>, scalar_prefetch = 0 : i64, scratch_operands = 0 : i64, tpu.core_type = #tpu.core_type<tc>, window_params = [{transform_indices = @transform_0, window_bounds = array<i64: 2, 2000, 64>}, {transform_indices = @transform_1, window_bounds = array<i64: 2000, 16>}, {transform_indices = @transform_2, window_bounds = array<i64: 2000, 16>}, {transform_indices = @transform_3, window_bounds = array<i64: 2000, 16>}, {transform_indices = @transform_4, window_bounds = array<i64: 2000, 16>}, {pipeline_mode = #tpu.pipeline_mode<synchronous>, transform_indices = @transform_5, window_bounds = array<i64: 1, 128>}, {pipeline_mode = #tpu.pipeline_mode<synchronous>, transform_indices = @transform_6, window_bounds = array<i64: 128, 128>}, {transform_indices = @transform_7, window_bounds = array<i64: 2, 2000, 64>}]} {
    %get3A = arith.constant 0 : index
    %get3A_0 = arith.constant 0 : index
    %get3A_1 = arith.constant 0 : index
    %get3A_2 = vector.load %arg1[%get3A, %get3A_0, %get3A_1] : memref<2x2000x64xf32, #tpu.memory_space<vmem>>, vector<1x2000x64xf32>
    %get3A_3 = vector.shape_cast %get3A_2 : vector<1x2000x64xf32> to vector<2000x64xf32>
    %get3A_4 = arith.constant 1 : index
    %get3A_5 = arith.constant 0 : index
    %get3A_6 = arith.constant 0 : index
    %get3A_7 = vector.load %arg1[%get3A_4, %get3A_5, %get3A_6] : memref<2x2000x64xf32, #tpu.memory_space<vmem>>, vector<1x2000x64xf32>
    %get3A_8 = vector.shape_cast %get3A_7 : vector<1x2000x64xf32> to vector<2000x64xf32>
    %concatenate3A = tpu.concatenate %get3A_3, %get3A_8 in 1 : vector<2000x64xf32>, vector<2000x64xf32> -> vector<2000x128xf32>
    %get3A_9 = arith.constant 0 : index
    %get3A_10 = arith.constant 0 : index
    %get3A_11 = vector.load %arg2[%get3A_9, %get3A_10] : memref<2000x16xf32, #tpu.memory_space<vmem>>, vector<2000x1xf32>
    %get3A_12 = arith.constant 0 : index
    %get3A_13 = arith.constant 0 : index
    %get3A_14 = vector.load %arg3[%get3A_12, %get3A_13] : memref<2000x16xf32, #tpu.memory_space<vmem>>, vector<2000x1xf32>
    %add3A = arith.addf %get3A_11, %get3A_14 : vector<2000x1xf32>
    %max3A = arith.constant 1.000000e+00 : f32
    %max3A_15 = vector.broadcast %max3A : f32 to vector<2000x1xf32>
    %max3A_16 = arith.maximumf %add3A, %max3A_15 : vector<2000x1xf32>
    %rsqrt3A = math.rsqrt %max3A_16 : vector<2000x1xf32>
    %mul3A = vector.broadcast %rsqrt3A : vector<2000x1xf32> to vector<2000x128xf32>
    %mul3A_17 = arith.mulf %concatenate3A, %mul3A : vector<2000x128xf32>
    %get3A_18 = arith.constant 0 : index
    %get3A_19 = arith.constant 0 : index
    %get3A_20 = vector.load %arg6[%get3A_18, %get3A_19] : memref<1x128xf32, #tpu.memory_space<vmem>>, vector<1x128xf32>
    %add3A_21 = vector.broadcast %get3A_20 : vector<1x128xf32> to vector<2000x128xf32>
    %add3A_22 = arith.addf %mul3A_17, %add3A_21 : vector<2000x128xf32>
    %max3A_23 = arith.constant 0.000000e+00 : f32
    %max3A_24 = vector.broadcast %max3A_23 : f32 to vector<2000x128xf32>
    %max3A_25 = arith.maximumf %add3A_22, %max3A_24 : vector<2000x128xf32>
    %get3A_26 = arith.constant 0 : index
    %get3A_27 = arith.constant 0 : index
    %get3A_28 = vector.load %arg7[%get3A_26, %get3A_27] : memref<128x128xf32, #tpu.memory_space<vmem>>, vector<128x128xf32>
    %dot_general3A = arith.constant dense<0.000000e+00> : vector<2000x128xf32>
    %dot_general3A_29 = tpu.matmul %max3A_25, %get3A_28, %dot_general3A {dimension_numbers = #tpu.dot_dimension_numbers<[1], [0], [0], [1], [0, 0, 1, 1], [], []>, transpose_lhs_hint = false} : vector<2000x128xf32>, vector<128x128xf32>, vector<2000x128xf32> -> vector<2000x128xf32>
    %get3A_30 = arith.constant 0 : index
    %get3A_31 = arith.constant 0 : index
    %get3A_32 = vector.load %arg4[%get3A_30, %get3A_31] : memref<2000x16xf32, #tpu.memory_space<vmem>>, vector<2000x1xf32>
    %get3A_33 = arith.constant 0 : index
    %get3A_34 = arith.constant 0 : index
    %get3A_35 = vector.load %arg5[%get3A_33, %get3A_34] : memref<2000x16xf32, #tpu.memory_space<vmem>>, vector<2000x1xf32>
    %add3A_36 = arith.addf %get3A_32, %get3A_35 : vector<2000x1xf32>
    %max3A_37 = arith.constant 1.000000e+00 : f32
    %max3A_38 = vector.broadcast %max3A_37 : f32 to vector<2000x1xf32>
    %max3A_39 = arith.maximumf %add3A_36, %max3A_38 : vector<2000x1xf32>
    %rsqrt3A_40 = math.rsqrt %max3A_39 : vector<2000x1xf32>
    %mul3A_41 = vector.broadcast %rsqrt3A_40 : vector<2000x1xf32> to vector<2000x128xf32>
    %mul3A_42 = arith.mulf %dot_general3A_29, %mul3A_41 : vector<2000x128xf32>
    %slice3A = vector.extract_strided_slice %mul3A_42 {offsets = [0, 0], sizes = [2000, 64], strides = [1, 1]} : vector<2000x128xf32> to vector<2000x64xf32>
    %swap3A = arith.constant 0 : index
    %swap3A_43 = arith.constant 0 : index
    %swap3A_44 = arith.constant 0 : index
    %swap3A_45 = vector.load %arg8[%swap3A, %swap3A_43, %swap3A_44] : memref<2x2000x64xf32, #tpu.memory_space<vmem>>, vector<1x2000x64xf32>
    %swap3A_46 = vector.shape_cast %swap3A_45 : vector<1x2000x64xf32> to vector<2000x64xf32>
    %swap3A_47 = vector.shape_cast %slice3A : vector<2000x64xf32> to vector<1x2000x64xf32>
    tpu.vector_store %arg8[%swap3A, %swap3A_43, %swap3A_44], %swap3A_47 {strides = array<i32>} : memref<2x2000x64xf32, #tpu.memory_space<vmem>>, vector<1x2000x64xf32>,
    %slice3A_48 = vector.extract_strided_slice %mul3A_42 {offsets = [0, 64], sizes = [2000, 64], strides = [1, 1]} : vector<2000x128xf32> to vector<2000x64xf32>
    %swap3A_49 = arith.constant 1 : index
    %swap3A_50 = arith.constant 0 : index
    %swap3A_51 = arith.constant 0 : index
    %swap3A_52 = vector.load %arg8[%swap3A_49, %swap3A_50, %swap3A_51] : memref<2x2000x64xf32, #tpu.memory_space<vmem>>, vector<1x2000x64xf32>
    %swap3A_53 = vector.shape_cast %swap3A_52 : vector<1x2000x64xf32> to vector<2000x64xf32>
    %swap3A_54 = vector.shape_cast %slice3A_48 : vector<2000x64xf32> to vector<1x2000x64xf32>
    tpu.vector_store %arg8[%swap3A_49, %swap3A_50, %swap3A_51], %swap3A_54 {strides = array<i32>} : memref<2x2000x64xf32, #tpu.memory_space<vmem>>, vector<1x2000x64xf32>,
    return
  }
  func.func @transform_0(%arg0: i32) -> (i32, i32, i32) {
    %c0_i32 = arith.constant 0 : i32
    %c0_i32_0 = arith.constant 0 : i32
    %c0_i32_1 = arith.constant 0 : i32
    return %c0_i32, %arg0, %c0_i32_0 : i32, i32, i32
  }
  func.func @transform_1(%arg0: i32) -> (i32, i32) {
    %c0_i32 = arith.constant 0 : i32
    %c0_i32_0 = arith.constant 0 : i32
    return %arg0, %c0_i32 : i32, i32
  }
  func.func @transform_2(%arg0: i32) -> (i32, i32) {
    %c0_i32 = arith.constant 0 : i32
    %c0_i32_0 = arith.constant 0 : i32
    return %arg0, %c0_i32 : i32, i32
  }
  func.func @transform_3(%arg0: i32) -> (i32, i32) {
    %c0_i32 = arith.constant 0 : i32
    %c0_i32_0 = arith.constant 0 : i32
    return %arg0, %c0_i32 : i32, i32
  }
  func.func @transform_4(%arg0: i32) -> (i32, i32) {
    %c0_i32 = arith.constant 0 : i32
    %c0_i32_0 = arith.constant 0 : i32
    return %arg0, %c0_i32 : i32, i32
  }
  func.func @transform_5(%arg0: i32) -> (i32, i32) {
    %c0_i32 = arith.constant 0 : i32
    %c0_i32_0 = arith.constant 0 : i32
    %c0_i32_1 = arith.constant 0 : i32
    return %c0_i32, %c0_i32_0 : i32, i32
  }
  func.func @transform_6(%arg0: i32) -> (i32, i32) {
    %c0_i32 = arith.constant 0 : i32
    %c0_i32_0 = arith.constant 0 : i32
    %c0_i32_1 = arith.constant 0 : i32
    return %c0_i32, %c0_i32_0 : i32, i32
  }
  func.func @transform_7(%arg0: i32) -> (i32, i32, i32) {
    %c0_i32 = arith.constant 0 : i32
    %c0_i32_0 = arith.constant 0 : i32
    %c0_i32_1 = arith.constant 0 : i32
    return %c0_i32, %arg0, %c0_i32_0 : i32, i32, i32
  }
}

module attributes {stable_mosaic.version = 14 : i64} {
  func.func @body(%arg0: i32, %arg1: memref<2x2000x64xf32, #tpu.memory_space<vmem>>, %arg2: memref<2000x16xf32, #tpu.memory_space<vmem>>, %arg3: memref<2000x16xf32, #tpu.memory_space<vmem>>, %arg4: memref<2000x16xf32, #tpu.memory_space<vmem>>, %arg5: memref<2000x16xf32, #tpu.memory_space<vmem>>, %arg6: memref<1x128xf32, #tpu.memory_space<vmem>>, %arg7: memref<128x64xf32, #tpu.memory_space<vmem>>, %arg8: memref<2x2000x32xf32, #tpu.memory_space<vmem>>) attributes {dimension_semantics = [#tpu.dimension_semantics<arbitrary>], iteration_bounds = array<i64: 5>, scalar_prefetch = 0 : i64, scratch_operands = 0 : i64, tpu.core_type = #tpu.core_type<tc>, window_params = [{transform_indices = @transform_0, window_bounds = array<i64: 2, 2000, 64>}, {transform_indices = @transform_1, window_bounds = array<i64: 2000, 16>}, {transform_indices = @transform_2, window_bounds = array<i64: 2000, 16>}, {transform_indices = @transform_3, window_bounds = array<i64: 2000, 16>}, {transform_indices = @transform_4, window_bounds = array<i64: 2000, 16>}, {pipeline_mode = #tpu.pipeline_mode<synchronous>, transform_indices = @transform_5, window_bounds = array<i64: 1, 128>}, {pipeline_mode = #tpu.pipeline_mode<synchronous>, transform_indices = @transform_6, window_bounds = array<i64: 128, 64>}, {transform_indices = @transform_7, window_bounds = array<i64: 2, 2000, 32>}]} {
    %get3A = arith.constant 0 : index
    %get3A_0 = arith.constant 0 : index
    %get3A_1 = arith.constant 0 : index
    %get3A_2 = vector.load %arg1[%get3A, %get3A_0, %get3A_1] : memref<2x2000x64xf32, #tpu.memory_space<vmem>>, vector<1x2000x64xf32>
    %get3A_3 = vector.shape_cast %get3A_2 : vector<1x2000x64xf32> to vector<2000x64xf32>
    %get3A_4 = arith.constant 1 : index
    %get3A_5 = arith.constant 0 : index
    %get3A_6 = arith.constant 0 : index
    %get3A_7 = vector.load %arg1[%get3A_4, %get3A_5, %get3A_6] : memref<2x2000x64xf32, #tpu.memory_space<vmem>>, vector<1x2000x64xf32>
    %get3A_8 = vector.shape_cast %get3A_7 : vector<1x2000x64xf32> to vector<2000x64xf32>
    %concatenate3A = tpu.concatenate %get3A_3, %get3A_8 in 1 : vector<2000x64xf32>, vector<2000x64xf32> -> vector<2000x128xf32>
    %get3A_9 = arith.constant 0 : index
    %get3A_10 = arith.constant 0 : index
    %get3A_11 = vector.load %arg2[%get3A_9, %get3A_10] : memref<2000x16xf32, #tpu.memory_space<vmem>>, vector<2000x1xf32>
    %get3A_12 = arith.constant 0 : index
    %get3A_13 = arith.constant 0 : index
    %get3A_14 = vector.load %arg3[%get3A_12, %get3A_13] : memref<2000x16xf32, #tpu.memory_space<vmem>>, vector<2000x1xf32>
    %add3A = arith.addf %get3A_11, %get3A_14 : vector<2000x1xf32>
    %max3A = arith.constant 1.000000e+00 : f32
    %max3A_15 = vector.broadcast %max3A : f32 to vector<2000x1xf32>
    %max3A_16 = arith.maximumf %add3A, %max3A_15 : vector<2000x1xf32>
    %rsqrt3A = math.rsqrt %max3A_16 : vector<2000x1xf32>
    %mul3A = vector.broadcast %rsqrt3A : vector<2000x1xf32> to vector<2000x128xf32>
    %mul3A_17 = arith.mulf %concatenate3A, %mul3A : vector<2000x128xf32>
    %get3A_18 = arith.constant 0 : index
    %get3A_19 = arith.constant 0 : index
    %get3A_20 = vector.load %arg6[%get3A_18, %get3A_19] : memref<1x128xf32, #tpu.memory_space<vmem>>, vector<1x128xf32>
    %add3A_21 = vector.broadcast %get3A_20 : vector<1x128xf32> to vector<2000x128xf32>
    %add3A_22 = arith.addf %mul3A_17, %add3A_21 : vector<2000x128xf32>
    %max3A_23 = arith.constant 0.000000e+00 : f32
    %max3A_24 = vector.broadcast %max3A_23 : f32 to vector<2000x128xf32>
    %max3A_25 = arith.maximumf %add3A_22, %max3A_24 : vector<2000x128xf32>
    %get3A_26 = arith.constant 0 : index
    %get3A_27 = arith.constant 0 : index
    %get3A_28 = vector.load %arg7[%get3A_26, %get3A_27] : memref<128x64xf32, #tpu.memory_space<vmem>>, vector<128x64xf32>
    %dot_general3A = arith.constant dense<0.000000e+00> : vector<2000x64xf32>
    %dot_general3A_29 = tpu.matmul %max3A_25, %get3A_28, %dot_general3A {dimension_numbers = #tpu.dot_dimension_numbers<[1], [0], [0], [1], [0, 0, 1, 1], [], []>, transpose_lhs_hint = false} : vector<2000x128xf32>, vector<128x64xf32>, vector<2000x64xf32> -> vector<2000x64xf32>
    %get3A_30 = arith.constant 0 : index
    %get3A_31 = arith.constant 0 : index
    %get3A_32 = vector.load %arg4[%get3A_30, %get3A_31] : memref<2000x16xf32, #tpu.memory_space<vmem>>, vector<2000x1xf32>
    %get3A_33 = arith.constant 0 : index
    %get3A_34 = arith.constant 0 : index
    %get3A_35 = vector.load %arg5[%get3A_33, %get3A_34] : memref<2000x16xf32, #tpu.memory_space<vmem>>, vector<2000x1xf32>
    %add3A_36 = arith.addf %get3A_32, %get3A_35 : vector<2000x1xf32>
    %max3A_37 = arith.constant 1.000000e+00 : f32
    %max3A_38 = vector.broadcast %max3A_37 : f32 to vector<2000x1xf32>
    %max3A_39 = arith.maximumf %add3A_36, %max3A_38 : vector<2000x1xf32>
    %rsqrt3A_40 = math.rsqrt %max3A_39 : vector<2000x1xf32>
    %mul3A_41 = vector.broadcast %rsqrt3A_40 : vector<2000x1xf32> to vector<2000x64xf32>
    %mul3A_42 = arith.mulf %dot_general3A_29, %mul3A_41 : vector<2000x64xf32>
    %slice3A = vector.extract_strided_slice %mul3A_42 {offsets = [0, 0], sizes = [2000, 32], strides = [1, 1]} : vector<2000x64xf32> to vector<2000x32xf32>
    %swap3A = arith.constant 0 : index
    %swap3A_43 = arith.constant 0 : index
    %swap3A_44 = arith.constant 0 : index
    %swap3A_45 = vector.load %arg8[%swap3A, %swap3A_43, %swap3A_44] : memref<2x2000x32xf32, #tpu.memory_space<vmem>>, vector<1x2000x32xf32>
    %swap3A_46 = vector.shape_cast %swap3A_45 : vector<1x2000x32xf32> to vector<2000x32xf32>
    %swap3A_47 = vector.shape_cast %slice3A : vector<2000x32xf32> to vector<1x2000x32xf32>
    tpu.vector_store %arg8[%swap3A, %swap3A_43, %swap3A_44], %swap3A_47 {strides = array<i32>} : memref<2x2000x32xf32, #tpu.memory_space<vmem>>, vector<1x2000x32xf32>,
    %slice3A_48 = vector.extract_strided_slice %mul3A_42 {offsets = [0, 32], sizes = [2000, 32], strides = [1, 1]} : vector<2000x64xf32> to vector<2000x32xf32>
    %swap3A_49 = arith.constant 1 : index
    %swap3A_50 = arith.constant 0 : index
    %swap3A_51 = arith.constant 0 : index
    %swap3A_52 = vector.load %arg8[%swap3A_49, %swap3A_50, %swap3A_51] : memref<2x2000x32xf32, #tpu.memory_space<vmem>>, vector<1x2000x32xf32>
    %swap3A_53 = vector.shape_cast %swap3A_52 : vector<1x2000x32xf32> to vector<2000x32xf32>
    %swap3A_54 = vector.shape_cast %slice3A_48 : vector<2000x32xf32> to vector<1x2000x32xf32>
    tpu.vector_store %arg8[%swap3A_49, %swap3A_50, %swap3A_51], %swap3A_54 {strides = array<i32>} : memref<2x2000x32xf32, #tpu.memory_space<vmem>>, vector<1x2000x32xf32>,
    return
  }
  func.func @transform_0(%arg0: i32) -> (i32, i32, i32) {
    %c0_i32 = arith.constant 0 : i32
    %c0_i32_0 = arith.constant 0 : i32
    %c0_i32_1 = arith.constant 0 : i32
    return %c0_i32, %arg0, %c0_i32_0 : i32, i32, i32
  }
  func.func @transform_1(%arg0: i32) -> (i32, i32) {
    %c0_i32 = arith.constant 0 : i32
    %c0_i32_0 = arith.constant 0 : i32
    return %arg0, %c0_i32 : i32, i32
  }
  func.func @transform_2(%arg0: i32) -> (i32, i32) {
    %c0_i32 = arith.constant 0 : i32
    %c0_i32_0 = arith.constant 0 : i32
    return %arg0, %c0_i32 : i32, i32
  }
  func.func @transform_3(%arg0: i32) -> (i32, i32) {
    %c0_i32 = arith.constant 0 : i32
    %c0_i32_0 = arith.constant 0 : i32
    return %arg0, %c0_i32 : i32, i32
  }
  func.func @transform_4(%arg0: i32) -> (i32, i32) {
    %c0_i32 = arith.constant 0 : i32
    %c0_i32_0 = arith.constant 0 : i32
    return %arg0, %c0_i32 : i32, i32
  }
  func.func @transform_5(%arg0: i32) -> (i32, i32) {
    %c0_i32 = arith.constant 0 : i32
    %c0_i32_0 = arith.constant 0 : i32
    %c0_i32_1 = arith.constant 0 : i32
    return %c0_i32, %c0_i32_0 : i32, i32
  }
  func.func @transform_6(%arg0: i32) -> (i32, i32) {
    %c0_i32 = arith.constant 0 : i32
    %c0_i32_0 = arith.constant 0 : i32
    %c0_i32_1 = arith.constant 0 : i32
    return %c0_i32, %c0_i32_0 : i32, i32
  }
  func.func @transform_7(%arg0: i32) -> (i32, i32, i32) {
    %c0_i32 = arith.constant 0 : i32
    %c0_i32_0 = arith.constant 0 : i32
    %c0_i32_1 = arith.constant 0 : i32
    return %c0_i32, %arg0, %c0_i32_0 : i32, i32, i32
  }
}

module attributes {stable_mosaic.version = 14 : i64} {
  func.func @body(%arg0: i32, %arg1: memref<2x2000x32xf32, #tpu.memory_space<vmem>>, %arg2: memref<2000x16xf32, #tpu.memory_space<vmem>>, %arg3: memref<2000x16xf32, #tpu.memory_space<vmem>>, %arg4: memref<1x64xf32, #tpu.memory_space<vmem>>, %arg5: memref<2000x64xf32, #tpu.memory_space<vmem>>) attributes {dimension_semantics = [#tpu.dimension_semantics<arbitrary>], iteration_bounds = array<i64: 5>, scalar_prefetch = 0 : i64, scratch_operands = 0 : i64, tpu.core_type = #tpu.core_type<tc>, window_params = [{transform_indices = @transform_0, window_bounds = array<i64: 2, 2000, 32>}, {transform_indices = @transform_1, window_bounds = array<i64: 2000, 16>}, {transform_indices = @transform_2, window_bounds = array<i64: 2000, 16>}, {pipeline_mode = #tpu.pipeline_mode<synchronous>, transform_indices = @transform_3, window_bounds = array<i64: 1, 64>}, {transform_indices = @transform_4, window_bounds = array<i64: 2000, 64>}]} {
    %get3A = arith.constant 0 : index
    %get3A_0 = arith.constant 0 : index
    %get3A_1 = arith.constant 0 : index
    %get3A_2 = vector.load %arg1[%get3A, %get3A_0, %get3A_1] : memref<2x2000x32xf32, #tpu.memory_space<vmem>>, vector<1x2000x32xf32>
    %get3A_3 = vector.shape_cast %get3A_2 : vector<1x2000x32xf32> to vector<2000x32xf32>
    %get3A_4 = arith.constant 1 : index
    %get3A_5 = arith.constant 0 : index
    %get3A_6 = arith.constant 0 : index
    %get3A_7 = vector.load %arg1[%get3A_4, %get3A_5, %get3A_6] : memref<2x2000x32xf32, #tpu.memory_space<vmem>>, vector<1x2000x32xf32>
    %get3A_8 = vector.shape_cast %get3A_7 : vector<1x2000x32xf32> to vector<2000x32xf32>
    %concatenate3A = tpu.concatenate %get3A_3, %get3A_8 in 1 : vector<2000x32xf32>, vector<2000x32xf32> -> vector<2000x64xf32>
    %get3A_9 = arith.constant 0 : index
    %get3A_10 = arith.constant 0 : index
    %get3A_11 = vector.load %arg2[%get3A_9, %get3A_10] : memref<2000x16xf32, #tpu.memory_space<vmem>>, vector<2000x1xf32>
    %get3A_12 = arith.constant 0 : index
    %get3A_13 = arith.constant 0 : index
    %get3A_14 = vector.load %arg3[%get3A_12, %get3A_13] : memref<2000x16xf32, #tpu.memory_space<vmem>>, vector<2000x1xf32>
    %add3A = arith.addf %get3A_11, %get3A_14 : vector<2000x1xf32>
    %max3A = arith.constant 1.000000e+00 : f32
    %max3A_15 = vector.broadcast %max3A : f32 to vector<2000x1xf32>
    %max3A_16 = arith.maximumf %add3A, %max3A_15 : vector<2000x1xf32>
    %rsqrt3A = math.rsqrt %max3A_16 : vector<2000x1xf32>
    %mul3A = vector.broadcast %rsqrt3A : vector<2000x1xf32> to vector<2000x64xf32>
    %mul3A_17 = arith.mulf %concatenate3A, %mul3A : vector<2000x64xf32>
    %get3A_18 = arith.constant 0 : index
    %get3A_19 = arith.constant 0 : index
    %get3A_20 = vector.load %arg4[%get3A_18, %get3A_19] : memref<1x64xf32, #tpu.memory_space<vmem>>, vector<1x64xf32>
    %add3A_21 = vector.broadcast %get3A_20 : vector<1x64xf32> to vector<2000x64xf32>
    %add3A_22 = arith.addf %mul3A_17, %add3A_21 : vector<2000x64xf32>
    %swap3A = arith.constant 0 : index
    %swap3A_23 = arith.constant 0 : index
    %swap3A_24 = vector.load %arg5[%swap3A, %swap3A_23] : memref<2000x64xf32, #tpu.memory_space<vmem>>, vector<2000x64xf32>
    tpu.vector_store %arg5[%swap3A, %swap3A_23], %add3A_22 {strides = array<i32>} : memref<2000x64xf32, #tpu.memory_space<vmem>>, vector<2000x64xf32>,
    return
  }
  func.func @transform_0(%arg0: i32) -> (i32, i32, i32) {
    %c0_i32 = arith.constant 0 : i32
    %c0_i32_0 = arith.constant 0 : i32
    %c0_i32_1 = arith.constant 0 : i32
    return %c0_i32, %arg0, %c0_i32_0 : i32, i32, i32
  }
  func.func @transform_1(%arg0: i32) -> (i32, i32) {
    %c0_i32 = arith.constant 0 : i32
    %c0_i32_0 = arith.constant 0 : i32
    return %arg0, %c0_i32 : i32, i32
  }
  func.func @transform_2(%arg0: i32) -> (i32, i32) {
    %c0_i32 = arith.constant 0 : i32
    %c0_i32_0 = arith.constant 0 : i32
    return %arg0, %c0_i32 : i32, i32
  }
  func.func @transform_3(%arg0: i32) -> (i32, i32) {
    %c0_i32 = arith.constant 0 : i32
    %c0_i32_0 = arith.constant 0 : i32
    %c0_i32_1 = arith.constant 0 : i32
    return %c0_i32, %c0_i32_0 : i32, i32
  }
  func.func @transform_4(%arg0: i32) -> (i32, i32) {
    %c0_i32 = arith.constant 0 : i32
    %c0_i32_0 = arith.constant 0 : i32
    return %arg0, %c0_i32 : i32, i32
  }
}

</mosaic_0001>

<sc_bundles>
// kernel: kernel.11.cloned.1.call-start
scs
__scs_entry_jumppad:
0x0: {  	(pc) =	sbr.rel $0x88, $3  }
0x1: {  	(tag) =	ssettag $0x0;
	lr =	simm.s32 $0x1  }
0x2: {  	[smem:$0x3F99] =	sst lr;
	_ =	strace $0xD0000000  }
0x3: {  	_ = 	snop  }
0x4: {  	_ = 	snop  }
0x5: {  	_ = 	snop  }
0x6: {  	_ = 	snop  }
0x7: {  	_ = 	snop  }
__scs_overlays_trampoline_lowered:
0x8: {  	[smem:$0x3FA8] =	sst s0  }
0x9: {  	[smem:$0x3FA9] =	sst s1  }
0xa: {  	[smem:$0x3FAA] =	sst s2  }
0xb: {  	[smem:$0x3FAB] =	sst s3  }
0xc: {  	[smem:$0x3FAC] =	sst s4  }
0xd: {  	[smem:$0x3FAD] =	sst s5  }
0xe: {  	[smem:$0x3FAE] =	sst s6  }
0xf: {  	[smem:$0x3FAF] =	sst s7  }
0x10: {  	[smem:$0x3FB0] =	sst s8  }
0x11: {  	[smem:$0x3FB1] =	sst s9;
	s0 =	simm.s32 @!p0 $0x0  }
0x12: {  	s1 =	sld [smem:$0x3F97];
	s0 =	simm.s32 @p0 $0x1  }
0x13: {  	[smem:$0x3FB2] =	sst s0;
	s0 =	simm.s32 @!p1 $0x0  }
0x14: {  	s2 =	sld [smem:$0x3F96];
	s0 =	simm.s32 @p1 $0x1  }
0x15: {  	[smem:$0x3FB3] =	sst s0;
	s0 =	simm.s32 @!p2 $0x0  }
0x16: {  	s3 =	sld [smem:$0x3FDB];
	s0 =	simm.s32 @p2 $0x1  }
0x17: {  	s4 =	simm.s32 $0x1BF5;
	[smem:$0x3FB5] =	sst s0  }
0x18: {  	s0 =	sld [smem:$0x3F98];
	_ =	swait.ge [sflag:s4], $0x0  }
0x19: {  	s7 =	sld [smem:$0x3F99]  }
0x1a: {  	s8 =	sadd.s32 $0xFFFFE003, lr  }
0x1b: {  	s9 =	sadd.s32 $0xFFFFFEF7, lr;
	s5 =	simm.s32 $0xFFFFFFFF;
	p2 =	slt.u32 s8, $0xFFFFF086  }
0x1c: {  	p1 =	slt.u32 s9, $0xF7A;
	s5 =	simm.s32 @!p2 $0x0  }
0x1d: {  	s5 =	simm.s32 @p1 $0x1;
	p0 =	seq.s32 s7, s2  }
0x1e: {  	s7 =	smul.u32 @!p0 $0xF7A, s2;
	p2 =	seq.s32 @!p0 s5, $0x0  }
0x1f: {  	s9 =	smul.u32 $0xF7A, s1;
	s8 =	simm.s32 @!p0 $0x1BF5;
	p2 =	por !p2, p0  }
0x20: {  	[sflag:s8] =	ssyncset.s32 @!p0 $0xFFFFF086;
	s6 =	sadd.s32 @!p0 s3, s7;
	s7 =	simm.s32 @!p0 $0x108  }
0x21: {  	s3 =	sadd.s32 s3, s9;
	s6 =	sadd.s32 @!p0 $0x88, s6;
	s7 =	simm.s32 @p2 $0x1082  }
0x22: {  	[simem:s7], [sflag:s8] =	dma.local @!p0 [hbm:s6], $0xF7A  }
0x23: {  	s9 =	sor.u32 $0xD0000000, s2;
	s6 =	simm.s32 $0x108;
	_ =	swait.ge @!p0 [sflag:s8], $0x0  }
0x24: {  	s3 =	sadd.s32 $0x88, s3;
	s6 =	simm.s32 @!p1 $0x1082;
	[sflag:s4] =	ssyncset.s32 $0xFFFFF086  }
0x25: {  	[simem:s6], [sflag:s4] =	dma.local [hbm:s3], $0xF7A  }
0x26: {  	[smem:$0x3F99] =	sst s1;
	(tag) =	ssettag s2;
	_ =	strace s9  }
0x27: {  	s1 =	sld [smem:$0x3FA9]  }
0x28: {  	s2 =	sld [smem:$0x3FAA]  }
0x29: {  	s4 =	sld [smem:$0x3FAC]  }
0x2a: {  	p0 =	seq.s32 s5, $0x0;
	s5 =	sld [smem:$0x3FAD]  }
0x2b: {  	s6 =	sld [smem:$0x3FAE]  }
0x2c: {  	s7 =	sld [smem:$0x3FAF]  }
0x2d: {  	s3 =	simm.s32 $0x108;
	s8 =	sld [smem:$0x3FB0]  }
0x2e: {  	s3 =	simm.s32 @!p0 $0x1082;
	s9 =	sld [smem:$0x3FB1]  }
0x2f: {  	lr =	sadd.s32 s0, s3;
	s0 =	sld [smem:$0x3FA8]  }
0x30: {  	s3 =	sld [smem:$0x3FAB]  }
0x31: {  	[smem:$0x3FB4] =	sst s10  }
0x32: {  	s10 =	sld [smem:$0x3FB2];
	_ =	sdelay $0x3  }
0x33: {  	p0 =	seq.s32 s10, $0x1;
	s10 =	sld [smem:$0x3FB4];
	_ =	sdelay $0x3  }
0x34: {  	[smem:$0x3FB4] =	sst s10  }
0x35: {  	s10 =	sld [smem:$0x3FB3];
	_ =	sdelay $0x3  }
0x36: {  	p1 =	seq.s32 s10, $0x1;
	s10 =	sld [smem:$0x3FB4];
	_ =	sdelay $0x3  }
0x37: {  	[smem:$0x3FB4] =	sst s10  }
0x38: {  	s10 =	sld [smem:$0x3FB5]  }
0x39: {  	_ = 	snop;
	(pc) =	sbr.ind lr, $3  }
0x3a: {  	_ = 	snop  }
0x3b: {  	_ = 	snop  }
0x3c: {  	p2 =	seq.s32 s10, $0x1;
	s10 =	sld [smem:$0x3FB4]  }
0x3d: {  	_ =	shalt  }
0x3e: {  	_ =	shalt  }
0x3f: {  	_ =	shalt  }
0x40: {  	_ =	shalt  }
0x41: {  	_ =	shalt  }
0x42: {  	_ =	shalt  }
0x43: {  	_ =	shalt  }
0x44: {  	_ =	shalt  }
0x45: {  	_ =	shalt  }
0x46: {  	_ =	shalt  }
0x47: {  	_ =	shalt  }
0x48: {  	_ =	shalt  }
0x49: {  	_ =	shalt  }
0x4a: {  	_ =	shalt  }
0x4b: {  	_ =	shalt  }
0x4c: {  	_ =	shalt  }
0x4d: {  	_ =	shalt  }
0x4e: {  	_ =	shalt  }
0x4f: {  	_ =	shalt  }
0x50: {  	_ =	shalt  }
0x51: {  	_ =	shalt  }
0x52: {  	_ =	shalt  }
0x53: {  	_ =	shalt  }
0x54: {  	_ =	shalt  }
0x55: {  	_ =	shalt  }
0x56: {  	_ =	shalt  }
0x57: {  	_ =	shalt  }
0x58: {  	_ =	shalt  }
0x59: {  	_ =	shalt  }
0x5a: {  	_ =	shalt  }
0x5b: {  	_ =	shalt  }
0x5c: {  	_ =	shalt  }
0x5d: {  	_ =	shalt  }
0x5e: {  	_ =	shalt  }
0x5f: {  	_ =	shalt  }
0x60: {  	_ =	shalt  }
0x61: {  	_ =	shalt  }
0x62: {  	_ =	shalt  }
0x63: {  	_ =	shalt  }
0x64: {  	_ =	shalt  }
0x65: {  	_ =	shalt  }
0x66: {  	_ =	shalt  }
0x67: {  	_ =	shalt  }
0x68: {  	_ =	shalt  }
0x69: {  	_ =	shalt  }
0x6a: {  	_ =	shalt  }
0x6b: {  	_ =	shalt  }
0x6c: {  	_ =	shalt  }
0x6d: {  	_ =	shalt  }
0x6e: {  	_ =	shalt  }
0x6f: {  	_ =	shalt  }
0x70: {  	_ =	shalt  }
0x71: {  	_ =	shalt  }
0x72: {  	_ =	shalt  }
0x73: {  	_ =	shalt  }
0x74: {  	_ =	shalt  }
0x75: {  	_ =	shalt  }
0x76: {  	_ =	shalt  }
0x77: {  	_ =	shalt  }
0x78: {  	_ =	shalt  }
0x79: {  	_ =	shalt  }
0x7a: {  	_ =	shalt  }
0x7b: {  	_ =	shalt  }
0x7c: {  	_ =	shalt  }
0x7d: {  	_ =	shalt  }
0x7e: {  	_ =	shalt  }
0x7f: {  	_ =	shalt  }
0x80: {  	_ =	shalt  }
0x81: {  	_ =	shalt  }
0x82: {  	_ =	shalt  }
0x83: {  	_ =	shalt  }
0x84: {  	_ =	shalt  }
0x85: {  	_ =	shalt  }
0x86: {  	_ =	shalt  }
0x87: {  	_ =	shalt  }
.Lfunc_end0:
.L_simem_size_0:
called_computation_lowered:
.L_overlay_start_0:
0x88: {  	s2 =	sld [smem:$0x3FD9]  }
0x89: {  	s3 =	sld [smem:$0x3FFE];
	_ =	sdelay $0x1  }
0x8a: {  	s1 =	srdreg.scid  }
0x8b: {  	s0 =	sand.u32 $0x1, s1  }
0x8c: {  	s17 =	sshll.u32 s0, $0xA;
	s2 =	sadd.s32 s3, s2  }
0x8d: {  	s2 =	sadd.s32 s2, s17  }
0x8e: {  	[smem:$0x3FC0] =	sst s2  }
0x8f: {  	_ = 	snop  }
0x90: {  	s2 =	sld [smem:$0x3FD0];
	(tm) =	ssettm $0x1  }
0x91: {  	s18 =	sld [smem:$0x3FFB];
	_ =	sdelay $0x3  }
0x92: {  	_ =	strace s18  }
0x93: {  	s3 =	sld [smem:$0x3FFC];
	_ =	sdelay $0x3  }
0x94: {  	_ =	strace s3  }
0x95: {  	s3 =	sld [smem:$0x3FFD];
	_ =	sdelay $0x3  }
0x96: {  	_ =	strace s3  }
0x97: {  	_ =	strace $0x8FFFFFFF  }
0x98: {  	s19 =	sld [smem:$0x3FDB];
	_ =	sdelay $0x1  }
0x99: {  	s4 =	simm.s32 $_scs_section_size  }
0x9a: {  	s5 =	simm.s32 $_size__tile_overlayer_lowered;
	s6 =	simm.s32 $_tile_overlayer_lowered  }
0x9b: {  	s22 =	simm.s32 $0x1BFF;
	s21 =	sshll.u32 s6, $0x1;
	s3 =	sadd.s32 s4, s19  }
0x9c: {  	s7 =	simm.s32 $0x0;
	s20 =	sshll.u32 s5, $0x1;
	s5 =	sadd.s32 s21, s3  }
0x9d: {  	[timem:s7], [sflag:s22] =	dma.local [hbm:s5], s20  }
0x9e: {  	_ =	swait.ge [sflag:s22], s20  }
0x9f: {  	s4 =	ssub.s32 $0x0, s20;
	[sflag:s22] =	ssyncset.done $0x0  }
0xa0: {  	[sflag:s22] =	ssyncadd.s32 s4;
	_ =	sdelay $0x1  }
0xa1: {  	s23 =	simm.s32 $0x1B8B  }
0xa2: {  	_ =	swait.ge [sflag:s23], $0x1  }
0xa3: {  	[sflag:s23] =	ssyncset.done $0x0  }
0xa4: {  	s25 =	simm.s32 $0x1B8E;
	s24 =	sld [smem:$0x3FFE];
	[sflag:s23] =	ssyncadd.s32 $0xFFFFFFFF  }
0xa5: {  	s26 =	simm.s32 $execute0_lowered;
	[smem:$0x3FD2] =	sst s25  }
0xa6: {  	s5 =	sshll.u32 s26, $0x1;
	_ =	strace $0x80000046;
	[dreg:$0x1] =	wrdreg $0xFFFFFFFF  }
0xa7: {  	s28 =	simm.s32 $_size_execute0_lowered;
	s3 =	sadd.s32 s3, s5;
	[dreg:$0x0] =	wrdreg $0x0  }
0xa8: {  	s5 =	sshll.u32 s28, $0x1;
	[dreg:$0x2] =	wrdreg s3  }
0xa9: {  	[dreg:$0x3] =	wrdreg s5  }
0xaa: {  	[dreg:$0x4] =	wrdreg $0xC0  }
0xab: {  	_ =	task [dreg:s7], $0x5FFFF  }
0xac: {  	[dreg:$0x1] =	wrdreg $0xFFFFFFFF  }
0xad: {  	[dreg:$0x0] =	wrdreg $0x60  }
0xae: {  	[dreg:$0x2] =	wrdreg s24  }
0xaf: {  	[dreg:$0x3] =	wrdreg s2  }
0xb0: {  	[dreg:$0x4] =	wrdreg $0x5AF00  }
0xb1: {  	[dreg:$0x5] =	wrdreg $0x82000  }
0xb2: {  	[dreg:$0x6] =	wrdreg $0x9  }
0xb3: {  	_ =	task.clear_ibuf [dreg:s7], $0x7FFFF;
	_ =	strace $0x90000046  }
0xb4: {  	s29 =	simm.s32 $0x9;
	_ =	strace $0x80000048  }
0xb5: {  	_ =	swait.ge [sflag:s29], $0x1  }
0xb6: {  	[sflag:s29] =	ssyncadd.s32 $0xFFFFFFFF  }
0xb7: {  	_ =	strace $0x90000048  }
0xb8: {  	_ =	sfence  }
0xb9: {  	s30 =	sld [smem:$0x0];
	_ =	sdelay $0x2  }
0xba: {  	s31 =	sshll.u32 s1, $0xD;
	s1 =	sshrl.u32 s1, $0x2  }
0xbb: {  	s3 =	sand.u32 $0x4000, s31;
	s1 =	sadd.s32 s1, s30  }
0xbc: {  	s0 =	sor.u32 s3, s0;
	s1 =	sshll.u32 s1, $0x11  }
0xbd: {  	s0 =	sor.u32 s1, s0  }
0xbe: {  	s0 =	sadd.s32 $0x8F2B, s0  }
0xbf: {  	[sflag:s0] =	ssyncadd.remote.s32 $0x1  }
0xc0: {  	_ =	sfence.sel $0xFFFF  }
0xc1: {  	[dreg:$0x0] =	wrdreg $0xFFFFFFFF;
	(pc) =	sbr.abs _section_cstart, $3  }
0xc2: {  	[dreg:$0x1] =	wrdreg $0xFFFFFFFF  }
0xc3: {  	_ =	task.clear_ibuf [dreg:s7], $0x2FFFF;
	_ =	strace $0x9FFFFFFF  }
0xc4: {  	(tm) =	ssettm $0x7FFFFFFF  }
0xc5: {  	_ =	shalt  }
tec
execute0_lowered:
.L_overlay_start_1:
0x0: {  	(tag) =	ssettag $0x1  }
0x1: {  	s4 =	rddreg [dreg:$0x0]  }
0x2: {  	s5 =	rddreg [dreg:$0x1]  }
0x3: {  	s1 =	rddreg [dreg:$0x2]  }
0x4: {  	s2 =	rddreg [dreg:$0x3]  }
0x5: {  	s0 =	rddreg [dreg:$0x4]  }
0x6: {  	s25 =	stileid.u32;
	s6 =	srdreg.scid  }
0x7: {  	s3 =	simm.s32 $0x0;
	s17 =	simm.s32 $0x5320;
	s18 =	simm.s32 $0x1  }
0x8: {  	s23 =	simm.s32 $0x4E20;
	s24 =	simm.s32 $0x1C41;
	s19 =	smul.u32 $0x9C4, s25  }
0x9: {  	s6 =	sand.u32 $0x1, s6;
	[smem:$0x7FF] =	sst s3;
	s14 =	smul.u32 $0x2710, s25  }
0xa: {  	s22 =	sadd.s32 $0xCE40, s4;
	p1 =	seq.s32 s25, $0x1;
	p0 =	sne.s32 s25, $0x0  }
0xb: {  	s25 =	simm.s32 $0x1C01;
	s7 =	smul.u32 $0x4E20, s6;
	_ =	strace $0x80000047  }
0xc: {  	s9 =	ssub.s32 $0x2, s6;
	s20 =	smul.u32 $0x4E2, s6;
	s8 =	sadd.s32 s19, s4  }
0xd: {  	s11 =	sshrl.u32 s9, $0x1;
	s31 =	sadd.s32 $0x7D0, s14;
	s12 =	sadd.s32 $0xFA0, s14  }
0xe: {  	s15 =	sadd.s32 $0x1770, s14;
	s16 =	sadd.s32 $0x1F40, s14;
	s22 =	sadd.s32 s19, s22  }
0xf: {  	s10 =	sadd.s32 s7, s4;
	s30 =	ssub.s32 s9, s11;
	s21 =	sadd.s32 $0x3200, s8  }
0x10: {  	s5 =	sadd.s32 s5, s7;
	s7 =	sadd.s32 s14, s1;
	s8 =	sadd.s32 s14, s2  }
.Ltmp0:
0x11: {  	s9 =	sadd.s32 s31, s1;
	s11 =	sadd.s32 s12, s1;
	(pc) =	sbr.rel .LBB2_1-.Ltmp0, $4  }
0x12: {  	s12 =	sadd.s32 s12, s2;
	s13 =	sadd.s32 s15, s1;
	s14 =	sadd.s32 s15, s2  }
0x13: {  	s15 =	sadd.s32 s16, s1;
	s16 =	sadd.s32 s16, s2;
	s4 =	sadd.s32 $0x16C00, s10  }
0x14: {  	s6 =	smax.u32 s30, $0x1;
	s10 =	sadd.s32 s31, s2;
	s19 =	sadd.s32 s20, s21  }
0x15: {  	v0 =	vimm.f32 $1.000000000e+00;
	v1 =	vimm.f32 $0.0e+00;
	s20 =	sadd.s32 s20, s22;
	s21 =	simm.s32 $0x2710;
	s22 =	simm.s32 $0x50  }
.LBB2_10:
0x16: {  	s26 =	sshrl.u32 s2, $0x3  }
0x17: {  	[hbm:s4], [sflag:s24] =	dma.local [spmem:s26], $0x4E20  }
.LBB2_11:
0x18: {  	_ =	swait.ge [sflag:s18], $0x4E20  }
0x19: {  	[sflag:s18] =	ssyncset.done $0x0  }
0x1a: {  	[sflag:s18] =	ssyncadd.s32 $0xFFFFB1E0  }
.LBB2_12:
0x1b: {  	s3 =	sadd.s32 $0x1, s3  }
0x1c: {  	p2 =	sne.s32 s3, s6  }
.Ltmp1:
0x1d: {  	_ = 	snop;
	(pc) =	sbr.rel @!p2 .LBB2_13-.Ltmp1, $1  }
0x1e: {  	_ =	sdelay $0x3  }
.LBB2_1:
0x1f: {  	s26 =	simm.s32 $0x0  }
.LBB2_2:
0x20: {  	p2 =	sne.s32 s26, $0x13C0  }
.Ltmp2:
0x21: {  	_ = 	snop;
	(pc) =	sbr.rel @p2 .LBB2_2-.Ltmp2, $3  }
0x22: {  	_ =	sdelay $0x1  }
0x23: {  	s28 =	sshra.s32 s26, $0x2  }
0x24: {  	s26 =	sadd.s32 $0x40, s26;
	[tilespmem:s28+$0x4E20] =	vst v0  }
0x25: {  	s26 =	simm.s32 $0x40;
	s28 =	simm.s32 $0x0  }
.LBB2_4:
0x26: {  	p2 =	sne.s32 s26, $0x1F00;
	[tilespmem:s28+$0x5320] =	vst v1;
	s28 =	smov.u32 s26;
	s26 =	sadd.s32 $0x40, s26  }
.Ltmp3:
0x27: {  	(pc) =	sbr.rel @p2 .LBB2_4-.Ltmp3, $2  }
0x28: {  	_ =	sdelay $0x2  }
0x29: {  	s28 =	sshra.s32 s28, $0x2  }
0x2a: {  	[tilespmem:s28+$0x5320] =	vst v1  }
0x2b: {  	[spmem:s7] =	stream.linear.scatter [tilespmem:s17], [sflag:$0x1], $0x7D0, $0x38;
	[tilespmem:$0xA910] =	vst v63  }
0x2c: {  	_ =	swait.ge [sflag:s18], $0x7D0  }
0x2d: {  	[sflag:s18] =	ssyncset.done $0x0  }
0x2e: {  	[sflag:s18] =	ssyncadd.s32 $0xFFFFF830  }
0x2f: {  	[spmem:s8] =	stream.linear.scatter [tilespmem:s17], [sflag:$0x1], $0x7D0, $0x38;
	[tilespmem:$0xA910] =	vst v63  }
0x30: {  	_ =	swait.ge [sflag:s18], $0x7D0  }
0x31: {  	[sflag:s18] =	ssyncset.done $0x0  }
0x32: {  	[sflag:s18] =	ssyncadd.s32 $0xFFFFF830  }
0x33: {  	[spmem:s9] =	stream.linear.scatter [tilespmem:s17], [sflag:$0x1], $0x7D0, $0x38;
	[tilespmem:$0xA910] =	vst v63  }
0x34: {  	_ =	swait.ge [sflag:s18], $0x7D0  }
0x35: {  	[sflag:s18] =	ssyncset.done $0x0  }
0x36: {  	[sflag:s18] =	ssyncadd.s32 $0xFFFFF830  }
0x37: {  	[spmem:s10] =	stream.linear.scatter [tilespmem:s17], [sflag:$0x1], $0x7D0, $0x38;
	[tilespmem:$0xA910] =	vst v63  }
0x38: {  	_ =	swait.ge [sflag:s18], $0x7D0  }
0x39: {  	[sflag:s18] =	ssyncset.done $0x0  }
0x3a: {  	[sflag:s18] =	ssyncadd.s32 $0xFFFFF830  }
0x3b: {  	[spmem:s11] =	stream.linear.scatter [tilespmem:s17], [sflag:$0x1], $0x7D0, $0x38;
	[tilespmem:$0xA910] =	vst v63  }
0x3c: {  	_ =	swait.ge [sflag:s18], $0x7D0  }
0x3d: {  	[sflag:s18] =	ssyncset.done $0x0  }
0x3e: {  	[sflag:s18] =	ssyncadd.s32 $0xFFFFF830  }
0x3f: {  	[spmem:s12] =	stream.linear.scatter [tilespmem:s17], [sflag:$0x1], $0x7D0, $0x38;
	[tilespmem:$0xA910] =	vst v63  }
0x40: {  	_ =	swait.ge [sflag:s18], $0x7D0  }
0x41: {  	[sflag:s18] =	ssyncset.done $0x0  }
0x42: {  	[sflag:s18] =	ssyncadd.s32 $0xFFFFF830  }
0x43: {  	[spmem:s13] =	stream.linear.scatter [tilespmem:s17], [sflag:$0x1], $0x7D0, $0x38;
	[tilespmem:$0xA910] =	vst v63  }
0x44: {  	_ =	swait.ge [sflag:s18], $0x7D0  }
0x45: {  	[sflag:s18] =	ssyncset.done $0x0  }
0x46: {  	[sflag:s18] =	ssyncadd.s32 $0xFFFFF830  }
0x47: {  	[spmem:s14] =	stream.linear.scatter [tilespmem:s17], [sflag:$0x1], $0x7D0, $0x38;
	[tilespmem:$0xA910] =	vst v63  }
0x48: {  	_ =	swait.ge [sflag:s18], $0x7D0  }
0x49: {  	[sflag:s18] =	ssyncset.done $0x0  }
0x4a: {  	[sflag:s18] =	ssyncadd.s32 $0xFFFFF830  }
0x4b: {  	[spmem:s15] =	stream.linear.scatter [tilespmem:s17], [sflag:$0x1], $0x7D0, $0x38;
	[tilespmem:$0xA910] =	vst v63  }
0x4c: {  	_ =	swait.ge [sflag:s18], $0x7D0  }
0x4d: {  	[sflag:s18] =	ssyncset.done $0x0  }
0x4e: {  	[sflag:s18] =	ssyncadd.s32 $0xFFFFF830  }
0x4f: {  	[spmem:s16] =	stream.linear.scatter [tilespmem:s17], [sflag:$0x1], $0x7D0, $0x38;
	[tilespmem:$0xA910] =	vst v63  }
0x50: {  	_ =	swait.ge [sflag:s18], $0x7D0  }
0x51: {  	[sflag:s18] =	ssyncset.done $0x0  }
0x52: {  	[sflag:s18] =	ssyncadd.s32 $0xFFFFF830  }
0x53: {  	s26 =	simm.s32 $0x0;
	[bflag:$0x0] =	sbarrier.arrive $0xFFFF  }
0x54: {  	[tilespmem:s26], [sflag:$0x1] =	stream.linear.gather [hbm4b:s19+s26], $0x2710, $0x38;
	[tilespmem:$0xA910] =	vst v63  }
0x55: {  	_ =	swait.ge [sflag:s18], $0x2710  }
0x56: {  	[sflag:s18] =	ssyncset.done $0x0  }
0x57: {  	[sflag:s18] =	ssyncadd.s32 $0xFFFFD8F0  }
0x58: {  	[tilespmem:s21], [sflag:$0x1] =	stream.linear.gather [hbm4b:s20+s26], $0x2710, $0x38;
	[tilespmem:$0xA910] =	vst v63  }
0x59: {  	_ =	swait.ge [sflag:s18], $0x2710  }
0x5a: {  	[sflag:s18] =	ssyncset.done $0x0  }
0x5b: {  	s30 =	simm.s32 $0x0;
	[sflag:s18] =	ssyncadd.s32 $0xFFFFD8F0  }
0x5c: {  	[spmem:s1] =	stream.indirect.scatter.add.f32 [tilespmem:s23], [sflag:$0x1], $0x10, s30, s22, $0xb8;
	[tilespmem:$0xA910] =	vst v63  }
0x5d: {  	_ =	swait.ge [sflag:s18], $0x500  }
0x5e: {  	[sflag:s18] =	ssyncset.done $0x0  }
0x5f: {  	s31 =	simm.s32 $0x2710;
	[sflag:s18] =	ssyncadd.s32 $0xFFFFFB00  }
0x60: {  	[spmem:s2] =	stream.indirect.scatter.add.f32 [tilespmem:s23], [sflag:$0x1], $0x10, s31, s22, $0xb8;
	[tilespmem:$0xA910] =	vst v63  }
0x61: {  	_ =	swait.ge [sflag:s18], $0x500  }
0x62: {  	s28 =	simm.s32 $0x280;
	s26 =	simm.s32 $0x140;
	[sflag:s18] =	ssyncset.done $0x0  }
.LBB2_6:
0x63: {  	s29 =	sshra.s32 s26, $0x2  }
0x64: {  	[sflag:s18] =	ssyncadd.s32 $0xFFFFFB00;
	s26 =	smov.u32 s28;
	s30 =	sadd.s32 $0x140, s28  }
0x65: {  	[spmem:s1] =	stream.indirect.scatter.add.f32 [tilespmem:s23], [sflag:$0x1], $0x10, s29, s22, $0xb8;
	[tilespmem:$0xA910] =	vst v63  }
0x66: {  	p2 =	sne.s32 s28, $0x9B00;
	_ =	swait.ge [sflag:s18], $0x500  }
.Ltmp4:
0x67: {  	[sflag:s18] =	ssyncset.done $0x0;
	(pc) =	sbr.rel @p2 .LBB2_6-.Ltmp4, $4  }
0x68: {  	s28 =	sadd.s32 $0x2710, s29;
	[sflag:s18] =	ssyncadd.s32 $0xFFFFFB00  }
0x69: {  	[spmem:s2] =	stream.indirect.scatter.add.f32 [tilespmem:s23], [sflag:$0x1], $0x10, s28, s22, $0xb8;
	[tilespmem:$0xA910] =	vst v63  }
0x6a: {  	_ =	swait.ge [sflag:s18], $0x500  }
0x6b: {  	s28 =	smov.u32 s30;
	[sflag:s18] =	ssyncset.done $0x0  }
0x6c: {  	s26 =	sshra.s32 s26, $0x2;
	[sflag:s18] =	ssyncadd.s32 $0xFFFFFB00  }
0x6d: {  	[spmem:s1] =	stream.indirect.scatter.add.f32 [tilespmem:s23], [sflag:$0x1], $0x10, s26, s22, $0xb8;
	[tilespmem:$0xA910] =	vst v63  }
0x6e: {  	_ =	swait.ge [sflag:s18], $0x500  }
0x6f: {  	[sflag:s18] =	ssyncset.done $0x0  }
0x70: {  	s26 =	sadd.s32 $0x2710, s26;
	[sflag:s18] =	ssyncadd.s32 $0xFFFFFB00  }
0x71: {  	[spmem:s2] =	stream.indirect.scatter.add.f32 [tilespmem:s23], [sflag:$0x1], $0x10, s26, s22, $0xb8;
	[tilespmem:$0xA910] =	vst v63  }
.Ltmp5:
0x72: {  	_ =	swait.ge [sflag:s18], $0x500;
	(pc) =	sbr.rel @p1 .LBB2_10-.Ltmp5, $3  }
0x73: {  	[sflag:s18] =	ssyncset.done $0x0  }
0x74: {  	[sflag:s18] =	ssyncadd.s32 $0xFFFFFB00  }
0x75: {  	[bflag:$0x0] =	sbarrier.arrive $0xFFFF;
	_ =	sdelay $0x1  }
.Ltmp6:
0x76: {  	(pc) =	sbr.rel @p0 .LBB2_12-.Ltmp6, $1  }
0x77: {  	_ =	sdelay $0x3  }
.Ltmp7:
0x78: {  	(pc) =	sbr.rel .LBB2_11-.Ltmp7, $3  }
0x79: {  	_ =	sdelay $0x1  }
0x7a: {  	s26 =	sshrl.u32 s1, $0x3  }
0x7b: {  	[hbm:s5], [sflag:s25] =	dma.local [spmem:s26], $0x4E20  }
.LBB2_13:
0x7c: {  	_ =	sfence.sel $0x180000  }
0x7d: {  	[bflag:$0x0] =	sbarrier.arrive $0xFFFF  }
0x7e: {  	_ =	strace $0x90000047  }
0x7f: {  	s0 =	sadd.s32 @!p0 $0x100000, s0;
	[bflag:$0x2] =	sbarrier.arrive $0xFFFF  }
0x80: {  	[sflag:s0] =	ssyncadd.tile.s32 @!p0 $0x1;
	_ =	shalt  }
.Lfunc_end2:
_tile_overlayer_lowered:
.L_overlay_start_2:
0x81: {  	(tag) =	ssettag $0x2  }
0x82: {  	s0 =	rddreg [dreg:$0x0];
	s2 =	stileid.u32  }
0x83: {  	s1 =	rddreg [dreg:$0x1];
	p0 =	sne.s32 s2, $0x0  }
0x84: {  	s3 =	rddreg [dreg:$0x2];
	[bflag:$0x3] =	sbarrier.arrive $0xFFFF;
	s2 =	simm.s32 @!p0 $0x1C01  }
0x85: {  	[timem:s3], [sflag:s2] =	dma.local @!p0 [hbm:s0], s1  }
0x86: {  	s0 =	simm.s32 @!p0 $0x1  }
0x87: {  	_ =	swait.ge @!p0 [sflag:s0], s1  }
0x88: {  	s1 =	ssub.s32 @!p0 $0x0, s1;
	[sflag:s0] =	ssyncset.done @!p0 $0x0  }
0x89: {  	[sflag:s0] =	ssyncadd.s32 @!p0 s1  }
0x8a: {  	[bflag:$0x3] =	sbarrier.arrive $0xFFFF  }
0x8b: {  	_ =	shalt  }

// kernel: kernel.14.cloned.1.call-start
scs
__scs_entry_jumppad:
0x0: {  	(pc) =	sbr.rel $0x88, $3  }
0x1: {  	(tag) =	ssettag $0x0;
	lr =	simm.s32 $0x1  }
0x2: {  	[smem:$0x3F99] =	sst lr;
	_ =	strace $0xD0000000  }
0x3: {  	_ = 	snop  }
0x4: {  	_ = 	snop  }
0x5: {  	_ = 	snop  }
0x6: {  	_ = 	snop  }
0x7: {  	_ = 	snop  }
__scs_overlays_trampoline_lowered:
0x8: {  	[smem:$0x3FA8] =	sst s0  }
0x9: {  	[smem:$0x3FA9] =	sst s1  }
0xa: {  	[smem:$0x3FAA] =	sst s2  }
0xb: {  	[smem:$0x3FAB] =	sst s3  }
0xc: {  	[smem:$0x3FAC] =	sst s4  }
0xd: {  	[smem:$0x3FAD] =	sst s5  }
0xe: {  	[smem:$0x3FAE] =	sst s6  }
0xf: {  	[smem:$0x3FAF] =	sst s7  }
0x10: {  	[smem:$0x3FB0] =	sst s8  }
0x11: {  	[smem:$0x3FB1] =	sst s9;
	s0 =	simm.s32 @!p0 $0x0  }
0x12: {  	s1 =	sld [smem:$0x3F97];
	s0 =	simm.s32 @p0 $0x1  }
0x13: {  	[smem:$0x3FB2] =	sst s0;
	s0 =	simm.s32 @!p1 $0x0  }
0x14: {  	s2 =	sld [smem:$0x3F96];
	s0 =	simm.s32 @p1 $0x1  }
0x15: {  	[smem:$0x3FB3] =	sst s0;
	s0 =	simm.s32 @!p2 $0x0  }
0x16: {  	s3 =	sld [smem:$0x3FDB];
	s0 =	simm.s32 @p2 $0x1  }
0x17: {  	s4 =	simm.s32 $0x1BF5;
	[smem:$0x3FB5] =	sst s0  }
0x18: {  	s0 =	sld [smem:$0x3F98];
	_ =	swait.ge [sflag:s4], $0x0  }
0x19: {  	s7 =	sld [smem:$0x3F99]  }
0x1a: {  	s8 =	sadd.s32 $0xFFFFE003, lr  }
0x1b: {  	s9 =	sadd.s32 $0xFFFFFEF7, lr;
	s5 =	simm.s32 $0xFFFFFFFF;
	p2 =	slt.u32 s8, $0xFFFFF086  }
0x1c: {  	p1 =	slt.u32 s9, $0xF7A;
	s5 =	simm.s32 @!p2 $0x0  }
0x1d: {  	s5 =	simm.s32 @p1 $0x1;
	p0 =	seq.s32 s7, s2  }
0x1e: {  	s7 =	smul.u32 @!p0 $0xF7A, s2;
	p2 =	seq.s32 @!p0 s5, $0x0  }
0x1f: {  	s9 =	smul.u32 $0xF7A, s1;
	s8 =	simm.s32 @!p0 $0x1BF5;
	p2 =	por !p2, p0  }
0x20: {  	[sflag:s8] =	ssyncset.s32 @!p0 $0xFFFFF086;
	s6 =	sadd.s32 @!p0 s3, s7;
	s7 =	simm.s32 @!p0 $0x108  }
0x21: {  	s3 =	sadd.s32 s3, s9;
	s6 =	sadd.s32 @!p0 $0x88, s6;
	s7 =	simm.s32 @p2 $0x1082  }
0x22: {  	[simem:s7], [sflag:s8] =	dma.local @!p0 [hbm:s6], $0xF7A  }
0x23: {  	s9 =	sor.u32 $0xD0000000, s2;
	s6 =	simm.s32 $0x108;
	_ =	swait.ge @!p0 [sflag:s8], $0x0  }
0x24: {  	s3 =	sadd.s32 $0x88, s3;
	s6 =	simm.s32 @!p1 $0x1082;
	[sflag:s4] =	ssyncset.s32 $0xFFFFF086  }
0x25: {  	[simem:s6], [sflag:s4] =	dma.local [hbm:s3], $0xF7A  }
0x26: {  	[smem:$0x3F99] =	sst s1;
	(tag) =	ssettag s2;
	_ =	strace s9  }
0x27: {  	s1 =	sld [smem:$0x3FA9]  }
0x28: {  	s2 =	sld [smem:$0x3FAA]  }
0x29: {  	s4 =	sld [smem:$0x3FAC]  }
0x2a: {  	p0 =	seq.s32 s5, $0x0;
	s5 =	sld [smem:$0x3FAD]  }
0x2b: {  	s6 =	sld [smem:$0x3FAE]  }
0x2c: {  	s7 =	sld [smem:$0x3FAF]  }
0x2d: {  	s3 =	simm.s32 $0x108;
	s8 =	sld [smem:$0x3FB0]  }
0x2e: {  	s3 =	simm.s32 @!p0 $0x1082;
	s9 =	sld [smem:$0x3FB1]  }
0x2f: {  	lr =	sadd.s32 s0, s3;
	s0 =	sld [smem:$0x3FA8]  }
0x30: {  	s3 =	sld [smem:$0x3FAB]  }
0x31: {  	[smem:$0x3FB4] =	sst s10  }
0x32: {  	s10 =	sld [smem:$0x3FB2];
	_ =	sdelay $0x3  }
0x33: {  	p0 =	seq.s32 s10, $0x1;
	s10 =	sld [smem:$0x3FB4];
	_ =	sdelay $0x3  }
0x34: {  	[smem:$0x3FB4] =	sst s10  }
0x35: {  	s10 =	sld [smem:$0x3FB3];
	_ =	sdelay $0x3  }
0x36: {  	p1 =	seq.s32 s10, $0x1;
	s10 =	sld [smem:$0x3FB4];
	_ =	sdelay $0x3  }
0x37: {  	[smem:$0x3FB4] =	sst s10  }
0x38: {  	s10 =	sld [smem:$0x3FB5]  }
0x39: {  	_ = 	snop;
	(pc) =	sbr.ind lr, $3  }
0x3a: {  	_ = 	snop  }
0x3b: {  	_ = 	snop  }
0x3c: {  	p2 =	seq.s32 s10, $0x1;
	s10 =	sld [smem:$0x3FB4]  }
0x3d: {  	_ =	shalt  }
0x3e: {  	_ =	shalt  }
0x3f: {  	_ =	shalt  }
0x40: {  	_ =	shalt  }
0x41: {  	_ =	shalt  }
0x42: {  	_ =	shalt  }
0x43: {  	_ =	shalt  }
0x44: {  	_ =	shalt  }
0x45: {  	_ =	shalt  }
0x46: {  	_ =	shalt  }
0x47: {  	_ =	shalt  }
0x48: {  	_ =	shalt  }
0x49: {  	_ =	shalt  }
0x4a: {  	_ =	shalt  }
0x4b: {  	_ =	shalt  }
0x4c: {  	_ =	shalt  }
0x4d: {  	_ =	shalt  }
0x4e: {  	_ =	shalt  }
0x4f: {  	_ =	shalt  }
0x50: {  	_ =	shalt  }
0x51: {  	_ =	shalt  }
0x52: {  	_ =	shalt  }
0x53: {  	_ =	shalt  }
0x54: {  	_ =	shalt  }
0x55: {  	_ =	shalt  }
0x56: {  	_ =	shalt  }
0x57: {  	_ =	shalt  }
0x58: {  	_ =	shalt  }
0x59: {  	_ =	shalt  }
0x5a: {  	_ =	shalt  }
0x5b: {  	_ =	shalt  }
0x5c: {  	_ =	shalt  }
0x5d: {  	_ =	shalt  }
0x5e: {  	_ =	shalt  }
0x5f: {  	_ =	shalt  }
0x60: {  	_ =	shalt  }
0x61: {  	_ =	shalt  }
0x62: {  	_ =	shalt  }
0x63: {  	_ =	shalt  }
0x64: {  	_ =	shalt  }
0x65: {  	_ =	shalt  }
0x66: {  	_ =	shalt  }
0x67: {  	_ =	shalt  }
0x68: {  	_ =	shalt  }
0x69: {  	_ =	shalt  }
0x6a: {  	_ =	shalt  }
0x6b: {  	_ =	shalt  }
0x6c: {  	_ =	shalt  }
0x6d: {  	_ =	shalt  }
0x6e: {  	_ =	shalt  }
0x6f: {  	_ =	shalt  }
0x70: {  	_ =	shalt  }
0x71: {  	_ =	shalt  }
0x72: {  	_ =	shalt  }
0x73: {  	_ =	shalt  }
0x74: {  	_ =	shalt  }
0x75: {  	_ =	shalt  }
0x76: {  	_ =	shalt  }
0x77: {  	_ =	shalt  }
0x78: {  	_ =	shalt  }
0x79: {  	_ =	shalt  }
0x7a: {  	_ =	shalt  }
0x7b: {  	_ =	shalt  }
0x7c: {  	_ =	shalt  }
0x7d: {  	_ =	shalt  }
0x7e: {  	_ =	shalt  }
0x7f: {  	_ =	shalt  }
0x80: {  	_ =	shalt  }
0x81: {  	_ =	shalt  }
0x82: {  	_ =	shalt  }
0x83: {  	_ =	shalt  }
0x84: {  	_ =	shalt  }
0x85: {  	_ =	shalt  }
0x86: {  	_ =	shalt  }
0x87: {  	_ =	shalt  }
.Lfunc_end0:
.L_simem_size_0:
called_computation.1_lowered:
.L_overlay_start_0:
0x88: {  	s2 =	sld [smem:$0x3FD9]  }
0x89: {  	s3 =	sld [smem:$0x3FFE];
	_ =	sdelay $0x1  }
0x8a: {  	s1 =	srdreg.scid  }
0x8b: {  	s0 =	sand.u32 $0x1, s1  }
0x8c: {  	s16 =	sshll.u32 s0, $0xA;
	s2 =	sadd.s32 s3, s2  }
0x8d: {  	s2 =	sadd.s32 s2, s16  }
0x8e: {  	[smem:$0x3FC0] =	sst s2  }
0x8f: {  	_ = 	snop  }
0x90: {  	(tm) =	ssettm $0x1  }
0x91: {  	s17 =	sld [smem:$0x3FFB];
	_ =	sdelay $0x3  }
0x92: {  	_ =	strace s17  }
0x93: {  	s2 =	sld [smem:$0x3FFC];
	_ =	sdelay $0x3  }
0x94: {  	_ =	strace s2  }
0x95: {  	s2 =	sld [smem:$0x3FFD];
	_ =	sdelay $0x3  }
0x96: {  	_ =	strace s2  }
0x97: {  	_ =	strace $0x8FFFFFFF  }
0x98: {  	s18 =	sld [smem:$0x3FDB];
	_ =	sdelay $0x1  }
0x99: {  	s19 =	simm.s32 $_scs_section_size  }
0x9a: {  	s4 =	simm.s32 $_size__tile_overlayer_lowered;
	s5 =	simm.s32 $_tile_overlayer_lowered  }
0x9b: {  	s22 =	simm.s32 $0x1BFF;
	s21 =	sshll.u32 s5, $0x1;
	s2 =	sadd.s32 s19, s18  }
0x9c: {  	s6 =	simm.s32 $0x0;
	s20 =	sshll.u32 s4, $0x1;
	s4 =	sadd.s32 s21, s2  }
0x9d: {  	[timem:s6], [sflag:s22] =	dma.local [hbm:s4], s20  }
0x9e: {  	_ =	swait.ge [sflag:s22], s20  }
0x9f: {  	s3 =	ssub.s32 $0x0, s20;
	[sflag:s22] =	ssyncset.done $0x0  }
0xa0: {  	[sflag:s22] =	ssyncadd.s32 s3;
	_ =	sdelay $0x1  }
0xa1: {  	s23 =	simm.s32 $0x1B8B  }
0xa2: {  	_ =	swait.ge [sflag:s23], $0x1  }
0xa3: {  	[sflag:s23] =	ssyncset.done $0x0  }
0xa4: {  	s25 =	simm.s32 $0x1B8E;
	s24 =	sld [smem:$0x3FFE];
	[sflag:s23] =	ssyncadd.s32 $0xFFFFFFFF  }
0xa5: {  	s26 =	simm.s32 $execute0_lowered;
	[smem:$0x3FD2] =	sst s25  }
0xa6: {  	s4 =	sshll.u32 s26, $0x1;
	_ =	strace $0x80000049;
	[dreg:$0x1] =	wrdreg $0xFFFFFFFF  }
0xa7: {  	s28 =	simm.s32 $_size_execute0_lowered;
	s2 =	sadd.s32 s2, s4;
	[dreg:$0x0] =	wrdreg $0x0  }
0xa8: {  	s4 =	sshll.u32 s28, $0x1;
	[dreg:$0x2] =	wrdreg s2  }
0xa9: {  	[dreg:$0x3] =	wrdreg s4  }
0xaa: {  	[dreg:$0x4] =	wrdreg $0xC0  }
0xab: {  	_ =	task [dreg:s6], $0x5FFFF  }
0xac: {  	[dreg:$0x1] =	wrdreg $0xFFFFFFFF  }
0xad: {  	[dreg:$0x0] =	wrdreg $0x60  }
0xae: {  	[dreg:$0x2] =	wrdreg s24  }
0xaf: {  	[dreg:$0x3] =	wrdreg $0x100400  }
0xb0: {  	[dreg:$0x4] =	wrdreg $0x9  }
0xb1: {  	_ =	task.clear_ibuf [dreg:s6], $0x5FFFF;
	_ =	strace $0x90000049  }
0xb2: {  	s29 =	simm.s32 $0x9;
	_ =	strace $0x8000004B  }
0xb3: {  	_ =	swait.ge [sflag:s29], $0x1  }
0xb4: {  	[sflag:s29] =	ssyncadd.s32 $0xFFFFFFFF  }
0xb5: {  	_ =	strace $0x9000004B  }
0xb6: {  	_ =	sfence  }
0xb7: {  	s30 =	sld [smem:$0x0];
	_ =	sdelay $0x2  }
0xb8: {  	s31 =	sshll.u32 s1, $0xD;
	s1 =	sshrl.u32 s1, $0x2  }
0xb9: {  	s3 =	sand.u32 $0x4000, s31;
	s1 =	sadd.s32 s1, s30  }
0xba: {  	s0 =	sor.u32 s3, s0;
	s1 =	sshll.u32 s1, $0x11  }
0xbb: {  	s0 =	sor.u32 s1, s0  }
0xbc: {  	s0 =	sadd.s32 $0x8F2B, s0  }
0xbd: {  	[sflag:s0] =	ssyncadd.remote.s32 $0x1  }
0xbe: {  	_ =	sfence.sel $0xFFFF  }
0xbf: {  	[dreg:$0x0] =	wrdreg $0xFFFFFFFF;
	(pc) =	sbr.abs _section_cstart, $3  }
0xc0: {  	[dreg:$0x1] =	wrdreg $0xFFFFFFFF  }
0xc1: {  	_ =	task.clear_ibuf [dreg:s6], $0x2FFFF;
	_ =	strace $0x9FFFFFFF  }
0xc2: {  	(tm) =	ssettm $0x7FFFFFFF  }
0xc3: {  	_ =	shalt  }
tec
execute0_lowered:
.L_overlay_start_1:
0x0: {  	(tag) =	ssettag $0x1  }
0x1: {  	s0 =	rddreg [dreg:$0x0]  }
0x2: {  	s1 =	rddreg [dreg:$0x1];
	s11 =	stileid.u32  }
0x3: {  	s3 =	srdreg.scid;
	s2 =	simm.s32 $0x0;
	s9 =	simm.s32 $0xB  }
0x4: {  	s12 =	simm.s32 $0x50;
	s13 =	simm.s32 $0xB040;
	s15 =	simm.s32 $0xC440  }
0x5: {  	s17 =	simm.s32 $0xD840;
	s19 =	simm.s32 $0xEC40;
	s20 =	simm.s32 $0x1  }
0x6: {  	s21 =	simm.s32 $0x2;
	s22 =	simm.s32 $0x3;
	s23 =	simm.s32 $0x4  }
0x7: {  	s24 =	simm.s32 $0x5;
	s25 =	simm.s32 $0x6;
	s26 =	simm.s32 $0x7  }
0x8: {  	s28 =	simm.s32 $0x8;
	s29 =	simm.s32 $0x9;
	s30 =	simm.s32 $0xA  }
0x9: {  	s14 =	simm.s32 $0x9BA0;
	s16 =	simm.s32 $0x9BF0;
	s10 =	smul.u32 $0x9C4, s11  }
0xa: {  	s3 =	sand.u32 $0x1, s3;
	[smem:$0x7FF] =	sst s2;
	s7 =	smul.u32 $0x27100, s11  }
0xb: {  	p0 =	sne.s32 s11, $0x0;
	s11 =	simm.s32 $0x9B50;
	s4 =	smul.u32 $0x13880, s3  }
0xc: {  	_ =	strace $0x8000004A;
	s3 =	ssub.s32 $0x2, s3;
	s5 =	sadd.s32 s10, s0  }
0xd: {  	s31 =	sshrl.u32 s3, $0x1;
	s7 =	sshrl.u32 s7, $0x2;
	s6 =	sadd.s32 s4, s0  }
0xe: {  	s8 =	ssub.s32 s3, s31;
	s3 =	sadd.s32 $0x3200, s5;
	s0 =	sadd.s32 $0xCE40, s0  }
0xf: {  	s7 =	sadd.s32 s7, s1;
	s4 =	sadd.s32 $0x64E00, s6;
	s5 =	sadd.s32 $0x16C00, s6  }
0x10: {  	v0 =	vimm.f32 $0.0e+00;
	s6 =	smax.u32 s8, $0x1;
	s8 =	simm.s32 $0x9C40;
	s10 =	sadd.s32 s10, s0  }
.LBB2_1:
0x11: {  	s18 =	simm.s32 $0x0  }
.LBB2_2:
0x12: {  	p1 =	sne.s32 s18, $0x1800  }
.Ltmp0:
0x13: {  	s31 =	sshra.s32 s18, $0x2;
	(pc) =	sbr.rel @p1 .LBB2_2-.Ltmp0, $4  }
0x14: {  	[tilespmem:s31+$0x9C40] =	vst v0  }
0x15: {  	[tilespmem:s31+$0x9C50] =	vst v0  }
0x16: {  	[tilespmem:s31+$0x9C60] =	vst v0  }
0x17: {  	s18 =	sadd.s32 $0x100, s18;
	[tilespmem:s31+$0x9C70] =	vst v0  }
0x18: {  	s18 =	sadd.s32 $0x0, s7  }
0x19: {  	[spmem:s18] =	stream.linear.scatter [tilespmem:s8], [sflag:$0xB], $0x640, $0x38;
	[tilespmem:$0x19C80] =	vst v63  }
0x1a: {  	s18 =	simm.s32 $0x1900;
	_ =	swait.ge [sflag:s9], $0x640  }
.LBB2_4:
0x1b: {  	s31 =	sshra.s32 s18, $0x2;
	[sflag:s9] =	ssyncset.done $0x0;
	p1 =	sne.s32 s18, $0x25800  }
.Ltmp1:
0x1c: {  	s31 =	sadd.s32 s31, s7;
	[sflag:s9] =	ssyncadd.s32 $0xFFFFF9C0;
	(pc) =	sbr.rel @p1 .LBB2_4-.Ltmp1, $3  }
0x1d: {  	[spmem:s31] =	stream.linear.scatter [tilespmem:s8], [sflag:$0xB], $0x640, $0x38;
	[tilespmem:$0x19C80] =	vst v63  }
0x1e: {  	s18 =	sadd.s32 $0x1900, s18;
	_ =	sdelay $0x1  }
0x1f: {  	_ =	swait.ge [sflag:s9], $0x640  }
0x20: {  	[sflag:s9] =	ssyncset.done $0x0  }
0x21: {  	[sflag:s9] =	ssyncadd.s32 $0xFFFFF9C0  }
0x22: {  	s18 =	simm.s32 $0x0;
	[bflag:$0x0] =	sbarrier.arrive $0xFFFF  }
0x23: {  	[tilespmem:s18], [sflag:$0xB] =	stream.linear.gather [hbm4b:s3+s18], $0x4E20, $0x38;
	[tilespmem:$0x19C80] =	vst v63  }
0x24: {  	_ =	swait.ge [sflag:s9], $0x4E20  }
0x25: {  	[sflag:s9] =	ssyncset.done $0x0  }
0x26: {  	s0 =	simm.s32 $0x4E20;
	[sflag:s9] =	ssyncadd.s32 $0xFFFFB1E0  }
0x27: {  	[tilespmem:s0], [sflag:$0xB] =	stream.linear.gather [hbm4b:s10+s18], $0x4E20, $0x38;
	[tilespmem:$0x19C80] =	vst v63  }
0x28: {  	_ =	swait.ge [sflag:s9], $0x4E20  }
0x29: {  	[sflag:s9] =	ssyncset.done $0x0  }
0x2a: {  	[sflag:s9] =	ssyncadd.s32 $0xFFFFB1E0  }
0x2b: {  	[tilespmem:s8], [sflag:$0x1] =	stream.indirect.gather [hbm4b:s4+s12], $0x40, s18, s12, $0xb8;
	[tilespmem:$0x19C80] =	vst v63  }
0x2c: {  	_ = 	snop  }
0x2d: {  	[tilespmem:s13], [sflag:$0x2] =	stream.indirect.gather [hbm4b:s4+s12], $0x40, s12, s12, $0xb8;
	[tilespmem:$0x19C80] =	vst v63  }
0x2e: {  	s18 =	simm.s32 $0xA0  }
0x2f: {  	[tilespmem:s15], [sflag:$0x3] =	stream.indirect.gather [hbm4b:s4+s12], $0x40, s18, s12, $0xb8;
	[tilespmem:$0x19C80] =	vst v63  }
0x30: {  	s18 =	simm.s32 $0xF0  }
0x31: {  	[tilespmem:s17], [sflag:$0x4] =	stream.indirect.gather [hbm4b:s4+s12], $0x40, s18, s12, $0xb8;
	[tilespmem:$0x19C80] =	vst v63  }
0x32: {  	s18 =	simm.s32 $0x140  }
0x33: {  	[tilespmem:s19], [sflag:$0x5] =	stream.indirect.gather [hbm4b:s4+s12], $0x40, s18, s12, $0xb8;
	[tilespmem:$0x19C80] =	vst v63  }
0x34: {  	_ =	swait.ge [sflag:s20], $0x1400  }
0x35: {  	[sflag:s20] =	ssyncset.done $0x0  }
0x36: {  	s0 =	simm.s32 $0x4E20;
	[sflag:s20] =	ssyncadd.s32 $0xFFFFEC00  }
0x37: {  	[spmem:s1] =	stream.indirect.scatter.add.f32 [tilespmem:s8], [sflag:$0x6], $0x40, s0, s12, $0xb8;
	[tilespmem:$0x19C80] =	vst v63  }
0x38: {  	_ =	swait.ge [sflag:s21], $0x1400  }
0x39: {  	[sflag:s21] =	ssyncset.done $0x0  }
0x3a: {  	s0 =	simm.s32 $0x4E70;
	[sflag:s21] =	ssyncadd.s32 $0xFFFFEC00  }
0x3b: {  	[spmem:s1] =	stream.indirect.scatter.add.f32 [tilespmem:s13], [sflag:$0x7], $0x40, s0, s12, $0xb8;
	[tilespmem:$0x19C80] =	vst v63  }
0x3c: {  	_ =	swait.ge [sflag:s22], $0x1400  }
0x3d: {  	[sflag:s22] =	ssyncset.done $0x0  }
0x3e: {  	s0 =	simm.s32 $0x4EC0;
	[sflag:s22] =	ssyncadd.s32 $0xFFFFEC00  }
0x3f: {  	[spmem:s1] =	stream.indirect.scatter.add.f32 [tilespmem:s15], [sflag:$0x8], $0x40, s0, s12, $0xb8;
	[tilespmem:$0x19C80] =	vst v63  }
0x40: {  	_ =	swait.ge [sflag:s23], $0x1400  }
0x41: {  	[sflag:s23] =	ssyncset.done $0x0  }
0x42: {  	s0 =	simm.s32 $0x4F10;
	[sflag:s23] =	ssyncadd.s32 $0xFFFFEC00  }
0x43: {  	[spmem:s1] =	stream.indirect.scatter.add.f32 [tilespmem:s17], [sflag:$0x9], $0x40, s0, s12, $0xb8;
	[tilespmem:$0x19C80] =	vst v63  }
0x44: {  	_ =	swait.ge [sflag:s24], $0x1400  }
0x45: {  	[sflag:s24] =	ssyncset.done $0x0  }
0x46: {  	s0 =	simm.s32 $0x4F60;
	[sflag:s24] =	ssyncadd.s32 $0xFFFFEC00  }
0x47: {  	[spmem:s1] =	stream.indirect.scatter.add.f32 [tilespmem:s19], [sflag:$0xA], $0x40, s0, s12, $0xb8;
	[tilespmem:$0x19C80] =	vst v63  }
0x48: {  	_ =	swait.ge [sflag:s25], $0x1400  }
0x49: {  	[sflag:s25] =	ssyncset.done $0x0  }
0x4a: {  	s0 =	simm.s32 $0x190;
	[sflag:s25] =	ssyncadd.s32 $0xFFFFEC00  }
0x4b: {  	[tilespmem:s8], [sflag:$0x1] =	stream.indirect.gather [hbm4b:s4+s12], $0x40, s0, s12, $0xb8;
	[tilespmem:$0x19C80] =	vst v63  }
0x4c: {  	_ =	swait.ge [sflag:s26], $0x1400  }
0x4d: {  	[sflag:s26] =	ssyncset.done $0x0  }
0x4e: {  	s0 =	simm.s32 $0x1E0;
	[sflag:s26] =	ssyncadd.s32 $0xFFFFEC00  }
0x4f: {  	[tilespmem:s13], [sflag:$0x2] =	stream.indirect.gather [hbm4b:s4+s12], $0x40, s0, s12, $0xb8;
	[tilespmem:$0x19C80] =	vst v63  }
0x50: {  	_ =	swait.ge [sflag:s28], $0x1400  }
0x51: {  	[sflag:s28] =	ssyncset.done $0x0  }
0x52: {  	s0 =	simm.s32 $0x230;
	[sflag:s28] =	ssyncadd.s32 $0xFFFFEC00  }
0x53: {  	[tilespmem:s15], [sflag:$0x3] =	stream.indirect.gather [hbm4b:s4+s12], $0x40, s0, s12, $0xb8;
	[tilespmem:$0x19C80] =	vst v63  }
0x54: {  	_ =	swait.ge [sflag:s29], $0x1400  }
0x55: {  	[sflag:s29] =	ssyncset.done $0x0  }
0x56: {  	s0 =	simm.s32 $0x280;
	[sflag:s29] =	ssyncadd.s32 $0xFFFFEC00  }
0x57: {  	[tilespmem:s17], [sflag:$0x4] =	stream.indirect.gather [hbm4b:s4+s12], $0x40, s0, s12, $0xb8;
	[tilespmem:$0x19C80] =	vst v63  }
0x58: {  	_ =	swait.ge [sflag:s30], $0x1400  }
0x59: {  	[sflag:s30] =	ssyncset.done $0x0  }
0x5a: {  	s31 =	simm.s32 $0x2D0;
	s18 =	simm.s32 $0x640;
	[sflag:s30] =	ssyncadd.s32 $0xFFFFEC00  }
.LBB2_6:
0x5b: {  	[tilespmem:s19], [sflag:$0x5] =	stream.indirect.gather [hbm4b:s4+s12], $0x40, s31, s12, $0xb8;
	[tilespmem:$0x19C80] =	vst v63  }
0x5c: {  	s31 =	smov.u32 s18  }
0x5d: {  	p1 =	sne.s32 s18, $0x12C00;
	s18 =	sadd.s32 $0x640, s18;
	_ =	swait.ge [sflag:s20], $0x1400  }
0x5e: {  	s31 =	sshra.s32 s31, $0x2;
	[sflag:s20] =	ssyncset.done $0x0  }
0x5f: {  	s0 =	sadd.s32 $0x4E20, s31;
	[sflag:s20] =	ssyncadd.s32 $0xFFFFEC00  }
0x60: {  	[spmem:s1] =	stream.indirect.scatter.add.f32 [tilespmem:s8], [sflag:$0x6], $0x40, s0, s12, $0xb8;
	[tilespmem:$0x19C80] =	vst v63  }
0x61: {  	_ =	swait.ge [sflag:s21], $0x1400  }
0x62: {  	[sflag:s21] =	ssyncset.done $0x0  }
0x63: {  	s0 =	sadd.s32 $0x4E70, s31;
	[sflag:s21] =	ssyncadd.s32 $0xFFFFEC00  }
0x64: {  	[spmem:s1] =	stream.indirect.scatter.add.f32 [tilespmem:s13], [sflag:$0x7], $0x40, s0, s12, $0xb8;
	[tilespmem:$0x19C80] =	vst v63  }
0x65: {  	_ =	swait.ge [sflag:s22], $0x1400  }
0x66: {  	[sflag:s22] =	ssyncset.done $0x0  }
0x67: {  	s0 =	sadd.s32 $0x4EC0, s31;
	[sflag:s22] =	ssyncadd.s32 $0xFFFFEC00  }
0x68: {  	[spmem:s1] =	stream.indirect.scatter.add.f32 [tilespmem:s15], [sflag:$0x8], $0x40, s0, s12, $0xb8;
	[tilespmem:$0x19C80] =	vst v63  }
0x69: {  	_ =	swait.ge [sflag:s23], $0x1400  }
0x6a: {  	[sflag:s23] =	ssyncset.done $0x0  }
0x6b: {  	s0 =	sadd.s32 $0x4F10, s31;
	[sflag:s23] =	ssyncadd.s32 $0xFFFFEC00  }
0x6c: {  	[spmem:s1] =	stream.indirect.scatter.add.f32 [tilespmem:s17], [sflag:$0x9], $0x40, s0, s12, $0xb8;
	[tilespmem:$0x19C80] =	vst v63  }
0x6d: {  	_ =	swait.ge [sflag:s24], $0x1400  }
0x6e: {  	[sflag:s24] =	ssyncset.done $0x0  }
0x6f: {  	s0 =	sadd.s32 $0x4F60, s31;
	[sflag:s24] =	ssyncadd.s32 $0xFFFFEC00  }
0x70: {  	[spmem:s1] =	stream.indirect.scatter.add.f32 [tilespmem:s19], [sflag:$0xA], $0x40, s0, s12, $0xb8;
	[tilespmem:$0x19C80] =	vst v63  }
0x71: {  	_ =	swait.ge [sflag:s25], $0x1400  }
0x72: {  	[sflag:s25] =	ssyncset.done $0x0  }
0x73: {  	s0 =	sadd.s32 $0x190, s31;
	[sflag:s25] =	ssyncadd.s32 $0xFFFFEC00  }
0x74: {  	[tilespmem:s8], [sflag:$0x1] =	stream.indirect.gather [hbm4b:s4+s12], $0x40, s0, s12, $0xb8;
	[tilespmem:$0x19C80] =	vst v63  }
0x75: {  	_ =	swait.ge [sflag:s26], $0x1400  }
0x76: {  	[sflag:s26] =	ssyncset.done $0x0  }
0x77: {  	s0 =	sadd.s32 $0x1E0, s31;
	[sflag:s26] =	ssyncadd.s32 $0xFFFFEC00  }
0x78: {  	[tilespmem:s13], [sflag:$0x2] =	stream.indirect.gather [hbm4b:s4+s12], $0x40, s0, s12, $0xb8;
	[tilespmem:$0x19C80] =	vst v63  }
0x79: {  	_ =	swait.ge [sflag:s28], $0x1400  }
0x7a: {  	[sflag:s28] =	ssyncset.done $0x0  }
0x7b: {  	s0 =	sadd.s32 $0x230, s31;
	[sflag:s28] =	ssyncadd.s32 $0xFFFFEC00  }
0x7c: {  	[tilespmem:s15], [sflag:$0x3] =	stream.indirect.gather [hbm4b:s4+s12], $0x40, s0, s12, $0xb8;
	[tilespmem:$0x19C80] =	vst v63  }
0x7d: {  	_ =	swait.ge [sflag:s29], $0x1400  }
0x7e: {  	[sflag:s29] =	ssyncset.done $0x0  }
.Ltmp2:
0x7f: {  	s0 =	sadd.s32 $0x280, s31;
	[sflag:s29] =	ssyncadd.s32 $0xFFFFEC00;
	(pc) =	sbr.rel @p1 .LBB2_6-.Ltmp2, $4  }
0x80: {  	[tilespmem:s17], [sflag:$0x4] =	stream.indirect.gather [hbm4b:s4+s12], $0x40, s0, s12, $0xb8;
	[tilespmem:$0x19C80] =	vst v63  }
0x81: {  	_ =	swait.ge [sflag:s30], $0x1400  }
0x82: {  	[sflag:s30] =	ssyncset.done $0x0  }
0x83: {  	s31 =	sadd.s32 $0x2D0, s31;
	[sflag:s30] =	ssyncadd.s32 $0xFFFFEC00  }
0x84: {  	[tilespmem:s19], [sflag:$0x5] =	stream.indirect.gather [hbm4b:s4+s12], $0x40, s31, s12, $0xb8;
	[tilespmem:$0x19C80] =	vst v63  }
0x85: {  	_ =	swait.ge [sflag:s20], $0x1400  }
0x86: {  	[sflag:s20] =	ssyncset.done $0x0  }
0x87: {  	s0 =	simm.s32 $0x9AB0;
	[sflag:s20] =	ssyncadd.s32 $0xFFFFEC00  }
0x88: {  	[spmem:s1] =	stream.indirect.scatter.add.f32 [tilespmem:s8], [sflag:$0x6], $0x40, s0, s12, $0xb8;
	[tilespmem:$0x19C80] =	vst v63  }
0x89: {  	_ =	swait.ge [sflag:s21], $0x1400  }
0x8a: {  	[sflag:s21] =	ssyncset.done $0x0  }
0x8b: {  	s31 =	simm.s32 $0x9B00;
	[sflag:s21] =	ssyncadd.s32 $0xFFFFEC00  }
0x8c: {  	[spmem:s1] =	stream.indirect.scatter.add.f32 [tilespmem:s13], [sflag:$0x7], $0x40, s31, s12, $0xb8;
	[tilespmem:$0x19C80] =	vst v63  }
0x8d: {  	_ =	swait.ge [sflag:s22], $0x1400  }
0x8e: {  	[sflag:s22] =	ssyncset.done $0x0  }
0x8f: {  	[sflag:s22] =	ssyncadd.s32 $0xFFFFEC00  }
0x90: {  	[spmem:s1] =	stream.indirect.scatter.add.f32 [tilespmem:s15], [sflag:$0x8], $0x40, s11, s12, $0xb8;
	[tilespmem:$0x19C80] =	vst v63  }
0x91: {  	_ =	swait.ge [sflag:s23], $0x1400  }
0x92: {  	[sflag:s23] =	ssyncset.done $0x0  }
0x93: {  	[sflag:s23] =	ssyncadd.s32 $0xFFFFEC00  }
0x94: {  	[spmem:s1] =	stream.indirect.scatter.add.f32 [tilespmem:s17], [sflag:$0x9], $0x40, s14, s12, $0xb8;
	[tilespmem:$0x19C80] =	vst v63  }
0x95: {  	_ =	swait.ge [sflag:s24], $0x1400  }
0x96: {  	[sflag:s24] =	ssyncset.done $0x0  }
0x97: {  	[sflag:s24] =	ssyncadd.s32 $0xFFFFEC00  }
0x98: {  	[spmem:s1] =	stream.indirect.scatter.add.f32 [tilespmem:s19], [sflag:$0xA], $0x40, s16, s12, $0xb8;
	[tilespmem:$0x19C80] =	vst v63  }
0x99: {  	_ =	swait.ge [sflag:s25], $0x1400  }
0x9a: {  	[sflag:s25] =	ssyncset.done $0x0  }
0x9b: {  	[sflag:s25] =	ssyncadd.s32 $0xFFFFEC00  }
0x9c: {  	_ =	swait.ge [sflag:s26], $0x1400  }
0x9d: {  	[sflag:s26] =	ssyncset.done $0x0  }
0x9e: {  	[sflag:s26] =	ssyncadd.s32 $0xFFFFEC00  }
0x9f: {  	_ =	swait.ge [sflag:s28], $0x1400  }
0xa0: {  	[sflag:s28] =	ssyncset.done $0x0  }
0xa1: {  	[sflag:s28] =	ssyncadd.s32 $0xFFFFEC00  }
0xa2: {  	_ =	swait.ge [sflag:s29], $0x1400  }
0xa3: {  	[sflag:s29] =	ssyncset.done $0x0  }
0xa4: {  	[sflag:s29] =	ssyncadd.s32 $0xFFFFEC00  }
0xa5: {  	_ =	swait.ge [sflag:s30], $0x1400  }
0xa6: {  	[sflag:s30] =	ssyncset.done $0x0  }
0xa7: {  	s18 =	simm.s32 @!p0 $0x1C0B;
	s2 =	sadd.s32 $0x1, s2;
	[sflag:s30] =	ssyncadd.s32 $0xFFFFEC00  }
0xa8: {  	p1 =	sne.s32 s2, s6;
	s0 =	sshrl.u32 @!p0 s1, $0x3;
	[bflag:$0x0] =	sbarrier.arrive $0xFFFF  }
0xa9: {  	[hbm:s5], [sflag:s18] =	dma.local @!p0 [spmem:s0], $0x13880  }
.Ltmp3:
0xaa: {  	_ = 	snop;
	(pc) =	sbr.rel @p1 .LBB2_1-.Ltmp3, $4  }
0xab: {  	s0 =	simm.s32 @!p0 $0xB  }
0xac: {  	_ =	swait.ge @!p0 [sflag:s0], $0x13880  }
0xad: {  	[sflag:s0] =	ssyncset.done @!p0 $0x0  }
0xae: {  	[sflag:s0] =	ssyncadd.s32 @!p0 $0xFFFEC780  }
0xaf: {  	_ =	sfence.sel $0x180000  }
0xb0: {  	[bflag:$0x0] =	sbarrier.arrive $0xFFFF  }
0xb1: {  	_ =	strace $0x9000004A  }
0xb2: {  	[bflag:$0x2] =	sbarrier.arrive $0xFFFF  }
0xb3: {  	s0 =	rddreg [dreg:$0x2]  }
0xb4: {  	s0 =	sadd.s32 @!p0 $0x100000, s0  }
0xb5: {  	[sflag:s0] =	ssyncadd.tile.s32 @!p0 $0x1;
	_ =	shalt  }
.Lfunc_end2:
_tile_overlayer_lowered:
.L_overlay_start_2:
0xb6: {  	(tag) =	ssettag $0x2  }
0xb7: {  	s0 =	rddreg [dreg:$0x0];
	s2 =	stileid.u32  }
0xb8: {  	s1 =	rddreg [dreg:$0x1];
	p0 =	sne.s32 s2, $0x0  }
0xb9: {  	s3 =	rddreg [dreg:$0x2];
	[bflag:$0x3] =	sbarrier.arrive $0xFFFF;
	s2 =	simm.s32 @!p0 $0x1C0B  }
0xba: {  	[timem:s3], [sflag:s2] =	dma.local @!p0 [hbm:s0], s1  }
0xbb: {  	s0 =	simm.s32 @!p0 $0xB  }
0xbc: {  	_ =	swait.ge @!p0 [sflag:s0], s1  }
0xbd: {  	s1 =	ssub.s32 @!p0 $0x0, s1;
	[sflag:s0] =	ssyncset.done @!p0 $0x0  }
0xbe: {  	[sflag:s0] =	ssyncadd.s32 @!p0 s1  }
0xbf: {  	[bflag:$0x3] =	sbarrier.arrive $0xFFFF  }
0xc0: {  	_ =	shalt  }

// kernel: kernel.17.cloned.1.call-start
scs
__scs_entry_jumppad:
0x0: {  	(pc) =	sbr.rel $0x88, $3  }
0x1: {  	(tag) =	ssettag $0x0;
	lr =	simm.s32 $0x1  }
0x2: {  	[smem:$0x3F99] =	sst lr;
	_ =	strace $0xD0000000  }
0x3: {  	_ = 	snop  }
0x4: {  	_ = 	snop  }
0x5: {  	_ = 	snop  }
0x6: {  	_ = 	snop  }
0x7: {  	_ = 	snop  }
__scs_overlays_trampoline_lowered:
0x8: {  	[smem:$0x3FA8] =	sst s0  }
0x9: {  	[smem:$0x3FA9] =	sst s1  }
0xa: {  	[smem:$0x3FAA] =	sst s2  }
0xb: {  	[smem:$0x3FAB] =	sst s3  }
0xc: {  	[smem:$0x3FAC] =	sst s4  }
0xd: {  	[smem:$0x3FAD] =	sst s5  }
0xe: {  	[smem:$0x3FAE] =	sst s6  }
0xf: {  	[smem:$0x3FAF] =	sst s7  }
0x10: {  	[smem:$0x3FB0] =	sst s8  }
0x11: {  	[smem:$0x3FB1] =	sst s9;
	s0 =	simm.s32 @!p0 $0x0  }
0x12: {  	s1 =	sld [smem:$0x3F97];
	s0 =	simm.s32 @p0 $0x1  }
0x13: {  	[smem:$0x3FB2] =	sst s0;
	s0 =	simm.s32 @!p1 $0x0  }
0x14: {  	s2 =	sld [smem:$0x3F96];
	s0 =	simm.s32 @p1 $0x1  }
0x15: {  	[smem:$0x3FB3] =	sst s0;
	s0 =	simm.s32 @!p2 $0x0  }
0x16: {  	s3 =	sld [smem:$0x3FDB];
	s0 =	simm.s32 @p2 $0x1  }
0x17: {  	s4 =	simm.s32 $0x1BF5;
	[smem:$0x3FB5] =	sst s0  }
0x18: {  	s0 =	sld [smem:$0x3F98];
	_ =	swait.ge [sflag:s4], $0x0  }
0x19: {  	s7 =	sld [smem:$0x3F99]  }
0x1a: {  	s8 =	sadd.s32 $0xFFFFE003, lr  }
0x1b: {  	s9 =	sadd.s32 $0xFFFFFEF7, lr;
	s5 =	simm.s32 $0xFFFFFFFF;
	p2 =	slt.u32 s8, $0xFFFFF086  }
0x1c: {  	p1 =	slt.u32 s9, $0xF7A;
	s5 =	simm.s32 @!p2 $0x0  }
0x1d: {  	s5 =	simm.s32 @p1 $0x1;
	p0 =	seq.s32 s7, s2  }
0x1e: {  	s7 =	smul.u32 @!p0 $0xF7A, s2;
	p2 =	seq.s32 @!p0 s5, $0x0  }
0x1f: {  	s9 =	smul.u32 $0xF7A, s1;
	s8 =	simm.s32 @!p0 $0x1BF5;
	p2 =	por !p2, p0  }
0x20: {  	[sflag:s8] =	ssyncset.s32 @!p0 $0xFFFFF086;
	s6 =	sadd.s32 @!p0 s3, s7;
	s7 =	simm.s32 @!p0 $0x108  }
0x21: {  	s3 =	sadd.s32 s3, s9;
	s6 =	sadd.s32 @!p0 $0x88, s6;
	s7 =	simm.s32 @p2 $0x1082  }
0x22: {  	[simem:s7], [sflag:s8] =	dma.local @!p0 [hbm:s6], $0xF7A  }
0x23: {  	s9 =	sor.u32 $0xD0000000, s2;
	s6 =	simm.s32 $0x108;
	_ =	swait.ge @!p0 [sflag:s8], $0x0  }
0x24: {  	s3 =	sadd.s32 $0x88, s3;
	s6 =	simm.s32 @!p1 $0x1082;
	[sflag:s4] =	ssyncset.s32 $0xFFFFF086  }
0x25: {  	[simem:s6], [sflag:s4] =	dma.local [hbm:s3], $0xF7A  }
0x26: {  	[smem:$0x3F99] =	sst s1;
	(tag) =	ssettag s2;
	_ =	strace s9  }
0x27: {  	s1 =	sld [smem:$0x3FA9]  }
0x28: {  	s2 =	sld [smem:$0x3FAA]  }
0x29: {  	s4 =	sld [smem:$0x3FAC]  }
0x2a: {  	p0 =	seq.s32 s5, $0x0;
	s5 =	sld [smem:$0x3FAD]  }
0x2b: {  	s6 =	sld [smem:$0x3FAE]  }
0x2c: {  	s7 =	sld [smem:$0x3FAF]  }
0x2d: {  	s3 =	simm.s32 $0x108;
	s8 =	sld [smem:$0x3FB0]  }
0x2e: {  	s3 =	simm.s32 @!p0 $0x1082;
	s9 =	sld [smem:$0x3FB1]  }
0x2f: {  	lr =	sadd.s32 s0, s3;
	s0 =	sld [smem:$0x3FA8]  }
0x30: {  	s3 =	sld [smem:$0x3FAB]  }
0x31: {  	[smem:$0x3FB4] =	sst s10  }
0x32: {  	s10 =	sld [smem:$0x3FB2];
	_ =	sdelay $0x3  }
0x33: {  	p0 =	seq.s32 s10, $0x1;
	s10 =	sld [smem:$0x3FB4];
	_ =	sdelay $0x3  }
0x34: {  	[smem:$0x3FB4] =	sst s10  }
0x35: {  	s10 =	sld [smem:$0x3FB3];
	_ =	sdelay $0x3  }
0x36: {  	p1 =	seq.s32 s10, $0x1;
	s10 =	sld [smem:$0x3FB4];
	_ =	sdelay $0x3  }
0x37: {  	[smem:$0x3FB4] =	sst s10  }
0x38: {  	s10 =	sld [smem:$0x3FB5]  }
0x39: {  	_ = 	snop;
	(pc) =	sbr.ind lr, $3  }
0x3a: {  	_ = 	snop  }
0x3b: {  	_ = 	snop  }
0x3c: {  	p2 =	seq.s32 s10, $0x1;
	s10 =	sld [smem:$0x3FB4]  }
0x3d: {  	_ =	shalt  }
0x3e: {  	_ =	shalt  }
0x3f: {  	_ =	shalt  }
0x40: {  	_ =	shalt  }
0x41: {  	_ =	shalt  }
0x42: {  	_ =	shalt  }
0x43: {  	_ =	shalt  }
0x44: {  	_ =	shalt  }
0x45: {  	_ =	shalt  }
0x46: {  	_ =	shalt  }
0x47: {  	_ =	shalt  }
0x48: {  	_ =	shalt  }
0x49: {  	_ =	shalt  }
0x4a: {  	_ =	shalt  }
0x4b: {  	_ =	shalt  }
0x4c: {  	_ =	shalt  }
0x4d: {  	_ =	shalt  }
0x4e: {  	_ =	shalt  }
0x4f: {  	_ =	shalt  }
0x50: {  	_ =	shalt  }
0x51: {  	_ =	shalt  }
0x52: {  	_ =	shalt  }
0x53: {  	_ =	shalt  }
0x54: {  	_ =	shalt  }
0x55: {  	_ =	shalt  }
0x56: {  	_ =	shalt  }
0x57: {  	_ =	shalt  }
0x58: {  	_ =	shalt  }
0x59: {  	_ =	shalt  }
0x5a: {  	_ =	shalt  }
0x5b: {  	_ =	shalt  }
0x5c: {  	_ =	shalt  }
0x5d: {  	_ =	shalt  }
0x5e: {  	_ =	shalt  }
0x5f: {  	_ =	shalt  }
0x60: {  	_ =	shalt  }
0x61: {  	_ =	shalt  }
0x62: {  	_ =	shalt  }
0x63: {  	_ =	shalt  }
0x64: {  	_ =	shalt  }
0x65: {  	_ =	shalt  }
0x66: {  	_ =	shalt  }
0x67: {  	_ =	shalt  }
0x68: {  	_ =	shalt  }
0x69: {  	_ =	shalt  }
0x6a: {  	_ =	shalt  }
0x6b: {  	_ =	shalt  }
0x6c: {  	_ =	shalt  }
0x6d: {  	_ =	shalt  }
0x6e: {  	_ =	shalt  }
0x6f: {  	_ =	shalt  }
0x70: {  	_ =	shalt  }
0x71: {  	_ =	shalt  }
0x72: {  	_ =	shalt  }
0x73: {  	_ =	shalt  }
0x74: {  	_ =	shalt  }
0x75: {  	_ =	shalt  }
0x76: {  	_ =	shalt  }
0x77: {  	_ =	shalt  }
0x78: {  	_ =	shalt  }
0x79: {  	_ =	shalt  }
0x7a: {  	_ =	shalt  }
0x7b: {  	_ =	shalt  }
0x7c: {  	_ =	shalt  }
0x7d: {  	_ =	shalt  }
0x7e: {  	_ =	shalt  }
0x7f: {  	_ =	shalt  }
0x80: {  	_ =	shalt  }
0x81: {  	_ =	shalt  }
0x82: {  	_ =	shalt  }
0x83: {  	_ =	shalt  }
0x84: {  	_ =	shalt  }
0x85: {  	_ =	shalt  }
0x86: {  	_ =	shalt  }
0x87: {  	_ =	shalt  }
.Lfunc_end0:
.L_simem_size_0:
called_computation.2_lowered:
.L_overlay_start_0:
0x88: {  	s2 =	sld [smem:$0x3FD9]  }
0x89: {  	s3 =	sld [smem:$0x3FFE];
	_ =	sdelay $0x1  }
0x8a: {  	s1 =	srdreg.scid  }
0x8b: {  	s0 =	sand.u32 $0x1, s1  }
0x8c: {  	s16 =	sshll.u32 s0, $0xA;
	s2 =	sadd.s32 s3, s2  }
0x8d: {  	s2 =	sadd.s32 s2, s16  }
0x8e: {  	[smem:$0x3FC0] =	sst s2  }
0x8f: {  	_ = 	snop  }
0x90: {  	(tm) =	ssettm $0x1  }
0x91: {  	s17 =	sld [smem:$0x3FFB];
	_ =	sdelay $0x3  }
0x92: {  	_ =	strace s17  }
0x93: {  	s2 =	sld [smem:$0x3FFC];
	_ =	sdelay $0x3  }
0x94: {  	_ =	strace s2  }
0x95: {  	s2 =	sld [smem:$0x3FFD];
	_ =	sdelay $0x3  }
0x96: {  	_ =	strace s2  }
0x97: {  	_ =	strace $0x8FFFFFFF  }
0x98: {  	s18 =	sld [smem:$0x3FDB];
	_ =	sdelay $0x1  }
0x99: {  	s19 =	simm.s32 $_scs_section_size  }
0x9a: {  	s4 =	simm.s32 $_size__tile_overlayer_lowered;
	s5 =	simm.s32 $_tile_overlayer_lowered  }
0x9b: {  	s22 =	simm.s32 $0x1BFF;
	s21 =	sshll.u32 s5, $0x1;
	s2 =	sadd.s32 s19, s18  }
0x9c: {  	s6 =	simm.s32 $0x0;
	s20 =	sshll.u32 s4, $0x1;
	s4 =	sadd.s32 s21, s2  }
0x9d: {  	[timem:s6], [sflag:s22] =	dma.local [hbm:s4], s20  }
0x9e: {  	_ =	swait.ge [sflag:s22], s20  }
0x9f: {  	s3 =	ssub.s32 $0x0, s20;
	[sflag:s22] =	ssyncset.done $0x0  }
0xa0: {  	[sflag:s22] =	ssyncadd.s32 s3;
	_ =	sdelay $0x1  }
0xa1: {  	s23 =	simm.s32 $0x1B8B  }
0xa2: {  	_ =	swait.ge [sflag:s23], $0x1  }
0xa3: {  	[sflag:s23] =	ssyncset.done $0x0  }
0xa4: {  	s25 =	simm.s32 $0x1B8E;
	s24 =	sld [smem:$0x3FFE];
	[sflag:s23] =	ssyncadd.s32 $0xFFFFFFFF  }
0xa5: {  	s26 =	simm.s32 $execute0_lowered;
	[smem:$0x3FD2] =	sst s25  }
0xa6: {  	s4 =	sshll.u32 s26, $0x1;
	_ =	strace $0x8000004C;
	[dreg:$0x1] =	wrdreg $0xFFFFFFFF  }
0xa7: {  	s28 =	simm.s32 $_size_execute0_lowered;
	s2 =	sadd.s32 s2, s4;
	[dreg:$0x0] =	wrdreg $0x0  }
0xa8: {  	s4 =	sshll.u32 s28, $0x1;
	[dreg:$0x2] =	wrdreg s2  }
0xa9: {  	[dreg:$0x3] =	wrdreg s4  }
0xaa: {  	[dreg:$0x4] =	wrdreg $0xC0  }
0xab: {  	_ =	task [dreg:s6], $0x5FFFF  }
0xac: {  	[dreg:$0x1] =	wrdreg $0xFFFFFFFF  }
0xad: {  	[dreg:$0x0] =	wrdreg $0x60  }
0xae: {  	[dreg:$0x2] =	wrdreg s24  }
0xaf: {  	[dreg:$0x3] =	wrdreg $0x100400  }
0xb0: {  	[dreg:$0x4] =	wrdreg $0x9  }
0xb1: {  	_ =	task.clear_ibuf [dreg:s6], $0x5FFFF;
	_ =	strace $0x9000004C  }
0xb2: {  	s29 =	simm.s32 $0x9;
	_ =	strace $0x8000004E  }
0xb3: {  	_ =	swait.ge [sflag:s29], $0x1  }
0xb4: {  	[sflag:s29] =	ssyncadd.s32 $0xFFFFFFFF  }
0xb5: {  	_ =	strace $0x9000004E  }
0xb6: {  	_ =	sfence  }
0xb7: {  	s30 =	sld [smem:$0x0];
	_ =	sdelay $0x2  }
0xb8: {  	s31 =	sshll.u32 s1, $0xD;
	s1 =	sshrl.u32 s1, $0x2  }
0xb9: {  	s3 =	sand.u32 $0x4000, s31;
	s1 =	sadd.s32 s1, s30  }
0xba: {  	s0 =	sor.u32 s3, s0;
	s1 =	sshll.u32 s1, $0x11  }
0xbb: {  	s0 =	sor.u32 s1, s0  }
0xbc: {  	s0 =	sadd.s32 $0x8F2B, s0  }
0xbd: {  	[sflag:s0] =	ssyncadd.remote.s32 $0x1  }
0xbe: {  	_ =	sfence.sel $0xFFFF  }
0xbf: {  	[dreg:$0x0] =	wrdreg $0xFFFFFFFF;
	(pc) =	sbr.abs _section_cstart, $3  }
0xc0: {  	[dreg:$0x1] =	wrdreg $0xFFFFFFFF  }
0xc1: {  	_ =	task.clear_ibuf [dreg:s6], $0x2FFFF;
	_ =	strace $0x9FFFFFFF  }
0xc2: {  	(tm) =	ssettm $0x7FFFFFFF  }
0xc3: {  	_ =	shalt  }
tec
execute0_lowered:
.L_overlay_start_1:
0x0: {  	(tag) =	ssettag $0x1  }
0x1: {  	s0 =	rddreg [dreg:$0x0]  }
0x2: {  	s1 =	rddreg [dreg:$0x1];
	s11 =	stileid.u32  }
0x3: {  	s3 =	srdreg.scid;
	s2 =	simm.s32 $0x0;
	s9 =	simm.s32 $0xB  }
0x4: {  	s12 =	simm.s32 $0x50;
	s13 =	simm.s32 $0xB040;
	s15 =	simm.s32 $0xC440  }
0x5: {  	s17 =	simm.s32 $0xD840;
	s19 =	simm.s32 $0xEC40;
	s20 =	simm.s32 $0x1  }
0x6: {  	s21 =	simm.s32 $0x2;
	s22 =	simm.s32 $0x3;
	s23 =	simm.s32 $0x4  }
0x7: {  	s24 =	simm.s32 $0x5;
	s25 =	simm.s32 $0x6;
	s26 =	simm.s32 $0x7  }
0x8: {  	s28 =	simm.s32 $0x8;
	s29 =	simm.s32 $0x9;
	s30 =	simm.s32 $0xA  }
0x9: {  	s14 =	simm.s32 $0x9BA0;
	s16 =	simm.s32 $0x9BF0;
	s10 =	smul.u32 $0x9C4, s11  }
0xa: {  	s3 =	sand.u32 $0x1, s3;
	[smem:$0x7FF] =	sst s2;
	s7 =	smul.u32 $0x27100, s11  }
0xb: {  	p0 =	sne.s32 s11, $0x0;
	s11 =	simm.s32 $0x9B50;
	s4 =	smul.u32 $0x13880, s3  }
0xc: {  	_ =	strace $0x8000004D;
	s3 =	ssub.s32 $0x2, s3;
	s5 =	sadd.s32 s10, s0  }
0xd: {  	s31 =	sshrl.u32 s3, $0x1;
	s7 =	sshrl.u32 s7, $0x2;
	s6 =	sadd.s32 s4, s0  }
0xe: {  	s8 =	ssub.s32 s3, s31;
	s3 =	sadd.s32 $0x3200, s5;
	s0 =	sadd.s32 $0xCE40, s0  }
0xf: {  	s7 =	sadd.s32 s7, s1;
	s4 =	sadd.s32 $0x16C00, s6;
	s5 =	sadd.s32 $0x3DE00, s6  }
0x10: {  	v0 =	vimm.f32 $0.0e+00;
	s6 =	smax.u32 s8, $0x1;
	s8 =	simm.s32 $0x9C40;
	s10 =	sadd.s32 s10, s0  }
.LBB2_1:
0x11: {  	s18 =	simm.s32 $0x0  }
.LBB2_2:
0x12: {  	p1 =	sne.s32 s18, $0x1800  }
.Ltmp0:
0x13: {  	s31 =	sshra.s32 s18, $0x2;
	(pc) =	sbr.rel @p1 .LBB2_2-.Ltmp0, $4  }
0x14: {  	[tilespmem:s31+$0x9C40] =	vst v0  }
0x15: {  	[tilespmem:s31+$0x9C50] =	vst v0  }
0x16: {  	[tilespmem:s31+$0x9C60] =	vst v0  }
0x17: {  	s18 =	sadd.s32 $0x100, s18;
	[tilespmem:s31+$0x9C70] =	vst v0  }
0x18: {  	s18 =	sadd.s32 $0x0, s7  }
0x19: {  	[spmem:s18] =	stream.linear.scatter [tilespmem:s8], [sflag:$0xB], $0x640, $0x38;
	[tilespmem:$0x19C80] =	vst v63  }
0x1a: {  	s18 =	simm.s32 $0x1900;
	_ =	swait.ge [sflag:s9], $0x640  }
.LBB2_4:
0x1b: {  	s31 =	sshra.s32 s18, $0x2;
	[sflag:s9] =	ssyncset.done $0x0;
	p1 =	sne.s32 s18, $0x25800  }
.Ltmp1:
0x1c: {  	s31 =	sadd.s32 s31, s7;
	[sflag:s9] =	ssyncadd.s32 $0xFFFFF9C0;
	(pc) =	sbr.rel @p1 .LBB2_4-.Ltmp1, $3  }
0x1d: {  	[spmem:s31] =	stream.linear.scatter [tilespmem:s8], [sflag:$0xB], $0x640, $0x38;
	[tilespmem:$0x19C80] =	vst v63  }
0x1e: {  	s18 =	sadd.s32 $0x1900, s18;
	_ =	sdelay $0x1  }
0x1f: {  	_ =	swait.ge [sflag:s9], $0x640  }
0x20: {  	[sflag:s9] =	ssyncset.done $0x0  }
0x21: {  	[sflag:s9] =	ssyncadd.s32 $0xFFFFF9C0  }
0x22: {  	s18 =	simm.s32 $0x0;
	[bflag:$0x0] =	sbarrier.arrive $0xFFFF  }
0x23: {  	[tilespmem:s18], [sflag:$0xB] =	stream.linear.gather [hbm4b:s3+s18], $0x4E20, $0x38;
	[tilespmem:$0x19C80] =	vst v63  }
0x24: {  	_ =	swait.ge [sflag:s9], $0x4E20  }
0x25: {  	[sflag:s9] =	ssyncset.done $0x0  }
0x26: {  	s0 =	simm.s32 $0x4E20;
	[sflag:s9] =	ssyncadd.s32 $0xFFFFB1E0  }
0x27: {  	[tilespmem:s0], [sflag:$0xB] =	stream.linear.gather [hbm4b:s10+s18], $0x4E20, $0x38;
	[tilespmem:$0x19C80] =	vst v63  }
0x28: {  	_ =	swait.ge [sflag:s9], $0x4E20  }
0x29: {  	[sflag:s9] =	ssyncset.done $0x0  }
0x2a: {  	[sflag:s9] =	ssyncadd.s32 $0xFFFFB1E0  }
0x2b: {  	[tilespmem:s8], [sflag:$0x1] =	stream.indirect.gather [hbm4b:s4+s12], $0x40, s18, s12, $0xb8;
	[tilespmem:$0x19C80] =	vst v63  }
0x2c: {  	_ = 	snop  }
0x2d: {  	[tilespmem:s13], [sflag:$0x2] =	stream.indirect.gather [hbm4b:s4+s12], $0x40, s12, s12, $0xb8;
	[tilespmem:$0x19C80] =	vst v63  }
0x2e: {  	s18 =	simm.s32 $0xA0  }
0x2f: {  	[tilespmem:s15], [sflag:$0x3] =	stream.indirect.gather [hbm4b:s4+s12], $0x40, s18, s12, $0xb8;
	[tilespmem:$0x19C80] =	vst v63  }
0x30: {  	s18 =	simm.s32 $0xF0  }
0x31: {  	[tilespmem:s17], [sflag:$0x4] =	stream.indirect.gather [hbm4b:s4+s12], $0x40, s18, s12, $0xb8;
	[tilespmem:$0x19C80] =	vst v63  }
0x32: {  	s18 =	simm.s32 $0x140  }
0x33: {  	[tilespmem:s19], [sflag:$0x5] =	stream.indirect.gather [hbm4b:s4+s12], $0x40, s18, s12, $0xb8;
	[tilespmem:$0x19C80] =	vst v63  }
0x34: {  	_ =	swait.ge [sflag:s20], $0x1400  }
0x35: {  	[sflag:s20] =	ssyncset.done $0x0  }
0x36: {  	s0 =	simm.s32 $0x4E20;
	[sflag:s20] =	ssyncadd.s32 $0xFFFFEC00  }
0x37: {  	[spmem:s1] =	stream.indirect.scatter.add.f32 [tilespmem:s8], [sflag:$0x6], $0x40, s0, s12, $0xb8;
	[tilespmem:$0x19C80] =	vst v63  }
0x38: {  	_ =	swait.ge [sflag:s21], $0x1400  }
0x39: {  	[sflag:s21] =	ssyncset.done $0x0  }
0x3a: {  	s0 =	simm.s32 $0x4E70;
	[sflag:s21] =	ssyncadd.s32 $0xFFFFEC00  }
0x3b: {  	[spmem:s1] =	stream.indirect.scatter.add.f32 [tilespmem:s13], [sflag:$0x7], $0x40, s0, s12, $0xb8;
	[tilespmem:$0x19C80] =	vst v63  }
0x3c: {  	_ =	swait.ge [sflag:s22], $0x1400  }
0x3d: {  	[sflag:s22] =	ssyncset.done $0x0  }
0x3e: {  	s0 =	simm.s32 $0x4EC0;
	[sflag:s22] =	ssyncadd.s32 $0xFFFFEC00  }
0x3f: {  	[spmem:s1] =	stream.indirect.scatter.add.f32 [tilespmem:s15], [sflag:$0x8], $0x40, s0, s12, $0xb8;
	[tilespmem:$0x19C80] =	vst v63  }
0x40: {  	_ =	swait.ge [sflag:s23], $0x1400  }
0x41: {  	[sflag:s23] =	ssyncset.done $0x0  }
0x42: {  	s0 =	simm.s32 $0x4F10;
	[sflag:s23] =	ssyncadd.s32 $0xFFFFEC00  }
0x43: {  	[spmem:s1] =	stream.indirect.scatter.add.f32 [tilespmem:s17], [sflag:$0x9], $0x40, s0, s12, $0xb8;
	[tilespmem:$0x19C80] =	vst v63  }
0x44: {  	_ =	swait.ge [sflag:s24], $0x1400  }
0x45: {  	[sflag:s24] =	ssyncset.done $0x0  }
0x46: {  	s0 =	simm.s32 $0x4F60;
	[sflag:s24] =	ssyncadd.s32 $0xFFFFEC00  }
0x47: {  	[spmem:s1] =	stream.indirect.scatter.add.f32 [tilespmem:s19], [sflag:$0xA], $0x40, s0, s12, $0xb8;
	[tilespmem:$0x19C80] =	vst v63  }
0x48: {  	_ =	swait.ge [sflag:s25], $0x1400  }
0x49: {  	[sflag:s25] =	ssyncset.done $0x0  }
0x4a: {  	s0 =	simm.s32 $0x190;
	[sflag:s25] =	ssyncadd.s32 $0xFFFFEC00  }
0x4b: {  	[tilespmem:s8], [sflag:$0x1] =	stream.indirect.gather [hbm4b:s4+s12], $0x40, s0, s12, $0xb8;
	[tilespmem:$0x19C80] =	vst v63  }
0x4c: {  	_ =	swait.ge [sflag:s26], $0x1400  }
0x4d: {  	[sflag:s26] =	ssyncset.done $0x0  }
0x4e: {  	s0 =	simm.s32 $0x1E0;
	[sflag:s26] =	ssyncadd.s32 $0xFFFFEC00  }
0x4f: {  	[tilespmem:s13], [sflag:$0x2] =	stream.indirect.gather [hbm4b:s4+s12], $0x40, s0, s12, $0xb8;
	[tilespmem:$0x19C80] =	vst v63  }
0x50: {  	_ =	swait.ge [sflag:s28], $0x1400  }
0x51: {  	[sflag:s28] =	ssyncset.done $0x0  }
0x52: {  	s0 =	simm.s32 $0x230;
	[sflag:s28] =	ssyncadd.s32 $0xFFFFEC00  }
0x53: {  	[tilespmem:s15], [sflag:$0x3] =	stream.indirect.gather [hbm4b:s4+s12], $0x40, s0, s12, $0xb8;
	[tilespmem:$0x19C80] =	vst v63  }
0x54: {  	_ =	swait.ge [sflag:s29], $0x1400  }
0x55: {  	[sflag:s29] =	ssyncset.done $0x0  }
0x56: {  	s0 =	simm.s32 $0x280;
	[sflag:s29] =	ssyncadd.s32 $0xFFFFEC00  }
0x57: {  	[tilespmem:s17], [sflag:$0x4] =	stream.indirect.gather [hbm4b:s4+s12], $0x40, s0, s12, $0xb8;
	[tilespmem:$0x19C80] =	vst v63  }
0x58: {  	_ =	swait.ge [sflag:s30], $0x1400  }
0x59: {  	[sflag:s30] =	ssyncset.done $0x0  }
0x5a: {  	s31 =	simm.s32 $0x2D0;
	s18 =	simm.s32 $0x640;
	[sflag:s30] =	ssyncadd.s32 $0xFFFFEC00  }
.LBB2_6:
0x5b: {  	[tilespmem:s19], [sflag:$0x5] =	stream.indirect.gather [hbm4b:s4+s12], $0x40, s31, s12, $0xb8;
	[tilespmem:$0x19C80] =	vst v63  }
0x5c: {  	s31 =	smov.u32 s18  }
0x5d: {  	p1 =	sne.s32 s18, $0x12C00;
	s18 =	sadd.s32 $0x640, s18;
	_ =	swait.ge [sflag:s20], $0x1400  }
0x5e: {  	s31 =	sshra.s32 s31, $0x2;
	[sflag:s20] =	ssyncset.done $0x0  }
0x5f: {  	s0 =	sadd.s32 $0x4E20, s31;
	[sflag:s20] =	ssyncadd.s32 $0xFFFFEC00  }
0x60: {  	[spmem:s1] =	stream.indirect.scatter.add.f32 [tilespmem:s8], [sflag:$0x6], $0x40, s0, s12, $0xb8;
	[tilespmem:$0x19C80] =	vst v63  }
0x61: {  	_ =	swait.ge [sflag:s21], $0x1400  }
0x62: {  	[sflag:s21] =	ssyncset.done $0x0  }
0x63: {  	s0 =	sadd.s32 $0x4E70, s31;
	[sflag:s21] =	ssyncadd.s32 $0xFFFFEC00  }
0x64: {  	[spmem:s1] =	stream.indirect.scatter.add.f32 [tilespmem:s13], [sflag:$0x7], $0x40, s0, s12, $0xb8;
	[tilespmem:$0x19C80] =	vst v63  }
0x65: {  	_ =	swait.ge [sflag:s22], $0x1400  }
0x66: {  	[sflag:s22] =	ssyncset.done $0x0  }
0x67: {  	s0 =	sadd.s32 $0x4EC0, s31;
	[sflag:s22] =	ssyncadd.s32 $0xFFFFEC00  }
0x68: {  	[spmem:s1] =	stream.indirect.scatter.add.f32 [tilespmem:s15], [sflag:$0x8], $0x40, s0, s12, $0xb8;
	[tilespmem:$0x19C80] =	vst v63  }
0x69: {  	_ =	swait.ge [sflag:s23], $0x1400  }
0x6a: {  	[sflag:s23] =	ssyncset.done $0x0  }
0x6b: {  	s0 =	sadd.s32 $0x4F10, s31;
	[sflag:s23] =	ssyncadd.s32 $0xFFFFEC00  }
0x6c: {  	[spmem:s1] =	stream.indirect.scatter.add.f32 [tilespmem:s17], [sflag:$0x9], $0x40, s0, s12, $0xb8;
	[tilespmem:$0x19C80] =	vst v63  }
0x6d: {  	_ =	swait.ge [sflag:s24], $0x1400  }
0x6e: {  	[sflag:s24] =	ssyncset.done $0x0  }
0x6f: {  	s0 =	sadd.s32 $0x4F60, s31;
	[sflag:s24] =	ssyncadd.s32 $0xFFFFEC00  }
0x70: {  	[spmem:s1] =	stream.indirect.scatter.add.f32 [tilespmem:s19], [sflag:$0xA], $0x40, s0, s12, $0xb8;
	[tilespmem:$0x19C80] =	vst v63  }
0x71: {  	_ =	swait.ge [sflag:s25], $0x1400  }
0x72: {  	[sflag:s25] =	ssyncset.done $0x0  }
0x73: {  	s0 =	sadd.s32 $0x190, s31;
	[sflag:s25] =	ssyncadd.s32 $0xFFFFEC00  }
0x74: {  	[tilespmem:s8], [sflag:$0x1] =	stream.indirect.gather [hbm4b:s4+s12], $0x40, s0, s12, $0xb8;
	[tilespmem:$0x19C80] =	vst v63  }
0x75: {  	_ =	swait.ge [sflag:s26], $0x1400  }
0x76: {  	[sflag:s26] =	ssyncset.done $0x0  }
0x77: {  	s0 =	sadd.s32 $0x1E0, s31;
	[sflag:s26] =	ssyncadd.s32 $0xFFFFEC00  }
0x78: {  	[tilespmem:s13], [sflag:$0x2] =	stream.indirect.gather [hbm4b:s4+s12], $0x40, s0, s12, $0xb8;
	[tilespmem:$0x19C80] =	vst v63  }
0x79: {  	_ =	swait.ge [sflag:s28], $0x1400  }
0x7a: {  	[sflag:s28] =	ssyncset.done $0x0  }
0x7b: {  	s0 =	sadd.s32 $0x230, s31;
	[sflag:s28] =	ssyncadd.s32 $0xFFFFEC00  }
0x7c: {  	[tilespmem:s15], [sflag:$0x3] =	stream.indirect.gather [hbm4b:s4+s12], $0x40, s0, s12, $0xb8;
	[tilespmem:$0x19C80] =	vst v63  }
0x7d: {  	_ =	swait.ge [sflag:s29], $0x1400  }
0x7e: {  	[sflag:s29] =	ssyncset.done $0x0  }
.Ltmp2:
0x7f: {  	s0 =	sadd.s32 $0x280, s31;
	[sflag:s29] =	ssyncadd.s32 $0xFFFFEC00;
	(pc) =	sbr.rel @p1 .LBB2_6-.Ltmp2, $4  }
0x80: {  	[tilespmem:s17], [sflag:$0x4] =	stream.indirect.gather [hbm4b:s4+s12], $0x40, s0, s12, $0xb8;
	[tilespmem:$0x19C80] =	vst v63  }
0x81: {  	_ =	swait.ge [sflag:s30], $0x1400  }
0x82: {  	[sflag:s30] =	ssyncset.done $0x0  }
0x83: {  	s31 =	sadd.s32 $0x2D0, s31;
	[sflag:s30] =	ssyncadd.s32 $0xFFFFEC00  }
0x84: {  	[tilespmem:s19], [sflag:$0x5] =	stream.indirect.gather [hbm4b:s4+s12], $0x40, s31, s12, $0xb8;
	[tilespmem:$0x19C80] =	vst v63  }
0x85: {  	_ =	swait.ge [sflag:s20], $0x1400  }
0x86: {  	[sflag:s20] =	ssyncset.done $0x0  }
0x87: {  	s0 =	simm.s32 $0x9AB0;
	[sflag:s20] =	ssyncadd.s32 $0xFFFFEC00  }
0x88: {  	[spmem:s1] =	stream.indirect.scatter.add.f32 [tilespmem:s8], [sflag:$0x6], $0x40, s0, s12, $0xb8;
	[tilespmem:$0x19C80] =	vst v63  }
0x89: {  	_ =	swait.ge [sflag:s21], $0x1400  }
0x8a: {  	[sflag:s21] =	ssyncset.done $0x0  }
0x8b: {  	s31 =	simm.s32 $0x9B00;
	[sflag:s21] =	ssyncadd.s32 $0xFFFFEC00  }
0x8c: {  	[spmem:s1] =	stream.indirect.scatter.add.f32 [tilespmem:s13], [sflag:$0x7], $0x40, s31, s12, $0xb8;
	[tilespmem:$0x19C80] =	vst v63  }
0x8d: {  	_ =	swait.ge [sflag:s22], $0x1400  }
0x8e: {  	[sflag:s22] =	ssyncset.done $0x0  }
0x8f: {  	[sflag:s22] =	ssyncadd.s32 $0xFFFFEC00  }
0x90: {  	[spmem:s1] =	stream.indirect.scatter.add.f32 [tilespmem:s15], [sflag:$0x8], $0x40, s11, s12, $0xb8;
	[tilespmem:$0x19C80] =	vst v63  }
0x91: {  	_ =	swait.ge [sflag:s23], $0x1400  }
0x92: {  	[sflag:s23] =	ssyncset.done $0x0  }
0x93: {  	[sflag:s23] =	ssyncadd.s32 $0xFFFFEC00  }
0x94: {  	[spmem:s1] =	stream.indirect.scatter.add.f32 [tilespmem:s17], [sflag:$0x9], $0x40, s14, s12, $0xb8;
	[tilespmem:$0x19C80] =	vst v63  }
0x95: {  	_ =	swait.ge [sflag:s24], $0x1400  }
0x96: {  	[sflag:s24] =	ssyncset.done $0x0  }
0x97: {  	[sflag:s24] =	ssyncadd.s32 $0xFFFFEC00  }
0x98: {  	[spmem:s1] =	stream.indirect.scatter.add.f32 [tilespmem:s19], [sflag:$0xA], $0x40, s16, s12, $0xb8;
	[tilespmem:$0x19C80] =	vst v63  }
0x99: {  	_ =	swait.ge [sflag:s25], $0x1400  }
0x9a: {  	[sflag:s25] =	ssyncset.done $0x0  }
0x9b: {  	[sflag:s25] =	ssyncadd.s32 $0xFFFFEC00  }
0x9c: {  	_ =	swait.ge [sflag:s26], $0x1400  }
0x9d: {  	[sflag:s26] =	ssyncset.done $0x0  }
0x9e: {  	[sflag:s26] =	ssyncadd.s32 $0xFFFFEC00  }
0x9f: {  	_ =	swait.ge [sflag:s28], $0x1400  }
0xa0: {  	[sflag:s28] =	ssyncset.done $0x0  }
0xa1: {  	[sflag:s28] =	ssyncadd.s32 $0xFFFFEC00  }
0xa2: {  	_ =	swait.ge [sflag:s29], $0x1400  }
0xa3: {  	[sflag:s29] =	ssyncset.done $0x0  }
0xa4: {  	[sflag:s29] =	ssyncadd.s32 $0xFFFFEC00  }
0xa5: {  	_ =	swait.ge [sflag:s30], $0x1400  }
0xa6: {  	[sflag:s30] =	ssyncset.done $0x0  }
0xa7: {  	s18 =	simm.s32 @!p0 $0x1C0B;
	s2 =	sadd.s32 $0x1, s2;
	[sflag:s30] =	ssyncadd.s32 $0xFFFFEC00  }
0xa8: {  	p1 =	sne.s32 s2, s6;
	s0 =	sshrl.u32 @!p0 s1, $0x3;
	[bflag:$0x0] =	sbarrier.arrive $0xFFFF  }
0xa9: {  	[hbm:s5], [sflag:s18] =	dma.local @!p0 [spmem:s0], $0x13880  }
.Ltmp3:
0xaa: {  	_ = 	snop;
	(pc) =	sbr.rel @p1 .LBB2_1-.Ltmp3, $4  }
0xab: {  	s0 =	simm.s32 @!p0 $0xB  }
0xac: {  	_ =	swait.ge @!p0 [sflag:s0], $0x13880  }
0xad: {  	[sflag:s0] =	ssyncset.done @!p0 $0x0  }
0xae: {  	[sflag:s0] =	ssyncadd.s32 @!p0 $0xFFFEC780  }
0xaf: {  	_ =	sfence.sel $0x180000  }
0xb0: {  	[bflag:$0x0] =	sbarrier.arrive $0xFFFF  }
0xb1: {  	_ =	strace $0x9000004D  }
0xb2: {  	[bflag:$0x2] =	sbarrier.arrive $0xFFFF  }
0xb3: {  	s0 =	rddreg [dreg:$0x2]  }
0xb4: {  	s0 =	sadd.s32 @!p0 $0x100000, s0  }
0xb5: {  	[sflag:s0] =	ssyncadd.tile.s32 @!p0 $0x1;
	_ =	shalt  }
.Lfunc_end2:
_tile_overlayer_lowered:
.L_overlay_start_2:
0xb6: {  	(tag) =	ssettag $0x2  }
0xb7: {  	s0 =	rddreg [dreg:$0x0];
	s2 =	stileid.u32  }
0xb8: {  	s1 =	rddreg [dreg:$0x1];
	p0 =	sne.s32 s2, $0x0  }
0xb9: {  	s3 =	rddreg [dreg:$0x2];
	[bflag:$0x3] =	sbarrier.arrive $0xFFFF;
	s2 =	simm.s32 @!p0 $0x1C0B  }
0xba: {  	[timem:s3], [sflag:s2] =	dma.local @!p0 [hbm:s0], s1  }
0xbb: {  	s0 =	simm.s32 @!p0 $0xB  }
0xbc: {  	_ =	swait.ge @!p0 [sflag:s0], s1  }
0xbd: {  	s1 =	ssub.s32 @!p0 $0x0, s1;
	[sflag:s0] =	ssyncset.done @!p0 $0x0  }
0xbe: {  	[sflag:s0] =	ssyncadd.s32 @!p0 s1  }
0xbf: {  	[bflag:$0x3] =	sbarrier.arrive $0xFFFF  }
0xc0: {  	_ =	shalt  }

// kernel: kernel.20.cloned.1.call-start
scs
__scs_entry_jumppad:
0x0: {  	(pc) =	sbr.rel $0x88, $3  }
0x1: {  	(tag) =	ssettag $0x0;
	lr =	simm.s32 $0x1  }
0x2: {  	[smem:$0x3F99] =	sst lr;
	_ =	strace $0xD0000000  }
0x3: {  	_ = 	snop  }
0x4: {  	_ = 	snop  }
0x5: {  	_ = 	snop  }
0x6: {  	_ = 	snop  }
0x7: {  	_ = 	snop  }
__scs_overlays_trampoline_lowered:
0x8: {  	[smem:$0x3FA8] =	sst s0  }
0x9: {  	[smem:$0x3FA9] =	sst s1  }
0xa: {  	[smem:$0x3FAA] =	sst s2  }
0xb: {  	[smem:$0x3FAB] =	sst s3  }
0xc: {  	[smem:$0x3FAC] =	sst s4  }
0xd: {  	[smem:$0x3FAD] =	sst s5  }
0xe: {  	[smem:$0x3FAE] =	sst s6  }
0xf: {  	[smem:$0x3FAF] =	sst s7  }
0x10: {  	[smem:$0x3FB0] =	sst s8  }
0x11: {  	[smem:$0x3FB1] =	sst s9;
	s0 =	simm.s32 @!p0 $0x0  }
0x12: {  	s1 =	sld [smem:$0x3F97];
	s0 =	simm.s32 @p0 $0x1  }
0x13: {  	[smem:$0x3FB2] =	sst s0;
	s0 =	simm.s32 @!p1 $0x0  }
0x14: {  	s2 =	sld [smem:$0x3F96];
	s0 =	simm.s32 @p1 $0x1  }
0x15: {  	[smem:$0x3FB3] =	sst s0;
	s0 =	simm.s32 @!p2 $0x0  }
0x16: {  	s3 =	sld [smem:$0x3FDB];
	s0 =	simm.s32 @p2 $0x1  }
0x17: {  	s4 =	simm.s32 $0x1BF5;
	[smem:$0x3FB5] =	sst s0  }
0x18: {  	s0 =	sld [smem:$0x3F98];
	_ =	swait.ge [sflag:s4], $0x0  }
0x19: {  	s7 =	sld [smem:$0x3F99]  }
0x1a: {  	s8 =	sadd.s32 $0xFFFFE003, lr  }
0x1b: {  	s9 =	sadd.s32 $0xFFFFFEF7, lr;
	s5 =	simm.s32 $0xFFFFFFFF;
	p2 =	slt.u32 s8, $0xFFFFF086  }
0x1c: {  	p1 =	slt.u32 s9, $0xF7A;
	s5 =	simm.s32 @!p2 $0x0  }
0x1d: {  	s5 =	simm.s32 @p1 $0x1;
	p0 =	seq.s32 s7, s2  }
0x1e: {  	s7 =	smul.u32 @!p0 $0xF7A, s2;
	p2 =	seq.s32 @!p0 s5, $0x0  }
0x1f: {  	s9 =	smul.u32 $0xF7A, s1;
	s8 =	simm.s32 @!p0 $0x1BF5;
	p2 =	por !p2, p0  }
0x20: {  	[sflag:s8] =	ssyncset.s32 @!p0 $0xFFFFF086;
	s6 =	sadd.s32 @!p0 s3, s7;
	s7 =	simm.s32 @!p0 $0x108  }
0x21: {  	s3 =	sadd.s32 s3, s9;
	s6 =	sadd.s32 @!p0 $0x88, s6;
	s7 =	simm.s32 @p2 $0x1082  }
0x22: {  	[simem:s7], [sflag:s8] =	dma.local @!p0 [hbm:s6], $0xF7A  }
0x23: {  	s9 =	sor.u32 $0xD0000000, s2;
	s6 =	simm.s32 $0x108;
	_ =	swait.ge @!p0 [sflag:s8], $0x0  }
0x24: {  	s3 =	sadd.s32 $0x88, s3;
	s6 =	simm.s32 @!p1 $0x1082;
	[sflag:s4] =	ssyncset.s32 $0xFFFFF086  }
0x25: {  	[simem:s6], [sflag:s4] =	dma.local [hbm:s3], $0xF7A  }
0x26: {  	[smem:$0x3F99] =	sst s1;
	(tag) =	ssettag s2;
	_ =	strace s9  }
0x27: {  	s1 =	sld [smem:$0x3FA9]  }
0x28: {  	s2 =	sld [smem:$0x3FAA]  }
0x29: {  	s4 =	sld [smem:$0x3FAC]  }
0x2a: {  	p0 =	seq.s32 s5, $0x0;
	s5 =	sld [smem:$0x3FAD]  }
0x2b: {  	s6 =	sld [smem:$0x3FAE]  }
0x2c: {  	s7 =	sld [smem:$0x3FAF]  }
0x2d: {  	s3 =	simm.s32 $0x108;
	s8 =	sld [smem:$0x3FB0]  }
0x2e: {  	s3 =	simm.s32 @!p0 $0x1082;
	s9 =	sld [smem:$0x3FB1]  }
0x2f: {  	lr =	sadd.s32 s0, s3;
	s0 =	sld [smem:$0x3FA8]  }
0x30: {  	s3 =	sld [smem:$0x3FAB]  }
0x31: {  	[smem:$0x3FB4] =	sst s10  }
0x32: {  	s10 =	sld [smem:$0x3FB2];
	_ =	sdelay $0x3  }
0x33: {  	p0 =	seq.s32 s10, $0x1;
	s10 =	sld [smem:$0x3FB4];
	_ =	sdelay $0x3  }
0x34: {  	[smem:$0x3FB4] =	sst s10  }
0x35: {  	s10 =	sld [smem:$0x3FB3];
	_ =	sdelay $0x3  }
0x36: {  	p1 =	seq.s32 s10, $0x1;
	s10 =	sld [smem:$0x3FB4];
	_ =	sdelay $0x3  }
0x37: {  	[smem:$0x3FB4] =	sst s10  }
0x38: {  	s10 =	sld [smem:$0x3FB5]  }
0x39: {  	_ = 	snop;
	(pc) =	sbr.ind lr, $3  }
0x3a: {  	_ = 	snop  }
0x3b: {  	_ = 	snop  }
0x3c: {  	p2 =	seq.s32 s10, $0x1;
	s10 =	sld [smem:$0x3FB4]  }
0x3d: {  	_ =	shalt  }
0x3e: {  	_ =	shalt  }
0x3f: {  	_ =	shalt  }
0x40: {  	_ =	shalt  }
0x41: {  	_ =	shalt  }
0x42: {  	_ =	shalt  }
0x43: {  	_ =	shalt  }
0x44: {  	_ =	shalt  }
0x45: {  	_ =	shalt  }
0x46: {  	_ =	shalt  }
0x47: {  	_ =	shalt  }
0x48: {  	_ =	shalt  }
0x49: {  	_ =	shalt  }
0x4a: {  	_ =	shalt  }
0x4b: {  	_ =	shalt  }
0x4c: {  	_ =	shalt  }
0x4d: {  	_ =	shalt  }
0x4e: {  	_ =	shalt  }
0x4f: {  	_ =	shalt  }
0x50: {  	_ =	shalt  }
0x51: {  	_ =	shalt  }
0x52: {  	_ =	shalt  }
0x53: {  	_ =	shalt  }
0x54: {  	_ =	shalt  }
0x55: {  	_ =	shalt  }
0x56: {  	_ =	shalt  }
0x57: {  	_ =	shalt  }
0x58: {  	_ =	shalt  }
0x59: {  	_ =	shalt  }
0x5a: {  	_ =	shalt  }
0x5b: {  	_ =	shalt  }
0x5c: {  	_ =	shalt  }
0x5d: {  	_ =	shalt  }
0x5e: {  	_ =	shalt  }
0x5f: {  	_ =	shalt  }
0x60: {  	_ =	shalt  }
0x61: {  	_ =	shalt  }
0x62: {  	_ =	shalt  }
0x63: {  	_ =	shalt  }
0x64: {  	_ =	shalt  }
0x65: {  	_ =	shalt  }
0x66: {  	_ =	shalt  }
0x67: {  	_ =	shalt  }
0x68: {  	_ =	shalt  }
0x69: {  	_ =	shalt  }
0x6a: {  	_ =	shalt  }
0x6b: {  	_ =	shalt  }
0x6c: {  	_ =	shalt  }
0x6d: {  	_ =	shalt  }
0x6e: {  	_ =	shalt  }
0x6f: {  	_ =	shalt  }
0x70: {  	_ =	shalt  }
0x71: {  	_ =	shalt  }
0x72: {  	_ =	shalt  }
0x73: {  	_ =	shalt  }
0x74: {  	_ =	shalt  }
0x75: {  	_ =	shalt  }
0x76: {  	_ =	shalt  }
0x77: {  	_ =	shalt  }
0x78: {  	_ =	shalt  }
0x79: {  	_ =	shalt  }
0x7a: {  	_ =	shalt  }
0x7b: {  	_ =	shalt  }
0x7c: {  	_ =	shalt  }
0x7d: {  	_ =	shalt  }
0x7e: {  	_ =	shalt  }
0x7f: {  	_ =	shalt  }
0x80: {  	_ =	shalt  }
0x81: {  	_ =	shalt  }
0x82: {  	_ =	shalt  }
0x83: {  	_ =	shalt  }
0x84: {  	_ =	shalt  }
0x85: {  	_ =	shalt  }
0x86: {  	_ =	shalt  }
0x87: {  	_ =	shalt  }
.Lfunc_end0:
.L_simem_size_0:
called_computation.3_lowered:
.L_overlay_start_0:
0x88: {  	s2 =	sld [smem:$0x3FD9]  }
0x89: {  	s3 =	sld [smem:$0x3FFE];
	_ =	sdelay $0x1  }
0x8a: {  	s1 =	srdreg.scid  }
0x8b: {  	s0 =	sand.u32 $0x1, s1  }
0x8c: {  	s16 =	sshll.u32 s0, $0xA;
	s2 =	sadd.s32 s3, s2  }
0x8d: {  	s2 =	sadd.s32 s2, s16  }
0x8e: {  	[smem:$0x3FC0] =	sst s2  }
0x8f: {  	_ = 	snop  }
0x90: {  	(tm) =	ssettm $0x1  }
0x91: {  	s17 =	sld [smem:$0x3FFB];
	_ =	sdelay $0x3  }
0x92: {  	_ =	strace s17  }
0x93: {  	s2 =	sld [smem:$0x3FFC];
	_ =	sdelay $0x3  }
0x94: {  	_ =	strace s2  }
0x95: {  	s2 =	sld [smem:$0x3FFD];
	_ =	sdelay $0x3  }
0x96: {  	_ =	strace s2  }
0x97: {  	_ =	strace $0x8FFFFFFF  }
0x98: {  	s18 =	sld [smem:$0x3FDB];
	_ =	sdelay $0x1  }
0x99: {  	s19 =	simm.s32 $_scs_section_size  }
0x9a: {  	s4 =	simm.s32 $_size__tile_overlayer_lowered;
	s5 =	simm.s32 $_tile_overlayer_lowered  }
0x9b: {  	s22 =	simm.s32 $0x1BFF;
	s21 =	sshll.u32 s5, $0x1;
	s2 =	sadd.s32 s19, s18  }
0x9c: {  	s6 =	simm.s32 $0x0;
	s20 =	sshll.u32 s4, $0x1;
	s4 =	sadd.s32 s21, s2  }
0x9d: {  	[timem:s6], [sflag:s22] =	dma.local [hbm:s4], s20  }
0x9e: {  	_ =	swait.ge [sflag:s22], s20  }
0x9f: {  	s3 =	ssub.s32 $0x0, s20;
	[sflag:s22] =	ssyncset.done $0x0  }
0xa0: {  	[sflag:s22] =	ssyncadd.s32 s3;
	_ =	sdelay $0x1  }
0xa1: {  	s23 =	simm.s32 $0x1B8B  }
0xa2: {  	_ =	swait.ge [sflag:s23], $0x1  }
0xa3: {  	[sflag:s23] =	ssyncset.done $0x0  }
0xa4: {  	s25 =	simm.s32 $0x1B8E;
	s24 =	sld [smem:$0x3FFE];
	[sflag:s23] =	ssyncadd.s32 $0xFFFFFFFF  }
0xa5: {  	s26 =	simm.s32 $execute0_lowered;
	[smem:$0x3FD2] =	sst s25  }
0xa6: {  	s4 =	sshll.u32 s26, $0x1;
	_ =	strace $0x8000004F;
	[dreg:$0x1] =	wrdreg $0xFFFFFFFF  }
0xa7: {  	s28 =	simm.s32 $_size_execute0_lowered;
	s2 =	sadd.s32 s2, s4;
	[dreg:$0x0] =	wrdreg $0x0  }
0xa8: {  	s4 =	sshll.u32 s28, $0x1;
	[dreg:$0x2] =	wrdreg s2  }
0xa9: {  	[dreg:$0x3] =	wrdreg s4  }
0xaa: {  	[dreg:$0x4] =	wrdreg $0xC0  }
0xab: {  	_ =	task [dreg:s6], $0x5FFFF  }
0xac: {  	[dreg:$0x1] =	wrdreg $0xFFFFFFFF  }
0xad: {  	[dreg:$0x0] =	wrdreg $0x60  }
0xae: {  	[dreg:$0x2] =	wrdreg s24  }
0xaf: {  	[dreg:$0x3] =	wrdreg $0xCE400  }
0xb0: {  	[dreg:$0x4] =	wrdreg $0x9  }
0xb1: {  	_ =	task.clear_ibuf [dreg:s6], $0x5FFFF;
	_ =	strace $0x9000004F  }
0xb2: {  	s29 =	simm.s32 $0x9;
	_ =	strace $0x80000051  }
0xb3: {  	_ =	swait.ge [sflag:s29], $0x1  }
0xb4: {  	[sflag:s29] =	ssyncadd.s32 $0xFFFFFFFF  }
0xb5: {  	_ =	strace $0x90000051  }
0xb6: {  	_ =	sfence  }
0xb7: {  	s30 =	sld [smem:$0x0];
	_ =	sdelay $0x2  }
0xb8: {  	s31 =	sshll.u32 s1, $0xD;
	s1 =	sshrl.u32 s1, $0x2  }
0xb9: {  	s3 =	sand.u32 $0x4000, s31;
	s1 =	sadd.s32 s1, s30  }
0xba: {  	s0 =	sor.u32 s3, s0;
	s1 =	sshll.u32 s1, $0x11  }
0xbb: {  	s0 =	sor.u32 s1, s0  }
0xbc: {  	s0 =	sadd.s32 $0x8F2B, s0  }
0xbd: {  	[sflag:s0] =	ssyncadd.remote.s32 $0x1  }
0xbe: {  	_ =	sfence.sel $0xFFFF  }
0xbf: {  	[dreg:$0x0] =	wrdreg $0xFFFFFFFF;
	(pc) =	sbr.abs _section_cstart, $3  }
0xc0: {  	[dreg:$0x1] =	wrdreg $0xFFFFFFFF  }
0xc1: {  	_ =	task.clear_ibuf [dreg:s6], $0x2FFFF;
	_ =	strace $0x9FFFFFFF  }
0xc2: {  	(tm) =	ssettm $0x7FFFFFFF  }
0xc3: {  	_ =	shalt  }
tec
execute0_lowered:
.L_overlay_start_1:
0x0: {  	(tag) =	ssettag $0x1  }
0x1: {  	s0 =	rddreg [dreg:$0x0]  }
0x2: {  	s1 =	rddreg [dreg:$0x1];
	s11 =	stileid.u32  }
0x3: {  	s3 =	srdreg.scid;
	s2 =	simm.s32 $0x0;
	s9 =	simm.s32 $0xB  }
0x4: {  	s12 =	simm.s32 $0x50;
	s13 =	simm.s32 $0xA640;
	s15 =	simm.s32 $0xB040  }
0x5: {  	s17 =	simm.s32 $0xBA40;
	s19 =	simm.s32 $0xC440;
	s20 =	simm.s32 $0x1  }
0x6: {  	s21 =	simm.s32 $0x2;
	s22 =	simm.s32 $0x3;
	s23 =	simm.s32 $0x4  }
0x7: {  	s24 =	simm.s32 $0x5;
	s25 =	simm.s32 $0x6;
	s26 =	simm.s32 $0x7  }
0x8: {  	s28 =	simm.s32 $0x8;
	s29 =	simm.s32 $0x9;
	s30 =	simm.s32 $0xA  }
0x9: {  	s14 =	simm.s32 $0x9BA0;
	s16 =	simm.s32 $0x9BF0;
	s10 =	smul.u32 $0x9C4, s11  }
0xa: {  	s3 =	sand.u32 $0x1, s3;
	[smem:$0x7FF] =	sst s2;
	s7 =	smul.u32 $0x13880, s11  }
0xb: {  	p0 =	sne.s32 s11, $0x0;
	s11 =	simm.s32 $0x9B50;
	s4 =	smul.u32 $0x9C40, s3  }
0xc: {  	_ =	strace $0x80000050;
	s3 =	ssub.s32 $0x2, s3;
	s5 =	sadd.s32 s10, s0  }
0xd: {  	s31 =	sshrl.u32 s3, $0x1;
	s7 =	sshrl.u32 s7, $0x2;
	s6 =	sadd.s32 s4, s0  }
0xe: {  	s8 =	ssub.s32 s3, s31;
	s3 =	sadd.s32 $0x3200, s5;
	s0 =	sadd.s32 $0xCE40, s0  }
0xf: {  	s7 =	sadd.s32 s7, s1;
	s4 =	sadd.s32 $0x64E00, s6;
	s5 =	sadd.s32 $0x16C00, s6  }
0x10: {  	v0 =	vimm.f32 $0.0e+00;
	s6 =	smax.u32 s8, $0x1;
	s8 =	simm.s32 $0x9C40;
	s10 =	sadd.s32 s10, s0  }
.LBB2_1:
0x11: {  	[tilespmem:$0x9C40] =	vst v0  }
0x12: {  	[tilespmem:$0x9C50] =	vst v0  }
0x13: {  	[tilespmem:$0x9C60] =	vst v0  }
0x14: {  	[tilespmem:$0x9C70] =	vst v0  }
0x15: {  	[tilespmem:$0x9C80] =	vst v0  }
0x16: {  	[tilespmem:$0x9C90] =	vst v0  }
0x17: {  	[tilespmem:$0x9CA0] =	vst v0  }
0x18: {  	[tilespmem:$0x9CB0] =	vst v0  }
0x19: {  	[tilespmem:$0x9CC0] =	vst v0  }
0x1a: {  	[tilespmem:$0x9CD0] =	vst v0  }
0x1b: {  	[tilespmem:$0x9CE0] =	vst v0  }
0x1c: {  	[tilespmem:$0x9CF0] =	vst v0  }
0x1d: {  	[tilespmem:$0x9D00] =	vst v0  }
0x1e: {  	[tilespmem:$0x9D10] =	vst v0  }
0x1f: {  	[tilespmem:$0x9D20] =	vst v0  }
0x20: {  	[tilespmem:$0x9D30] =	vst v0  }
0x21: {  	[tilespmem:$0x9D40] =	vst v0  }
0x22: {  	[tilespmem:$0x9D50] =	vst v0  }
0x23: {  	[tilespmem:$0x9D60] =	vst v0  }
0x24: {  	[tilespmem:$0x9D70] =	vst v0  }
0x25: {  	[tilespmem:$0x9D80] =	vst v0  }
0x26: {  	[tilespmem:$0x9D90] =	vst v0  }
0x27: {  	[tilespmem:$0x9DA0] =	vst v0  }
0x28: {  	[tilespmem:$0x9DB0] =	vst v0  }
0x29: {  	[tilespmem:$0x9DC0] =	vst v0  }
0x2a: {  	[tilespmem:$0x9DD0] =	vst v0  }
0x2b: {  	[tilespmem:$0x9DE0] =	vst v0  }
0x2c: {  	[tilespmem:$0x9DF0] =	vst v0  }
0x2d: {  	[tilespmem:$0x9E00] =	vst v0  }
0x2e: {  	[tilespmem:$0x9E10] =	vst v0  }
0x2f: {  	[tilespmem:$0x9E20] =	vst v0  }
0x30: {  	[tilespmem:$0x9E30] =	vst v0  }
0x31: {  	[tilespmem:$0x9E40] =	vst v0  }
0x32: {  	[tilespmem:$0x9E50] =	vst v0  }
0x33: {  	[tilespmem:$0x9E60] =	vst v0  }
0x34: {  	[tilespmem:$0x9E70] =	vst v0  }
0x35: {  	[tilespmem:$0x9E80] =	vst v0  }
0x36: {  	[tilespmem:$0x9E90] =	vst v0  }
0x37: {  	[tilespmem:$0x9EA0] =	vst v0  }
0x38: {  	[tilespmem:$0x9EB0] =	vst v0  }
0x39: {  	[tilespmem:$0x9EC0] =	vst v0  }
0x3a: {  	[tilespmem:$0x9ED0] =	vst v0  }
0x3b: {  	[tilespmem:$0x9EE0] =	vst v0  }
0x3c: {  	[tilespmem:$0x9EF0] =	vst v0  }
0x3d: {  	[tilespmem:$0x9F00] =	vst v0  }
0x3e: {  	[tilespmem:$0x9F10] =	vst v0  }
0x3f: {  	[tilespmem:$0x9F20] =	vst v0  }
0x40: {  	[tilespmem:$0x9F30] =	vst v0  }
0x41: {  	[tilespmem:$0x9F40] =	vst v0  }
0x42: {  	[tilespmem:$0x9F50] =	vst v0;
	s18 =	sadd.s32 $0x0, s7  }
0x43: {  	[spmem:s18] =	stream.linear.scatter [tilespmem:s8], [sflag:$0xB], $0x320, $0x38;
	[tilespmem:$0x11C60] =	vst v63  }
0x44: {  	s18 =	simm.s32 $0xC80;
	_ =	swait.ge [sflag:s9], $0x320  }
.LBB2_2:
0x45: {  	s31 =	sshra.s32 s18, $0x2;
	[sflag:s9] =	ssyncset.done $0x0;
	p1 =	sne.s32 s18, $0x12C00  }
.Ltmp0:
0x46: {  	s31 =	sadd.s32 s31, s7;
	[sflag:s9] =	ssyncadd.s32 $0xFFFFFCE0;
	(pc) =	sbr.rel @p1 .LBB2_2-.Ltmp0, $3  }
0x47: {  	[spmem:s31] =	stream.linear.scatter [tilespmem:s8], [sflag:$0xB], $0x320, $0x38;
	[tilespmem:$0x11C60] =	vst v63  }
0x48: {  	s18 =	sadd.s32 $0xC80, s18;
	_ =	sdelay $0x1  }
0x49: {  	_ =	swait.ge [sflag:s9], $0x320  }
0x4a: {  	[sflag:s9] =	ssyncset.done $0x0  }
0x4b: {  	[sflag:s9] =	ssyncadd.s32 $0xFFFFFCE0  }
0x4c: {  	s18 =	simm.s32 $0x0;
	[bflag:$0x0] =	sbarrier.arrive $0xFFFF  }
0x4d: {  	[tilespmem:s18], [sflag:$0xB] =	stream.linear.gather [hbm4b:s3+s18], $0x4E20, $0x38;
	[tilespmem:$0x11C60] =	vst v63  }
0x4e: {  	_ =	swait.ge [sflag:s9], $0x4E20  }
0x4f: {  	[sflag:s9] =	ssyncset.done $0x0  }
0x50: {  	s0 =	simm.s32 $0x4E20;
	[sflag:s9] =	ssyncadd.s32 $0xFFFFB1E0  }
0x51: {  	[tilespmem:s0], [sflag:$0xB] =	stream.linear.gather [hbm4b:s10+s18], $0x4E20, $0x38;
	[tilespmem:$0x11C60] =	vst v63  }
0x52: {  	_ =	swait.ge [sflag:s9], $0x4E20  }
0x53: {  	[sflag:s9] =	ssyncset.done $0x0  }
0x54: {  	[sflag:s9] =	ssyncadd.s32 $0xFFFFB1E0  }
0x55: {  	[tilespmem:s8], [sflag:$0x1] =	stream.indirect.gather [hbm4b:s4+s12], $0x20, s18, s12, $0xb8;
	[tilespmem:$0x11C60] =	vst v63  }
0x56: {  	_ = 	snop  }
0x57: {  	[tilespmem:s13], [sflag:$0x2] =	stream.indirect.gather [hbm4b:s4+s12], $0x20, s12, s12, $0xb8;
	[tilespmem:$0x11C60] =	vst v63  }
0x58: {  	s18 =	simm.s32 $0xA0  }
0x59: {  	[tilespmem:s15], [sflag:$0x3] =	stream.indirect.gather [hbm4b:s4+s12], $0x20, s18, s12, $0xb8;
	[tilespmem:$0x11C60] =	vst v63  }
0x5a: {  	s18 =	simm.s32 $0xF0  }
0x5b: {  	[tilespmem:s17], [sflag:$0x4] =	stream.indirect.gather [hbm4b:s4+s12], $0x20, s18, s12, $0xb8;
	[tilespmem:$0x11C60] =	vst v63  }
0x5c: {  	s18 =	simm.s32 $0x140  }
0x5d: {  	[tilespmem:s19], [sflag:$0x5] =	stream.indirect.gather [hbm4b:s4+s12], $0x20, s18, s12, $0xb8;
	[tilespmem:$0x11C60] =	vst v63  }
0x5e: {  	_ =	swait.ge [sflag:s20], $0xA00  }
0x5f: {  	[sflag:s20] =	ssyncset.done $0x0  }
0x60: {  	s0 =	simm.s32 $0x4E20;
	[sflag:s20] =	ssyncadd.s32 $0xFFFFF600  }
0x61: {  	[spmem:s1] =	stream.indirect.scatter.add.f32 [tilespmem:s8], [sflag:$0x6], $0x20, s0, s12, $0xb8;
	[tilespmem:$0x11C60] =	vst v63  }
0x62: {  	_ =	swait.ge [sflag:s21], $0xA00  }
0x63: {  	[sflag:s21] =	ssyncset.done $0x0  }
0x64: {  	s0 =	simm.s32 $0x4E70;
	[sflag:s21] =	ssyncadd.s32 $0xFFFFF600  }
0x65: {  	[spmem:s1] =	stream.indirect.scatter.add.f32 [tilespmem:s13], [sflag:$0x7], $0x20, s0, s12, $0xb8;
	[tilespmem:$0x11C60] =	vst v63  }
0x66: {  	_ =	swait.ge [sflag:s22], $0xA00  }
0x67: {  	[sflag:s22] =	ssyncset.done $0x0  }
0x68: {  	s0 =	simm.s32 $0x4EC0;
	[sflag:s22] =	ssyncadd.s32 $0xFFFFF600  }
0x69: {  	[spmem:s1] =	stream.indirect.scatter.add.f32 [tilespmem:s15], [sflag:$0x8], $0x20, s0, s12, $0xb8;
	[tilespmem:$0x11C60] =	vst v63  }
0x6a: {  	_ =	swait.ge [sflag:s23], $0xA00  }
0x6b: {  	[sflag:s23] =	ssyncset.done $0x0  }
0x6c: {  	s0 =	simm.s32 $0x4F10;
	[sflag:s23] =	ssyncadd.s32 $0xFFFFF600  }
0x6d: {  	[spmem:s1] =	stream.indirect.scatter.add.f32 [tilespmem:s17], [sflag:$0x9], $0x20, s0, s12, $0xb8;
	[tilespmem:$0x11C60] =	vst v63  }
0x6e: {  	_ =	swait.ge [sflag:s24], $0xA00  }
0x6f: {  	[sflag:s24] =	ssyncset.done $0x0  }
0x70: {  	s0 =	simm.s32 $0x4F60;
	[sflag:s24] =	ssyncadd.s32 $0xFFFFF600  }
0x71: {  	[spmem:s1] =	stream.indirect.scatter.add.f32 [tilespmem:s19], [sflag:$0xA], $0x20, s0, s12, $0xb8;
	[tilespmem:$0x11C60] =	vst v63  }
0x72: {  	_ =	swait.ge [sflag:s25], $0xA00  }
0x73: {  	[sflag:s25] =	ssyncset.done $0x0  }
0x74: {  	s0 =	simm.s32 $0x190;
	[sflag:s25] =	ssyncadd.s32 $0xFFFFF600  }
0x75: {  	[tilespmem:s8], [sflag:$0x1] =	stream.indirect.gather [hbm4b:s4+s12], $0x20, s0, s12, $0xb8;
	[tilespmem:$0x11C60] =	vst v63  }
0x76: {  	_ =	swait.ge [sflag:s26], $0xA00  }
0x77: {  	[sflag:s26] =	ssyncset.done $0x0  }
0x78: {  	s0 =	simm.s32 $0x1E0;
	[sflag:s26] =	ssyncadd.s32 $0xFFFFF600  }
0x79: {  	[tilespmem:s13], [sflag:$0x2] =	stream.indirect.gather [hbm4b:s4+s12], $0x20, s0, s12, $0xb8;
	[tilespmem:$0x11C60] =	vst v63  }
0x7a: {  	_ =	swait.ge [sflag:s28], $0xA00  }
0x7b: {  	[sflag:s28] =	ssyncset.done $0x0  }
0x7c: {  	s0 =	simm.s32 $0x230;
	[sflag:s28] =	ssyncadd.s32 $0xFFFFF600  }
0x7d: {  	[tilespmem:s15], [sflag:$0x3] =	stream.indirect.gather [hbm4b:s4+s12], $0x20, s0, s12, $0xb8;
	[tilespmem:$0x11C60] =	vst v63  }
0x7e: {  	_ =	swait.ge [sflag:s29], $0xA00  }
0x7f: {  	[sflag:s29] =	ssyncset.done $0x0  }
0x80: {  	s0 =	simm.s32 $0x280;
	[sflag:s29] =	ssyncadd.s32 $0xFFFFF600  }
0x81: {  	[tilespmem:s17], [sflag:$0x4] =	stream.indirect.gather [hbm4b:s4+s12], $0x20, s0, s12, $0xb8;
	[tilespmem:$0x11C60] =	vst v63  }
0x82: {  	_ =	swait.ge [sflag:s30], $0xA00  }
0x83: {  	[sflag:s30] =	ssyncset.done $0x0  }
0x84: {  	s31 =	simm.s32 $0x2D0;
	s18 =	simm.s32 $0x640;
	[sflag:s30] =	ssyncadd.s32 $0xFFFFF600  }
.LBB2_4:
0x85: {  	[tilespmem:s19], [sflag:$0x5] =	stream.indirect.gather [hbm4b:s4+s12], $0x20, s31, s12, $0xb8;
	[tilespmem:$0x11C60] =	vst v63  }
0x86: {  	s31 =	smov.u32 s18  }
0x87: {  	p1 =	sne.s32 s18, $0x12C00;
	s18 =	sadd.s32 $0x640, s18;
	_ =	swait.ge [sflag:s20], $0xA00  }
0x88: {  	s31 =	sshra.s32 s31, $0x2;
	[sflag:s20] =	ssyncset.done $0x0  }
0x89: {  	s0 =	sadd.s32 $0x4E20, s31;
	[sflag:s20] =	ssyncadd.s32 $0xFFFFF600  }
0x8a: {  	[spmem:s1] =	stream.indirect.scatter.add.f32 [tilespmem:s8], [sflag:$0x6], $0x20, s0, s12, $0xb8;
	[tilespmem:$0x11C60] =	vst v63  }
0x8b: {  	_ =	swait.ge [sflag:s21], $0xA00  }
0x8c: {  	[sflag:s21] =	ssyncset.done $0x0  }
0x8d: {  	s0 =	sadd.s32 $0x4E70, s31;
	[sflag:s21] =	ssyncadd.s32 $0xFFFFF600  }
0x8e: {  	[spmem:s1] =	stream.indirect.scatter.add.f32 [tilespmem:s13], [sflag:$0x7], $0x20, s0, s12, $0xb8;
	[tilespmem:$0x11C60] =	vst v63  }
0x8f: {  	_ =	swait.ge [sflag:s22], $0xA00  }
0x90: {  	[sflag:s22] =	ssyncset.done $0x0  }
0x91: {  	s0 =	sadd.s32 $0x4EC0, s31;
	[sflag:s22] =	ssyncadd.s32 $0xFFFFF600  }
0x92: {  	[spmem:s1] =	stream.indirect.scatter.add.f32 [tilespmem:s15], [sflag:$0x8], $0x20, s0, s12, $0xb8;
	[tilespmem:$0x11C60] =	vst v63  }
0x93: {  	_ =	swait.ge [sflag:s23], $0xA00  }
0x94: {  	[sflag:s23] =	ssyncset.done $0x0  }
0x95: {  	s0 =	sadd.s32 $0x4F10, s31;
	[sflag:s23] =	ssyncadd.s32 $0xFFFFF600  }
0x96: {  	[spmem:s1] =	stream.indirect.scatter.add.f32 [tilespmem:s17], [sflag:$0x9], $0x20, s0, s12, $0xb8;
	[tilespmem:$0x11C60] =	vst v63  }
0x97: {  	_ =	swait.ge [sflag:s24], $0xA00  }
0x98: {  	[sflag:s24] =	ssyncset.done $0x0  }
0x99: {  	s0 =	sadd.s32 $0x4F60, s31;
	[sflag:s24] =	ssyncadd.s32 $0xFFFFF600  }
0x9a: {  	[spmem:s1] =	stream.indirect.scatter.add.f32 [tilespmem:s19], [sflag:$0xA], $0x20, s0, s12, $0xb8;
	[tilespmem:$0x11C60] =	vst v63  }
0x9b: {  	_ =	swait.ge [sflag:s25], $0xA00  }
0x9c: {  	[sflag:s25] =	ssyncset.done $0x0  }
0x9d: {  	s0 =	sadd.s32 $0x190, s31;
	[sflag:s25] =	ssyncadd.s32 $0xFFFFF600  }
0x9e: {  	[tilespmem:s8], [sflag:$0x1] =	stream.indirect.gather [hbm4b:s4+s12], $0x20, s0, s12, $0xb8;
	[tilespmem:$0x11C60] =	vst v63  }
0x9f: {  	_ =	swait.ge [sflag:s26], $0xA00  }
0xa0: {  	[sflag:s26] =	ssyncset.done $0x0  }
0xa1: {  	s0 =	sadd.s32 $0x1E0, s31;
	[sflag:s26] =	ssyncadd.s32 $0xFFFFF600  }
0xa2: {  	[tilespmem:s13], [sflag:$0x2] =	stream.indirect.gather [hbm4b:s4+s12], $0x20, s0, s12, $0xb8;
	[tilespmem:$0x11C60] =	vst v63  }
0xa3: {  	_ =	swait.ge [sflag:s28], $0xA00  }
0xa4: {  	[sflag:s28] =	ssyncset.done $0x0  }
0xa5: {  	s0 =	sadd.s32 $0x230, s31;
	[sflag:s28] =	ssyncadd.s32 $0xFFFFF600  }
0xa6: {  	[tilespmem:s15], [sflag:$0x3] =	stream.indirect.gather [hbm4b:s4+s12], $0x20, s0, s12, $0xb8;
	[tilespmem:$0x11C60] =	vst v63  }
0xa7: {  	_ =	swait.ge [sflag:s29], $0xA00  }
0xa8: {  	[sflag:s29] =	ssyncset.done $0x0  }
.Ltmp1:
0xa9: {  	s0 =	sadd.s32 $0x280, s31;
	[sflag:s29] =	ssyncadd.s32 $0xFFFFF600;
	(pc) =	sbr.rel @p1 .LBB2_4-.Ltmp1, $4  }
0xaa: {  	[tilespmem:s17], [sflag:$0x4] =	stream.indirect.gather [hbm4b:s4+s12], $0x20, s0, s12, $0xb8;
	[tilespmem:$0x11C60] =	vst v63  }
0xab: {  	_ =	swait.ge [sflag:s30], $0xA00  }
0xac: {  	[sflag:s30] =	ssyncset.done $0x0  }
0xad: {  	s31 =	sadd.s32 $0x2D0, s31;
	[sflag:s30] =	ssyncadd.s32 $0xFFFFF600  }
0xae: {  	[tilespmem:s19], [sflag:$0x5] =	stream.indirect.gather [hbm4b:s4+s12], $0x20, s31, s12, $0xb8;
	[tilespmem:$0x11C60] =	vst v63  }
0xaf: {  	_ =	swait.ge [sflag:s20], $0xA00  }
0xb0: {  	[sflag:s20] =	ssyncset.done $0x0  }
0xb1: {  	s0 =	simm.s32 $0x9AB0;
	[sflag:s20] =	ssyncadd.s32 $0xFFFFF600  }
0xb2: {  	[spmem:s1] =	stream.indirect.scatter.add.f32 [tilespmem:s8], [sflag:$0x6], $0x20, s0, s12, $0xb8;
	[tilespmem:$0x11C60] =	vst v63  }
0xb3: {  	_ =	swait.ge [sflag:s21], $0xA00  }
0xb4: {  	[sflag:s21] =	ssyncset.done $0x0  }
0xb5: {  	s31 =	simm.s32 $0x9B00;
	[sflag:s21] =	ssyncadd.s32 $0xFFFFF600  }
0xb6: {  	[spmem:s1] =	stream.indirect.scatter.add.f32 [tilespmem:s13], [sflag:$0x7], $0x20, s31, s12, $0xb8;
	[tilespmem:$0x11C60] =	vst v63  }
0xb7: {  	_ =	swait.ge [sflag:s22], $0xA00  }
0xb8: {  	[sflag:s22] =	ssyncset.done $0x0  }
0xb9: {  	[sflag:s22] =	ssyncadd.s32 $0xFFFFF600  }
0xba: {  	[spmem:s1] =	stream.indirect.scatter.add.f32 [tilespmem:s15], [sflag:$0x8], $0x20, s11, s12, $0xb8;
	[tilespmem:$0x11C60] =	vst v63  }
0xbb: {  	_ =	swait.ge [sflag:s23], $0xA00  }
0xbc: {  	[sflag:s23] =	ssyncset.done $0x0  }
0xbd: {  	[sflag:s23] =	ssyncadd.s32 $0xFFFFF600  }
0xbe: {  	[spmem:s1] =	stream.indirect.scatter.add.f32 [tilespmem:s17], [sflag:$0x9], $0x20, s14, s12, $0xb8;
	[tilespmem:$0x11C60] =	vst v63  }
0xbf: {  	_ =	swait.ge [sflag:s24], $0xA00  }
0xc0: {  	[sflag:s24] =	ssyncset.done $0x0  }
0xc1: {  	[sflag:s24] =	ssyncadd.s32 $0xFFFFF600  }
0xc2: {  	[spmem:s1] =	stream.indirect.scatter.add.f32 [tilespmem:s19], [sflag:$0xA], $0x20, s16, s12, $0xb8;
	[tilespmem:$0x11C60] =	vst v63  }
0xc3: {  	_ =	swait.ge [sflag:s25], $0xA00  }
0xc4: {  	[sflag:s25] =	ssyncset.done $0x0  }
0xc5: {  	[sflag:s25] =	ssyncadd.s32 $0xFFFFF600  }
0xc6: {  	_ =	swait.ge [sflag:s26], $0xA00  }
0xc7: {  	[sflag:s26] =	ssyncset.done $0x0  }
0xc8: {  	[sflag:s26] =	ssyncadd.s32 $0xFFFFF600  }
0xc9: {  	_ =	swait.ge [sflag:s28], $0xA00  }
0xca: {  	[sflag:s28] =	ssyncset.done $0x0  }
0xcb: {  	[sflag:s28] =	ssyncadd.s32 $0xFFFFF600  }
0xcc: {  	_ =	swait.ge [sflag:s29], $0xA00  }
0xcd: {  	[sflag:s29] =	ssyncset.done $0x0  }
0xce: {  	[sflag:s29] =	ssyncadd.s32 $0xFFFFF600  }
0xcf: {  	_ =	swait.ge [sflag:s30], $0xA00  }
0xd0: {  	[sflag:s30] =	ssyncset.done $0x0  }
0xd1: {  	s18 =	simm.s32 @!p0 $0x1C0B;
	s2 =	sadd.s32 $0x1, s2;
	[sflag:s30] =	ssyncadd.s32 $0xFFFFF600  }
0xd2: {  	p1 =	sne.s32 s2, s6;
	s0 =	sshrl.u32 @!p0 s1, $0x3;
	[bflag:$0x0] =	sbarrier.arrive $0xFFFF  }
0xd3: {  	[hbm:s5], [sflag:s18] =	dma.local @!p0 [spmem:s0], $0x9C40  }
.Ltmp2:
0xd4: {  	_ = 	snop;
	(pc) =	sbr.rel @p1 .LBB2_1-.Ltmp2, $4  }
0xd5: {  	s0 =	simm.s32 @!p0 $0xB  }
0xd6: {  	_ =	swait.ge @!p0 [sflag:s0], $0x9C40  }
0xd7: {  	[sflag:s0] =	ssyncset.done @!p0 $0x0  }
0xd8: {  	[sflag:s0] =	ssyncadd.s32 @!p0 $0xFFFF63C0  }
0xd9: {  	_ =	sfence.sel $0x180000  }
0xda: {  	[bflag:$0x0] =	sbarrier.arrive $0xFFFF  }
0xdb: {  	_ =	strace $0x90000050  }
0xdc: {  	[bflag:$0x2] =	sbarrier.arrive $0xFFFF  }
0xdd: {  	s0 =	rddreg [dreg:$0x2]  }
0xde: {  	s0 =	sadd.s32 @!p0 $0x100000, s0  }
0xdf: {  	[sflag:s0] =	ssyncadd.tile.s32 @!p0 $0x1;
	_ =	shalt  }
.Lfunc_end2:
_tile_overlayer_lowered:
.L_overlay_start_2:
0xe0: {  	(tag) =	ssettag $0x2  }
0xe1: {  	s0 =	rddreg [dreg:$0x0];
	s2 =	stileid.u32  }
0xe2: {  	s1 =	rddreg [dreg:$0x1];
	p0 =	sne.s32 s2, $0x0  }
0xe3: {  	s3 =	rddreg [dreg:$0x2];
	[bflag:$0x3] =	sbarrier.arrive $0xFFFF;
	s2 =	simm.s32 @!p0 $0x1C0B  }
0xe4: {  	[timem:s3], [sflag:s2] =	dma.local @!p0 [hbm:s0], s1  }
0xe5: {  	s0 =	simm.s32 @!p0 $0xB  }
0xe6: {  	_ =	swait.ge @!p0 [sflag:s0], s1  }
0xe7: {  	s1 =	ssub.s32 @!p0 $0x0, s1;
	[sflag:s0] =	ssyncset.done @!p0 $0x0  }
0xe8: {  	[sflag:s0] =	ssyncadd.s32 @!p0 s1  }
0xe9: {  	[bflag:$0x3] =	sbarrier.arrive $0xFFFF  }
0xea: {  	_ =	shalt  }

</sc_bundles>
